<compile_context>
chip_gen: v7x
topology: tpu7x:2x2x1
jax: 0.10.2.dev20260603
libtpu: 0.0.44.dev20260713+nightly
codegen_flags: <defaults>
</compile_context>

<pallas_src>
import functools

import jax
import jax.numpy as jnp
from jax import lax
from jax.experimental import pallas as pl
from jax.experimental.pallas import tpu as pltpu
from jax.experimental.pallas import tpu_sc as plsc

D_MODEL = 64
SCALE = 8.0
NC, NS, L = 2, 16, 16
NW = NC * NS

XR, XC = 4096, 50
B = XR * XC
OW = 128
OR = B * D_MODEL // OW
XRPW = XR // NW
BPW = B // NW
CXR = 4
CH = CXR * XC
COR = CH // 2
NCH = XRPW // CXR
NBUF = 4

_mesh = plsc.VectorSubcoreMesh(core_axis_name="c", subcore_axis_name="s")


@functools.partial(
    pl.kernel,
    out_type=jax.ShapeDtypeStruct((XR, XC * D_MODEL), jnp.float32),
    mesh=_mesh,
    scratch_types=[
        pltpu.VMEM((BPW,), jnp.int32),
        pltpu.VMEM((NBUF, CH, D_MODEL), jnp.float32),
        pltpu.VMEM((NBUF, CXR, XC * D_MODEL), jnp.float32),
        pltpu.SemaphoreType.DMA((NBUF,)),
        pltpu.SemaphoreType.DMA((NBUF,)),
    ],
    compiler_params=pltpu.CompilerParams(use_tc_tiling_on_sc=False),
)
def _emb_lookup(x_hbm, table_hbm, out_hbm, idx_v, rows_v, obuf, gsem, ssem):
    wid = lax.axis_index("s") * NC + lax.axis_index("c")
    base = wid * BPW
    xrbase = wid * XRPW
    pltpu.sync_copy(x_hbm.at[pl.ds(base, BPW)], idx_v)

    def start_gather(g, b):
        pltpu.async_copy(
            table_hbm.at[idx_v.at[pl.ds(g * CH, CH)]], rows_v.at[b],
            gsem.at[b])

    def wait_gather(b):
        pltpu.make_async_copy(
            table_hbm.at[idx_v.at[pl.ds(0, CH)]], rows_v.at[b],
            gsem.at[b]).wait()

    def start_scatter(g, b):
        pltpu.async_copy(
            obuf.at[b], out_hbm.at[pl.ds(xrbase + g * CXR, CXR)],
            ssem.at[b])

    def wait_scatter(b):
        pltpu.make_async_copy(
            obuf.at[b], out_hbm.at[pl.ds(xrbase, CXR)],
            ssem.at[b]).wait()

    for b in range(NBUF - 1):
        start_gather(b, b)

    @pl.loop(0, NCH, step=NBUF)
    def _group(g0):
        for j in range(NBUF):
            g = g0 + j
            wait_gather(j)

            @pl.when(g >= NBUF)
            def _():
                wait_scatter(j)
            rv = rows_v.at[j]
            for xr in range(CXR):
                ov = obuf.at[j].at[xr]

                @plsc.parallel_loop(0, XC, unroll=5)
                def _row(r):
                    for c in range(D_MODEL // L):
                        ov[pl.ds(r * D_MODEL + c * L, L)] = (
                            rv[xr * XC + r, pl.ds(c * L, L)] * SCALE)

            start_scatter(g, j)
            h = g + NBUF - 1
            bh = (j + NBUF - 1) % NBUF

            @pl.when(h < NCH)
            def _():
                start_gather(h, bh)

    for b in range(NBUF):
        wait_scatter(b)


def kernel(x, table):
    out2 = _emb_lookup(x.reshape(-1), table)
    return out2.reshape(XR, XC, D_MODEL)


_ = OR

# --- scband reference (transcript-rebuilt; emitter-appended) ---
"""Pipeline reference for scband-embeddings-15015205666971 (READ-ONLY COPY).

The authoritative reference and input builder live on the scoring server;
editing this copy changes nothing except your own understanding.
"""

import jax, jax.numpy as jnp
import numpy as np
import math

D_MODEL = 64
VOCAB = 100000

def setup_inputs(seed: int = 0) -> dict:
    key = jax.random.key(seed)
    k1, k2 = jax.random.split(key)
    x = jax.random.randint(k1, (4096, 50), 0, VOCAB, dtype=jnp.int32)
    # Pretrained embedding table (stands in for v.vectors in the torch module)
    table = jax.random.normal(k2, (VOCAB, D_MODEL), dtype=jnp.float32)
    return {"x": x, "table": table}

def reference(x, table):
    # Faithful translation of: self.lut(x) * math.sqrt(self.d_model)
    emb = jnp.take(table, x, axis=0)
    return emb * math.sqrt(float(D_MODEL))

if __name__ == "__main__":
    import jax
    _d = setup_inputs()
    print(jax.jit(kernel)(*tuple(_d.values())))

</pallas_src>

<mosaic_0001>
#map = affine_map<(d0, d1) -> (0)>
#map1 = affine_map<(d0, d1) -> (0, 0)>
module attributes {stable_mosaic.version = 14 : i64} {
  func.func @_emb_lookup(%arg0: i32, %arg1: i32, %arg2: memref<204800xi32, #tpu.memory_space<hbm>>, %arg3: memref<100000x64xf32, #tpu.memory_space<hbm>>, %arg4: memref<4096x3200xf32, #tpu.memory_space<hbm>>, %arg5: memref<6400xi32, #tpu.memory_space<vmem>>, %arg6: memref<4x200x64xf32, #tpu.memory_space<vmem>>, %arg7: memref<4x4x3200xf32, #tpu.memory_space<vmem>>, %arg8: memref<4x!tpu.dma_semaphore, #tpu.memory_space<semaphore_mem>>, %arg9: memref<4x!tpu.dma_semaphore, #tpu.memory_space<semaphore_mem>>) attributes {dimension_semantics = [#tpu.dimension_semantics<core_parallel>, #tpu.dimension_semantics<subcore_parallel>], iteration_bounds = array<i64: 2, 16>, scalar_prefetch = 0 : i64, scratch_operands = 5 : i64, tpu.core_type = #tpu.core_type<sc_vector_subcore>, window_params = [{transform_indices = #map}, {transform_indices = #map1}, {transform_indices = #map1}]} {
    %mul3A = arith.constant 2 : i32
    %mul3A_0 = arith.muli %arg1, %mul3A : i32
    %add3A = arith.addi %mul3A_0, %arg0 : i32
    %mul3A_1 = arith.constant 6400 : i32
    %mul3A_2 = arith.muli %add3A, %mul3A_1 : i32
    %mul3A_3 = arith.constant 128 : i32
    %mul3A_4 = arith.muli %add3A, %mul3A_3 : i32
    "tpu.region"() ({
      %run_scoped3A = tpu.sem_alloc : memref<!tpu.dma_semaphore, #tpu.memory_space<semaphore_mem>>
      %dma_start3A_110 = tpu.memref_slice %arg2[%mul3A_2] : memref<204800xi32, #tpu.memory_space<hbm>> -> memref<6400xi32, #tpu.memory_space<hbm>>
      %dma_start3A_111 = tpu.memref_slice %arg2[%mul3A_2] : memref<204800xi32, #tpu.memory_space<hbm>> -> memref<6400xi32, #tpu.memory_space<hbm>>
      tpu.enqueue_dma source(%dma_start3A_111 : memref<6400xi32, #tpu.memory_space<hbm>>) target(%arg5 : memref<6400xi32, #tpu.memory_space<vmem>>) target_semaphore(%run_scoped3A : memref<!tpu.dma_semaphore, #tpu.memory_space<semaphore_mem>>)
      %dma_wait3A_112 = tpu.memref_slice %arg2[%mul3A_2] : memref<204800xi32, #tpu.memory_space<hbm>> -> memref<6400xi32, #tpu.memory_space<hbm>>
      %dma_wait3A_113 = tpu.memref_slice %arg2[%mul3A_2] : memref<204800xi32, #tpu.memory_space<hbm>> -> memref<6400xi32, #tpu.memory_space<hbm>>
      tpu.wait_dma2 semaphore(%run_scoped3A : memref<!tpu.dma_semaphore, #tpu.memory_space<semaphore_mem>>) src(%dma_wait3A_113 : memref<6400xi32, #tpu.memory_space<hbm>>) dst(%arg5 : memref<6400xi32, #tpu.memory_space<vmem>>)
      tpu.yield
    }) : () -> ()
    %dma_start3A = arith.constant 0 : i32
    %dma_start3A_5 = arith.constant 0 : i32
    %dma_start3A_6 = arith.constant 0 : i32
    %dma_start3A_7 = arith.constant 0 : i32
    %dma_start3A_8 = tpu.memref_slice %arg6[%dma_start3A, %dma_start3A_6, %dma_start3A_7] : memref<4x200x64xf32, #tpu.memory_space<vmem>> -> memref<1x200x64xf32, #tpu.memory_space<vmem>>
    %dma_start3A_9 = tpu.memref_squeeze %dma_start3A_8 : memref<1x200x64xf32, #tpu.memory_space<vmem>> -> memref<200x64xf32, #tpu.memory_space<vmem>>
    %dma_start3A_10 = arith.constant 0 : i32
    %dma_start3A_11 = tpu.memref_slice %arg5[%dma_start3A_10] : memref<6400xi32, #tpu.memory_space<vmem>> -> memref<200xi32, #tpu.memory_space<vmem>>
    %dma_start3A_12 = arith.constant 0 : i32
    %dma_start3A_13 = arith.constant 0 : i32
    %dma_start3A_14 = tpu.memref_slice %arg3[%dma_start3A_12, %dma_start3A_13] : memref<100000x64xf32, #tpu.memory_space<hbm>> -> memref<100000x64xf32, #tpu.memory_space<hbm>>
    %dma_start3A_15 = tpu.memref_slice %arg8[%dma_start3A_5] : memref<4x!tpu.dma_semaphore, #tpu.memory_space<semaphore_mem>> -> memref<1x!tpu.dma_semaphore, #tpu.memory_space<semaphore_mem>>
    %dma_start3A_16 = tpu.memref_squeeze %dma_start3A_15 : memref<1x!tpu.dma_semaphore, #tpu.memory_space<semaphore_mem>> -> memref<!tpu.dma_semaphore, #tpu.memory_space<semaphore_mem>>
    tpu.enqueue_indirect_dma source(%dma_start3A_14 : memref<100000x64xf32, #tpu.memory_space<hbm>>) target(%dma_start3A_9 : memref<200x64xf32, #tpu.memory_space<vmem>>) offsets(%dma_start3A_11 : memref<200xi32, #tpu.memory_space<vmem>>) semaphore(%dma_start3A_16 : memref<!tpu.dma_semaphore, #tpu.memory_space<semaphore_mem>>)
    %dma_start3A_17 = arith.constant 1 : i32
    %dma_start3A_18 = arith.constant 1 : i32
    %dma_start3A_19 = arith.constant 0 : i32
    %dma_start3A_20 = arith.constant 0 : i32
    %dma_start3A_21 = tpu.memref_slice %arg6[%dma_start3A_17, %dma_start3A_19, %dma_start3A_20] : memref<4x200x64xf32, #tpu.memory_space<vmem>> -> memref<1x200x64xf32, #tpu.memory_space<vmem>>
    %dma_start3A_22 = tpu.memref_squeeze %dma_start3A_21 : memref<1x200x64xf32, #tpu.memory_space<vmem>> -> memref<200x64xf32, #tpu.memory_space<vmem>>
    %dma_start3A_23 = arith.constant 200 : i32
    %dma_start3A_24 = tpu.memref_slice %arg5[%dma_start3A_23] : memref<6400xi32, #tpu.memory_space<vmem>> -> memref<200xi32, #tpu.memory_space<vmem>>
    %dma_start3A_25 = arith.constant 0 : i32
    %dma_start3A_26 = arith.constant 0 : i32
    %dma_start3A_27 = tpu.memref_slice %arg3[%dma_start3A_25, %dma_start3A_26] : memref<100000x64xf32, #tpu.memory_space<hbm>> -> memref<100000x64xf32, #tpu.memory_space<hbm>>
    %dma_start3A_28 = tpu.memref_slice %arg8[%dma_start3A_18] : memref<4x!tpu.dma_semaphore, #tpu.memory_space<semaphore_mem>> -> memref<1x!tpu.dma_semaphore, #tpu.memory_space<semaphore_mem>>
    %dma_start3A_29 = tpu.memref_squeeze %dma_start3A_28 : memref<1x!tpu.dma_semaphore, #tpu.memory_space<semaphore_mem>> -> memref<!tpu.dma_semaphore, #tpu.memory_space<semaphore_mem>>
    tpu.enqueue_indirect_dma source(%dma_start3A_27 : memref<100000x64xf32, #tpu.memory_space<hbm>>) target(%dma_start3A_22 : memref<200x64xf32, #tpu.memory_space<vmem>>) offsets(%dma_start3A_24 : memref<200xi32, #tpu.memory_space<vmem>>) semaphore(%dma_start3A_29 : memref<!tpu.dma_semaphore, #tpu.memory_space<semaphore_mem>>)
    %dma_start3A_30 = arith.constant 2 : i32
    %dma_start3A_31 = arith.constant 2 : i32
    %dma_start3A_32 = arith.constant 0 : i32
    %dma_start3A_33 = arith.constant 0 : i32
    %dma_start3A_34 = tpu.memref_slice %arg6[%dma_start3A_30, %dma_start3A_32, %dma_start3A_33] : memref<4x200x64xf32, #tpu.memory_space<vmem>> -> memref<1x200x64xf32, #tpu.memory_space<vmem>>
    %dma_start3A_35 = tpu.memref_squeeze %dma_start3A_34 : memref<1x200x64xf32, #tpu.memory_space<vmem>> -> memref<200x64xf32, #tpu.memory_space<vmem>>
    %dma_start3A_36 = arith.constant 400 : i32
    %dma_start3A_37 = tpu.memref_slice %arg5[%dma_start3A_36] : memref<6400xi32, #tpu.memory_space<vmem>> -> memref<200xi32, #tpu.memory_space<vmem>>
    %dma_start3A_38 = arith.constant 0 : i32
    %dma_start3A_39 = arith.constant 0 : i32
    %dma_start3A_40 = tpu.memref_slice %arg3[%dma_start3A_38, %dma_start3A_39] : memref<100000x64xf32, #tpu.memory_space<hbm>> -> memref<100000x64xf32, #tpu.memory_space<hbm>>
    %dma_start3A_41 = tpu.memref_slice %arg8[%dma_start3A_31] : memref<4x!tpu.dma_semaphore, #tpu.memory_space<semaphore_mem>> -> memref<1x!tpu.dma_semaphore, #tpu.memory_space<semaphore_mem>>
    %dma_start3A_42 = tpu.memref_squeeze %dma_start3A_41 : memref<1x!tpu.dma_semaphore, #tpu.memory_space<semaphore_mem>> -> memref<!tpu.dma_semaphore, #tpu.memory_space<semaphore_mem>>
    tpu.enqueue_indirect_dma source(%dma_start3A_40 : memref<100000x64xf32, #tpu.memory_space<hbm>>) target(%dma_start3A_35 : memref<200x64xf32, #tpu.memory_space<vmem>>) offsets(%dma_start3A_37 : memref<200xi32, #tpu.memory_space<vmem>>) semaphore(%dma_start3A_42 : memref<!tpu.dma_semaphore, #tpu.memory_space<semaphore_mem>>)
    %scan3A = arith.constant 0 : i32
    %scan3A_43 = arith.constant 8 : i32
    %scan3A_44 = arith.addi %scan3A, %scan3A_43 : i32
    %scan3A_45 = arith.constant 1 : i32
    scf.for %scan3A_110 = %scan3A to %scan3A_44 step %scan3A_45  : i32 {
      %mul3A_111 = arith.constant 4 : i32
      %mul3A_112 = arith.muli %scan3A_110, %mul3A_111 : i32
      %add3A_113 = arith.constant 0 : i32
      %add3A_114 = arith.addi %add3A_113, %mul3A_112 : i32
      %add3A_115 = arith.constant 0 : i32
      %add3A_116 = arith.addi %add3A_114, %add3A_115 : i32
      %dma_wait3A_117 = arith.constant 0 : i32
      %dma_wait3A_118 = arith.constant 0 : i32
      %dma_wait3A_119 = arith.constant 0 : i32
      %dma_wait3A_120 = arith.constant 0 : i32
      %dma_wait3A_121 = tpu.memref_slice %arg6[%dma_wait3A_117, %dma_wait3A_119, %dma_wait3A_120] : memref<4x200x64xf32, #tpu.memory_space<vmem>> -> memref<1x200x64xf32, #tpu.memory_space<vmem>>
      %dma_wait3A_122 = tpu.memref_squeeze %dma_wait3A_121 : memref<1x200x64xf32, #tpu.memory_space<vmem>> -> memref<200x64xf32, #tpu.memory_space<vmem>>
      %dma_wait3A_123 = arith.constant 0 : i32
      %dma_wait3A_124 = tpu.memref_slice %arg5[%dma_wait3A_123] : memref<6400xi32, #tpu.memory_space<vmem>> -> memref<200xi32, #tpu.memory_space<vmem>>
      %dma_wait3A_125 = arith.constant 0 : i32
      %dma_wait3A_126 = arith.constant 0 : i32
      %dma_wait3A_127 = tpu.memref_slice %arg3[%dma_wait3A_125, %dma_wait3A_126] : memref<100000x64xf32, #tpu.memory_space<hbm>> -> memref<100000x64xf32, #tpu.memory_space<hbm>>
      %dma_wait3A_128 = tpu.memref_slice %arg8[%dma_wait3A_118] : memref<4x!tpu.dma_semaphore, #tpu.memory_space<semaphore_mem>> -> memref<1x!tpu.dma_semaphore, #tpu.memory_space<semaphore_mem>>
      %dma_wait3A_129 = tpu.memref_squeeze %dma_wait3A_128 : memref<1x!tpu.dma_semaphore, #tpu.memory_space<semaphore_mem>> -> memref<!tpu.dma_semaphore, #tpu.memory_space<semaphore_mem>>
      tpu.wait_indirect_dma semaphore(%dma_wait3A_129 : memref<!tpu.dma_semaphore, #tpu.memory_space<semaphore_mem>>) src(%dma_wait3A_127 : memref<100000x64xf32, #tpu.memory_space<hbm>>) dst(%dma_wait3A_122 : memref<200x64xf32, #tpu.memory_space<vmem>>)
      %ge3A = arith.constant 4 : i32
      %ge3A_130 = arith.cmpi sge, %add3A_116, %ge3A : i32
      %convert_element_type3A = arith.extui %ge3A_130 : i1 to i32
      %cond3A = arith.constant 0 : i32
      %cond3A_131 = arith.cmpi ne, %convert_element_type3A, %cond3A : i32
      scf.if %cond3A_131 {
        %dma_wait3A_397 = arith.constant 0 : i32
        %dma_wait3A_398 = arith.constant 0 : i32
        %dma_wait3A_399 = arith.constant 0 : i32
        %dma_wait3A_400 = arith.constant 0 : i32
        %dma_wait3A_401 = tpu.memref_slice %arg7[%dma_wait3A_397, %dma_wait3A_399, %dma_wait3A_400] : memref<4x4x3200xf32, #tpu.memory_space<vmem>> -> memref<1x4x3200xf32, #tpu.memory_space<vmem>>
        %dma_wait3A_402 = tpu.memref_squeeze %dma_wait3A_401 : memref<1x4x3200xf32, #tpu.memory_space<vmem>> -> memref<4x3200xf32, #tpu.memory_space<vmem>>
        %dma_wait3A_403 = arith.constant 0 : i32
        %dma_wait3A_404 = tpu.memref_slice %arg4[%mul3A_4, %dma_wait3A_403] : memref<4096x3200xf32, #tpu.memory_space<hbm>> -> memref<4x3200xf32, #tpu.memory_space<hbm>>
        %dma_wait3A_405 = tpu.memref_slice %arg9[%dma_wait3A_398] : memref<4x!tpu.dma_semaphore, #tpu.memory_space<semaphore_mem>> -> memref<1x!tpu.dma_semaphore, #tpu.memory_space<semaphore_mem>>
        %dma_wait3A_406 = tpu.memref_squeeze %dma_wait3A_405 : memref<1x!tpu.dma_semaphore, #tpu.memory_space<semaphore_mem>> -> memref<!tpu.dma_semaphore, #tpu.memory_space<semaphore_mem>>
        %dma_wait3A_407 = arith.constant 0 : i32
        %dma_wait3A_408 = tpu.memref_slice %arg4[%mul3A_4, %dma_wait3A_407] : memref<4096x3200xf32, #tpu.memory_space<hbm>> -> memref<4x3200xf32, #tpu.memory_space<hbm>>
        %dma_wait3A_409 = arith.constant 0 : i32
        %dma_wait3A_410 = arith.constant 0 : i32
        %dma_wait3A_411 = tpu.memref_slice %arg7[%dma_wait3A_397, %dma_wait3A_409, %dma_wait3A_410] : memref<4x4x3200xf32, #tpu.memory_space<vmem>> -> memref<1x4x3200xf32, #tpu.memory_space<vmem>>
        %dma_wait3A_412 = tpu.memref_squeeze %dma_wait3A_411 : memref<1x4x3200xf32, #tpu.memory_space<vmem>> -> memref<4x3200xf32, #tpu.memory_space<vmem>>
        tpu.wait_dma2 semaphore(%dma_wait3A_406 : memref<!tpu.dma_semaphore, #tpu.memory_space<semaphore_mem>>) src(%dma_wait3A_412 : memref<4x3200xf32, #tpu.memory_space<vmem>>) dst(%dma_wait3A_408 : memref<4x3200xf32, #tpu.memory_space<hbm>>)
      } else {
      }
      %parallel_loop3A = arith.constant 0 : i32
      %parallel_loop3A_132 = arith.constant 50 : i32
      %parallel_loop3A_133 = arith.constant 1 : i32
      %parallel_loop3A_134 = arith.constant 0 : i32
      %parallel_loop3A_135 = arith.constant 0 : i32
      %parallel_loop3A_136 = arith.constant 0 : i32
      scf.for %parallel_loop3A_397 = %parallel_loop3A to %parallel_loop3A_132 step %parallel_loop3A_133  : i32 {
        %parallel_loop3A_398 = arith.constant 0 : i32
        %parallel_loop3A_399 = arith.addi %parallel_loop3A_398, %parallel_loop3A_397 : i32
        %parallel_loop3A_400 = arith.constant 0 : i32
        %parallel_loop3A_401 = arith.constant 0 : i32
        %parallel_loop3A_402 = tpu.memref_slice %arg6[%parallel_loop3A_134, %parallel_loop3A_400, %parallel_loop3A_401] : memref<4x200x64xf32, #tpu.memory_space<vmem>> -> memref<1x200x64xf32, #tpu.memory_space<vmem>>
        %parallel_loop3A_403 = tpu.memref_squeeze %parallel_loop3A_402 : memref<1x200x64xf32, #tpu.memory_space<vmem>> -> memref<200x64xf32, #tpu.memory_space<vmem>>
        %parallel_loop3A_404 = arith.index_cast %parallel_loop3A_399 : i32 to index
        %parallel_loop3A_405 = arith.constant 0 : index
        %parallel_loop3A_406 = tpu.vector_load %parallel_loop3A_403[%parallel_loop3A_404, %parallel_loop3A_405] {strides = array<i32>} : memref<200x64xf32, #tpu.memory_space<vmem>>, vector<1x16xf32>,
        %parallel_loop3A_407 = vector.shape_cast %parallel_loop3A_406 : vector<1x16xf32> to vector<16xf32>
        %parallel_loop3A_408 = arith.constant 8.000000e+00 : f32
        %parallel_loop3A_409 = vector.broadcast %parallel_loop3A_408 : f32 to vector<16xf32>
        %parallel_loop3A_410 = arith.mulf %parallel_loop3A_407, %parallel_loop3A_409 : vector<16xf32>
        %parallel_loop3A_411 = arith.constant 64 : i32
        %parallel_loop3A_412 = arith.muli %parallel_loop3A_397, %parallel_loop3A_411 : i32
        %parallel_loop3A_413 = arith.constant 0 : i32
        %parallel_loop3A_414 = arith.addi %parallel_loop3A_412, %parallel_loop3A_413 : i32
        %parallel_loop3A_415 = arith.constant 0 : i32
        %parallel_loop3A_416 = arith.constant 0 : i32
        %parallel_loop3A_417 = tpu.memref_slice %arg7[%parallel_loop3A_135, %parallel_loop3A_415, %parallel_loop3A_416] : memref<4x4x3200xf32, #tpu.memory_space<vmem>> -> memref<1x4x3200xf32, #tpu.memory_space<vmem>>
        %parallel_loop3A_418 = tpu.memref_squeeze %parallel_loop3A_417 : memref<1x4x3200xf32, #tpu.memory_space<vmem>> -> memref<4x3200xf32, #tpu.memory_space<vmem>>
        %parallel_loop3A_419 = arith.constant 0 : i32
        %parallel_loop3A_420 = tpu.memref_slice %parallel_loop3A_418[%parallel_loop3A_136, %parallel_loop3A_419] : memref<4x3200xf32, #tpu.memory_space<vmem>> -> memref<1x3200xf32, #tpu.memory_space<vmem>>
        %parallel_loop3A_421 = tpu.memref_squeeze %parallel_loop3A_420 : memref<1x3200xf32, #tpu.memory_space<vmem>> -> memref<3200xf32, #tpu.memory_space<vmem>>
        %parallel_loop3A_422 = arith.index_cast %parallel_loop3A_414 : i32 to index
        %parallel_loop3A_423 = tpu.vector_load %parallel_loop3A_421[%parallel_loop3A_422] {strides = array<i32>} : memref<3200xf32, #tpu.memory_space<vmem>>, vector<16xf32>,
        %parallel_loop3A_424 = vector.shape_cast %parallel_loop3A_423 : vector<16xf32> to vector<16xf32>
        %parallel_loop3A_425 = vector.shape_cast %parallel_loop3A_410 : vector<16xf32> to vector<16xf32>
        tpu.vector_store %parallel_loop3A_421[%parallel_loop3A_422], %parallel_loop3A_425 {strides = array<i32>} : memref<3200xf32, #tpu.memory_space<vmem>>, vector<16xf32>,
        %parallel_loop3A_426 = arith.constant 0 : i32
        %parallel_loop3A_427 = arith.addi %parallel_loop3A_426, %parallel_loop3A_397 : i32
        %parallel_loop3A_428 = arith.constant 0 : i32
        %parallel_loop3A_429 = arith.constant 0 : i32
        %parallel_loop3A_430 = tpu.memref_slice %arg6[%parallel_loop3A_134, %parallel_loop3A_428, %parallel_loop3A_429] : memref<4x200x64xf32, #tpu.memory_space<vmem>> -> memref<1x200x64xf32, #tpu.memory_space<vmem>>
        %parallel_loop3A_431 = tpu.memref_squeeze %parallel_loop3A_430 : memref<1x200x64xf32, #tpu.memory_space<vmem>> -> memref<200x64xf32, #tpu.memory_space<vmem>>
        %parallel_loop3A_432 = arith.index_cast %parallel_loop3A_427 : i32 to index
        %parallel_loop3A_433 = arith.constant 16 : index
        %parallel_loop3A_434 = tpu.vector_load %parallel_loop3A_431[%parallel_loop3A_432, %parallel_loop3A_433] {strides = array<i32>} : memref<200x64xf32, #tpu.memory_space<vmem>>, vector<1x16xf32>,
        %parallel_loop3A_435 = vector.shape_cast %parallel_loop3A_434 : vector<1x16xf32> to vector<16xf32>
        %parallel_loop3A_436 = arith.constant 8.000000e+00 : f32
        %parallel_loop3A_437 = vector.broadcast %parallel_loop3A_436 : f32 to vector<16xf32>
        %parallel_loop3A_438 = arith.mulf %parallel_loop3A_435, %parallel_loop3A_437 : vector<16xf32>
        %parallel_loop3A_439 = arith.constant 64 : i32
        %parallel_loop3A_440 = arith.muli %parallel_loop3A_397, %parallel_loop3A_439 : i32
        %parallel_loop3A_441 = arith.constant 16 : i32
        %parallel_loop3A_442 = arith.addi %parallel_loop3A_440, %parallel_loop3A_441 : i32
        %parallel_loop3A_443 = arith.constant 0 : i32
        %parallel_loop3A_444 = arith.constant 0 : i32
        %parallel_loop3A_445 = tpu.memref_slice %arg7[%parallel_loop3A_135, %parallel_loop3A_443, %parallel_loop3A_444] : memref<4x4x3200xf32, #tpu.memory_space<vmem>> -> memref<1x4x3200xf32, #tpu.memory_space<vmem>>
        %parallel_loop3A_446 = tpu.memref_squeeze %parallel_loop3A_445 : memref<1x4x3200xf32, #tpu.memory_space<vmem>> -> memref<4x3200xf32, #tpu.memory_space<vmem>>
        %parallel_loop3A_447 = arith.constant 0 : i32
        %parallel_loop3A_448 = tpu.memref_slice %parallel_loop3A_446[%parallel_loop3A_136, %parallel_loop3A_447] : memref<4x3200xf32, #tpu.memory_space<vmem>> -> memref<1x3200xf32, #tpu.memory_space<vmem>>
        %parallel_loop3A_449 = tpu.memref_squeeze %parallel_loop3A_448 : memref<1x3200xf32, #tpu.memory_space<vmem>> -> memref<3200xf32, #tpu.memory_space<vmem>>
        %parallel_loop3A_450 = arith.index_cast %parallel_loop3A_442 : i32 to index
        %parallel_loop3A_451 = tpu.vector_load %parallel_loop3A_449[%parallel_loop3A_450] {strides = array<i32>} : memref<3200xf32, #tpu.memory_space<vmem>>, vector<16xf32>,
        %parallel_loop3A_452 = vector.shape_cast %parallel_loop3A_451 : vector<16xf32> to vector<16xf32>
        %parallel_loop3A_453 = vector.shape_cast %parallel_loop3A_438 : vector<16xf32> to vector<16xf32>
        tpu.vector_store %parallel_loop3A_449[%parallel_loop3A_450], %parallel_loop3A_453 {strides = array<i32>} : memref<3200xf32, #tpu.memory_space<vmem>>, vector<16xf32>,
        %parallel_loop3A_454 = arith.constant 0 : i32
        %parallel_loop3A_455 = arith.addi %parallel_loop3A_454, %parallel_loop3A_397 : i32
        %parallel_loop3A_456 = arith.constant 0 : i32
        %parallel_loop3A_457 = arith.constant 0 : i32
        %parallel_loop3A_458 = tpu.memref_slice %arg6[%parallel_loop3A_134, %parallel_loop3A_456, %parallel_loop3A_457] : memref<4x200x64xf32, #tpu.memory_space<vmem>> -> memref<1x200x64xf32, #tpu.memory_space<vmem>>
        %parallel_loop3A_459 = tpu.memref_squeeze %parallel_loop3A_458 : memref<1x200x64xf32, #tpu.memory_space<vmem>> -> memref<200x64xf32, #tpu.memory_space<vmem>>
        %parallel_loop3A_460 = arith.index_cast %parallel_loop3A_455 : i32 to index
        %parallel_loop3A_461 = arith.constant 32 : index
        %parallel_loop3A_462 = tpu.vector_load %parallel_loop3A_459[%parallel_loop3A_460, %parallel_loop3A_461] {strides = array<i32>} : memref<200x64xf32, #tpu.memory_space<vmem>>, vector<1x16xf32>,
        %parallel_loop3A_463 = vector.shape_cast %parallel_loop3A_462 : vector<1x16xf32> to vector<16xf32>
        %parallel_loop3A_464 = arith.constant 8.000000e+00 : f32
        %parallel_loop3A_465 = vector.broadcast %parallel_loop3A_464 : f32 to vector<16xf32>
        %parallel_loop3A_466 = arith.mulf %parallel_loop3A_463, %parallel_loop3A_465 : vector<16xf32>
        %parallel_loop3A_467 = arith.constant 64 : i32
        %parallel_loop3A_468 = arith.muli %parallel_loop3A_397, %parallel_loop3A_467 : i32
        %parallel_loop3A_469 = arith.constant 32 : i32
        %parallel_loop3A_470 = arith.addi %parallel_loop3A_468, %parallel_loop3A_469 : i32
        %parallel_loop3A_471 = arith.constant 0 : i32
        %parallel_loop3A_472 = arith.constant 0 : i32
        %parallel_loop3A_473 = tpu.memref_slice %arg7[%parallel_loop3A_135, %parallel_loop3A_471, %parallel_loop3A_472] : memref<4x4x3200xf32, #tpu.memory_space<vmem>> -> memref<1x4x3200xf32, #tpu.memory_space<vmem>>
        %parallel_loop3A_474 = tpu.memref_squeeze %parallel_loop3A_473 : memref<1x4x3200xf32, #tpu.memory_space<vmem>> -> memref<4x3200xf32, #tpu.memory_space<vmem>>
        %parallel_loop3A_475 = arith.constant 0 : i32
        %parallel_loop3A_476 = tpu.memref_slice %parallel_loop3A_474[%parallel_loop3A_136, %parallel_loop3A_475] : memref<4x3200xf32, #tpu.memory_space<vmem>> -> memref<1x3200xf32, #tpu.memory_space<vmem>>
        %parallel_loop3A_477 = tpu.memref_squeeze %parallel_loop3A_476 : memref<1x3200xf32, #tpu.memory_space<vmem>> -> memref<3200xf32, #tpu.memory_space<vmem>>
        %parallel_loop3A_478 = arith.index_cast %parallel_loop3A_470 : i32 to index
        %parallel_loop3A_479 = tpu.vector_load %parallel_loop3A_477[%parallel_loop3A_478] {strides = array<i32>} : memref<3200xf32, #tpu.memory_space<vmem>>, vector<16xf32>,
        %parallel_loop3A_480 = vector.shape_cast %parallel_loop3A_479 : vector<16xf32> to vector<16xf32>
        %parallel_loop3A_481 = vector.shape_cast %parallel_loop3A_466 : vector<16xf32> to vector<16xf32>
        tpu.vector_store %parallel_loop3A_477[%parallel_loop3A_478], %parallel_loop3A_481 {strides = array<i32>} : memref<3200xf32, #tpu.memory_space<vmem>>, vector<16xf32>,
        %parallel_loop3A_482 = arith.constant 0 : i32
        %parallel_loop3A_483 = arith.addi %parallel_loop3A_482, %parallel_loop3A_397 : i32
        %parallel_loop3A_484 = arith.constant 0 : i32
        %parallel_loop3A_485 = arith.constant 0 : i32
        %parallel_loop3A_486 = tpu.memref_slice %arg6[%parallel_loop3A_134, %parallel_loop3A_484, %parallel_loop3A_485] : memref<4x200x64xf32, #tpu.memory_space<vmem>> -> memref<1x200x64xf32, #tpu.memory_space<vmem>>
        %parallel_loop3A_487 = tpu.memref_squeeze %parallel_loop3A_486 : memref<1x200x64xf32, #tpu.memory_space<vmem>> -> memref<200x64xf32, #tpu.memory_space<vmem>>
        %parallel_loop3A_488 = arith.index_cast %parallel_loop3A_483 : i32 to index
        %parallel_loop3A_489 = arith.constant 48 : index
        %parallel_loop3A_490 = tpu.vector_load %parallel_loop3A_487[%parallel_loop3A_488, %parallel_loop3A_489] {strides = array<i32>} : memref<200x64xf32, #tpu.memory_space<vmem>>, vector<1x16xf32>,
        %parallel_loop3A_491 = vector.shape_cast %parallel_loop3A_490 : vector<1x16xf32> to vector<16xf32>
        %parallel_loop3A_492 = arith.constant 8.000000e+00 : f32
        %parallel_loop3A_493 = vector.broadcast %parallel_loop3A_492 : f32 to vector<16xf32>
        %parallel_loop3A_494 = arith.mulf %parallel_loop3A_491, %parallel_loop3A_493 : vector<16xf32>
        %parallel_loop3A_495 = arith.constant 64 : i32
        %parallel_loop3A_496 = arith.muli %parallel_loop3A_397, %parallel_loop3A_495 : i32
        %parallel_loop3A_497 = arith.constant 48 : i32
        %parallel_loop3A_498 = arith.addi %parallel_loop3A_496, %parallel_loop3A_497 : i32
        %parallel_loop3A_499 = arith.constant 0 : i32
        %parallel_loop3A_500 = arith.constant 0 : i32
        %parallel_loop3A_501 = tpu.memref_slice %arg7[%parallel_loop3A_135, %parallel_loop3A_499, %parallel_loop3A_500] : memref<4x4x3200xf32, #tpu.memory_space<vmem>> -> memref<1x4x3200xf32, #tpu.memory_space<vmem>>
        %parallel_loop3A_502 = tpu.memref_squeeze %parallel_loop3A_501 : memref<1x4x3200xf32, #tpu.memory_space<vmem>> -> memref<4x3200xf32, #tpu.memory_space<vmem>>
        %parallel_loop3A_503 = arith.constant 0 : i32
        %parallel_loop3A_504 = tpu.memref_slice %parallel_loop3A_502[%parallel_loop3A_136, %parallel_loop3A_503] : memref<4x3200xf32, #tpu.memory_space<vmem>> -> memref<1x3200xf32, #tpu.memory_space<vmem>>
        %parallel_loop3A_505 = tpu.memref_squeeze %parallel_loop3A_504 : memref<1x3200xf32, #tpu.memory_space<vmem>> -> memref<3200xf32, #tpu.memory_space<vmem>>
        %parallel_loop3A_506 = arith.index_cast %parallel_loop3A_498 : i32 to index
        %parallel_loop3A_507 = tpu.vector_load %parallel_loop3A_505[%parallel_loop3A_506] {strides = array<i32>} : memref<3200xf32, #tpu.memory_space<vmem>>, vector<16xf32>,
        %parallel_loop3A_508 = vector.shape_cast %parallel_loop3A_507 : vector<16xf32> to vector<16xf32>
        %parallel_loop3A_509 = vector.shape_cast %parallel_loop3A_494 : vector<16xf32> to vector<16xf32>
        tpu.vector_store %parallel_loop3A_505[%parallel_loop3A_506], %parallel_loop3A_509 {strides = array<i32>} : memref<3200xf32, #tpu.memory_space<vmem>>, vector<16xf32>,
      } {sc.loop_unroll_factor = 5 : i64, sc.parallel_access}
      %parallel_loop3A_137 = arith.constant 0 : i32
      %parallel_loop3A_138 = arith.constant 50 : i32
      %parallel_loop3A_139 = arith.constant 1 : i32
      %parallel_loop3A_140 = arith.constant 0 : i32
      %parallel_loop3A_141 = arith.constant 0 : i32
      %parallel_loop3A_142 = arith.constant 1 : i32
      scf.for %parallel_loop3A_397 = %parallel_loop3A_137 to %parallel_loop3A_138 step %parallel_loop3A_139  : i32 {
        %parallel_loop3A_398 = arith.constant 50 : i32
        %parallel_loop3A_399 = arith.addi %parallel_loop3A_398, %parallel_loop3A_397 : i32
        %parallel_loop3A_400 = arith.constant 0 : i32
        %parallel_loop3A_401 = arith.constant 0 : i32
        %parallel_loop3A_402 = tpu.memref_slice %arg6[%parallel_loop3A_140, %parallel_loop3A_400, %parallel_loop3A_401] : memref<4x200x64xf32, #tpu.memory_space<vmem>> -> memref<1x200x64xf32, #tpu.memory_space<vmem>>
        %parallel_loop3A_403 = tpu.memref_squeeze %parallel_loop3A_402 : memref<1x200x64xf32, #tpu.memory_space<vmem>> -> memref<200x64xf32, #tpu.memory_space<vmem>>
        %parallel_loop3A_404 = arith.index_cast %parallel_loop3A_399 : i32 to index
        %parallel_loop3A_405 = arith.constant 0 : index
        %parallel_loop3A_406 = tpu.vector_load %parallel_loop3A_403[%parallel_loop3A_404, %parallel_loop3A_405] {strides = array<i32>} : memref<200x64xf32, #tpu.memory_space<vmem>>, vector<1x16xf32>,
        %parallel_loop3A_407 = vector.shape_cast %parallel_loop3A_406 : vector<1x16xf32> to vector<16xf32>
        %parallel_loop3A_408 = arith.constant 8.000000e+00 : f32
        %parallel_loop3A_409 = vector.broadcast %parallel_loop3A_408 : f32 to vector<16xf32>
        %parallel_loop3A_410 = arith.mulf %parallel_loop3A_407, %parallel_loop3A_409 : vector<16xf32>
        %parallel_loop3A_411 = arith.constant 64 : i32
        %parallel_loop3A_412 = arith.muli %parallel_loop3A_397, %parallel_loop3A_411 : i32
        %parallel_loop3A_413 = arith.constant 0 : i32
        %parallel_loop3A_414 = arith.addi %parallel_loop3A_412, %parallel_loop3A_413 : i32
        %parallel_loop3A_415 = arith.constant 0 : i32
        %parallel_loop3A_416 = arith.constant 0 : i32
        %parallel_loop3A_417 = tpu.memref_slice %arg7[%parallel_loop3A_141, %parallel_loop3A_415, %parallel_loop3A_416] : memref<4x4x3200xf32, #tpu.memory_space<vmem>> -> memref<1x4x3200xf32, #tpu.memory_space<vmem>>
        %parallel_loop3A_418 = tpu.memref_squeeze %parallel_loop3A_417 : memref<1x4x3200xf32, #tpu.memory_space<vmem>> -> memref<4x3200xf32, #tpu.memory_space<vmem>>
        %parallel_loop3A_419 = arith.constant 0 : i32
        %parallel_loop3A_420 = tpu.memref_slice %parallel_loop3A_418[%parallel_loop3A_142, %parallel_loop3A_419] : memref<4x3200xf32, #tpu.memory_space<vmem>> -> memref<1x3200xf32, #tpu.memory_space<vmem>>
        %parallel_loop3A_421 = tpu.memref_squeeze %parallel_loop3A_420 : memref<1x3200xf32, #tpu.memory_space<vmem>> -> memref<3200xf32, #tpu.memory_space<vmem>>
        %parallel_loop3A_422 = arith.index_cast %parallel_loop3A_414 : i32 to index
        %parallel_loop3A_423 = tpu.vector_load %parallel_loop3A_421[%parallel_loop3A_422] {strides = array<i32>} : memref<3200xf32, #tpu.memory_space<vmem>>, vector<16xf32>,
        %parallel_loop3A_424 = vector.shape_cast %parallel_loop3A_423 : vector<16xf32> to vector<16xf32>
        %parallel_loop3A_425 = vector.shape_cast %parallel_loop3A_410 : vector<16xf32> to vector<16xf32>
        tpu.vector_store %parallel_loop3A_421[%parallel_loop3A_422], %parallel_loop3A_425 {strides = array<i32>} : memref<3200xf32, #tpu.memory_space<vmem>>, vector<16xf32>,
        %parallel_loop3A_426 = arith.constant 50 : i32
        %parallel_loop3A_427 = arith.addi %parallel_loop3A_426, %parallel_loop3A_397 : i32
        %parallel_loop3A_428 = arith.constant 0 : i32
        %parallel_loop3A_429 = arith.constant 0 : i32
        %parallel_loop3A_430 = tpu.memref_slice %arg6[%parallel_loop3A_140, %parallel_loop3A_428, %parallel_loop3A_429] : memref<4x200x64xf32, #tpu.memory_space<vmem>> -> memref<1x200x64xf32, #tpu.memory_space<vmem>>
        %parallel_loop3A_431 = tpu.memref_squeeze %parallel_loop3A_430 : memref<1x200x64xf32, #tpu.memory_space<vmem>> -> memref<200x64xf32, #tpu.memory_space<vmem>>
        %parallel_loop3A_432 = arith.index_cast %parallel_loop3A_427 : i32 to index
        %parallel_loop3A_433 = arith.constant 16 : index
        %parallel_loop3A_434 = tpu.vector_load %parallel_loop3A_431[%parallel_loop3A_432, %parallel_loop3A_433] {strides = array<i32>} : memref<200x64xf32, #tpu.memory_space<vmem>>, vector<1x16xf32>,
        %parallel_loop3A_435 = vector.shape_cast %parallel_loop3A_434 : vector<1x16xf32> to vector<16xf32>
        %parallel_loop3A_436 = arith.constant 8.000000e+00 : f32
        %parallel_loop3A_437 = vector.broadcast %parallel_loop3A_436 : f32 to vector<16xf32>
        %parallel_loop3A_438 = arith.mulf %parallel_loop3A_435, %parallel_loop3A_437 : vector<16xf32>
        %parallel_loop3A_439 = arith.constant 64 : i32
        %parallel_loop3A_440 = arith.muli %parallel_loop3A_397, %parallel_loop3A_439 : i32
        %parallel_loop3A_441 = arith.constant 16 : i32
        %parallel_loop3A_442 = arith.addi %parallel_loop3A_440, %parallel_loop3A_441 : i32
        %parallel_loop3A_443 = arith.constant 0 : i32
        %parallel_loop3A_444 = arith.constant 0 : i32
        %parallel_loop3A_445 = tpu.memref_slice %arg7[%parallel_loop3A_141, %parallel_loop3A_443, %parallel_loop3A_444] : memref<4x4x3200xf32, #tpu.memory_space<vmem>> -> memref<1x4x3200xf32, #tpu.memory_space<vmem>>
        %parallel_loop3A_446 = tpu.memref_squeeze %parallel_loop3A_445 : memref<1x4x3200xf32, #tpu.memory_space<vmem>> -> memref<4x3200xf32, #tpu.memory_space<vmem>>
        %parallel_loop3A_447 = arith.constant 0 : i32
        %parallel_loop3A_448 = tpu.memref_slice %parallel_loop3A_446[%parallel_loop3A_142, %parallel_loop3A_447] : memref<4x3200xf32, #tpu.memory_space<vmem>> -> memref<1x3200xf32, #tpu.memory_space<vmem>>
        %parallel_loop3A_449 = tpu.memref_squeeze %parallel_loop3A_448 : memref<1x3200xf32, #tpu.memory_space<vmem>> -> memref<3200xf32, #tpu.memory_space<vmem>>
        %parallel_loop3A_450 = arith.index_cast %parallel_loop3A_442 : i32 to index
        %parallel_loop3A_451 = tpu.vector_load %parallel_loop3A_449[%parallel_loop3A_450] {strides = array<i32>} : memref<3200xf32, #tpu.memory_space<vmem>>, vector<16xf32>,
        %parallel_loop3A_452 = vector.shape_cast %parallel_loop3A_451 : vector<16xf32> to vector<16xf32>
        %parallel_loop3A_453 = vector.shape_cast %parallel_loop3A_438 : vector<16xf32> to vector<16xf32>
        tpu.vector_store %parallel_loop3A_449[%parallel_loop3A_450], %parallel_loop3A_453 {strides = array<i32>} : memref<3200xf32, #tpu.memory_space<vmem>>, vector<16xf32>,
        %parallel_loop3A_454 = arith.constant 50 : i32
        %parallel_loop3A_455 = arith.addi %parallel_loop3A_454, %parallel_loop3A_397 : i32
        %parallel_loop3A_456 = arith.constant 0 : i32
        %parallel_loop3A_457 = arith.constant 0 : i32
        %parallel_loop3A_458 = tpu.memref_slice %arg6[%parallel_loop3A_140, %parallel_loop3A_456, %parallel_loop3A_457] : memref<4x200x64xf32, #tpu.memory_space<vmem>> -> memref<1x200x64xf32, #tpu.memory_space<vmem>>
        %parallel_loop3A_459 = tpu.memref_squeeze %parallel_loop3A_458 : memref<1x200x64xf32, #tpu.memory_space<vmem>> -> memref<200x64xf32, #tpu.memory_space<vmem>>
        %parallel_loop3A_460 = arith.index_cast %parallel_loop3A_455 : i32 to index
        %parallel_loop3A_461 = arith.constant 32 : index
        %parallel_loop3A_462 = tpu.vector_load %parallel_loop3A_459[%parallel_loop3A_460, %parallel_loop3A_461] {strides = array<i32>} : memref<200x64xf32, #tpu.memory_space<vmem>>, vector<1x16xf32>,
        %parallel_loop3A_463 = vector.shape_cast %parallel_loop3A_462 : vector<1x16xf32> to vector<16xf32>
        %parallel_loop3A_464 = arith.constant 8.000000e+00 : f32
        %parallel_loop3A_465 = vector.broadcast %parallel_loop3A_464 : f32 to vector<16xf32>
        %parallel_loop3A_466 = arith.mulf %parallel_loop3A_463, %parallel_loop3A_465 : vector<16xf32>
        %parallel_loop3A_467 = arith.constant 64 : i32
        %parallel_loop3A_468 = arith.muli %parallel_loop3A_397, %parallel_loop3A_467 : i32
        %parallel_loop3A_469 = arith.constant 32 : i32
        %parallel_loop3A_470 = arith.addi %parallel_loop3A_468, %parallel_loop3A_469 : i32
        %parallel_loop3A_471 = arith.constant 0 : i32
        %parallel_loop3A_472 = arith.constant 0 : i32
        %parallel_loop3A_473 = tpu.memref_slice %arg7[%parallel_loop3A_141, %parallel_loop3A_471, %parallel_loop3A_472] : memref<4x4x3200xf32, #tpu.memory_space<vmem>> -> memref<1x4x3200xf32, #tpu.memory_space<vmem>>
        %parallel_loop3A_474 = tpu.memref_squeeze %parallel_loop3A_473 : memref<1x4x3200xf32, #tpu.memory_space<vmem>> -> memref<4x3200xf32, #tpu.memory_space<vmem>>
        %parallel_loop3A_475 = arith.constant 0 : i32
        %parallel_loop3A_476 = tpu.memref_slice %parallel_loop3A_474[%parallel_loop3A_142, %parallel_loop3A_475] : memref<4x3200xf32, #tpu.memory_space<vmem>> -> memref<1x3200xf32, #tpu.memory_space<vmem>>
        %parallel_loop3A_477 = tpu.memref_squeeze %parallel_loop3A_476 : memref<1x3200xf32, #tpu.memory_space<vmem>> -> memref<3200xf32, #tpu.memory_space<vmem>>
        %parallel_loop3A_478 = arith.index_cast %parallel_loop3A_470 : i32 to index
        %parallel_loop3A_479 = tpu.vector_load %parallel_loop3A_477[%parallel_loop3A_478] {strides = array<i32>} : memref<3200xf32, #tpu.memory_space<vmem>>, vector<16xf32>,
        %parallel_loop3A_480 = vector.shape_cast %parallel_loop3A_479 : vector<16xf32> to vector<16xf32>
        %parallel_loop3A_481 = vector.shape_cast %parallel_loop3A_466 : vector<16xf32> to vector<16xf32>
        tpu.vector_store %parallel_loop3A_477[%parallel_loop3A_478], %parallel_loop3A_481 {strides = array<i32>} : memref<3200xf32, #tpu.memory_space<vmem>>, vector<16xf32>,
        %parallel_loop3A_482 = arith.constant 50 : i32
        %parallel_loop3A_483 = arith.addi %parallel_loop3A_482, %parallel_loop3A_397 : i32
        %parallel_loop3A_484 = arith.constant 0 : i32
        %parallel_loop3A_485 = arith.constant 0 : i32
        %parallel_loop3A_486 = tpu.memref_slice %arg6[%parallel_loop3A_140, %parallel_loop3A_484, %parallel_loop3A_485] : memref<4x200x64xf32, #tpu.memory_space<vmem>> -> memref<1x200x64xf32, #tpu.memory_space<vmem>>
        %parallel_loop3A_487 = tpu.memref_squeeze %parallel_loop3A_486 : memref<1x200x64xf32, #tpu.memory_space<vmem>> -> memref<200x64xf32, #tpu.memory_space<vmem>>
        %parallel_loop3A_488 = arith.index_cast %parallel_loop3A_483 : i32 to index
        %parallel_loop3A_489 = arith.constant 48 : index
        %parallel_loop3A_490 = tpu.vector_load %parallel_loop3A_487[%parallel_loop3A_488, %parallel_loop3A_489] {strides = array<i32>} : memref<200x64xf32, #tpu.memory_space<vmem>>, vector<1x16xf32>,
        %parallel_loop3A_491 = vector.shape_cast %parallel_loop3A_490 : vector<1x16xf32> to vector<16xf32>
        %parallel_loop3A_492 = arith.constant 8.000000e+00 : f32
        %parallel_loop3A_493 = vector.broadcast %parallel_loop3A_492 : f32 to vector<16xf32>
        %parallel_loop3A_494 = arith.mulf %parallel_loop3A_491, %parallel_loop3A_493 : vector<16xf32>
        %parallel_loop3A_495 = arith.constant 64 : i32
        %parallel_loop3A_496 = arith.muli %parallel_loop3A_397, %parallel_loop3A_495 : i32
        %parallel_loop3A_497 = arith.constant 48 : i32
        %parallel_loop3A_498 = arith.addi %parallel_loop3A_496, %parallel_loop3A_497 : i32
        %parallel_loop3A_499 = arith.constant 0 : i32
        %parallel_loop3A_500 = arith.constant 0 : i32
        %parallel_loop3A_501 = tpu.memref_slice %arg7[%parallel_loop3A_141, %parallel_loop3A_499, %parallel_loop3A_500] : memref<4x4x3200xf32, #tpu.memory_space<vmem>> -> memref<1x4x3200xf32, #tpu.memory_space<vmem>>
        %parallel_loop3A_502 = tpu.memref_squeeze %parallel_loop3A_501 : memref<1x4x3200xf32, #tpu.memory_space<vmem>> -> memref<4x3200xf32, #tpu.memory_space<vmem>>
        %parallel_loop3A_503 = arith.constant 0 : i32
        %parallel_loop3A_504 = tpu.memref_slice %parallel_loop3A_502[%parallel_loop3A_142, %parallel_loop3A_503] : memref<4x3200xf32, #tpu.memory_space<vmem>> -> memref<1x3200xf32, #tpu.memory_space<vmem>>
        %parallel_loop3A_505 = tpu.memref_squeeze %parallel_loop3A_504 : memref<1x3200xf32, #tpu.memory_space<vmem>> -> memref<3200xf32, #tpu.memory_space<vmem>>
        %parallel_loop3A_506 = arith.index_cast %parallel_loop3A_498 : i32 to index
        %parallel_loop3A_507 = tpu.vector_load %parallel_loop3A_505[%parallel_loop3A_506] {strides = array<i32>} : memref<3200xf32, #tpu.memory_space<vmem>>, vector<16xf32>,
        %parallel_loop3A_508 = vector.shape_cast %parallel_loop3A_507 : vector<16xf32> to vector<16xf32>
        %parallel_loop3A_509 = vector.shape_cast %parallel_loop3A_494 : vector<16xf32> to vector<16xf32>
        tpu.vector_store %parallel_loop3A_505[%parallel_loop3A_506], %parallel_loop3A_509 {strides = array<i32>} : memref<3200xf32, #tpu.memory_space<vmem>>, vector<16xf32>,
      } {sc.loop_unroll_factor = 5 : i64, sc.parallel_access}
      %parallel_loop3A_143 = arith.constant 0 : i32
      %parallel_loop3A_144 = arith.constant 50 : i32
      %parallel_loop3A_145 = arith.constant 1 : i32
      %parallel_loop3A_146 = arith.constant 0 : i32
      %parallel_loop3A_147 = arith.constant 0 : i32
      %parallel_loop3A_148 = arith.constant 2 : i32
      scf.for %parallel_loop3A_397 = %parallel_loop3A_143 to %parallel_loop3A_144 step %parallel_loop3A_145  : i32 {
        %parallel_loop3A_398 = arith.constant 100 : i32
        %parallel_loop3A_399 = arith.addi %parallel_loop3A_398, %parallel_loop3A_397 : i32
        %parallel_loop3A_400 = arith.constant 0 : i32
        %parallel_loop3A_401 = arith.constant 0 : i32
        %parallel_loop3A_402 = tpu.memref_slice %arg6[%parallel_loop3A_146, %parallel_loop3A_400, %parallel_loop3A_401] : memref<4x200x64xf32, #tpu.memory_space<vmem>> -> memref<1x200x64xf32, #tpu.memory_space<vmem>>
        %parallel_loop3A_403 = tpu.memref_squeeze %parallel_loop3A_402 : memref<1x200x64xf32, #tpu.memory_space<vmem>> -> memref<200x64xf32, #tpu.memory_space<vmem>>
        %parallel_loop3A_404 = arith.index_cast %parallel_loop3A_399 : i32 to index
        %parallel_loop3A_405 = arith.constant 0 : index
        %parallel_loop3A_406 = tpu.vector_load %parallel_loop3A_403[%parallel_loop3A_404, %parallel_loop3A_405] {strides = array<i32>} : memref<200x64xf32, #tpu.memory_space<vmem>>, vector<1x16xf32>,
        %parallel_loop3A_407 = vector.shape_cast %parallel_loop3A_406 : vector<1x16xf32> to vector<16xf32>
        %parallel_loop3A_408 = arith.constant 8.000000e+00 : f32
        %parallel_loop3A_409 = vector.broadcast %parallel_loop3A_408 : f32 to vector<16xf32>
        %parallel_loop3A_410 = arith.mulf %parallel_loop3A_407, %parallel_loop3A_409 : vector<16xf32>
        %parallel_loop3A_411 = arith.constant 64 : i32
        %parallel_loop3A_412 = arith.muli %parallel_loop3A_397, %parallel_loop3A_411 : i32
        %parallel_loop3A_413 = arith.constant 0 : i32
        %parallel_loop3A_414 = arith.addi %parallel_loop3A_412, %parallel_loop3A_413 : i32
        %parallel_loop3A_415 = arith.constant 0 : i32
        %parallel_loop3A_416 = arith.constant 0 : i32
        %parallel_loop3A_417 = tpu.memref_slice %arg7[%parallel_loop3A_147, %parallel_loop3A_415, %parallel_loop3A_416] : memref<4x4x3200xf32, #tpu.memory_space<vmem>> -> memref<1x4x3200xf32, #tpu.memory_space<vmem>>
        %parallel_loop3A_418 = tpu.memref_squeeze %parallel_loop3A_417 : memref<1x4x3200xf32, #tpu.memory_space<vmem>> -> memref<4x3200xf32, #tpu.memory_space<vmem>>
        %parallel_loop3A_419 = arith.constant 0 : i32
        %parallel_loop3A_420 = tpu.memref_slice %parallel_loop3A_418[%parallel_loop3A_148, %parallel_loop3A_419] : memref<4x3200xf32, #tpu.memory_space<vmem>> -> memref<1x3200xf32, #tpu.memory_space<vmem>>
        %parallel_loop3A_421 = tpu.memref_squeeze %parallel_loop3A_420 : memref<1x3200xf32, #tpu.memory_space<vmem>> -> memref<3200xf32, #tpu.memory_space<vmem>>
        %parallel_loop3A_422 = arith.index_cast %parallel_loop3A_414 : i32 to index
        %parallel_loop3A_423 = tpu.vector_load %parallel_loop3A_421[%parallel_loop3A_422] {strides = array<i32>} : memref<3200xf32, #tpu.memory_space<vmem>>, vector<16xf32>,
        %parallel_loop3A_424 = vector.shape_cast %parallel_loop3A_423 : vector<16xf32> to vector<16xf32>
        %parallel_loop3A_425 = vector.shape_cast %parallel_loop3A_410 : vector<16xf32> to vector<16xf32>
        tpu.vector_store %parallel_loop3A_421[%parallel_loop3A_422], %parallel_loop3A_425 {strides = array<i32>} : memref<3200xf32, #tpu.memory_space<vmem>>, vector<16xf32>,
        %parallel_loop3A_426 = arith.constant 100 : i32
        %parallel_loop3A_427 = arith.addi %parallel_loop3A_426, %parallel_loop3A_397 : i32
        %parallel_loop3A_428 = arith.constant 0 : i32
        %parallel_loop3A_429 = arith.constant 0 : i32
        %parallel_loop3A_430 = tpu.memref_slice %arg6[%parallel_loop3A_146, %parallel_loop3A_428, %parallel_loop3A_429] : memref<4x200x64xf32, #tpu.memory_space<vmem>> -> memref<1x200x64xf32, #tpu.memory_space<vmem>>
        %parallel_loop3A_431 = tpu.memref_squeeze %parallel_loop3A_430 : memref<1x200x64xf32, #tpu.memory_space<vmem>> -> memref<200x64xf32, #tpu.memory_space<vmem>>
        %parallel_loop3A_432 = arith.index_cast %parallel_loop3A_427 : i32 to index
        %parallel_loop3A_433 = arith.constant 16 : index
        %parallel_loop3A_434 = tpu.vector_load %parallel_loop3A_431[%parallel_loop3A_432, %parallel_loop3A_433] {strides = array<i32>} : memref<200x64xf32, #tpu.memory_space<vmem>>, vector<1x16xf32>,
        %parallel_loop3A_435 = vector.shape_cast %parallel_loop3A_434 : vector<1x16xf32> to vector<16xf32>
        %parallel_loop3A_436 = arith.constant 8.000000e+00 : f32
        %parallel_loop3A_437 = vector.broadcast %parallel_loop3A_436 : f32 to vector<16xf32>
        %parallel_loop3A_438 = arith.mulf %parallel_loop3A_435, %parallel_loop3A_437 : vector<16xf32>
        %parallel_loop3A_439 = arith.constant 64 : i32
        %parallel_loop3A_440 = arith.muli %parallel_loop3A_397, %parallel_loop3A_439 : i32
        %parallel_loop3A_441 = arith.constant 16 : i32
        %parallel_loop3A_442 = arith.addi %parallel_loop3A_440, %parallel_loop3A_441 : i32
        %parallel_loop3A_443 = arith.constant 0 : i32
        %parallel_loop3A_444 = arith.constant 0 : i32
        %parallel_loop3A_445 = tpu.memref_slice %arg7[%parallel_loop3A_147, %parallel_loop3A_443, %parallel_loop3A_444] : memref<4x4x3200xf32, #tpu.memory_space<vmem>> -> memref<1x4x3200xf32, #tpu.memory_space<vmem>>
        %parallel_loop3A_446 = tpu.memref_squeeze %parallel_loop3A_445 : memref<1x4x3200xf32, #tpu.memory_space<vmem>> -> memref<4x3200xf32, #tpu.memory_space<vmem>>
        %parallel_loop3A_447 = arith.constant 0 : i32
        %parallel_loop3A_448 = tpu.memref_slice %parallel_loop3A_446[%parallel_loop3A_148, %parallel_loop3A_447] : memref<4x3200xf32, #tpu.memory_space<vmem>> -> memref<1x3200xf32, #tpu.memory_space<vmem>>
        %parallel_loop3A_449 = tpu.memref_squeeze %parallel_loop3A_448 : memref<1x3200xf32, #tpu.memory_space<vmem>> -> memref<3200xf32, #tpu.memory_space<vmem>>
        %parallel_loop3A_450 = arith.index_cast %parallel_loop3A_442 : i32 to index
        %parallel_loop3A_451 = tpu.vector_load %parallel_loop3A_449[%parallel_loop3A_450] {strides = array<i32>} : memref<3200xf32, #tpu.memory_space<vmem>>, vector<16xf32>,
        %parallel_loop3A_452 = vector.shape_cast %parallel_loop3A_451 : vector<16xf32> to vector<16xf32>
        %parallel_loop3A_453 = vector.shape_cast %parallel_loop3A_438 : vector<16xf32> to vector<16xf32>
        tpu.vector_store %parallel_loop3A_449[%parallel_loop3A_450], %parallel_loop3A_453 {strides = array<i32>} : memref<3200xf32, #tpu.memory_space<vmem>>, vector<16xf32>,
        %parallel_loop3A_454 = arith.constant 100 : i32
        %parallel_loop3A_455 = arith.addi %parallel_loop3A_454, %parallel_loop3A_397 : i32
        %parallel_loop3A_456 = arith.constant 0 : i32
        %parallel_loop3A_457 = arith.constant 0 : i32
        %parallel_loop3A_458 = tpu.memref_slice %arg6[%parallel_loop3A_146, %parallel_loop3A_456, %parallel_loop3A_457] : memref<4x200x64xf32, #tpu.memory_space<vmem>> -> memref<1x200x64xf32, #tpu.memory_space<vmem>>
        %parallel_loop3A_459 = tpu.memref_squeeze %parallel_loop3A_458 : memref<1x200x64xf32, #tpu.memory_space<vmem>> -> memref<200x64xf32, #tpu.memory_space<vmem>>
        %parallel_loop3A_460 = arith.index_cast %parallel_loop3A_455 : i32 to index
        %parallel_loop3A_461 = arith.constant 32 : index
        %parallel_loop3A_462 = tpu.vector_load %parallel_loop3A_459[%parallel_loop3A_460, %parallel_loop3A_461] {strides = array<i32>} : memref<200x64xf32, #tpu.memory_space<vmem>>, vector<1x16xf32>,
        %parallel_loop3A_463 = vector.shape_cast %parallel_loop3A_462 : vector<1x16xf32> to vector<16xf32>
        %parallel_loop3A_464 = arith.constant 8.000000e+00 : f32
        %parallel_loop3A_465 = vector.broadcast %parallel_loop3A_464 : f32 to vector<16xf32>
        %parallel_loop3A_466 = arith.mulf %parallel_loop3A_463, %parallel_loop3A_465 : vector<16xf32>
        %parallel_loop3A_467 = arith.constant 64 : i32
        %parallel_loop3A_468 = arith.muli %parallel_loop3A_397, %parallel_loop3A_467 : i32
        %parallel_loop3A_469 = arith.constant 32 : i32
        %parallel_loop3A_470 = arith.addi %parallel_loop3A_468, %parallel_loop3A_469 : i32
        %parallel_loop3A_471 = arith.constant 0 : i32
        %parallel_loop3A_472 = arith.constant 0 : i32
        %parallel_loop3A_473 = tpu.memref_slice %arg7[%parallel_loop3A_147, %parallel_loop3A_471, %parallel_loop3A_472] : memref<4x4x3200xf32, #tpu.memory_space<vmem>> -> memref<1x4x3200xf32, #tpu.memory_space<vmem>>
        %parallel_loop3A_474 = tpu.memref_squeeze %parallel_loop3A_473 : memref<1x4x3200xf32, #tpu.memory_space<vmem>> -> memref<4x3200xf32, #tpu.memory_space<vmem>>
        %parallel_loop3A_475 = arith.constant 0 : i32
        %parallel_loop3A_476 = tpu.memref_slice %parallel_loop3A_474[%parallel_loop3A_148, %parallel_loop3A_475] : memref<4x3200xf32, #tpu.memory_space<vmem>> -> memref<1x3200xf32, #tpu.memory_space<vmem>>
        %parallel_loop3A_477 = tpu.memref_squeeze %parallel_loop3A_476 : memref<1x3200xf32, #tpu.memory_space<vmem>> -> memref<3200xf32, #tpu.memory_space<vmem>>
        %parallel_loop3A_478 = arith.index_cast %parallel_loop3A_470 : i32 to index
        %parallel_loop3A_479 = tpu.vector_load %parallel_loop3A_477[%parallel_loop3A_478] {strides = array<i32>} : memref<3200xf32, #tpu.memory_space<vmem>>, vector<16xf32>,
        %parallel_loop3A_480 = vector.shape_cast %parallel_loop3A_479 : vector<16xf32> to vector<16xf32>
        %parallel_loop3A_481 = vector.shape_cast %parallel_loop3A_466 : vector<16xf32> to vector<16xf32>
        tpu.vector_store %parallel_loop3A_477[%parallel_loop3A_478], %parallel_loop3A_481 {strides = array<i32>} : memref<3200xf32, #tpu.memory_space<vmem>>, vector<16xf32>,
        %parallel_loop3A_482 = arith.constant 100 : i32
        %parallel_loop3A_483 = arith.addi %parallel_loop3A_482, %parallel_loop3A_397 : i32
        %parallel_loop3A_484 = arith.constant 0 : i32
        %parallel_loop3A_485 = arith.constant 0 : i32
        %parallel_loop3A_486 = tpu.memref_slice %arg6[%parallel_loop3A_146, %parallel_loop3A_484, %parallel_loop3A_485] : memref<4x200x64xf32, #tpu.memory_space<vmem>> -> memref<1x200x64xf32, #tpu.memory_space<vmem>>
        %parallel_loop3A_487 = tpu.memref_squeeze %parallel_loop3A_486 : memref<1x200x64xf32, #tpu.memory_space<vmem>> -> memref<200x64xf32, #tpu.memory_space<vmem>>
        %parallel_loop3A_488 = arith.index_cast %parallel_loop3A_483 : i32 to index
        %parallel_loop3A_489 = arith.constant 48 : index
        %parallel_loop3A_490 = tpu.vector_load %parallel_loop3A_487[%parallel_loop3A_488, %parallel_loop3A_489] {strides = array<i32>} : memref<200x64xf32, #tpu.memory_space<vmem>>, vector<1x16xf32>,
        %parallel_loop3A_491 = vector.shape_cast %parallel_loop3A_490 : vector<1x16xf32> to vector<16xf32>
        %parallel_loop3A_492 = arith.constant 8.000000e+00 : f32
        %parallel_loop3A_493 = vector.broadcast %parallel_loop3A_492 : f32 to vector<16xf32>
        %parallel_loop3A_494 = arith.mulf %parallel_loop3A_491, %parallel_loop3A_493 : vector<16xf32>
        %parallel_loop3A_495 = arith.constant 64 : i32
        %parallel_loop3A_496 = arith.muli %parallel_loop3A_397, %parallel_loop3A_495 : i32
        %parallel_loop3A_497 = arith.constant 48 : i32
        %parallel_loop3A_498 = arith.addi %parallel_loop3A_496, %parallel_loop3A_497 : i32
        %parallel_loop3A_499 = arith.constant 0 : i32
        %parallel_loop3A_500 = arith.constant 0 : i32
        %parallel_loop3A_501 = tpu.memref_slice %arg7[%parallel_loop3A_147, %parallel_loop3A_499, %parallel_loop3A_500] : memref<4x4x3200xf32, #tpu.memory_space<vmem>> -> memref<1x4x3200xf32, #tpu.memory_space<vmem>>
        %parallel_loop3A_502 = tpu.memref_squeeze %parallel_loop3A_501 : memref<1x4x3200xf32, #tpu.memory_space<vmem>> -> memref<4x3200xf32, #tpu.memory_space<vmem>>
        %parallel_loop3A_503 = arith.constant 0 : i32
        %parallel_loop3A_504 = tpu.memref_slice %parallel_loop3A_502[%parallel_loop3A_148, %parallel_loop3A_503] : memref<4x3200xf32, #tpu.memory_space<vmem>> -> memref<1x3200xf32, #tpu.memory_space<vmem>>
        %parallel_loop3A_505 = tpu.memref_squeeze %parallel_loop3A_504 : memref<1x3200xf32, #tpu.memory_space<vmem>> -> memref<3200xf32, #tpu.memory_space<vmem>>
        %parallel_loop3A_506 = arith.index_cast %parallel_loop3A_498 : i32 to index
        %parallel_loop3A_507 = tpu.vector_load %parallel_loop3A_505[%parallel_loop3A_506] {strides = array<i32>} : memref<3200xf32, #tpu.memory_space<vmem>>, vector<16xf32>,
        %parallel_loop3A_508 = vector.shape_cast %parallel_loop3A_507 : vector<16xf32> to vector<16xf32>
        %parallel_loop3A_509 = vector.shape_cast %parallel_loop3A_494 : vector<16xf32> to vector<16xf32>
        tpu.vector_store %parallel_loop3A_505[%parallel_loop3A_506], %parallel_loop3A_509 {strides = array<i32>} : memref<3200xf32, #tpu.memory_space<vmem>>, vector<16xf32>,
      } {sc.loop_unroll_factor = 5 : i64, sc.parallel_access}
      %parallel_loop3A_149 = arith.constant 0 : i32
      %parallel_loop3A_150 = arith.constant 50 : i32
      %parallel_loop3A_151 = arith.constant 1 : i32
      %parallel_loop3A_152 = arith.constant 0 : i32
      %parallel_loop3A_153 = arith.constant 0 : i32
      %parallel_loop3A_154 = arith.constant 3 : i32
      scf.for %parallel_loop3A_397 = %parallel_loop3A_149 to %parallel_loop3A_150 step %parallel_loop3A_151  : i32 {
        %parallel_loop3A_398 = arith.constant 150 : i32
        %parallel_loop3A_399 = arith.addi %parallel_loop3A_398, %parallel_loop3A_397 : i32
        %parallel_loop3A_400 = arith.constant 0 : i32
        %parallel_loop3A_401 = arith.constant 0 : i32
        %parallel_loop3A_402 = tpu.memref_slice %arg6[%parallel_loop3A_152, %parallel_loop3A_400, %parallel_loop3A_401] : memref<4x200x64xf32, #tpu.memory_space<vmem>> -> memref<1x200x64xf32, #tpu.memory_space<vmem>>
        %parallel_loop3A_403 = tpu.memref_squeeze %parallel_loop3A_402 : memref<1x200x64xf32, #tpu.memory_space<vmem>> -> memref<200x64xf32, #tpu.memory_space<vmem>>
        %parallel_loop3A_404 = arith.index_cast %parallel_loop3A_399 : i32 to index
        %parallel_loop3A_405 = arith.constant 0 : index
        %parallel_loop3A_406 = tpu.vector_load %parallel_loop3A_403[%parallel_loop3A_404, %parallel_loop3A_405] {strides = array<i32>} : memref<200x64xf32, #tpu.memory_space<vmem>>, vector<1x16xf32>,
        %parallel_loop3A_407 = vector.shape_cast %parallel_loop3A_406 : vector<1x16xf32> to vector<16xf32>
        %parallel_loop3A_408 = arith.constant 8.000000e+00 : f32
        %parallel_loop3A_409 = vector.broadcast %parallel_loop3A_408 : f32 to vector<16xf32>
        %parallel_loop3A_410 = arith.mulf %parallel_loop3A_407, %parallel_loop3A_409 : vector<16xf32>
        %parallel_loop3A_411 = arith.constant 64 : i32
        %parallel_loop3A_412 = arith.muli %parallel_loop3A_397, %parallel_loop3A_411 : i32
        %parallel_loop3A_413 = arith.constant 0 : i32
        %parallel_loop3A_414 = arith.addi %parallel_loop3A_412, %parallel_loop3A_413 : i32
        %parallel_loop3A_415 = arith.constant 0 : i32
        %parallel_loop3A_416 = arith.constant 0 : i32
        %parallel_loop3A_417 = tpu.memref_slice %arg7[%parallel_loop3A_153, %parallel_loop3A_415, %parallel_loop3A_416] : memref<4x4x3200xf32, #tpu.memory_space<vmem>> -> memref<1x4x3200xf32, #tpu.memory_space<vmem>>
        %parallel_loop3A_418 = tpu.memref_squeeze %parallel_loop3A_417 : memref<1x4x3200xf32, #tpu.memory_space<vmem>> -> memref<4x3200xf32, #tpu.memory_space<vmem>>
        %parallel_loop3A_419 = arith.constant 0 : i32
        %parallel_loop3A_420 = tpu.memref_slice %parallel_loop3A_418[%parallel_loop3A_154, %parallel_loop3A_419] : memref<4x3200xf32, #tpu.memory_space<vmem>> -> memref<1x3200xf32, #tpu.memory_space<vmem>>
        %parallel_loop3A_421 = tpu.memref_squeeze %parallel_loop3A_420 : memref<1x3200xf32, #tpu.memory_space<vmem>> -> memref<3200xf32, #tpu.memory_space<vmem>>
        %parallel_loop3A_422 = arith.index_cast %parallel_loop3A_414 : i32 to index
        %parallel_loop3A_423 = tpu.vector_load %parallel_loop3A_421[%parallel_loop3A_422] {strides = array<i32>} : memref<3200xf32, #tpu.memory_space<vmem>>, vector<16xf32>,
        %parallel_loop3A_424 = vector.shape_cast %parallel_loop3A_423 : vector<16xf32> to vector<16xf32>
        %parallel_loop3A_425 = vector.shape_cast %parallel_loop3A_410 : vector<16xf32> to vector<16xf32>
        tpu.vector_store %parallel_loop3A_421[%parallel_loop3A_422], %parallel_loop3A_425 {strides = array<i32>} : memref<3200xf32, #tpu.memory_space<vmem>>, vector<16xf32>,
        %parallel_loop3A_426 = arith.constant 150 : i32
        %parallel_loop3A_427 = arith.addi %parallel_loop3A_426, %parallel_loop3A_397 : i32
        %parallel_loop3A_428 = arith.constant 0 : i32
        %parallel_loop3A_429 = arith.constant 0 : i32
        %parallel_loop3A_430 = tpu.memref_slice %arg6[%parallel_loop3A_152, %parallel_loop3A_428, %parallel_loop3A_429] : memref<4x200x64xf32, #tpu.memory_space<vmem>> -> memref<1x200x64xf32, #tpu.memory_space<vmem>>
        %parallel_loop3A_431 = tpu.memref_squeeze %parallel_loop3A_430 : memref<1x200x64xf32, #tpu.memory_space<vmem>> -> memref<200x64xf32, #tpu.memory_space<vmem>>
        %parallel_loop3A_432 = arith.index_cast %parallel_loop3A_427 : i32 to index
        %parallel_loop3A_433 = arith.constant 16 : index
        %parallel_loop3A_434 = tpu.vector_load %parallel_loop3A_431[%parallel_loop3A_432, %parallel_loop3A_433] {strides = array<i32>} : memref<200x64xf32, #tpu.memory_space<vmem>>, vector<1x16xf32>,
        %parallel_loop3A_435 = vector.shape_cast %parallel_loop3A_434 : vector<1x16xf32> to vector<16xf32>
        %parallel_loop3A_436 = arith.constant 8.000000e+00 : f32
        %parallel_loop3A_437 = vector.broadcast %parallel_loop3A_436 : f32 to vector<16xf32>
        %parallel_loop3A_438 = arith.mulf %parallel_loop3A_435, %parallel_loop3A_437 : vector<16xf32>
        %parallel_loop3A_439 = arith.constant 64 : i32
        %parallel_loop3A_440 = arith.muli %parallel_loop3A_397, %parallel_loop3A_439 : i32
        %parallel_loop3A_441 = arith.constant 16 : i32
        %parallel_loop3A_442 = arith.addi %parallel_loop3A_440, %parallel_loop3A_441 : i32
        %parallel_loop3A_443 = arith.constant 0 : i32
        %parallel_loop3A_444 = arith.constant 0 : i32
        %parallel_loop3A_445 = tpu.memref_slice %arg7[%parallel_loop3A_153, %parallel_loop3A_443, %parallel_loop3A_444] : memref<4x4x3200xf32, #tpu.memory_space<vmem>> -> memref<1x4x3200xf32, #tpu.memory_space<vmem>>
        %parallel_loop3A_446 = tpu.memref_squeeze %parallel_loop3A_445 : memref<1x4x3200xf32, #tpu.memory_space<vmem>> -> memref<4x3200xf32, #tpu.memory_space<vmem>>
        %parallel_loop3A_447 = arith.constant 0 : i32
        %parallel_loop3A_448 = tpu.memref_slice %parallel_loop3A_446[%parallel_loop3A_154, %parallel_loop3A_447] : memref<4x3200xf32, #tpu.memory_space<vmem>> -> memref<1x3200xf32, #tpu.memory_space<vmem>>
        %parallel_loop3A_449 = tpu.memref_squeeze %parallel_loop3A_448 : memref<1x3200xf32, #tpu.memory_space<vmem>> -> memref<3200xf32, #tpu.memory_space<vmem>>
        %parallel_loop3A_450 = arith.index_cast %parallel_loop3A_442 : i32 to index
        %parallel_loop3A_451 = tpu.vector_load %parallel_loop3A_449[%parallel_loop3A_450] {strides = array<i32>} : memref<3200xf32, #tpu.memory_space<vmem>>, vector<16xf32>,
        %parallel_loop3A_452 = vector.shape_cast %parallel_loop3A_451 : vector<16xf32> to vector<16xf32>
        %parallel_loop3A_453 = vector.shape_cast %parallel_loop3A_438 : vector<16xf32> to vector<16xf32>
        tpu.vector_store %parallel_loop3A_449[%parallel_loop3A_450], %parallel_loop3A_453 {strides = array<i32>} : memref<3200xf32, #tpu.memory_space<vmem>>, vector<16xf32>,
        %parallel_loop3A_454 = arith.constant 150 : i32
        %parallel_loop3A_455 = arith.addi %parallel_loop3A_454, %parallel_loop3A_397 : i32
        %parallel_loop3A_456 = arith.constant 0 : i32
        %parallel_loop3A_457 = arith.constant 0 : i32
        %parallel_loop3A_458 = tpu.memref_slice %arg6[%parallel_loop3A_152, %parallel_loop3A_456, %parallel_loop3A_457] : memref<4x200x64xf32, #tpu.memory_space<vmem>> -> memref<1x200x64xf32, #tpu.memory_space<vmem>>
        %parallel_loop3A_459 = tpu.memref_squeeze %parallel_loop3A_458 : memref<1x200x64xf32, #tpu.memory_space<vmem>> -> memref<200x64xf32, #tpu.memory_space<vmem>>
        %parallel_loop3A_460 = arith.index_cast %parallel_loop3A_455 : i32 to index
        %parallel_loop3A_461 = arith.constant 32 : index
        %parallel_loop3A_462 = tpu.vector_load %parallel_loop3A_459[%parallel_loop3A_460, %parallel_loop3A_461] {strides = array<i32>} : memref<200x64xf32, #tpu.memory_space<vmem>>, vector<1x16xf32>,
        %parallel_loop3A_463 = vector.shape_cast %parallel_loop3A_462 : vector<1x16xf32> to vector<16xf32>
        %parallel_loop3A_464 = arith.constant 8.000000e+00 : f32
        %parallel_loop3A_465 = vector.broadcast %parallel_loop3A_464 : f32 to vector<16xf32>
        %parallel_loop3A_466 = arith.mulf %parallel_loop3A_463, %parallel_loop3A_465 : vector<16xf32>
        %parallel_loop3A_467 = arith.constant 64 : i32
        %parallel_loop3A_468 = arith.muli %parallel_loop3A_397, %parallel_loop3A_467 : i32
        %parallel_loop3A_469 = arith.constant 32 : i32
        %parallel_loop3A_470 = arith.addi %parallel_loop3A_468, %parallel_loop3A_469 : i32
        %parallel_loop3A_471 = arith.constant 0 : i32
        %parallel_loop3A_472 = arith.constant 0 : i32
        %parallel_loop3A_473 = tpu.memref_slice %arg7[%parallel_loop3A_153, %parallel_loop3A_471, %parallel_loop3A_472] : memref<4x4x3200xf32, #tpu.memory_space<vmem>> -> memref<1x4x3200xf32, #tpu.memory_space<vmem>>
        %parallel_loop3A_474 = tpu.memref_squeeze %parallel_loop3A_473 : memref<1x4x3200xf32, #tpu.memory_space<vmem>> -> memref<4x3200xf32, #tpu.memory_space<vmem>>
        %parallel_loop3A_475 = arith.constant 0 : i32
        %parallel_loop3A_476 = tpu.memref_slice %parallel_loop3A_474[%parallel_loop3A_154, %parallel_loop3A_475] : memref<4x3200xf32, #tpu.memory_space<vmem>> -> memref<1x3200xf32, #tpu.memory_space<vmem>>
        %parallel_loop3A_477 = tpu.memref_squeeze %parallel_loop3A_476 : memref<1x3200xf32, #tpu.memory_space<vmem>> -> memref<3200xf32, #tpu.memory_space<vmem>>
        %parallel_loop3A_478 = arith.index_cast %parallel_loop3A_470 : i32 to index
        %parallel_loop3A_479 = tpu.vector_load %parallel_loop3A_477[%parallel_loop3A_478] {strides = array<i32>} : memref<3200xf32, #tpu.memory_space<vmem>>, vector<16xf32>,
        %parallel_loop3A_480 = vector.shape_cast %parallel_loop3A_479 : vector<16xf32> to vector<16xf32>
        %parallel_loop3A_481 = vector.shape_cast %parallel_loop3A_466 : vector<16xf32> to vector<16xf32>
        tpu.vector_store %parallel_loop3A_477[%parallel_loop3A_478], %parallel_loop3A_481 {strides = array<i32>} : memref<3200xf32, #tpu.memory_space<vmem>>, vector<16xf32>,
        %parallel_loop3A_482 = arith.constant 150 : i32
        %parallel_loop3A_483 = arith.addi %parallel_loop3A_482, %parallel_loop3A_397 : i32
        %parallel_loop3A_484 = arith.constant 0 : i32
        %parallel_loop3A_485 = arith.constant 0 : i32
        %parallel_loop3A_486 = tpu.memref_slice %arg6[%parallel_loop3A_152, %parallel_loop3A_484, %parallel_loop3A_485] : memref<4x200x64xf32, #tpu.memory_space<vmem>> -> memref<1x200x64xf32, #tpu.memory_space<vmem>>
        %parallel_loop3A_487 = tpu.memref_squeeze %parallel_loop3A_486 : memref<1x200x64xf32, #tpu.memory_space<vmem>> -> memref<200x64xf32, #tpu.memory_space<vmem>>
        %parallel_loop3A_488 = arith.index_cast %parallel_loop3A_483 : i32 to index
        %parallel_loop3A_489 = arith.constant 48 : index
        %parallel_loop3A_490 = tpu.vector_load %parallel_loop3A_487[%parallel_loop3A_488, %parallel_loop3A_489] {strides = array<i32>} : memref<200x64xf32, #tpu.memory_space<vmem>>, vector<1x16xf32>,
        %parallel_loop3A_491 = vector.shape_cast %parallel_loop3A_490 : vector<1x16xf32> to vector<16xf32>
        %parallel_loop3A_492 = arith.constant 8.000000e+00 : f32
        %parallel_loop3A_493 = vector.broadcast %parallel_loop3A_492 : f32 to vector<16xf32>
        %parallel_loop3A_494 = arith.mulf %parallel_loop3A_491, %parallel_loop3A_493 : vector<16xf32>
        %parallel_loop3A_495 = arith.constant 64 : i32
        %parallel_loop3A_496 = arith.muli %parallel_loop3A_397, %parallel_loop3A_495 : i32
        %parallel_loop3A_497 = arith.constant 48 : i32
        %parallel_loop3A_498 = arith.addi %parallel_loop3A_496, %parallel_loop3A_497 : i32
        %parallel_loop3A_499 = arith.constant 0 : i32
        %parallel_loop3A_500 = arith.constant 0 : i32
        %parallel_loop3A_501 = tpu.memref_slice %arg7[%parallel_loop3A_153, %parallel_loop3A_499, %parallel_loop3A_500] : memref<4x4x3200xf32, #tpu.memory_space<vmem>> -> memref<1x4x3200xf32, #tpu.memory_space<vmem>>
        %parallel_loop3A_502 = tpu.memref_squeeze %parallel_loop3A_501 : memref<1x4x3200xf32, #tpu.memory_space<vmem>> -> memref<4x3200xf32, #tpu.memory_space<vmem>>
        %parallel_loop3A_503 = arith.constant 0 : i32
        %parallel_loop3A_504 = tpu.memref_slice %parallel_loop3A_502[%parallel_loop3A_154, %parallel_loop3A_503] : memref<4x3200xf32, #tpu.memory_space<vmem>> -> memref<1x3200xf32, #tpu.memory_space<vmem>>
        %parallel_loop3A_505 = tpu.memref_squeeze %parallel_loop3A_504 : memref<1x3200xf32, #tpu.memory_space<vmem>> -> memref<3200xf32, #tpu.memory_space<vmem>>
        %parallel_loop3A_506 = arith.index_cast %parallel_loop3A_498 : i32 to index
        %parallel_loop3A_507 = tpu.vector_load %parallel_loop3A_505[%parallel_loop3A_506] {strides = array<i32>} : memref<3200xf32, #tpu.memory_space<vmem>>, vector<16xf32>,
        %parallel_loop3A_508 = vector.shape_cast %parallel_loop3A_507 : vector<16xf32> to vector<16xf32>
        %parallel_loop3A_509 = vector.shape_cast %parallel_loop3A_494 : vector<16xf32> to vector<16xf32>
        tpu.vector_store %parallel_loop3A_505[%parallel_loop3A_506], %parallel_loop3A_509 {strides = array<i32>} : memref<3200xf32, #tpu.memory_space<vmem>>, vector<16xf32>,
      } {sc.loop_unroll_factor = 5 : i64, sc.parallel_access}
      %mul3A_155 = arith.constant 4 : i32
      %mul3A_156 = arith.muli %add3A_116, %mul3A_155 : i32
      %add3A_157 = arith.addi %mul3A_4, %mul3A_156 : i32
      %dma_start3A_158 = arith.constant 0 : i32
      %dma_start3A_159 = arith.constant 0 : i32
      %dma_start3A_160 = arith.constant 0 : i32
      %dma_start3A_161 = arith.constant 0 : i32
      %dma_start3A_162 = tpu.memref_slice %arg7[%dma_start3A_158, %dma_start3A_160, %dma_start3A_161] : memref<4x4x3200xf32, #tpu.memory_space<vmem>> -> memref<1x4x3200xf32, #tpu.memory_space<vmem>>
      %dma_start3A_163 = tpu.memref_squeeze %dma_start3A_162 : memref<1x4x3200xf32, #tpu.memory_space<vmem>> -> memref<4x3200xf32, #tpu.memory_space<vmem>>
      %dma_start3A_164 = arith.constant 0 : i32
      %dma_start3A_165 = tpu.memref_slice %arg4[%add3A_157, %dma_start3A_164] : memref<4096x3200xf32, #tpu.memory_space<hbm>> -> memref<4x3200xf32, #tpu.memory_space<hbm>>
      %dma_start3A_166 = tpu.memref_slice %arg9[%dma_start3A_159] : memref<4x!tpu.dma_semaphore, #tpu.memory_space<semaphore_mem>> -> memref<1x!tpu.dma_semaphore, #tpu.memory_space<semaphore_mem>>
      %dma_start3A_167 = tpu.memref_squeeze %dma_start3A_166 : memref<1x!tpu.dma_semaphore, #tpu.memory_space<semaphore_mem>> -> memref<!tpu.dma_semaphore, #tpu.memory_space<semaphore_mem>>
      %dma_start3A_168 = arith.constant 0 : i32
      %dma_start3A_169 = tpu.memref_slice %arg4[%add3A_157, %dma_start3A_168] : memref<4096x3200xf32, #tpu.memory_space<hbm>> -> memref<4x3200xf32, #tpu.memory_space<hbm>>
      %dma_start3A_170 = arith.constant 0 : i32
      %dma_start3A_171 = arith.constant 0 : i32
      %dma_start3A_172 = tpu.memref_slice %arg7[%dma_start3A_158, %dma_start3A_170, %dma_start3A_171] : memref<4x4x3200xf32, #tpu.memory_space<vmem>> -> memref<1x4x3200xf32, #tpu.memory_space<vmem>>
      %dma_start3A_173 = tpu.memref_squeeze %dma_start3A_172 : memref<1x4x3200xf32, #tpu.memory_space<vmem>> -> memref<4x3200xf32, #tpu.memory_space<vmem>>
      tpu.enqueue_dma source(%dma_start3A_173 : memref<4x3200xf32, #tpu.memory_space<vmem>>) target(%dma_start3A_169 : memref<4x3200xf32, #tpu.memory_space<hbm>>) target_semaphore(%dma_start3A_167 : memref<!tpu.dma_semaphore, #tpu.memory_space<semaphore_mem>>)
      %add3A_174 = arith.constant 4 : i32
      %add3A_175 = arith.addi %add3A_116, %add3A_174 : i32
      %sub3A = arith.constant 1 : i32
      %sub3A_176 = arith.subi %add3A_175, %sub3A : i32
      %lt3A = arith.constant 32 : i32
      %lt3A_177 = arith.cmpi slt, %sub3A_176, %lt3A : i32
      %convert_element_type3A_178 = arith.extui %lt3A_177 : i1 to i32
      %cond3A_179 = arith.constant 0 : i32
      %cond3A_180 = arith.cmpi ne, %convert_element_type3A_178, %cond3A_179 : i32
      scf.if %cond3A_180 {
        %mul3A_397 = arith.constant 200 : i32
        %mul3A_398 = arith.muli %sub3A_176, %mul3A_397 : i32
        %dma_start3A_399 = arith.constant 3 : i32
        %dma_start3A_400 = arith.constant 3 : i32
        %dma_start3A_401 = arith.constant 0 : i32
        %dma_start3A_402 = arith.constant 0 : i32
        %dma_start3A_403 = tpu.memref_slice %arg6[%dma_start3A_399, %dma_start3A_401, %dma_start3A_402] : memref<4x200x64xf32, #tpu.memory_space<vmem>> -> memref<1x200x64xf32, #tpu.memory_space<vmem>>
        %dma_start3A_404 = tpu.memref_squeeze %dma_start3A_403 : memref<1x200x64xf32, #tpu.memory_space<vmem>> -> memref<200x64xf32, #tpu.memory_space<vmem>>
        %dma_start3A_405 = tpu.memref_slice %arg5[%mul3A_398] : memref<6400xi32, #tpu.memory_space<vmem>> -> memref<200xi32, #tpu.memory_space<vmem>>
        %dma_start3A_406 = arith.constant 0 : i32
        %dma_start3A_407 = arith.constant 0 : i32
        %dma_start3A_408 = tpu.memref_slice %arg3[%dma_start3A_406, %dma_start3A_407] : memref<100000x64xf32, #tpu.memory_space<hbm>> -> memref<100000x64xf32, #tpu.memory_space<hbm>>
        %dma_start3A_409 = tpu.memref_slice %arg8[%dma_start3A_400] : memref<4x!tpu.dma_semaphore, #tpu.memory_space<semaphore_mem>> -> memref<1x!tpu.dma_semaphore, #tpu.memory_space<semaphore_mem>>
        %dma_start3A_410 = tpu.memref_squeeze %dma_start3A_409 : memref<1x!tpu.dma_semaphore, #tpu.memory_space<semaphore_mem>> -> memref<!tpu.dma_semaphore, #tpu.memory_space<semaphore_mem>>
        tpu.enqueue_indirect_dma source(%dma_start3A_408 : memref<100000x64xf32, #tpu.memory_space<hbm>>) target(%dma_start3A_404 : memref<200x64xf32, #tpu.memory_space<vmem>>) offsets(%dma_start3A_405 : memref<200xi32, #tpu.memory_space<vmem>>) semaphore(%dma_start3A_410 : memref<!tpu.dma_semaphore, #tpu.memory_space<semaphore_mem>>)
      } else {
      }
      %add3A_181 = arith.constant 1 : i32
      %add3A_182 = arith.addi %add3A_114, %add3A_181 : i32
      %dma_wait3A_183 = arith.constant 1 : i32
      %dma_wait3A_184 = arith.constant 1 : i32
      %dma_wait3A_185 = arith.constant 0 : i32
      %dma_wait3A_186 = arith.constant 0 : i32
      %dma_wait3A_187 = tpu.memref_slice %arg6[%dma_wait3A_183, %dma_wait3A_185, %dma_wait3A_186] : memref<4x200x64xf32, #tpu.memory_space<vmem>> -> memref<1x200x64xf32, #tpu.memory_space<vmem>>
      %dma_wait3A_188 = tpu.memref_squeeze %dma_wait3A_187 : memref<1x200x64xf32, #tpu.memory_space<vmem>> -> memref<200x64xf32, #tpu.memory_space<vmem>>
      %dma_wait3A_189 = arith.constant 0 : i32
      %dma_wait3A_190 = tpu.memref_slice %arg5[%dma_wait3A_189] : memref<6400xi32, #tpu.memory_space<vmem>> -> memref<200xi32, #tpu.memory_space<vmem>>
      %dma_wait3A_191 = arith.constant 0 : i32
      %dma_wait3A_192 = arith.constant 0 : i32
      %dma_wait3A_193 = tpu.memref_slice %arg3[%dma_wait3A_191, %dma_wait3A_192] : memref<100000x64xf32, #tpu.memory_space<hbm>> -> memref<100000x64xf32, #tpu.memory_space<hbm>>
      %dma_wait3A_194 = tpu.memref_slice %arg8[%dma_wait3A_184] : memref<4x!tpu.dma_semaphore, #tpu.memory_space<semaphore_mem>> -> memref<1x!tpu.dma_semaphore, #tpu.memory_space<semaphore_mem>>
      %dma_wait3A_195 = tpu.memref_squeeze %dma_wait3A_194 : memref<1x!tpu.dma_semaphore, #tpu.memory_space<semaphore_mem>> -> memref<!tpu.dma_semaphore, #tpu.memory_space<semaphore_mem>>
      tpu.wait_indirect_dma semaphore(%dma_wait3A_195 : memref<!tpu.dma_semaphore, #tpu.memory_space<semaphore_mem>>) src(%dma_wait3A_193 : memref<100000x64xf32, #tpu.memory_space<hbm>>) dst(%dma_wait3A_188 : memref<200x64xf32, #tpu.memory_space<vmem>>)
      %ge3A_196 = arith.constant 4 : i32
      %ge3A_197 = arith.cmpi sge, %add3A_182, %ge3A_196 : i32
      %convert_element_type3A_198 = arith.extui %ge3A_197 : i1 to i32
      %cond3A_199 = arith.constant 0 : i32
      %cond3A_200 = arith.cmpi ne, %convert_element_type3A_198, %cond3A_199 : i32
      scf.if %cond3A_200 {
        %dma_wait3A_397 = arith.constant 1 : i32
        %dma_wait3A_398 = arith.constant 1 : i32
        %dma_wait3A_399 = arith.constant 0 : i32
        %dma_wait3A_400 = arith.constant 0 : i32
        %dma_wait3A_401 = tpu.memref_slice %arg7[%dma_wait3A_397, %dma_wait3A_399, %dma_wait3A_400] : memref<4x4x3200xf32, #tpu.memory_space<vmem>> -> memref<1x4x3200xf32, #tpu.memory_space<vmem>>
        %dma_wait3A_402 = tpu.memref_squeeze %dma_wait3A_401 : memref<1x4x3200xf32, #tpu.memory_space<vmem>> -> memref<4x3200xf32, #tpu.memory_space<vmem>>
        %dma_wait3A_403 = arith.constant 0 : i32
        %dma_wait3A_404 = tpu.memref_slice %arg4[%mul3A_4, %dma_wait3A_403] : memref<4096x3200xf32, #tpu.memory_space<hbm>> -> memref<4x3200xf32, #tpu.memory_space<hbm>>
        %dma_wait3A_405 = tpu.memref_slice %arg9[%dma_wait3A_398] : memref<4x!tpu.dma_semaphore, #tpu.memory_space<semaphore_mem>> -> memref<1x!tpu.dma_semaphore, #tpu.memory_space<semaphore_mem>>
        %dma_wait3A_406 = tpu.memref_squeeze %dma_wait3A_405 : memref<1x!tpu.dma_semaphore, #tpu.memory_space<semaphore_mem>> -> memref<!tpu.dma_semaphore, #tpu.memory_space<semaphore_mem>>
        %dma_wait3A_407 = arith.constant 0 : i32
        %dma_wait3A_408 = tpu.memref_slice %arg4[%mul3A_4, %dma_wait3A_407] : memref<4096x3200xf32, #tpu.memory_space<hbm>> -> memref<4x3200xf32, #tpu.memory_space<hbm>>
        %dma_wait3A_409 = arith.constant 0 : i32
        %dma_wait3A_410 = arith.constant 0 : i32
        %dma_wait3A_411 = tpu.memref_slice %arg7[%dma_wait3A_397, %dma_wait3A_409, %dma_wait3A_410] : memref<4x4x3200xf32, #tpu.memory_space<vmem>> -> memref<1x4x3200xf32, #tpu.memory_space<vmem>>
        %dma_wait3A_412 = tpu.memref_squeeze %dma_wait3A_411 : memref<1x4x3200xf32, #tpu.memory_space<vmem>> -> memref<4x3200xf32, #tpu.memory_space<vmem>>
        tpu.wait_dma2 semaphore(%dma_wait3A_406 : memref<!tpu.dma_semaphore, #tpu.memory_space<semaphore_mem>>) src(%dma_wait3A_412 : memref<4x3200xf32, #tpu.memory_space<vmem>>) dst(%dma_wait3A_408 : memref<4x3200xf32, #tpu.memory_space<hbm>>)
      } else {
      }
      %parallel_loop3A_201 = arith.constant 0 : i32
      %parallel_loop3A_202 = arith.constant 50 : i32
      %parallel_loop3A_203 = arith.constant 1 : i32
      %parallel_loop3A_204 = arith.constant 1 : i32
      %parallel_loop3A_205 = arith.constant 1 : i32
      %parallel_loop3A_206 = arith.constant 0 : i32
      scf.for %parallel_loop3A_397 = %parallel_loop3A_201 to %parallel_loop3A_202 step %parallel_loop3A_203  : i32 {
        %parallel_loop3A_398 = arith.constant 0 : i32
        %parallel_loop3A_399 = arith.addi %parallel_loop3A_398, %parallel_loop3A_397 : i32
        %parallel_loop3A_400 = arith.constant 0 : i32
        %parallel_loop3A_401 = arith.constant 0 : i32
        %parallel_loop3A_402 = tpu.memref_slice %arg6[%parallel_loop3A_204, %parallel_loop3A_400, %parallel_loop3A_401] : memref<4x200x64xf32, #tpu.memory_space<vmem>> -> memref<1x200x64xf32, #tpu.memory_space<vmem>>
        %parallel_loop3A_403 = tpu.memref_squeeze %parallel_loop3A_402 : memref<1x200x64xf32, #tpu.memory_space<vmem>> -> memref<200x64xf32, #tpu.memory_space<vmem>>
        %parallel_loop3A_404 = arith.index_cast %parallel_loop3A_399 : i32 to index
        %parallel_loop3A_405 = arith.constant 0 : index
        %parallel_loop3A_406 = tpu.vector_load %parallel_loop3A_403[%parallel_loop3A_404, %parallel_loop3A_405] {strides = array<i32>} : memref<200x64xf32, #tpu.memory_space<vmem>>, vector<1x16xf32>,
        %parallel_loop3A_407 = vector.shape_cast %parallel_loop3A_406 : vector<1x16xf32> to vector<16xf32>
        %parallel_loop3A_408 = arith.constant 8.000000e+00 : f32
        %parallel_loop3A_409 = vector.broadcast %parallel_loop3A_408 : f32 to vector<16xf32>
        %parallel_loop3A_410 = arith.mulf %parallel_loop3A_407, %parallel_loop3A_409 : vector<16xf32>
        %parallel_loop3A_411 = arith.constant 64 : i32
        %parallel_loop3A_412 = arith.muli %parallel_loop3A_397, %parallel_loop3A_411 : i32
        %parallel_loop3A_413 = arith.constant 0 : i32
        %parallel_loop3A_414 = arith.addi %parallel_loop3A_412, %parallel_loop3A_413 : i32
        %parallel_loop3A_415 = arith.constant 0 : i32
        %parallel_loop3A_416 = arith.constant 0 : i32
        %parallel_loop3A_417 = tpu.memref_slice %arg7[%parallel_loop3A_205, %parallel_loop3A_415, %parallel_loop3A_416] : memref<4x4x3200xf32, #tpu.memory_space<vmem>> -> memref<1x4x3200xf32, #tpu.memory_space<vmem>>
        %parallel_loop3A_418 = tpu.memref_squeeze %parallel_loop3A_417 : memref<1x4x3200xf32, #tpu.memory_space<vmem>> -> memref<4x3200xf32, #tpu.memory_space<vmem>>
        %parallel_loop3A_419 = arith.constant 0 : i32
        %parallel_loop3A_420 = tpu.memref_slice %parallel_loop3A_418[%parallel_loop3A_206, %parallel_loop3A_419] : memref<4x3200xf32, #tpu.memory_space<vmem>> -> memref<1x3200xf32, #tpu.memory_space<vmem>>
        %parallel_loop3A_421 = tpu.memref_squeeze %parallel_loop3A_420 : memref<1x3200xf32, #tpu.memory_space<vmem>> -> memref<3200xf32, #tpu.memory_space<vmem>>
        %parallel_loop3A_422 = arith.index_cast %parallel_loop3A_414 : i32 to index
        %parallel_loop3A_423 = tpu.vector_load %parallel_loop3A_421[%parallel_loop3A_422] {strides = array<i32>} : memref<3200xf32, #tpu.memory_space<vmem>>, vector<16xf32>,
        %parallel_loop3A_424 = vector.shape_cast %parallel_loop3A_423 : vector<16xf32> to vector<16xf32>
        %parallel_loop3A_425 = vector.shape_cast %parallel_loop3A_410 : vector<16xf32> to vector<16xf32>
        tpu.vector_store %parallel_loop3A_421[%parallel_loop3A_422], %parallel_loop3A_425 {strides = array<i32>} : memref<3200xf32, #tpu.memory_space<vmem>>, vector<16xf32>,
        %parallel_loop3A_426 = arith.constant 0 : i32
        %parallel_loop3A_427 = arith.addi %parallel_loop3A_426, %parallel_loop3A_397 : i32
        %parallel_loop3A_428 = arith.constant 0 : i32
        %parallel_loop3A_429 = arith.constant 0 : i32
        %parallel_loop3A_430 = tpu.memref_slice %arg6[%parallel_loop3A_204, %parallel_loop3A_428, %parallel_loop3A_429] : memref<4x200x64xf32, #tpu.memory_space<vmem>> -> memref<1x200x64xf32, #tpu.memory_space<vmem>>
        %parallel_loop3A_431 = tpu.memref_squeeze %parallel_loop3A_430 : memref<1x200x64xf32, #tpu.memory_space<vmem>> -> memref<200x64xf32, #tpu.memory_space<vmem>>
        %parallel_loop3A_432 = arith.index_cast %parallel_loop3A_427 : i32 to index
        %parallel_loop3A_433 = arith.constant 16 : index
        %parallel_loop3A_434 = tpu.vector_load %parallel_loop3A_431[%parallel_loop3A_432, %parallel_loop3A_433] {strides = array<i32>} : memref<200x64xf32, #tpu.memory_space<vmem>>, vector<1x16xf32>,
        %parallel_loop3A_435 = vector.shape_cast %parallel_loop3A_434 : vector<1x16xf32> to vector<16xf32>
        %parallel_loop3A_436 = arith.constant 8.000000e+00 : f32
        %parallel_loop3A_437 = vector.broadcast %parallel_loop3A_436 : f32 to vector<16xf32>
        %parallel_loop3A_438 = arith.mulf %parallel_loop3A_435, %parallel_loop3A_437 : vector<16xf32>
        %parallel_loop3A_439 = arith.constant 64 : i32
        %parallel_loop3A_440 = arith.muli %parallel_loop3A_397, %parallel_loop3A_439 : i32
        %parallel_loop3A_441 = arith.constant 16 : i32
        %parallel_loop3A_442 = arith.addi %parallel_loop3A_440, %parallel_loop3A_441 : i32
        %parallel_loop3A_443 = arith.constant 0 : i32
        %parallel_loop3A_444 = arith.constant 0 : i32
        %parallel_loop3A_445 = tpu.memref_slice %arg7[%parallel_loop3A_205, %parallel_loop3A_443, %parallel_loop3A_444] : memref<4x4x3200xf32, #tpu.memory_space<vmem>> -> memref<1x4x3200xf32, #tpu.memory_space<vmem>>
        %parallel_loop3A_446 = tpu.memref_squeeze %parallel_loop3A_445 : memref<1x4x3200xf32, #tpu.memory_space<vmem>> -> memref<4x3200xf32, #tpu.memory_space<vmem>>
        %parallel_loop3A_447 = arith.constant 0 : i32
        %parallel_loop3A_448 = tpu.memref_slice %parallel_loop3A_446[%parallel_loop3A_206, %parallel_loop3A_447] : memref<4x3200xf32, #tpu.memory_space<vmem>> -> memref<1x3200xf32, #tpu.memory_space<vmem>>
        %parallel_loop3A_449 = tpu.memref_squeeze %parallel_loop3A_448 : memref<1x3200xf32, #tpu.memory_space<vmem>> -> memref<3200xf32, #tpu.memory_space<vmem>>
        %parallel_loop3A_450 = arith.index_cast %parallel_loop3A_442 : i32 to index
        %parallel_loop3A_451 = tpu.vector_load %parallel_loop3A_449[%parallel_loop3A_450] {strides = array<i32>} : memref<3200xf32, #tpu.memory_space<vmem>>, vector<16xf32>,
        %parallel_loop3A_452 = vector.shape_cast %parallel_loop3A_451 : vector<16xf32> to vector<16xf32>
        %parallel_loop3A_453 = vector.shape_cast %parallel_loop3A_438 : vector<16xf32> to vector<16xf32>
        tpu.vector_store %parallel_loop3A_449[%parallel_loop3A_450], %parallel_loop3A_453 {strides = array<i32>} : memref<3200xf32, #tpu.memory_space<vmem>>, vector<16xf32>,
        %parallel_loop3A_454 = arith.constant 0 : i32
        %parallel_loop3A_455 = arith.addi %parallel_loop3A_454, %parallel_loop3A_397 : i32
        %parallel_loop3A_456 = arith.constant 0 : i32
        %parallel_loop3A_457 = arith.constant 0 : i32
        %parallel_loop3A_458 = tpu.memref_slice %arg6[%parallel_loop3A_204, %parallel_loop3A_456, %parallel_loop3A_457] : memref<4x200x64xf32, #tpu.memory_space<vmem>> -> memref<1x200x64xf32, #tpu.memory_space<vmem>>
        %parallel_loop3A_459 = tpu.memref_squeeze %parallel_loop3A_458 : memref<1x200x64xf32, #tpu.memory_space<vmem>> -> memref<200x64xf32, #tpu.memory_space<vmem>>
        %parallel_loop3A_460 = arith.index_cast %parallel_loop3A_455 : i32 to index
        %parallel_loop3A_461 = arith.constant 32 : index
        %parallel_loop3A_462 = tpu.vector_load %parallel_loop3A_459[%parallel_loop3A_460, %parallel_loop3A_461] {strides = array<i32>} : memref<200x64xf32, #tpu.memory_space<vmem>>, vector<1x16xf32>,
        %parallel_loop3A_463 = vector.shape_cast %parallel_loop3A_462 : vector<1x16xf32> to vector<16xf32>
        %parallel_loop3A_464 = arith.constant 8.000000e+00 : f32
        %parallel_loop3A_465 = vector.broadcast %parallel_loop3A_464 : f32 to vector<16xf32>
        %parallel_loop3A_466 = arith.mulf %parallel_loop3A_463, %parallel_loop3A_465 : vector<16xf32>
        %parallel_loop3A_467 = arith.constant 64 : i32
        %parallel_loop3A_468 = arith.muli %parallel_loop3A_397, %parallel_loop3A_467 : i32
        %parallel_loop3A_469 = arith.constant 32 : i32
        %parallel_loop3A_470 = arith.addi %parallel_loop3A_468, %parallel_loop3A_469 : i32
        %parallel_loop3A_471 = arith.constant 0 : i32
        %parallel_loop3A_472 = arith.constant 0 : i32
        %parallel_loop3A_473 = tpu.memref_slice %arg7[%parallel_loop3A_205, %parallel_loop3A_471, %parallel_loop3A_472] : memref<4x4x3200xf32, #tpu.memory_space<vmem>> -> memref<1x4x3200xf32, #tpu.memory_space<vmem>>
        %parallel_loop3A_474 = tpu.memref_squeeze %parallel_loop3A_473 : memref<1x4x3200xf32, #tpu.memory_space<vmem>> -> memref<4x3200xf32, #tpu.memory_space<vmem>>
        %parallel_loop3A_475 = arith.constant 0 : i32
        %parallel_loop3A_476 = tpu.memref_slice %parallel_loop3A_474[%parallel_loop3A_206, %parallel_loop3A_475] : memref<4x3200xf32, #tpu.memory_space<vmem>> -> memref<1x3200xf32, #tpu.memory_space<vmem>>
        %parallel_loop3A_477 = tpu.memref_squeeze %parallel_loop3A_476 : memref<1x3200xf32, #tpu.memory_space<vmem>> -> memref<3200xf32, #tpu.memory_space<vmem>>
        %parallel_loop3A_478 = arith.index_cast %parallel_loop3A_470 : i32 to index
        %parallel_loop3A_479 = tpu.vector_load %parallel_loop3A_477[%parallel_loop3A_478] {strides = array<i32>} : memref<3200xf32, #tpu.memory_space<vmem>>, vector<16xf32>,
        %parallel_loop3A_480 = vector.shape_cast %parallel_loop3A_479 : vector<16xf32> to vector<16xf32>
        %parallel_loop3A_481 = vector.shape_cast %parallel_loop3A_466 : vector<16xf32> to vector<16xf32>
        tpu.vector_store %parallel_loop3A_477[%parallel_loop3A_478], %parallel_loop3A_481 {strides = array<i32>} : memref<3200xf32, #tpu.memory_space<vmem>>, vector<16xf32>,
        %parallel_loop3A_482 = arith.constant 0 : i32
        %parallel_loop3A_483 = arith.addi %parallel_loop3A_482, %parallel_loop3A_397 : i32
        %parallel_loop3A_484 = arith.constant 0 : i32
        %parallel_loop3A_485 = arith.constant 0 : i32
        %parallel_loop3A_486 = tpu.memref_slice %arg6[%parallel_loop3A_204, %parallel_loop3A_484, %parallel_loop3A_485] : memref<4x200x64xf32, #tpu.memory_space<vmem>> -> memref<1x200x64xf32, #tpu.memory_space<vmem>>
        %parallel_loop3A_487 = tpu.memref_squeeze %parallel_loop3A_486 : memref<1x200x64xf32, #tpu.memory_space<vmem>> -> memref<200x64xf32, #tpu.memory_space<vmem>>
        %parallel_loop3A_488 = arith.index_cast %parallel_loop3A_483 : i32 to index
        %parallel_loop3A_489 = arith.constant 48 : index
        %parallel_loop3A_490 = tpu.vector_load %parallel_loop3A_487[%parallel_loop3A_488, %parallel_loop3A_489] {strides = array<i32>} : memref<200x64xf32, #tpu.memory_space<vmem>>, vector<1x16xf32>,
        %parallel_loop3A_491 = vector.shape_cast %parallel_loop3A_490 : vector<1x16xf32> to vector<16xf32>
        %parallel_loop3A_492 = arith.constant 8.000000e+00 : f32
        %parallel_loop3A_493 = vector.broadcast %parallel_loop3A_492 : f32 to vector<16xf32>
        %parallel_loop3A_494 = arith.mulf %parallel_loop3A_491, %parallel_loop3A_493 : vector<16xf32>
        %parallel_loop3A_495 = arith.constant 64 : i32
        %parallel_loop3A_496 = arith.muli %parallel_loop3A_397, %parallel_loop3A_495 : i32
        %parallel_loop3A_497 = arith.constant 48 : i32
        %parallel_loop3A_498 = arith.addi %parallel_loop3A_496, %parallel_loop3A_497 : i32
        %parallel_loop3A_499 = arith.constant 0 : i32
        %parallel_loop3A_500 = arith.constant 0 : i32
        %parallel_loop3A_501 = tpu.memref_slice %arg7[%parallel_loop3A_205, %parallel_loop3A_499, %parallel_loop3A_500] : memref<4x4x3200xf32, #tpu.memory_space<vmem>> -> memref<1x4x3200xf32, #tpu.memory_space<vmem>>
        %parallel_loop3A_502 = tpu.memref_squeeze %parallel_loop3A_501 : memref<1x4x3200xf32, #tpu.memory_space<vmem>> -> memref<4x3200xf32, #tpu.memory_space<vmem>>
        %parallel_loop3A_503 = arith.constant 0 : i32
        %parallel_loop3A_504 = tpu.memref_slice %parallel_loop3A_502[%parallel_loop3A_206, %parallel_loop3A_503] : memref<4x3200xf32, #tpu.memory_space<vmem>> -> memref<1x3200xf32, #tpu.memory_space<vmem>>
        %parallel_loop3A_505 = tpu.memref_squeeze %parallel_loop3A_504 : memref<1x3200xf32, #tpu.memory_space<vmem>> -> memref<3200xf32, #tpu.memory_space<vmem>>
        %parallel_loop3A_506 = arith.index_cast %parallel_loop3A_498 : i32 to index
        %parallel_loop3A_507 = tpu.vector_load %parallel_loop3A_505[%parallel_loop3A_506] {strides = array<i32>} : memref<3200xf32, #tpu.memory_space<vmem>>, vector<16xf32>,
        %parallel_loop3A_508 = vector.shape_cast %parallel_loop3A_507 : vector<16xf32> to vector<16xf32>
        %parallel_loop3A_509 = vector.shape_cast %parallel_loop3A_494 : vector<16xf32> to vector<16xf32>
        tpu.vector_store %parallel_loop3A_505[%parallel_loop3A_506], %parallel_loop3A_509 {strides = array<i32>} : memref<3200xf32, #tpu.memory_space<vmem>>, vector<16xf32>,
      } {sc.loop_unroll_factor = 5 : i64, sc.parallel_access}
      %parallel_loop3A_207 = arith.constant 0 : i32
      %parallel_loop3A_208 = arith.constant 50 : i32
      %parallel_loop3A_209 = arith.constant 1 : i32
      %parallel_loop3A_210 = arith.constant 1 : i32
      %parallel_loop3A_211 = arith.constant 1 : i32
      %parallel_loop3A_212 = arith.constant 1 : i32
      scf.for %parallel_loop3A_397 = %parallel_loop3A_207 to %parallel_loop3A_208 step %parallel_loop3A_209  : i32 {
        %parallel_loop3A_398 = arith.constant 50 : i32
        %parallel_loop3A_399 = arith.addi %parallel_loop3A_398, %parallel_loop3A_397 : i32
        %parallel_loop3A_400 = arith.constant 0 : i32
        %parallel_loop3A_401 = arith.constant 0 : i32
        %parallel_loop3A_402 = tpu.memref_slice %arg6[%parallel_loop3A_210, %parallel_loop3A_400, %parallel_loop3A_401] : memref<4x200x64xf32, #tpu.memory_space<vmem>> -> memref<1x200x64xf32, #tpu.memory_space<vmem>>
        %parallel_loop3A_403 = tpu.memref_squeeze %parallel_loop3A_402 : memref<1x200x64xf32, #tpu.memory_space<vmem>> -> memref<200x64xf32, #tpu.memory_space<vmem>>
        %parallel_loop3A_404 = arith.index_cast %parallel_loop3A_399 : i32 to index
        %parallel_loop3A_405 = arith.constant 0 : index
        %parallel_loop3A_406 = tpu.vector_load %parallel_loop3A_403[%parallel_loop3A_404, %parallel_loop3A_405] {strides = array<i32>} : memref<200x64xf32, #tpu.memory_space<vmem>>, vector<1x16xf32>,
        %parallel_loop3A_407 = vector.shape_cast %parallel_loop3A_406 : vector<1x16xf32> to vector<16xf32>
        %parallel_loop3A_408 = arith.constant 8.000000e+00 : f32
        %parallel_loop3A_409 = vector.broadcast %parallel_loop3A_408 : f32 to vector<16xf32>
        %parallel_loop3A_410 = arith.mulf %parallel_loop3A_407, %parallel_loop3A_409 : vector<16xf32>
        %parallel_loop3A_411 = arith.constant 64 : i32
        %parallel_loop3A_412 = arith.muli %parallel_loop3A_397, %parallel_loop3A_411 : i32
        %parallel_loop3A_413 = arith.constant 0 : i32
        %parallel_loop3A_414 = arith.addi %parallel_loop3A_412, %parallel_loop3A_413 : i32
        %parallel_loop3A_415 = arith.constant 0 : i32
        %parallel_loop3A_416 = arith.constant 0 : i32
        %parallel_loop3A_417 = tpu.memref_slice %arg7[%parallel_loop3A_211, %parallel_loop3A_415, %parallel_loop3A_416] : memref<4x4x3200xf32, #tpu.memory_space<vmem>> -> memref<1x4x3200xf32, #tpu.memory_space<vmem>>
        %parallel_loop3A_418 = tpu.memref_squeeze %parallel_loop3A_417 : memref<1x4x3200xf32, #tpu.memory_space<vmem>> -> memref<4x3200xf32, #tpu.memory_space<vmem>>
        %parallel_loop3A_419 = arith.constant 0 : i32
        %parallel_loop3A_420 = tpu.memref_slice %parallel_loop3A_418[%parallel_loop3A_212, %parallel_loop3A_419] : memref<4x3200xf32, #tpu.memory_space<vmem>> -> memref<1x3200xf32, #tpu.memory_space<vmem>>
        %parallel_loop3A_421 = tpu.memref_squeeze %parallel_loop3A_420 : memref<1x3200xf32, #tpu.memory_space<vmem>> -> memref<3200xf32, #tpu.memory_space<vmem>>
        %parallel_loop3A_422 = arith.index_cast %parallel_loop3A_414 : i32 to index
        %parallel_loop3A_423 = tpu.vector_load %parallel_loop3A_421[%parallel_loop3A_422] {strides = array<i32>} : memref<3200xf32, #tpu.memory_space<vmem>>, vector<16xf32>,
        %parallel_loop3A_424 = vector.shape_cast %parallel_loop3A_423 : vector<16xf32> to vector<16xf32>
        %parallel_loop3A_425 = vector.shape_cast %parallel_loop3A_410 : vector<16xf32> to vector<16xf32>
        tpu.vector_store %parallel_loop3A_421[%parallel_loop3A_422], %parallel_loop3A_425 {strides = array<i32>} : memref<3200xf32, #tpu.memory_space<vmem>>, vector<16xf32>,
        %parallel_loop3A_426 = arith.constant 50 : i32
        %parallel_loop3A_427 = arith.addi %parallel_loop3A_426, %parallel_loop3A_397 : i32
        %parallel_loop3A_428 = arith.constant 0 : i32
        %parallel_loop3A_429 = arith.constant 0 : i32
        %parallel_loop3A_430 = tpu.memref_slice %arg6[%parallel_loop3A_210, %parallel_loop3A_428, %parallel_loop3A_429] : memref<4x200x64xf32, #tpu.memory_space<vmem>> -> memref<1x200x64xf32, #tpu.memory_space<vmem>>
        %parallel_loop3A_431 = tpu.memref_squeeze %parallel_loop3A_430 : memref<1x200x64xf32, #tpu.memory_space<vmem>> -> memref<200x64xf32, #tpu.memory_space<vmem>>
        %parallel_loop3A_432 = arith.index_cast %parallel_loop3A_427 : i32 to index
        %parallel_loop3A_433 = arith.constant 16 : index
        %parallel_loop3A_434 = tpu.vector_load %parallel_loop3A_431[%parallel_loop3A_432, %parallel_loop3A_433] {strides = array<i32>} : memref<200x64xf32, #tpu.memory_space<vmem>>, vector<1x16xf32>,
        %parallel_loop3A_435 = vector.shape_cast %parallel_loop3A_434 : vector<1x16xf32> to vector<16xf32>
        %parallel_loop3A_436 = arith.constant 8.000000e+00 : f32
        %parallel_loop3A_437 = vector.broadcast %parallel_loop3A_436 : f32 to vector<16xf32>
        %parallel_loop3A_438 = arith.mulf %parallel_loop3A_435, %parallel_loop3A_437 : vector<16xf32>
        %parallel_loop3A_439 = arith.constant 64 : i32
        %parallel_loop3A_440 = arith.muli %parallel_loop3A_397, %parallel_loop3A_439 : i32
        %parallel_loop3A_441 = arith.constant 16 : i32
        %parallel_loop3A_442 = arith.addi %parallel_loop3A_440, %parallel_loop3A_441 : i32
        %parallel_loop3A_443 = arith.constant 0 : i32
        %parallel_loop3A_444 = arith.constant 0 : i32
        %parallel_loop3A_445 = tpu.memref_slice %arg7[%parallel_loop3A_211, %parallel_loop3A_443, %parallel_loop3A_444] : memref<4x4x3200xf32, #tpu.memory_space<vmem>> -> memref<1x4x3200xf32, #tpu.memory_space<vmem>>
        %parallel_loop3A_446 = tpu.memref_squeeze %parallel_loop3A_445 : memref<1x4x3200xf32, #tpu.memory_space<vmem>> -> memref<4x3200xf32, #tpu.memory_space<vmem>>
        %parallel_loop3A_447 = arith.constant 0 : i32
        %parallel_loop3A_448 = tpu.memref_slice %parallel_loop3A_446[%parallel_loop3A_212, %parallel_loop3A_447] : memref<4x3200xf32, #tpu.memory_space<vmem>> -> memref<1x3200xf32, #tpu.memory_space<vmem>>
        %parallel_loop3A_449 = tpu.memref_squeeze %parallel_loop3A_448 : memref<1x3200xf32, #tpu.memory_space<vmem>> -> memref<3200xf32, #tpu.memory_space<vmem>>
        %parallel_loop3A_450 = arith.index_cast %parallel_loop3A_442 : i32 to index
        %parallel_loop3A_451 = tpu.vector_load %parallel_loop3A_449[%parallel_loop3A_450] {strides = array<i32>} : memref<3200xf32, #tpu.memory_space<vmem>>, vector<16xf32>,
        %parallel_loop3A_452 = vector.shape_cast %parallel_loop3A_451 : vector<16xf32> to vector<16xf32>
        %parallel_loop3A_453 = vector.shape_cast %parallel_loop3A_438 : vector<16xf32> to vector<16xf32>
        tpu.vector_store %parallel_loop3A_449[%parallel_loop3A_450], %parallel_loop3A_453 {strides = array<i32>} : memref<3200xf32, #tpu.memory_space<vmem>>, vector<16xf32>,
        %parallel_loop3A_454 = arith.constant 50 : i32
        %parallel_loop3A_455 = arith.addi %parallel_loop3A_454, %parallel_loop3A_397 : i32
        %parallel_loop3A_456 = arith.constant 0 : i32
        %parallel_loop3A_457 = arith.constant 0 : i32
        %parallel_loop3A_458 = tpu.memref_slice %arg6[%parallel_loop3A_210, %parallel_loop3A_456, %parallel_loop3A_457] : memref<4x200x64xf32, #tpu.memory_space<vmem>> -> memref<1x200x64xf32, #tpu.memory_space<vmem>>
        %parallel_loop3A_459 = tpu.memref_squeeze %parallel_loop3A_458 : memref<1x200x64xf32, #tpu.memory_space<vmem>> -> memref<200x64xf32, #tpu.memory_space<vmem>>
        %parallel_loop3A_460 = arith.index_cast %parallel_loop3A_455 : i32 to index
        %parallel_loop3A_461 = arith.constant 32 : index
        %parallel_loop3A_462 = tpu.vector_load %parallel_loop3A_459[%parallel_loop3A_460, %parallel_loop3A_461] {strides = array<i32>} : memref<200x64xf32, #tpu.memory_space<vmem>>, vector<1x16xf32>,
        %parallel_loop3A_463 = vector.shape_cast %parallel_loop3A_462 : vector<1x16xf32> to vector<16xf32>
        %parallel_loop3A_464 = arith.constant 8.000000e+00 : f32
        %parallel_loop3A_465 = vector.broadcast %parallel_loop3A_464 : f32 to vector<16xf32>
        %parallel_loop3A_466 = arith.mulf %parallel_loop3A_463, %parallel_loop3A_465 : vector<16xf32>
        %parallel_loop3A_467 = arith.constant 64 : i32
        %parallel_loop3A_468 = arith.muli %parallel_loop3A_397, %parallel_loop3A_467 : i32
        %parallel_loop3A_469 = arith.constant 32 : i32
        %parallel_loop3A_470 = arith.addi %parallel_loop3A_468, %parallel_loop3A_469 : i32
        %parallel_loop3A_471 = arith.constant 0 : i32
        %parallel_loop3A_472 = arith.constant 0 : i32
        %parallel_loop3A_473 = tpu.memref_slice %arg7[%parallel_loop3A_211, %parallel_loop3A_471, %parallel_loop3A_472] : memref<4x4x3200xf32, #tpu.memory_space<vmem>> -> memref<1x4x3200xf32, #tpu.memory_space<vmem>>
        %parallel_loop3A_474 = tpu.memref_squeeze %parallel_loop3A_473 : memref<1x4x3200xf32, #tpu.memory_space<vmem>> -> memref<4x3200xf32, #tpu.memory_space<vmem>>
        %parallel_loop3A_475 = arith.constant 0 : i32
        %parallel_loop3A_476 = tpu.memref_slice %parallel_loop3A_474[%parallel_loop3A_212, %parallel_loop3A_475] : memref<4x3200xf32, #tpu.memory_space<vmem>> -> memref<1x3200xf32, #tpu.memory_space<vmem>>
        %parallel_loop3A_477 = tpu.memref_squeeze %parallel_loop3A_476 : memref<1x3200xf32, #tpu.memory_space<vmem>> -> memref<3200xf32, #tpu.memory_space<vmem>>
        %parallel_loop3A_478 = arith.index_cast %parallel_loop3A_470 : i32 to index
        %parallel_loop3A_479 = tpu.vector_load %parallel_loop3A_477[%parallel_loop3A_478] {strides = array<i32>} : memref<3200xf32, #tpu.memory_space<vmem>>, vector<16xf32>,
        %parallel_loop3A_480 = vector.shape_cast %parallel_loop3A_479 : vector<16xf32> to vector<16xf32>
        %parallel_loop3A_481 = vector.shape_cast %parallel_loop3A_466 : vector<16xf32> to vector<16xf32>
        tpu.vector_store %parallel_loop3A_477[%parallel_loop3A_478], %parallel_loop3A_481 {strides = array<i32>} : memref<3200xf32, #tpu.memory_space<vmem>>, vector<16xf32>,
        %parallel_loop3A_482 = arith.constant 50 : i32
        %parallel_loop3A_483 = arith.addi %parallel_loop3A_482, %parallel_loop3A_397 : i32
        %parallel_loop3A_484 = arith.constant 0 : i32
        %parallel_loop3A_485 = arith.constant 0 : i32
        %parallel_loop3A_486 = tpu.memref_slice %arg6[%parallel_loop3A_210, %parallel_loop3A_484, %parallel_loop3A_485] : memref<4x200x64xf32, #tpu.memory_space<vmem>> -> memref<1x200x64xf32, #tpu.memory_space<vmem>>
        %parallel_loop3A_487 = tpu.memref_squeeze %parallel_loop3A_486 : memref<1x200x64xf32, #tpu.memory_space<vmem>> -> memref<200x64xf32, #tpu.memory_space<vmem>>
        %parallel_loop3A_488 = arith.index_cast %parallel_loop3A_483 : i32 to index
        %parallel_loop3A_489 = arith.constant 48 : index
        %parallel_loop3A_490 = tpu.vector_load %parallel_loop3A_487[%parallel_loop3A_488, %parallel_loop3A_489] {strides = array<i32>} : memref<200x64xf32, #tpu.memory_space<vmem>>, vector<1x16xf32>,
        %parallel_loop3A_491 = vector.shape_cast %parallel_loop3A_490 : vector<1x16xf32> to vector<16xf32>
        %parallel_loop3A_492 = arith.constant 8.000000e+00 : f32
        %parallel_loop3A_493 = vector.broadcast %parallel_loop3A_492 : f32 to vector<16xf32>
        %parallel_loop3A_494 = arith.mulf %parallel_loop3A_491, %parallel_loop3A_493 : vector<16xf32>
        %parallel_loop3A_495 = arith.constant 64 : i32
        %parallel_loop3A_496 = arith.muli %parallel_loop3A_397, %parallel_loop3A_495 : i32
        %parallel_loop3A_497 = arith.constant 48 : i32
        %parallel_loop3A_498 = arith.addi %parallel_loop3A_496, %parallel_loop3A_497 : i32
        %parallel_loop3A_499 = arith.constant 0 : i32
        %parallel_loop3A_500 = arith.constant 0 : i32
        %parallel_loop3A_501 = tpu.memref_slice %arg7[%parallel_loop3A_211, %parallel_loop3A_499, %parallel_loop3A_500] : memref<4x4x3200xf32, #tpu.memory_space<vmem>> -> memref<1x4x3200xf32, #tpu.memory_space<vmem>>
        %parallel_loop3A_502 = tpu.memref_squeeze %parallel_loop3A_501 : memref<1x4x3200xf32, #tpu.memory_space<vmem>> -> memref<4x3200xf32, #tpu.memory_space<vmem>>
        %parallel_loop3A_503 = arith.constant 0 : i32
        %parallel_loop3A_504 = tpu.memref_slice %parallel_loop3A_502[%parallel_loop3A_212, %parallel_loop3A_503] : memref<4x3200xf32, #tpu.memory_space<vmem>> -> memref<1x3200xf32, #tpu.memory_space<vmem>>
        %parallel_loop3A_505 = tpu.memref_squeeze %parallel_loop3A_504 : memref<1x3200xf32, #tpu.memory_space<vmem>> -> memref<3200xf32, #tpu.memory_space<vmem>>
        %parallel_loop3A_506 = arith.index_cast %parallel_loop3A_498 : i32 to index
        %parallel_loop3A_507 = tpu.vector_load %parallel_loop3A_505[%parallel_loop3A_506] {strides = array<i32>} : memref<3200xf32, #tpu.memory_space<vmem>>, vector<16xf32>,
        %parallel_loop3A_508 = vector.shape_cast %parallel_loop3A_507 : vector<16xf32> to vector<16xf32>
        %parallel_loop3A_509 = vector.shape_cast %parallel_loop3A_494 : vector<16xf32> to vector<16xf32>
        tpu.vector_store %parallel_loop3A_505[%parallel_loop3A_506], %parallel_loop3A_509 {strides = array<i32>} : memref<3200xf32, #tpu.memory_space<vmem>>, vector<16xf32>,
      } {sc.loop_unroll_factor = 5 : i64, sc.parallel_access}
      %parallel_loop3A_213 = arith.constant 0 : i32
      %parallel_loop3A_214 = arith.constant 50 : i32
      %parallel_loop3A_215 = arith.constant 1 : i32
      %parallel_loop3A_216 = arith.constant 1 : i32
      %parallel_loop3A_217 = arith.constant 1 : i32
      %parallel_loop3A_218 = arith.constant 2 : i32
      scf.for %parallel_loop3A_397 = %parallel_loop3A_213 to %parallel_loop3A_214 step %parallel_loop3A_215  : i32 {
        %parallel_loop3A_398 = arith.constant 100 : i32
        %parallel_loop3A_399 = arith.addi %parallel_loop3A_398, %parallel_loop3A_397 : i32
        %parallel_loop3A_400 = arith.constant 0 : i32
        %parallel_loop3A_401 = arith.constant 0 : i32
        %parallel_loop3A_402 = tpu.memref_slice %arg6[%parallel_loop3A_216, %parallel_loop3A_400, %parallel_loop3A_401] : memref<4x200x64xf32, #tpu.memory_space<vmem>> -> memref<1x200x64xf32, #tpu.memory_space<vmem>>
        %parallel_loop3A_403 = tpu.memref_squeeze %parallel_loop3A_402 : memref<1x200x64xf32, #tpu.memory_space<vmem>> -> memref<200x64xf32, #tpu.memory_space<vmem>>
        %parallel_loop3A_404 = arith.index_cast %parallel_loop3A_399 : i32 to index
        %parallel_loop3A_405 = arith.constant 0 : index
        %parallel_loop3A_406 = tpu.vector_load %parallel_loop3A_403[%parallel_loop3A_404, %parallel_loop3A_405] {strides = array<i32>} : memref<200x64xf32, #tpu.memory_space<vmem>>, vector<1x16xf32>,
        %parallel_loop3A_407 = vector.shape_cast %parallel_loop3A_406 : vector<1x16xf32> to vector<16xf32>
        %parallel_loop3A_408 = arith.constant 8.000000e+00 : f32
        %parallel_loop3A_409 = vector.broadcast %parallel_loop3A_408 : f32 to vector<16xf32>
        %parallel_loop3A_410 = arith.mulf %parallel_loop3A_407, %parallel_loop3A_409 : vector<16xf32>
        %parallel_loop3A_411 = arith.constant 64 : i32
        %parallel_loop3A_412 = arith.muli %parallel_loop3A_397, %parallel_loop3A_411 : i32
        %parallel_loop3A_413 = arith.constant 0 : i32
        %parallel_loop3A_414 = arith.addi %parallel_loop3A_412, %parallel_loop3A_413 : i32
        %parallel_loop3A_415 = arith.constant 0 : i32
        %parallel_loop3A_416 = arith.constant 0 : i32
        %parallel_loop3A_417 = tpu.memref_slice %arg7[%parallel_loop3A_217, %parallel_loop3A_415, %parallel_loop3A_416] : memref<4x4x3200xf32, #tpu.memory_space<vmem>> -> memref<1x4x3200xf32, #tpu.memory_space<vmem>>
        %parallel_loop3A_418 = tpu.memref_squeeze %parallel_loop3A_417 : memref<1x4x3200xf32, #tpu.memory_space<vmem>> -> memref<4x3200xf32, #tpu.memory_space<vmem>>
        %parallel_loop3A_419 = arith.constant 0 : i32
        %parallel_loop3A_420 = tpu.memref_slice %parallel_loop3A_418[%parallel_loop3A_218, %parallel_loop3A_419] : memref<4x3200xf32, #tpu.memory_space<vmem>> -> memref<1x3200xf32, #tpu.memory_space<vmem>>
        %parallel_loop3A_421 = tpu.memref_squeeze %parallel_loop3A_420 : memref<1x3200xf32, #tpu.memory_space<vmem>> -> memref<3200xf32, #tpu.memory_space<vmem>>
        %parallel_loop3A_422 = arith.index_cast %parallel_loop3A_414 : i32 to index
        %parallel_loop3A_423 = tpu.vector_load %parallel_loop3A_421[%parallel_loop3A_422] {strides = array<i32>} : memref<3200xf32, #tpu.memory_space<vmem>>, vector<16xf32>,
        %parallel_loop3A_424 = vector.shape_cast %parallel_loop3A_423 : vector<16xf32> to vector<16xf32>
        %parallel_loop3A_425 = vector.shape_cast %parallel_loop3A_410 : vector<16xf32> to vector<16xf32>
        tpu.vector_store %parallel_loop3A_421[%parallel_loop3A_422], %parallel_loop3A_425 {strides = array<i32>} : memref<3200xf32, #tpu.memory_space<vmem>>, vector<16xf32>,
        %parallel_loop3A_426 = arith.constant 100 : i32
        %parallel_loop3A_427 = arith.addi %parallel_loop3A_426, %parallel_loop3A_397 : i32
        %parallel_loop3A_428 = arith.constant 0 : i32
        %parallel_loop3A_429 = arith.constant 0 : i32
        %parallel_loop3A_430 = tpu.memref_slice %arg6[%parallel_loop3A_216, %parallel_loop3A_428, %parallel_loop3A_429] : memref<4x200x64xf32, #tpu.memory_space<vmem>> -> memref<1x200x64xf32, #tpu.memory_space<vmem>>
        %parallel_loop3A_431 = tpu.memref_squeeze %parallel_loop3A_430 : memref<1x200x64xf32, #tpu.memory_space<vmem>> -> memref<200x64xf32, #tpu.memory_space<vmem>>
        %parallel_loop3A_432 = arith.index_cast %parallel_loop3A_427 : i32 to index
        %parallel_loop3A_433 = arith.constant 16 : index
        %parallel_loop3A_434 = tpu.vector_load %parallel_loop3A_431[%parallel_loop3A_432, %parallel_loop3A_433] {strides = array<i32>} : memref<200x64xf32, #tpu.memory_space<vmem>>, vector<1x16xf32>,
        %parallel_loop3A_435 = vector.shape_cast %parallel_loop3A_434 : vector<1x16xf32> to vector<16xf32>
        %parallel_loop3A_436 = arith.constant 8.000000e+00 : f32
        %parallel_loop3A_437 = vector.broadcast %parallel_loop3A_436 : f32 to vector<16xf32>
        %parallel_loop3A_438 = arith.mulf %parallel_loop3A_435, %parallel_loop3A_437 : vector<16xf32>
        %parallel_loop3A_439 = arith.constant 64 : i32
        %parallel_loop3A_440 = arith.muli %parallel_loop3A_397, %parallel_loop3A_439 : i32
        %parallel_loop3A_441 = arith.constant 16 : i32
        %parallel_loop3A_442 = arith.addi %parallel_loop3A_440, %parallel_loop3A_441 : i32
        %parallel_loop3A_443 = arith.constant 0 : i32
        %parallel_loop3A_444 = arith.constant 0 : i32
        %parallel_loop3A_445 = tpu.memref_slice %arg7[%parallel_loop3A_217, %parallel_loop3A_443, %parallel_loop3A_444] : memref<4x4x3200xf32, #tpu.memory_space<vmem>> -> memref<1x4x3200xf32, #tpu.memory_space<vmem>>
        %parallel_loop3A_446 = tpu.memref_squeeze %parallel_loop3A_445 : memref<1x4x3200xf32, #tpu.memory_space<vmem>> -> memref<4x3200xf32, #tpu.memory_space<vmem>>
        %parallel_loop3A_447 = arith.constant 0 : i32
        %parallel_loop3A_448 = tpu.memref_slice %parallel_loop3A_446[%parallel_loop3A_218, %parallel_loop3A_447] : memref<4x3200xf32, #tpu.memory_space<vmem>> -> memref<1x3200xf32, #tpu.memory_space<vmem>>
        %parallel_loop3A_449 = tpu.memref_squeeze %parallel_loop3A_448 : memref<1x3200xf32, #tpu.memory_space<vmem>> -> memref<3200xf32, #tpu.memory_space<vmem>>
        %parallel_loop3A_450 = arith.index_cast %parallel_loop3A_442 : i32 to index
        %parallel_loop3A_451 = tpu.vector_load %parallel_loop3A_449[%parallel_loop3A_450] {strides = array<i32>} : memref<3200xf32, #tpu.memory_space<vmem>>, vector<16xf32>,
        %parallel_loop3A_452 = vector.shape_cast %parallel_loop3A_451 : vector<16xf32> to vector<16xf32>
        %parallel_loop3A_453 = vector.shape_cast %parallel_loop3A_438 : vector<16xf32> to vector<16xf32>
        tpu.vector_store %parallel_loop3A_449[%parallel_loop3A_450], %parallel_loop3A_453 {strides = array<i32>} : memref<3200xf32, #tpu.memory_space<vmem>>, vector<16xf32>,
        %parallel_loop3A_454 = arith.constant 100 : i32
        %parallel_loop3A_455 = arith.addi %parallel_loop3A_454, %parallel_loop3A_397 : i32
        %parallel_loop3A_456 = arith.constant 0 : i32
        %parallel_loop3A_457 = arith.constant 0 : i32
        %parallel_loop3A_458 = tpu.memref_slice %arg6[%parallel_loop3A_216, %parallel_loop3A_456, %parallel_loop3A_457] : memref<4x200x64xf32, #tpu.memory_space<vmem>> -> memref<1x200x64xf32, #tpu.memory_space<vmem>>
        %parallel_loop3A_459 = tpu.memref_squeeze %parallel_loop3A_458 : memref<1x200x64xf32, #tpu.memory_space<vmem>> -> memref<200x64xf32, #tpu.memory_space<vmem>>
        %parallel_loop3A_460 = arith.index_cast %parallel_loop3A_455 : i32 to index
        %parallel_loop3A_461 = arith.constant 32 : index
        %parallel_loop3A_462 = tpu.vector_load %parallel_loop3A_459[%parallel_loop3A_460, %parallel_loop3A_461] {strides = array<i32>} : memref<200x64xf32, #tpu.memory_space<vmem>>, vector<1x16xf32>,
        %parallel_loop3A_463 = vector.shape_cast %parallel_loop3A_462 : vector<1x16xf32> to vector<16xf32>
        %parallel_loop3A_464 = arith.constant 8.000000e+00 : f32
        %parallel_loop3A_465 = vector.broadcast %parallel_loop3A_464 : f32 to vector<16xf32>
        %parallel_loop3A_466 = arith.mulf %parallel_loop3A_463, %parallel_loop3A_465 : vector<16xf32>
        %parallel_loop3A_467 = arith.constant 64 : i32
        %parallel_loop3A_468 = arith.muli %parallel_loop3A_397, %parallel_loop3A_467 : i32
        %parallel_loop3A_469 = arith.constant 32 : i32
        %parallel_loop3A_470 = arith.addi %parallel_loop3A_468, %parallel_loop3A_469 : i32
        %parallel_loop3A_471 = arith.constant 0 : i32
        %parallel_loop3A_472 = arith.constant 0 : i32
        %parallel_loop3A_473 = tpu.memref_slice %arg7[%parallel_loop3A_217, %parallel_loop3A_471, %parallel_loop3A_472] : memref<4x4x3200xf32, #tpu.memory_space<vmem>> -> memref<1x4x3200xf32, #tpu.memory_space<vmem>>
        %parallel_loop3A_474 = tpu.memref_squeeze %parallel_loop3A_473 : memref<1x4x3200xf32, #tpu.memory_space<vmem>> -> memref<4x3200xf32, #tpu.memory_space<vmem>>
        %parallel_loop3A_475 = arith.constant 0 : i32
        %parallel_loop3A_476 = tpu.memref_slice %parallel_loop3A_474[%parallel_loop3A_218, %parallel_loop3A_475] : memref<4x3200xf32, #tpu.memory_space<vmem>> -> memref<1x3200xf32, #tpu.memory_space<vmem>>
        %parallel_loop3A_477 = tpu.memref_squeeze %parallel_loop3A_476 : memref<1x3200xf32, #tpu.memory_space<vmem>> -> memref<3200xf32, #tpu.memory_space<vmem>>
        %parallel_loop3A_478 = arith.index_cast %parallel_loop3A_470 : i32 to index
        %parallel_loop3A_479 = tpu.vector_load %parallel_loop3A_477[%parallel_loop3A_478] {strides = array<i32>} : memref<3200xf32, #tpu.memory_space<vmem>>, vector<16xf32>,
        %parallel_loop3A_480 = vector.shape_cast %parallel_loop3A_479 : vector<16xf32> to vector<16xf32>
        %parallel_loop3A_481 = vector.shape_cast %parallel_loop3A_466 : vector<16xf32> to vector<16xf32>
        tpu.vector_store %parallel_loop3A_477[%parallel_loop3A_478], %parallel_loop3A_481 {strides = array<i32>} : memref<3200xf32, #tpu.memory_space<vmem>>, vector<16xf32>,
        %parallel_loop3A_482 = arith.constant 100 : i32
        %parallel_loop3A_483 = arith.addi %parallel_loop3A_482, %parallel_loop3A_397 : i32
        %parallel_loop3A_484 = arith.constant 0 : i32
        %parallel_loop3A_485 = arith.constant 0 : i32
        %parallel_loop3A_486 = tpu.memref_slice %arg6[%parallel_loop3A_216, %parallel_loop3A_484, %parallel_loop3A_485] : memref<4x200x64xf32, #tpu.memory_space<vmem>> -> memref<1x200x64xf32, #tpu.memory_space<vmem>>
        %parallel_loop3A_487 = tpu.memref_squeeze %parallel_loop3A_486 : memref<1x200x64xf32, #tpu.memory_space<vmem>> -> memref<200x64xf32, #tpu.memory_space<vmem>>
        %parallel_loop3A_488 = arith.index_cast %parallel_loop3A_483 : i32 to index
        %parallel_loop3A_489 = arith.constant 48 : index
        %parallel_loop3A_490 = tpu.vector_load %parallel_loop3A_487[%parallel_loop3A_488, %parallel_loop3A_489] {strides = array<i32>} : memref<200x64xf32, #tpu.memory_space<vmem>>, vector<1x16xf32>,
        %parallel_loop3A_491 = vector.shape_cast %parallel_loop3A_490 : vector<1x16xf32> to vector<16xf32>
        %parallel_loop3A_492 = arith.constant 8.000000e+00 : f32
        %parallel_loop3A_493 = vector.broadcast %parallel_loop3A_492 : f32 to vector<16xf32>
        %parallel_loop3A_494 = arith.mulf %parallel_loop3A_491, %parallel_loop3A_493 : vector<16xf32>
        %parallel_loop3A_495 = arith.constant 64 : i32
        %parallel_loop3A_496 = arith.muli %parallel_loop3A_397, %parallel_loop3A_495 : i32
        %parallel_loop3A_497 = arith.constant 48 : i32
        %parallel_loop3A_498 = arith.addi %parallel_loop3A_496, %parallel_loop3A_497 : i32
        %parallel_loop3A_499 = arith.constant 0 : i32
        %parallel_loop3A_500 = arith.constant 0 : i32
        %parallel_loop3A_501 = tpu.memref_slice %arg7[%parallel_loop3A_217, %parallel_loop3A_499, %parallel_loop3A_500] : memref<4x4x3200xf32, #tpu.memory_space<vmem>> -> memref<1x4x3200xf32, #tpu.memory_space<vmem>>
        %parallel_loop3A_502 = tpu.memref_squeeze %parallel_loop3A_501 : memref<1x4x3200xf32, #tpu.memory_space<vmem>> -> memref<4x3200xf32, #tpu.memory_space<vmem>>
        %parallel_loop3A_503 = arith.constant 0 : i32
        %parallel_loop3A_504 = tpu.memref_slice %parallel_loop3A_502[%parallel_loop3A_218, %parallel_loop3A_503] : memref<4x3200xf32, #tpu.memory_space<vmem>> -> memref<1x3200xf32, #tpu.memory_space<vmem>>
        %parallel_loop3A_505 = tpu.memref_squeeze %parallel_loop3A_504 : memref<1x3200xf32, #tpu.memory_space<vmem>> -> memref<3200xf32, #tpu.memory_space<vmem>>
        %parallel_loop3A_506 = arith.index_cast %parallel_loop3A_498 : i32 to index
        %parallel_loop3A_507 = tpu.vector_load %parallel_loop3A_505[%parallel_loop3A_506] {strides = array<i32>} : memref<3200xf32, #tpu.memory_space<vmem>>, vector<16xf32>,
        %parallel_loop3A_508 = vector.shape_cast %parallel_loop3A_507 : vector<16xf32> to vector<16xf32>
        %parallel_loop3A_509 = vector.shape_cast %parallel_loop3A_494 : vector<16xf32> to vector<16xf32>
        tpu.vector_store %parallel_loop3A_505[%parallel_loop3A_506], %parallel_loop3A_509 {strides = array<i32>} : memref<3200xf32, #tpu.memory_space<vmem>>, vector<16xf32>,
      } {sc.loop_unroll_factor = 5 : i64, sc.parallel_access}
      %parallel_loop3A_219 = arith.constant 0 : i32
      %parallel_loop3A_220 = arith.constant 50 : i32
      %parallel_loop3A_221 = arith.constant 1 : i32
      %parallel_loop3A_222 = arith.constant 1 : i32
      %parallel_loop3A_223 = arith.constant 1 : i32
      %parallel_loop3A_224 = arith.constant 3 : i32
      scf.for %parallel_loop3A_397 = %parallel_loop3A_219 to %parallel_loop3A_220 step %parallel_loop3A_221  : i32 {
        %parallel_loop3A_398 = arith.constant 150 : i32
        %parallel_loop3A_399 = arith.addi %parallel_loop3A_398, %parallel_loop3A_397 : i32
        %parallel_loop3A_400 = arith.constant 0 : i32
        %parallel_loop3A_401 = arith.constant 0 : i32
        %parallel_loop3A_402 = tpu.memref_slice %arg6[%parallel_loop3A_222, %parallel_loop3A_400, %parallel_loop3A_401] : memref<4x200x64xf32, #tpu.memory_space<vmem>> -> memref<1x200x64xf32, #tpu.memory_space<vmem>>
        %parallel_loop3A_403 = tpu.memref_squeeze %parallel_loop3A_402 : memref<1x200x64xf32, #tpu.memory_space<vmem>> -> memref<200x64xf32, #tpu.memory_space<vmem>>
        %parallel_loop3A_404 = arith.index_cast %parallel_loop3A_399 : i32 to index
        %parallel_loop3A_405 = arith.constant 0 : index
        %parallel_loop3A_406 = tpu.vector_load %parallel_loop3A_403[%parallel_loop3A_404, %parallel_loop3A_405] {strides = array<i32>} : memref<200x64xf32, #tpu.memory_space<vmem>>, vector<1x16xf32>,
        %parallel_loop3A_407 = vector.shape_cast %parallel_loop3A_406 : vector<1x16xf32> to vector<16xf32>
        %parallel_loop3A_408 = arith.constant 8.000000e+00 : f32
        %parallel_loop3A_409 = vector.broadcast %parallel_loop3A_408 : f32 to vector<16xf32>
        %parallel_loop3A_410 = arith.mulf %parallel_loop3A_407, %parallel_loop3A_409 : vector<16xf32>
        %parallel_loop3A_411 = arith.constant 64 : i32
        %parallel_loop3A_412 = arith.muli %parallel_loop3A_397, %parallel_loop3A_411 : i32
        %parallel_loop3A_413 = arith.constant 0 : i32
        %parallel_loop3A_414 = arith.addi %parallel_loop3A_412, %parallel_loop3A_413 : i32
        %parallel_loop3A_415 = arith.constant 0 : i32
        %parallel_loop3A_416 = arith.constant 0 : i32
        %parallel_loop3A_417 = tpu.memref_slice %arg7[%parallel_loop3A_223, %parallel_loop3A_415, %parallel_loop3A_416] : memref<4x4x3200xf32, #tpu.memory_space<vmem>> -> memref<1x4x3200xf32, #tpu.memory_space<vmem>>
        %parallel_loop3A_418 = tpu.memref_squeeze %parallel_loop3A_417 : memref<1x4x3200xf32, #tpu.memory_space<vmem>> -> memref<4x3200xf32, #tpu.memory_space<vmem>>
        %parallel_loop3A_419 = arith.constant 0 : i32
        %parallel_loop3A_420 = tpu.memref_slice %parallel_loop3A_418[%parallel_loop3A_224, %parallel_loop3A_419] : memref<4x3200xf32, #tpu.memory_space<vmem>> -> memref<1x3200xf32, #tpu.memory_space<vmem>>
        %parallel_loop3A_421 = tpu.memref_squeeze %parallel_loop3A_420 : memref<1x3200xf32, #tpu.memory_space<vmem>> -> memref<3200xf32, #tpu.memory_space<vmem>>
        %parallel_loop3A_422 = arith.index_cast %parallel_loop3A_414 : i32 to index
        %parallel_loop3A_423 = tpu.vector_load %parallel_loop3A_421[%parallel_loop3A_422] {strides = array<i32>} : memref<3200xf32, #tpu.memory_space<vmem>>, vector<16xf32>,
        %parallel_loop3A_424 = vector.shape_cast %parallel_loop3A_423 : vector<16xf32> to vector<16xf32>
        %parallel_loop3A_425 = vector.shape_cast %parallel_loop3A_410 : vector<16xf32> to vector<16xf32>
        tpu.vector_store %parallel_loop3A_421[%parallel_loop3A_422], %parallel_loop3A_425 {strides = array<i32>} : memref<3200xf32, #tpu.memory_space<vmem>>, vector<16xf32>,
        %parallel_loop3A_426 = arith.constant 150 : i32
        %parallel_loop3A_427 = arith.addi %parallel_loop3A_426, %parallel_loop3A_397 : i32
        %parallel_loop3A_428 = arith.constant 0 : i32
        %parallel_loop3A_429 = arith.constant 0 : i32
        %parallel_loop3A_430 = tpu.memref_slice %arg6[%parallel_loop3A_222, %parallel_loop3A_428, %parallel_loop3A_429] : memref<4x200x64xf32, #tpu.memory_space<vmem>> -> memref<1x200x64xf32, #tpu.memory_space<vmem>>
        %parallel_loop3A_431 = tpu.memref_squeeze %parallel_loop3A_430 : memref<1x200x64xf32, #tpu.memory_space<vmem>> -> memref<200x64xf32, #tpu.memory_space<vmem>>
        %parallel_loop3A_432 = arith.index_cast %parallel_loop3A_427 : i32 to index
        %parallel_loop3A_433 = arith.constant 16 : index
        %parallel_loop3A_434 = tpu.vector_load %parallel_loop3A_431[%parallel_loop3A_432, %parallel_loop3A_433] {strides = array<i32>} : memref<200x64xf32, #tpu.memory_space<vmem>>, vector<1x16xf32>,
        %parallel_loop3A_435 = vector.shape_cast %parallel_loop3A_434 : vector<1x16xf32> to vector<16xf32>
        %parallel_loop3A_436 = arith.constant 8.000000e+00 : f32
        %parallel_loop3A_437 = vector.broadcast %parallel_loop3A_436 : f32 to vector<16xf32>
        %parallel_loop3A_438 = arith.mulf %parallel_loop3A_435, %parallel_loop3A_437 : vector<16xf32>
        %parallel_loop3A_439 = arith.constant 64 : i32
        %parallel_loop3A_440 = arith.muli %parallel_loop3A_397, %parallel_loop3A_439 : i32
        %parallel_loop3A_441 = arith.constant 16 : i32
        %parallel_loop3A_442 = arith.addi %parallel_loop3A_440, %parallel_loop3A_441 : i32
        %parallel_loop3A_443 = arith.constant 0 : i32
        %parallel_loop3A_444 = arith.constant 0 : i32
        %parallel_loop3A_445 = tpu.memref_slice %arg7[%parallel_loop3A_223, %parallel_loop3A_443, %parallel_loop3A_444] : memref<4x4x3200xf32, #tpu.memory_space<vmem>> -> memref<1x4x3200xf32, #tpu.memory_space<vmem>>
        %parallel_loop3A_446 = tpu.memref_squeeze %parallel_loop3A_445 : memref<1x4x3200xf32, #tpu.memory_space<vmem>> -> memref<4x3200xf32, #tpu.memory_space<vmem>>
        %parallel_loop3A_447 = arith.constant 0 : i32
        %parallel_loop3A_448 = tpu.memref_slice %parallel_loop3A_446[%parallel_loop3A_224, %parallel_loop3A_447] : memref<4x3200xf32, #tpu.memory_space<vmem>> -> memref<1x3200xf32, #tpu.memory_space<vmem>>
        %parallel_loop3A_449 = tpu.memref_squeeze %parallel_loop3A_448 : memref<1x3200xf32, #tpu.memory_space<vmem>> -> memref<3200xf32, #tpu.memory_space<vmem>>
        %parallel_loop3A_450 = arith.index_cast %parallel_loop3A_442 : i32 to index
        %parallel_loop3A_451 = tpu.vector_load %parallel_loop3A_449[%parallel_loop3A_450] {strides = array<i32>} : memref<3200xf32, #tpu.memory_space<vmem>>, vector<16xf32>,
        %parallel_loop3A_452 = vector.shape_cast %parallel_loop3A_451 : vector<16xf32> to vector<16xf32>
        %parallel_loop3A_453 = vector.shape_cast %parallel_loop3A_438 : vector<16xf32> to vector<16xf32>
        tpu.vector_store %parallel_loop3A_449[%parallel_loop3A_450], %parallel_loop3A_453 {strides = array<i32>} : memref<3200xf32, #tpu.memory_space<vmem>>, vector<16xf32>,
        %parallel_loop3A_454 = arith.constant 150 : i32
        %parallel_loop3A_455 = arith.addi %parallel_loop3A_454, %parallel_loop3A_397 : i32
        %parallel_loop3A_456 = arith.constant 0 : i32
        %parallel_loop3A_457 = arith.constant 0 : i32
        %parallel_loop3A_458 = tpu.memref_slice %arg6[%parallel_loop3A_222, %parallel_loop3A_456, %parallel_loop3A_457] : memref<4x200x64xf32, #tpu.memory_space<vmem>> -> memref<1x200x64xf32, #tpu.memory_space<vmem>>
        %parallel_loop3A_459 = tpu.memref_squeeze %parallel_loop3A_458 : memref<1x200x64xf32, #tpu.memory_space<vmem>> -> memref<200x64xf32, #tpu.memory_space<vmem>>
        %parallel_loop3A_460 = arith.index_cast %parallel_loop3A_455 : i32 to index
        %parallel_loop3A_461 = arith.constant 32 : index
        %parallel_loop3A_462 = tpu.vector_load %parallel_loop3A_459[%parallel_loop3A_460, %parallel_loop3A_461] {strides = array<i32>} : memref<200x64xf32, #tpu.memory_space<vmem>>, vector<1x16xf32>,
        %parallel_loop3A_463 = vector.shape_cast %parallel_loop3A_462 : vector<1x16xf32> to vector<16xf32>
        %parallel_loop3A_464 = arith.constant 8.000000e+00 : f32
        %parallel_loop3A_465 = vector.broadcast %parallel_loop3A_464 : f32 to vector<16xf32>
        %parallel_loop3A_466 = arith.mulf %parallel_loop3A_463, %parallel_loop3A_465 : vector<16xf32>
        %parallel_loop3A_467 = arith.constant 64 : i32
        %parallel_loop3A_468 = arith.muli %parallel_loop3A_397, %parallel_loop3A_467 : i32
        %parallel_loop3A_469 = arith.constant 32 : i32
        %parallel_loop3A_470 = arith.addi %parallel_loop3A_468, %parallel_loop3A_469 : i32
        %parallel_loop3A_471 = arith.constant 0 : i32
        %parallel_loop3A_472 = arith.constant 0 : i32
        %parallel_loop3A_473 = tpu.memref_slice %arg7[%parallel_loop3A_223, %parallel_loop3A_471, %parallel_loop3A_472] : memref<4x4x3200xf32, #tpu.memory_space<vmem>> -> memref<1x4x3200xf32, #tpu.memory_space<vmem>>
        %parallel_loop3A_474 = tpu.memref_squeeze %parallel_loop3A_473 : memref<1x4x3200xf32, #tpu.memory_space<vmem>> -> memref<4x3200xf32, #tpu.memory_space<vmem>>
        %parallel_loop3A_475 = arith.constant 0 : i32
        %parallel_loop3A_476 = tpu.memref_slice %parallel_loop3A_474[%parallel_loop3A_224, %parallel_loop3A_475] : memref<4x3200xf32, #tpu.memory_space<vmem>> -> memref<1x3200xf32, #tpu.memory_space<vmem>>
        %parallel_loop3A_477 = tpu.memref_squeeze %parallel_loop3A_476 : memref<1x3200xf32, #tpu.memory_space<vmem>> -> memref<3200xf32, #tpu.memory_space<vmem>>
        %parallel_loop3A_478 = arith.index_cast %parallel_loop3A_470 : i32 to index
        %parallel_loop3A_479 = tpu.vector_load %parallel_loop3A_477[%parallel_loop3A_478] {strides = array<i32>} : memref<3200xf32, #tpu.memory_space<vmem>>, vector<16xf32>,
        %parallel_loop3A_480 = vector.shape_cast %parallel_loop3A_479 : vector<16xf32> to vector<16xf32>
        %parallel_loop3A_481 = vector.shape_cast %parallel_loop3A_466 : vector<16xf32> to vector<16xf32>
        tpu.vector_store %parallel_loop3A_477[%parallel_loop3A_478], %parallel_loop3A_481 {strides = array<i32>} : memref<3200xf32, #tpu.memory_space<vmem>>, vector<16xf32>,
        %parallel_loop3A_482 = arith.constant 150 : i32
        %parallel_loop3A_483 = arith.addi %parallel_loop3A_482, %parallel_loop3A_397 : i32
        %parallel_loop3A_484 = arith.constant 0 : i32
        %parallel_loop3A_485 = arith.constant 0 : i32
        %parallel_loop3A_486 = tpu.memref_slice %arg6[%parallel_loop3A_222, %parallel_loop3A_484, %parallel_loop3A_485] : memref<4x200x64xf32, #tpu.memory_space<vmem>> -> memref<1x200x64xf32, #tpu.memory_space<vmem>>
        %parallel_loop3A_487 = tpu.memref_squeeze %parallel_loop3A_486 : memref<1x200x64xf32, #tpu.memory_space<vmem>> -> memref<200x64xf32, #tpu.memory_space<vmem>>
        %parallel_loop3A_488 = arith.index_cast %parallel_loop3A_483 : i32 to index
        %parallel_loop3A_489 = arith.constant 48 : index
        %parallel_loop3A_490 = tpu.vector_load %parallel_loop3A_487[%parallel_loop3A_488, %parallel_loop3A_489] {strides = array<i32>} : memref<200x64xf32, #tpu.memory_space<vmem>>, vector<1x16xf32>,
        %parallel_loop3A_491 = vector.shape_cast %parallel_loop3A_490 : vector<1x16xf32> to vector<16xf32>
        %parallel_loop3A_492 = arith.constant 8.000000e+00 : f32
        %parallel_loop3A_493 = vector.broadcast %parallel_loop3A_492 : f32 to vector<16xf32>
        %parallel_loop3A_494 = arith.mulf %parallel_loop3A_491, %parallel_loop3A_493 : vector<16xf32>
        %parallel_loop3A_495 = arith.constant 64 : i32
        %parallel_loop3A_496 = arith.muli %parallel_loop3A_397, %parallel_loop3A_495 : i32
        %parallel_loop3A_497 = arith.constant 48 : i32
        %parallel_loop3A_498 = arith.addi %parallel_loop3A_496, %parallel_loop3A_497 : i32
        %parallel_loop3A_499 = arith.constant 0 : i32
        %parallel_loop3A_500 = arith.constant 0 : i32
        %parallel_loop3A_501 = tpu.memref_slice %arg7[%parallel_loop3A_223, %parallel_loop3A_499, %parallel_loop3A_500] : memref<4x4x3200xf32, #tpu.memory_space<vmem>> -> memref<1x4x3200xf32, #tpu.memory_space<vmem>>
        %parallel_loop3A_502 = tpu.memref_squeeze %parallel_loop3A_501 : memref<1x4x3200xf32, #tpu.memory_space<vmem>> -> memref<4x3200xf32, #tpu.memory_space<vmem>>
        %parallel_loop3A_503 = arith.constant 0 : i32
        %parallel_loop3A_504 = tpu.memref_slice %parallel_loop3A_502[%parallel_loop3A_224, %parallel_loop3A_503] : memref<4x3200xf32, #tpu.memory_space<vmem>> -> memref<1x3200xf32, #tpu.memory_space<vmem>>
        %parallel_loop3A_505 = tpu.memref_squeeze %parallel_loop3A_504 : memref<1x3200xf32, #tpu.memory_space<vmem>> -> memref<3200xf32, #tpu.memory_space<vmem>>
        %parallel_loop3A_506 = arith.index_cast %parallel_loop3A_498 : i32 to index
        %parallel_loop3A_507 = tpu.vector_load %parallel_loop3A_505[%parallel_loop3A_506] {strides = array<i32>} : memref<3200xf32, #tpu.memory_space<vmem>>, vector<16xf32>,
        %parallel_loop3A_508 = vector.shape_cast %parallel_loop3A_507 : vector<16xf32> to vector<16xf32>
        %parallel_loop3A_509 = vector.shape_cast %parallel_loop3A_494 : vector<16xf32> to vector<16xf32>
        tpu.vector_store %parallel_loop3A_505[%parallel_loop3A_506], %parallel_loop3A_509 {strides = array<i32>} : memref<3200xf32, #tpu.memory_space<vmem>>, vector<16xf32>,
      } {sc.loop_unroll_factor = 5 : i64, sc.parallel_access}
      %mul3A_225 = arith.constant 4 : i32
      %mul3A_226 = arith.muli %add3A_182, %mul3A_225 : i32
      %add3A_227 = arith.addi %mul3A_4, %mul3A_226 : i32
      %dma_start3A_228 = arith.constant 1 : i32
      %dma_start3A_229 = arith.constant 1 : i32
      %dma_start3A_230 = arith.constant 0 : i32
      %dma_start3A_231 = arith.constant 0 : i32
      %dma_start3A_232 = tpu.memref_slice %arg7[%dma_start3A_228, %dma_start3A_230, %dma_start3A_231] : memref<4x4x3200xf32, #tpu.memory_space<vmem>> -> memref<1x4x3200xf32, #tpu.memory_space<vmem>>
      %dma_start3A_233 = tpu.memref_squeeze %dma_start3A_232 : memref<1x4x3200xf32, #tpu.memory_space<vmem>> -> memref<4x3200xf32, #tpu.memory_space<vmem>>
      %dma_start3A_234 = arith.constant 0 : i32
      %dma_start3A_235 = tpu.memref_slice %arg4[%add3A_227, %dma_start3A_234] : memref<4096x3200xf32, #tpu.memory_space<hbm>> -> memref<4x3200xf32, #tpu.memory_space<hbm>>
      %dma_start3A_236 = tpu.memref_slice %arg9[%dma_start3A_229] : memref<4x!tpu.dma_semaphore, #tpu.memory_space<semaphore_mem>> -> memref<1x!tpu.dma_semaphore, #tpu.memory_space<semaphore_mem>>
      %dma_start3A_237 = tpu.memref_squeeze %dma_start3A_236 : memref<1x!tpu.dma_semaphore, #tpu.memory_space<semaphore_mem>> -> memref<!tpu.dma_semaphore, #tpu.memory_space<semaphore_mem>>
      %dma_start3A_238 = arith.constant 0 : i32
      %dma_start3A_239 = tpu.memref_slice %arg4[%add3A_227, %dma_start3A_238] : memref<4096x3200xf32, #tpu.memory_space<hbm>> -> memref<4x3200xf32, #tpu.memory_space<hbm>>
      %dma_start3A_240 = arith.constant 0 : i32
      %dma_start3A_241 = arith.constant 0 : i32
      %dma_start3A_242 = tpu.memref_slice %arg7[%dma_start3A_228, %dma_start3A_240, %dma_start3A_241] : memref<4x4x3200xf32, #tpu.memory_space<vmem>> -> memref<1x4x3200xf32, #tpu.memory_space<vmem>>
      %dma_start3A_243 = tpu.memref_squeeze %dma_start3A_242 : memref<1x4x3200xf32, #tpu.memory_space<vmem>> -> memref<4x3200xf32, #tpu.memory_space<vmem>>
      tpu.enqueue_dma source(%dma_start3A_243 : memref<4x3200xf32, #tpu.memory_space<vmem>>) target(%dma_start3A_239 : memref<4x3200xf32, #tpu.memory_space<hbm>>) target_semaphore(%dma_start3A_237 : memref<!tpu.dma_semaphore, #tpu.memory_space<semaphore_mem>>)
      %add3A_244 = arith.constant 4 : i32
      %add3A_245 = arith.addi %add3A_182, %add3A_244 : i32
      %sub3A_246 = arith.constant 1 : i32
      %sub3A_247 = arith.subi %add3A_245, %sub3A_246 : i32
      %lt3A_248 = arith.constant 32 : i32
      %lt3A_249 = arith.cmpi slt, %sub3A_247, %lt3A_248 : i32
      %convert_element_type3A_250 = arith.extui %lt3A_249 : i1 to i32
      %cond3A_251 = arith.constant 0 : i32
      %cond3A_252 = arith.cmpi ne, %convert_element_type3A_250, %cond3A_251 : i32
      scf.if %cond3A_252 {
        %mul3A_397 = arith.constant 200 : i32
        %mul3A_398 = arith.muli %sub3A_247, %mul3A_397 : i32
        %dma_start3A_399 = arith.constant 0 : i32
        %dma_start3A_400 = arith.constant 0 : i32
        %dma_start3A_401 = arith.constant 0 : i32
        %dma_start3A_402 = arith.constant 0 : i32
        %dma_start3A_403 = tpu.memref_slice %arg6[%dma_start3A_399, %dma_start3A_401, %dma_start3A_402] : memref<4x200x64xf32, #tpu.memory_space<vmem>> -> memref<1x200x64xf32, #tpu.memory_space<vmem>>
        %dma_start3A_404 = tpu.memref_squeeze %dma_start3A_403 : memref<1x200x64xf32, #tpu.memory_space<vmem>> -> memref<200x64xf32, #tpu.memory_space<vmem>>
        %dma_start3A_405 = tpu.memref_slice %arg5[%mul3A_398] : memref<6400xi32, #tpu.memory_space<vmem>> -> memref<200xi32, #tpu.memory_space<vmem>>
        %dma_start3A_406 = arith.constant 0 : i32
        %dma_start3A_407 = arith.constant 0 : i32
        %dma_start3A_408 = tpu.memref_slice %arg3[%dma_start3A_406, %dma_start3A_407] : memref<100000x64xf32, #tpu.memory_space<hbm>> -> memref<100000x64xf32, #tpu.memory_space<hbm>>
        %dma_start3A_409 = tpu.memref_slice %arg8[%dma_start3A_400] : memref<4x!tpu.dma_semaphore, #tpu.memory_space<semaphore_mem>> -> memref<1x!tpu.dma_semaphore, #tpu.memory_space<semaphore_mem>>
        %dma_start3A_410 = tpu.memref_squeeze %dma_start3A_409 : memref<1x!tpu.dma_semaphore, #tpu.memory_space<semaphore_mem>> -> memref<!tpu.dma_semaphore, #tpu.memory_space<semaphore_mem>>
        tpu.enqueue_indirect_dma source(%dma_start3A_408 : memref<100000x64xf32, #tpu.memory_space<hbm>>) target(%dma_start3A_404 : memref<200x64xf32, #tpu.memory_space<vmem>>) offsets(%dma_start3A_405 : memref<200xi32, #tpu.memory_space<vmem>>) semaphore(%dma_start3A_410 : memref<!tpu.dma_semaphore, #tpu.memory_space<semaphore_mem>>)
      } else {
      }
      %add3A_253 = arith.constant 2 : i32
      %add3A_254 = arith.addi %add3A_114, %add3A_253 : i32
      %dma_wait3A_255 = arith.constant 2 : i32
      %dma_wait3A_256 = arith.constant 2 : i32
      %dma_wait3A_257 = arith.constant 0 : i32
      %dma_wait3A_258 = arith.constant 0 : i32
      %dma_wait3A_259 = tpu.memref_slice %arg6[%dma_wait3A_255, %dma_wait3A_257, %dma_wait3A_258] : memref<4x200x64xf32, #tpu.memory_space<vmem>> -> memref<1x200x64xf32, #tpu.memory_space<vmem>>
      %dma_wait3A_260 = tpu.memref_squeeze %dma_wait3A_259 : memref<1x200x64xf32, #tpu.memory_space<vmem>> -> memref<200x64xf32, #tpu.memory_space<vmem>>
      %dma_wait3A_261 = arith.constant 0 : i32
      %dma_wait3A_262 = tpu.memref_slice %arg5[%dma_wait3A_261] : memref<6400xi32, #tpu.memory_space<vmem>> -> memref<200xi32, #tpu.memory_space<vmem>>
      %dma_wait3A_263 = arith.constant 0 : i32
      %dma_wait3A_264 = arith.constant 0 : i32
      %dma_wait3A_265 = tpu.memref_slice %arg3[%dma_wait3A_263, %dma_wait3A_264] : memref<100000x64xf32, #tpu.memory_space<hbm>> -> memref<100000x64xf32, #tpu.memory_space<hbm>>
      %dma_wait3A_266 = tpu.memref_slice %arg8[%dma_wait3A_256] : memref<4x!tpu.dma_semaphore, #tpu.memory_space<semaphore_mem>> -> memref<1x!tpu.dma_semaphore, #tpu.memory_space<semaphore_mem>>
      %dma_wait3A_267 = tpu.memref_squeeze %dma_wait3A_266 : memref<1x!tpu.dma_semaphore, #tpu.memory_space<semaphore_mem>> -> memref<!tpu.dma_semaphore, #tpu.memory_space<semaphore_mem>>
      tpu.wait_indirect_dma semaphore(%dma_wait3A_267 : memref<!tpu.dma_semaphore, #tpu.memory_space<semaphore_mem>>) src(%dma_wait3A_265 : memref<100000x64xf32, #tpu.memory_space<hbm>>) dst(%dma_wait3A_260 : memref<200x64xf32, #tpu.memory_space<vmem>>)
      %ge3A_268 = arith.constant 4 : i32
      %ge3A_269 = arith.cmpi sge, %add3A_254, %ge3A_268 : i32
      %convert_element_type3A_270 = arith.extui %ge3A_269 : i1 to i32
      %cond3A_271 = arith.constant 0 : i32
      %cond3A_272 = arith.cmpi ne, %convert_element_type3A_270, %cond3A_271 : i32
      scf.if %cond3A_272 {
        %dma_wait3A_397 = arith.constant 2 : i32
        %dma_wait3A_398 = arith.constant 2 : i32
        %dma_wait3A_399 = arith.constant 0 : i32
        %dma_wait3A_400 = arith.constant 0 : i32
        %dma_wait3A_401 = tpu.memref_slice %arg7[%dma_wait3A_397, %dma_wait3A_399, %dma_wait3A_400] : memref<4x4x3200xf32, #tpu.memory_space<vmem>> -> memref<1x4x3200xf32, #tpu.memory_space<vmem>>
        %dma_wait3A_402 = tpu.memref_squeeze %dma_wait3A_401 : memref<1x4x3200xf32, #tpu.memory_space<vmem>> -> memref<4x3200xf32, #tpu.memory_space<vmem>>
        %dma_wait3A_403 = arith.constant 0 : i32
        %dma_wait3A_404 = tpu.memref_slice %arg4[%mul3A_4, %dma_wait3A_403] : memref<4096x3200xf32, #tpu.memory_space<hbm>> -> memref<4x3200xf32, #tpu.memory_space<hbm>>
        %dma_wait3A_405 = tpu.memref_slice %arg9[%dma_wait3A_398] : memref<4x!tpu.dma_semaphore, #tpu.memory_space<semaphore_mem>> -> memref<1x!tpu.dma_semaphore, #tpu.memory_space<semaphore_mem>>
        %dma_wait3A_406 = tpu.memref_squeeze %dma_wait3A_405 : memref<1x!tpu.dma_semaphore, #tpu.memory_space<semaphore_mem>> -> memref<!tpu.dma_semaphore, #tpu.memory_space<semaphore_mem>>
        %dma_wait3A_407 = arith.constant 0 : i32
        %dma_wait3A_408 = tpu.memref_slice %arg4[%mul3A_4, %dma_wait3A_407] : memref<4096x3200xf32, #tpu.memory_space<hbm>> -> memref<4x3200xf32, #tpu.memory_space<hbm>>
        %dma_wait3A_409 = arith.constant 0 : i32
        %dma_wait3A_410 = arith.constant 0 : i32
        %dma_wait3A_411 = tpu.memref_slice %arg7[%dma_wait3A_397, %dma_wait3A_409, %dma_wait3A_410] : memref<4x4x3200xf32, #tpu.memory_space<vmem>> -> memref<1x4x3200xf32, #tpu.memory_space<vmem>>
        %dma_wait3A_412 = tpu.memref_squeeze %dma_wait3A_411 : memref<1x4x3200xf32, #tpu.memory_space<vmem>> -> memref<4x3200xf32, #tpu.memory_space<vmem>>
        tpu.wait_dma2 semaphore(%dma_wait3A_406 : memref<!tpu.dma_semaphore, #tpu.memory_space<semaphore_mem>>) src(%dma_wait3A_412 : memref<4x3200xf32, #tpu.memory_space<vmem>>) dst(%dma_wait3A_408 : memref<4x3200xf32, #tpu.memory_space<hbm>>)
      } else {
      }
      %parallel_loop3A_273 = arith.constant 0 : i32
      %parallel_loop3A_274 = arith.constant 50 : i32
      %parallel_loop3A_275 = arith.constant 1 : i32
      %parallel_loop3A_276 = arith.constant 2 : i32
      %parallel_loop3A_277 = arith.constant 2 : i32
      %parallel_loop3A_278 = arith.constant 0 : i32
      scf.for %parallel_loop3A_397 = %parallel_loop3A_273 to %parallel_loop3A_274 step %parallel_loop3A_275  : i32 {
        %parallel_loop3A_398 = arith.constant 0 : i32
        %parallel_loop3A_399 = arith.addi %parallel_loop3A_398, %parallel_loop3A_397 : i32
        %parallel_loop3A_400 = arith.constant 0 : i32
        %parallel_loop3A_401 = arith.constant 0 : i32
        %parallel_loop3A_402 = tpu.memref_slice %arg6[%parallel_loop3A_276, %parallel_loop3A_400, %parallel_loop3A_401] : memref<4x200x64xf32, #tpu.memory_space<vmem>> -> memref<1x200x64xf32, #tpu.memory_space<vmem>>
        %parallel_loop3A_403 = tpu.memref_squeeze %parallel_loop3A_402 : memref<1x200x64xf32, #tpu.memory_space<vmem>> -> memref<200x64xf32, #tpu.memory_space<vmem>>
        %parallel_loop3A_404 = arith.index_cast %parallel_loop3A_399 : i32 to index
        %parallel_loop3A_405 = arith.constant 0 : index
        %parallel_loop3A_406 = tpu.vector_load %parallel_loop3A_403[%parallel_loop3A_404, %parallel_loop3A_405] {strides = array<i32>} : memref<200x64xf32, #tpu.memory_space<vmem>>, vector<1x16xf32>,
        %parallel_loop3A_407 = vector.shape_cast %parallel_loop3A_406 : vector<1x16xf32> to vector<16xf32>
        %parallel_loop3A_408 = arith.constant 8.000000e+00 : f32
        %parallel_loop3A_409 = vector.broadcast %parallel_loop3A_408 : f32 to vector<16xf32>
        %parallel_loop3A_410 = arith.mulf %parallel_loop3A_407, %parallel_loop3A_409 : vector<16xf32>
        %parallel_loop3A_411 = arith.constant 64 : i32
        %parallel_loop3A_412 = arith.muli %parallel_loop3A_397, %parallel_loop3A_411 : i32
        %parallel_loop3A_413 = arith.constant 0 : i32
        %parallel_loop3A_414 = arith.addi %parallel_loop3A_412, %parallel_loop3A_413 : i32
        %parallel_loop3A_415 = arith.constant 0 : i32
        %parallel_loop3A_416 = arith.constant 0 : i32
        %parallel_loop3A_417 = tpu.memref_slice %arg7[%parallel_loop3A_277, %parallel_loop3A_415, %parallel_loop3A_416] : memref<4x4x3200xf32, #tpu.memory_space<vmem>> -> memref<1x4x3200xf32, #tpu.memory_space<vmem>>
        %parallel_loop3A_418 = tpu.memref_squeeze %parallel_loop3A_417 : memref<1x4x3200xf32, #tpu.memory_space<vmem>> -> memref<4x3200xf32, #tpu.memory_space<vmem>>
        %parallel_loop3A_419 = arith.constant 0 : i32
        %parallel_loop3A_420 = tpu.memref_slice %parallel_loop3A_418[%parallel_loop3A_278, %parallel_loop3A_419] : memref<4x3200xf32, #tpu.memory_space<vmem>> -> memref<1x3200xf32, #tpu.memory_space<vmem>>
        %parallel_loop3A_421 = tpu.memref_squeeze %parallel_loop3A_420 : memref<1x3200xf32, #tpu.memory_space<vmem>> -> memref<3200xf32, #tpu.memory_space<vmem>>
        %parallel_loop3A_422 = arith.index_cast %parallel_loop3A_414 : i32 to index
        %parallel_loop3A_423 = tpu.vector_load %parallel_loop3A_421[%parallel_loop3A_422] {strides = array<i32>} : memref<3200xf32, #tpu.memory_space<vmem>>, vector<16xf32>,
        %parallel_loop3A_424 = vector.shape_cast %parallel_loop3A_423 : vector<16xf32> to vector<16xf32>
        %parallel_loop3A_425 = vector.shape_cast %parallel_loop3A_410 : vector<16xf32> to vector<16xf32>
        tpu.vector_store %parallel_loop3A_421[%parallel_loop3A_422], %parallel_loop3A_425 {strides = array<i32>} : memref<3200xf32, #tpu.memory_space<vmem>>, vector<16xf32>,
        %parallel_loop3A_426 = arith.constant 0 : i32
        %parallel_loop3A_427 = arith.addi %parallel_loop3A_426, %parallel_loop3A_397 : i32
        %parallel_loop3A_428 = arith.constant 0 : i32
        %parallel_loop3A_429 = arith.constant 0 : i32
        %parallel_loop3A_430 = tpu.memref_slice %arg6[%parallel_loop3A_276, %parallel_loop3A_428, %parallel_loop3A_429] : memref<4x200x64xf32, #tpu.memory_space<vmem>> -> memref<1x200x64xf32, #tpu.memory_space<vmem>>
        %parallel_loop3A_431 = tpu.memref_squeeze %parallel_loop3A_430 : memref<1x200x64xf32, #tpu.memory_space<vmem>> -> memref<200x64xf32, #tpu.memory_space<vmem>>
        %parallel_loop3A_432 = arith.index_cast %parallel_loop3A_427 : i32 to index
        %parallel_loop3A_433 = arith.constant 16 : index
        %parallel_loop3A_434 = tpu.vector_load %parallel_loop3A_431[%parallel_loop3A_432, %parallel_loop3A_433] {strides = array<i32>} : memref<200x64xf32, #tpu.memory_space<vmem>>, vector<1x16xf32>,
        %parallel_loop3A_435 = vector.shape_cast %parallel_loop3A_434 : vector<1x16xf32> to vector<16xf32>
        %parallel_loop3A_436 = arith.constant 8.000000e+00 : f32
        %parallel_loop3A_437 = vector.broadcast %parallel_loop3A_436 : f32 to vector<16xf32>
        %parallel_loop3A_438 = arith.mulf %parallel_loop3A_435, %parallel_loop3A_437 : vector<16xf32>
        %parallel_loop3A_439 = arith.constant 64 : i32
        %parallel_loop3A_440 = arith.muli %parallel_loop3A_397, %parallel_loop3A_439 : i32
        %parallel_loop3A_441 = arith.constant 16 : i32
        %parallel_loop3A_442 = arith.addi %parallel_loop3A_440, %parallel_loop3A_441 : i32
        %parallel_loop3A_443 = arith.constant 0 : i32
        %parallel_loop3A_444 = arith.constant 0 : i32
        %parallel_loop3A_445 = tpu.memref_slice %arg7[%parallel_loop3A_277, %parallel_loop3A_443, %parallel_loop3A_444] : memref<4x4x3200xf32, #tpu.memory_space<vmem>> -> memref<1x4x3200xf32, #tpu.memory_space<vmem>>
        %parallel_loop3A_446 = tpu.memref_squeeze %parallel_loop3A_445 : memref<1x4x3200xf32, #tpu.memory_space<vmem>> -> memref<4x3200xf32, #tpu.memory_space<vmem>>
        %parallel_loop3A_447 = arith.constant 0 : i32
        %parallel_loop3A_448 = tpu.memref_slice %parallel_loop3A_446[%parallel_loop3A_278, %parallel_loop3A_447] : memref<4x3200xf32, #tpu.memory_space<vmem>> -> memref<1x3200xf32, #tpu.memory_space<vmem>>
        %parallel_loop3A_449 = tpu.memref_squeeze %parallel_loop3A_448 : memref<1x3200xf32, #tpu.memory_space<vmem>> -> memref<3200xf32, #tpu.memory_space<vmem>>
        %parallel_loop3A_450 = arith.index_cast %parallel_loop3A_442 : i32 to index
        %parallel_loop3A_451 = tpu.vector_load %parallel_loop3A_449[%parallel_loop3A_450] {strides = array<i32>} : memref<3200xf32, #tpu.memory_space<vmem>>, vector<16xf32>,
        %parallel_loop3A_452 = vector.shape_cast %parallel_loop3A_451 : vector<16xf32> to vector<16xf32>
        %parallel_loop3A_453 = vector.shape_cast %parallel_loop3A_438 : vector<16xf32> to vector<16xf32>
        tpu.vector_store %parallel_loop3A_449[%parallel_loop3A_450], %parallel_loop3A_453 {strides = array<i32>} : memref<3200xf32, #tpu.memory_space<vmem>>, vector<16xf32>,
        %parallel_loop3A_454 = arith.constant 0 : i32
        %parallel_loop3A_455 = arith.addi %parallel_loop3A_454, %parallel_loop3A_397 : i32
        %parallel_loop3A_456 = arith.constant 0 : i32
        %parallel_loop3A_457 = arith.constant 0 : i32
        %parallel_loop3A_458 = tpu.memref_slice %arg6[%parallel_loop3A_276, %parallel_loop3A_456, %parallel_loop3A_457] : memref<4x200x64xf32, #tpu.memory_space<vmem>> -> memref<1x200x64xf32, #tpu.memory_space<vmem>>
        %parallel_loop3A_459 = tpu.memref_squeeze %parallel_loop3A_458 : memref<1x200x64xf32, #tpu.memory_space<vmem>> -> memref<200x64xf32, #tpu.memory_space<vmem>>
        %parallel_loop3A_460 = arith.index_cast %parallel_loop3A_455 : i32 to index
        %parallel_loop3A_461 = arith.constant 32 : index
        %parallel_loop3A_462 = tpu.vector_load %parallel_loop3A_459[%parallel_loop3A_460, %parallel_loop3A_461] {strides = array<i32>} : memref<200x64xf32, #tpu.memory_space<vmem>>, vector<1x16xf32>,
        %parallel_loop3A_463 = vector.shape_cast %parallel_loop3A_462 : vector<1x16xf32> to vector<16xf32>
        %parallel_loop3A_464 = arith.constant 8.000000e+00 : f32
        %parallel_loop3A_465 = vector.broadcast %parallel_loop3A_464 : f32 to vector<16xf32>
        %parallel_loop3A_466 = arith.mulf %parallel_loop3A_463, %parallel_loop3A_465 : vector<16xf32>
        %parallel_loop3A_467 = arith.constant 64 : i32
        %parallel_loop3A_468 = arith.muli %parallel_loop3A_397, %parallel_loop3A_467 : i32
        %parallel_loop3A_469 = arith.constant 32 : i32
        %parallel_loop3A_470 = arith.addi %parallel_loop3A_468, %parallel_loop3A_469 : i32
        %parallel_loop3A_471 = arith.constant 0 : i32
        %parallel_loop3A_472 = arith.constant 0 : i32
        %parallel_loop3A_473 = tpu.memref_slice %arg7[%parallel_loop3A_277, %parallel_loop3A_471, %parallel_loop3A_472] : memref<4x4x3200xf32, #tpu.memory_space<vmem>> -> memref<1x4x3200xf32, #tpu.memory_space<vmem>>
        %parallel_loop3A_474 = tpu.memref_squeeze %parallel_loop3A_473 : memref<1x4x3200xf32, #tpu.memory_space<vmem>> -> memref<4x3200xf32, #tpu.memory_space<vmem>>
        %parallel_loop3A_475 = arith.constant 0 : i32
        %parallel_loop3A_476 = tpu.memref_slice %parallel_loop3A_474[%parallel_loop3A_278, %parallel_loop3A_475] : memref<4x3200xf32, #tpu.memory_space<vmem>> -> memref<1x3200xf32, #tpu.memory_space<vmem>>
        %parallel_loop3A_477 = tpu.memref_squeeze %parallel_loop3A_476 : memref<1x3200xf32, #tpu.memory_space<vmem>> -> memref<3200xf32, #tpu.memory_space<vmem>>
        %parallel_loop3A_478 = arith.index_cast %parallel_loop3A_470 : i32 to index
        %parallel_loop3A_479 = tpu.vector_load %parallel_loop3A_477[%parallel_loop3A_478] {strides = array<i32>} : memref<3200xf32, #tpu.memory_space<vmem>>, vector<16xf32>,
        %parallel_loop3A_480 = vector.shape_cast %parallel_loop3A_479 : vector<16xf32> to vector<16xf32>
        %parallel_loop3A_481 = vector.shape_cast %parallel_loop3A_466 : vector<16xf32> to vector<16xf32>
        tpu.vector_store %parallel_loop3A_477[%parallel_loop3A_478], %parallel_loop3A_481 {strides = array<i32>} : memref<3200xf32, #tpu.memory_space<vmem>>, vector<16xf32>,
        %parallel_loop3A_482 = arith.constant 0 : i32
        %parallel_loop3A_483 = arith.addi %parallel_loop3A_482, %parallel_loop3A_397 : i32
        %parallel_loop3A_484 = arith.constant 0 : i32
        %parallel_loop3A_485 = arith.constant 0 : i32
        %parallel_loop3A_486 = tpu.memref_slice %arg6[%parallel_loop3A_276, %parallel_loop3A_484, %parallel_loop3A_485] : memref<4x200x64xf32, #tpu.memory_space<vmem>> -> memref<1x200x64xf32, #tpu.memory_space<vmem>>
        %parallel_loop3A_487 = tpu.memref_squeeze %parallel_loop3A_486 : memref<1x200x64xf32, #tpu.memory_space<vmem>> -> memref<200x64xf32, #tpu.memory_space<vmem>>
        %parallel_loop3A_488 = arith.index_cast %parallel_loop3A_483 : i32 to index
        %parallel_loop3A_489 = arith.constant 48 : index
        %parallel_loop3A_490 = tpu.vector_load %parallel_loop3A_487[%parallel_loop3A_488, %parallel_loop3A_489] {strides = array<i32>} : memref<200x64xf32, #tpu.memory_space<vmem>>, vector<1x16xf32>,
        %parallel_loop3A_491 = vector.shape_cast %parallel_loop3A_490 : vector<1x16xf32> to vector<16xf32>
        %parallel_loop3A_492 = arith.constant 8.000000e+00 : f32
        %parallel_loop3A_493 = vector.broadcast %parallel_loop3A_492 : f32 to vector<16xf32>
        %parallel_loop3A_494 = arith.mulf %parallel_loop3A_491, %parallel_loop3A_493 : vector<16xf32>
        %parallel_loop3A_495 = arith.constant 64 : i32
        %parallel_loop3A_496 = arith.muli %parallel_loop3A_397, %parallel_loop3A_495 : i32
        %parallel_loop3A_497 = arith.constant 48 : i32
        %parallel_loop3A_498 = arith.addi %parallel_loop3A_496, %parallel_loop3A_497 : i32
        %parallel_loop3A_499 = arith.constant 0 : i32
        %parallel_loop3A_500 = arith.constant 0 : i32
        %parallel_loop3A_501 = tpu.memref_slice %arg7[%parallel_loop3A_277, %parallel_loop3A_499, %parallel_loop3A_500] : memref<4x4x3200xf32, #tpu.memory_space<vmem>> -> memref<1x4x3200xf32, #tpu.memory_space<vmem>>
        %parallel_loop3A_502 = tpu.memref_squeeze %parallel_loop3A_501 : memref<1x4x3200xf32, #tpu.memory_space<vmem>> -> memref<4x3200xf32, #tpu.memory_space<vmem>>
        %parallel_loop3A_503 = arith.constant 0 : i32
        %parallel_loop3A_504 = tpu.memref_slice %parallel_loop3A_502[%parallel_loop3A_278, %parallel_loop3A_503] : memref<4x3200xf32, #tpu.memory_space<vmem>> -> memref<1x3200xf32, #tpu.memory_space<vmem>>
        %parallel_loop3A_505 = tpu.memref_squeeze %parallel_loop3A_504 : memref<1x3200xf32, #tpu.memory_space<vmem>> -> memref<3200xf32, #tpu.memory_space<vmem>>
        %parallel_loop3A_506 = arith.index_cast %parallel_loop3A_498 : i32 to index
        %parallel_loop3A_507 = tpu.vector_load %parallel_loop3A_505[%parallel_loop3A_506] {strides = array<i32>} : memref<3200xf32, #tpu.memory_space<vmem>>, vector<16xf32>,
        %parallel_loop3A_508 = vector.shape_cast %parallel_loop3A_507 : vector<16xf32> to vector<16xf32>
        %parallel_loop3A_509 = vector.shape_cast %parallel_loop3A_494 : vector<16xf32> to vector<16xf32>
        tpu.vector_store %parallel_loop3A_505[%parallel_loop3A_506], %parallel_loop3A_509 {strides = array<i32>} : memref<3200xf32, #tpu.memory_space<vmem>>, vector<16xf32>,
      } {sc.loop_unroll_factor = 5 : i64, sc.parallel_access}
      %parallel_loop3A_279 = arith.constant 0 : i32
      %parallel_loop3A_280 = arith.constant 50 : i32
      %parallel_loop3A_281 = arith.constant 1 : i32
      %parallel_loop3A_282 = arith.constant 2 : i32
      %parallel_loop3A_283 = arith.constant 2 : i32
      %parallel_loop3A_284 = arith.constant 1 : i32
      scf.for %parallel_loop3A_397 = %parallel_loop3A_279 to %parallel_loop3A_280 step %parallel_loop3A_281  : i32 {
        %parallel_loop3A_398 = arith.constant 50 : i32
        %parallel_loop3A_399 = arith.addi %parallel_loop3A_398, %parallel_loop3A_397 : i32
        %parallel_loop3A_400 = arith.constant 0 : i32
        %parallel_loop3A_401 = arith.constant 0 : i32
        %parallel_loop3A_402 = tpu.memref_slice %arg6[%parallel_loop3A_282, %parallel_loop3A_400, %parallel_loop3A_401] : memref<4x200x64xf32, #tpu.memory_space<vmem>> -> memref<1x200x64xf32, #tpu.memory_space<vmem>>
        %parallel_loop3A_403 = tpu.memref_squeeze %parallel_loop3A_402 : memref<1x200x64xf32, #tpu.memory_space<vmem>> -> memref<200x64xf32, #tpu.memory_space<vmem>>
        %parallel_loop3A_404 = arith.index_cast %parallel_loop3A_399 : i32 to index
        %parallel_loop3A_405 = arith.constant 0 : index
        %parallel_loop3A_406 = tpu.vector_load %parallel_loop3A_403[%parallel_loop3A_404, %parallel_loop3A_405] {strides = array<i32>} : memref<200x64xf32, #tpu.memory_space<vmem>>, vector<1x16xf32>,
        %parallel_loop3A_407 = vector.shape_cast %parallel_loop3A_406 : vector<1x16xf32> to vector<16xf32>
        %parallel_loop3A_408 = arith.constant 8.000000e+00 : f32
        %parallel_loop3A_409 = vector.broadcast %parallel_loop3A_408 : f32 to vector<16xf32>
        %parallel_loop3A_410 = arith.mulf %parallel_loop3A_407, %parallel_loop3A_409 : vector<16xf32>
        %parallel_loop3A_411 = arith.constant 64 : i32
        %parallel_loop3A_412 = arith.muli %parallel_loop3A_397, %parallel_loop3A_411 : i32
        %parallel_loop3A_413 = arith.constant 0 : i32
        %parallel_loop3A_414 = arith.addi %parallel_loop3A_412, %parallel_loop3A_413 : i32
        %parallel_loop3A_415 = arith.constant 0 : i32
        %parallel_loop3A_416 = arith.constant 0 : i32
        %parallel_loop3A_417 = tpu.memref_slice %arg7[%parallel_loop3A_283, %parallel_loop3A_415, %parallel_loop3A_416] : memref<4x4x3200xf32, #tpu.memory_space<vmem>> -> memref<1x4x3200xf32, #tpu.memory_space<vmem>>
        %parallel_loop3A_418 = tpu.memref_squeeze %parallel_loop3A_417 : memref<1x4x3200xf32, #tpu.memory_space<vmem>> -> memref<4x3200xf32, #tpu.memory_space<vmem>>
        %parallel_loop3A_419 = arith.constant 0 : i32
        %parallel_loop3A_420 = tpu.memref_slice %parallel_loop3A_418[%parallel_loop3A_284, %parallel_loop3A_419] : memref<4x3200xf32, #tpu.memory_space<vmem>> -> memref<1x3200xf32, #tpu.memory_space<vmem>>
        %parallel_loop3A_421 = tpu.memref_squeeze %parallel_loop3A_420 : memref<1x3200xf32, #tpu.memory_space<vmem>> -> memref<3200xf32, #tpu.memory_space<vmem>>
        %parallel_loop3A_422 = arith.index_cast %parallel_loop3A_414 : i32 to index
        %parallel_loop3A_423 = tpu.vector_load %parallel_loop3A_421[%parallel_loop3A_422] {strides = array<i32>} : memref<3200xf32, #tpu.memory_space<vmem>>, vector<16xf32>,
        %parallel_loop3A_424 = vector.shape_cast %parallel_loop3A_423 : vector<16xf32> to vector<16xf32>
        %parallel_loop3A_425 = vector.shape_cast %parallel_loop3A_410 : vector<16xf32> to vector<16xf32>
        tpu.vector_store %parallel_loop3A_421[%parallel_loop3A_422], %parallel_loop3A_425 {strides = array<i32>} : memref<3200xf32, #tpu.memory_space<vmem>>, vector<16xf32>,
        %parallel_loop3A_426 = arith.constant 50 : i32
        %parallel_loop3A_427 = arith.addi %parallel_loop3A_426, %parallel_loop3A_397 : i32
        %parallel_loop3A_428 = arith.constant 0 : i32
        %parallel_loop3A_429 = arith.constant 0 : i32
        %parallel_loop3A_430 = tpu.memref_slice %arg6[%parallel_loop3A_282, %parallel_loop3A_428, %parallel_loop3A_429] : memref<4x200x64xf32, #tpu.memory_space<vmem>> -> memref<1x200x64xf32, #tpu.memory_space<vmem>>
        %parallel_loop3A_431 = tpu.memref_squeeze %parallel_loop3A_430 : memref<1x200x64xf32, #tpu.memory_space<vmem>> -> memref<200x64xf32, #tpu.memory_space<vmem>>
        %parallel_loop3A_432 = arith.index_cast %parallel_loop3A_427 : i32 to index
        %parallel_loop3A_433 = arith.constant 16 : index
        %parallel_loop3A_434 = tpu.vector_load %parallel_loop3A_431[%parallel_loop3A_432, %parallel_loop3A_433] {strides = array<i32>} : memref<200x64xf32, #tpu.memory_space<vmem>>, vector<1x16xf32>,
        %parallel_loop3A_435 = vector.shape_cast %parallel_loop3A_434 : vector<1x16xf32> to vector<16xf32>
        %parallel_loop3A_436 = arith.constant 8.000000e+00 : f32
        %parallel_loop3A_437 = vector.broadcast %parallel_loop3A_436 : f32 to vector<16xf32>
        %parallel_loop3A_438 = arith.mulf %parallel_loop3A_435, %parallel_loop3A_437 : vector<16xf32>
        %parallel_loop3A_439 = arith.constant 64 : i32
        %parallel_loop3A_440 = arith.muli %parallel_loop3A_397, %parallel_loop3A_439 : i32
        %parallel_loop3A_441 = arith.constant 16 : i32
        %parallel_loop3A_442 = arith.addi %parallel_loop3A_440, %parallel_loop3A_441 : i32
        %parallel_loop3A_443 = arith.constant 0 : i32
        %parallel_loop3A_444 = arith.constant 0 : i32
        %parallel_loop3A_445 = tpu.memref_slice %arg7[%parallel_loop3A_283, %parallel_loop3A_443, %parallel_loop3A_444] : memref<4x4x3200xf32, #tpu.memory_space<vmem>> -> memref<1x4x3200xf32, #tpu.memory_space<vmem>>
        %parallel_loop3A_446 = tpu.memref_squeeze %parallel_loop3A_445 : memref<1x4x3200xf32, #tpu.memory_space<vmem>> -> memref<4x3200xf32, #tpu.memory_space<vmem>>
        %parallel_loop3A_447 = arith.constant 0 : i32
        %parallel_loop3A_448 = tpu.memref_slice %parallel_loop3A_446[%parallel_loop3A_284, %parallel_loop3A_447] : memref<4x3200xf32, #tpu.memory_space<vmem>> -> memref<1x3200xf32, #tpu.memory_space<vmem>>
        %parallel_loop3A_449 = tpu.memref_squeeze %parallel_loop3A_448 : memref<1x3200xf32, #tpu.memory_space<vmem>> -> memref<3200xf32, #tpu.memory_space<vmem>>
        %parallel_loop3A_450 = arith.index_cast %parallel_loop3A_442 : i32 to index
        %parallel_loop3A_451 = tpu.vector_load %parallel_loop3A_449[%parallel_loop3A_450] {strides = array<i32>} : memref<3200xf32, #tpu.memory_space<vmem>>, vector<16xf32>,
        %parallel_loop3A_452 = vector.shape_cast %parallel_loop3A_451 : vector<16xf32> to vector<16xf32>
        %parallel_loop3A_453 = vector.shape_cast %parallel_loop3A_438 : vector<16xf32> to vector<16xf32>
        tpu.vector_store %parallel_loop3A_449[%parallel_loop3A_450], %parallel_loop3A_453 {strides = array<i32>} : memref<3200xf32, #tpu.memory_space<vmem>>, vector<16xf32>,
        %parallel_loop3A_454 = arith.constant 50 : i32
        %parallel_loop3A_455 = arith.addi %parallel_loop3A_454, %parallel_loop3A_397 : i32
        %parallel_loop3A_456 = arith.constant 0 : i32
        %parallel_loop3A_457 = arith.constant 0 : i32
        %parallel_loop3A_458 = tpu.memref_slice %arg6[%parallel_loop3A_282, %parallel_loop3A_456, %parallel_loop3A_457] : memref<4x200x64xf32, #tpu.memory_space<vmem>> -> memref<1x200x64xf32, #tpu.memory_space<vmem>>
        %parallel_loop3A_459 = tpu.memref_squeeze %parallel_loop3A_458 : memref<1x200x64xf32, #tpu.memory_space<vmem>> -> memref<200x64xf32, #tpu.memory_space<vmem>>
        %parallel_loop3A_460 = arith.index_cast %parallel_loop3A_455 : i32 to index
        %parallel_loop3A_461 = arith.constant 32 : index
        %parallel_loop3A_462 = tpu.vector_load %parallel_loop3A_459[%parallel_loop3A_460, %parallel_loop3A_461] {strides = array<i32>} : memref<200x64xf32, #tpu.memory_space<vmem>>, vector<1x16xf32>,
        %parallel_loop3A_463 = vector.shape_cast %parallel_loop3A_462 : vector<1x16xf32> to vector<16xf32>
        %parallel_loop3A_464 = arith.constant 8.000000e+00 : f32
        %parallel_loop3A_465 = vector.broadcast %parallel_loop3A_464 : f32 to vector<16xf32>
        %parallel_loop3A_466 = arith.mulf %parallel_loop3A_463, %parallel_loop3A_465 : vector<16xf32>
        %parallel_loop3A_467 = arith.constant 64 : i32
        %parallel_loop3A_468 = arith.muli %parallel_loop3A_397, %parallel_loop3A_467 : i32
        %parallel_loop3A_469 = arith.constant 32 : i32
        %parallel_loop3A_470 = arith.addi %parallel_loop3A_468, %parallel_loop3A_469 : i32
        %parallel_loop3A_471 = arith.constant 0 : i32
        %parallel_loop3A_472 = arith.constant 0 : i32
        %parallel_loop3A_473 = tpu.memref_slice %arg7[%parallel_loop3A_283, %parallel_loop3A_471, %parallel_loop3A_472] : memref<4x4x3200xf32, #tpu.memory_space<vmem>> -> memref<1x4x3200xf32, #tpu.memory_space<vmem>>
        %parallel_loop3A_474 = tpu.memref_squeeze %parallel_loop3A_473 : memref<1x4x3200xf32, #tpu.memory_space<vmem>> -> memref<4x3200xf32, #tpu.memory_space<vmem>>
        %parallel_loop3A_475 = arith.constant 0 : i32
        %parallel_loop3A_476 = tpu.memref_slice %parallel_loop3A_474[%parallel_loop3A_284, %parallel_loop3A_475] : memref<4x3200xf32, #tpu.memory_space<vmem>> -> memref<1x3200xf32, #tpu.memory_space<vmem>>
        %parallel_loop3A_477 = tpu.memref_squeeze %parallel_loop3A_476 : memref<1x3200xf32, #tpu.memory_space<vmem>> -> memref<3200xf32, #tpu.memory_space<vmem>>
        %parallel_loop3A_478 = arith.index_cast %parallel_loop3A_470 : i32 to index
        %parallel_loop3A_479 = tpu.vector_load %parallel_loop3A_477[%parallel_loop3A_478] {strides = array<i32>} : memref<3200xf32, #tpu.memory_space<vmem>>, vector<16xf32>,
        %parallel_loop3A_480 = vector.shape_cast %parallel_loop3A_479 : vector<16xf32> to vector<16xf32>
        %parallel_loop3A_481 = vector.shape_cast %parallel_loop3A_466 : vector<16xf32> to vector<16xf32>
        tpu.vector_store %parallel_loop3A_477[%parallel_loop3A_478], %parallel_loop3A_481 {strides = array<i32>} : memref<3200xf32, #tpu.memory_space<vmem>>, vector<16xf32>,
        %parallel_loop3A_482 = arith.constant 50 : i32
        %parallel_loop3A_483 = arith.addi %parallel_loop3A_482, %parallel_loop3A_397 : i32
        %parallel_loop3A_484 = arith.constant 0 : i32
        %parallel_loop3A_485 = arith.constant 0 : i32
        %parallel_loop3A_486 = tpu.memref_slice %arg6[%parallel_loop3A_282, %parallel_loop3A_484, %parallel_loop3A_485] : memref<4x200x64xf32, #tpu.memory_space<vmem>> -> memref<1x200x64xf32, #tpu.memory_space<vmem>>
        %parallel_loop3A_487 = tpu.memref_squeeze %parallel_loop3A_486 : memref<1x200x64xf32, #tpu.memory_space<vmem>> -> memref<200x64xf32, #tpu.memory_space<vmem>>
        %parallel_loop3A_488 = arith.index_cast %parallel_loop3A_483 : i32 to index
        %parallel_loop3A_489 = arith.constant 48 : index
        %parallel_loop3A_490 = tpu.vector_load %parallel_loop3A_487[%parallel_loop3A_488, %parallel_loop3A_489] {strides = array<i32>} : memref<200x64xf32, #tpu.memory_space<vmem>>, vector<1x16xf32>,
        %parallel_loop3A_491 = vector.shape_cast %parallel_loop3A_490 : vector<1x16xf32> to vector<16xf32>
        %parallel_loop3A_492 = arith.constant 8.000000e+00 : f32
        %parallel_loop3A_493 = vector.broadcast %parallel_loop3A_492 : f32 to vector<16xf32>
        %parallel_loop3A_494 = arith.mulf %parallel_loop3A_491, %parallel_loop3A_493 : vector<16xf32>
        %parallel_loop3A_495 = arith.constant 64 : i32
        %parallel_loop3A_496 = arith.muli %parallel_loop3A_397, %parallel_loop3A_495 : i32
        %parallel_loop3A_497 = arith.constant 48 : i32
        %parallel_loop3A_498 = arith.addi %parallel_loop3A_496, %parallel_loop3A_497 : i32
        %parallel_loop3A_499 = arith.constant 0 : i32
        %parallel_loop3A_500 = arith.constant 0 : i32
        %parallel_loop3A_501 = tpu.memref_slice %arg7[%parallel_loop3A_283, %parallel_loop3A_499, %parallel_loop3A_500] : memref<4x4x3200xf32, #tpu.memory_space<vmem>> -> memref<1x4x3200xf32, #tpu.memory_space<vmem>>
        %parallel_loop3A_502 = tpu.memref_squeeze %parallel_loop3A_501 : memref<1x4x3200xf32, #tpu.memory_space<vmem>> -> memref<4x3200xf32, #tpu.memory_space<vmem>>
        %parallel_loop3A_503 = arith.constant 0 : i32
        %parallel_loop3A_504 = tpu.memref_slice %parallel_loop3A_502[%parallel_loop3A_284, %parallel_loop3A_503] : memref<4x3200xf32, #tpu.memory_space<vmem>> -> memref<1x3200xf32, #tpu.memory_space<vmem>>
        %parallel_loop3A_505 = tpu.memref_squeeze %parallel_loop3A_504 : memref<1x3200xf32, #tpu.memory_space<vmem>> -> memref<3200xf32, #tpu.memory_space<vmem>>
        %parallel_loop3A_506 = arith.index_cast %parallel_loop3A_498 : i32 to index
        %parallel_loop3A_507 = tpu.vector_load %parallel_loop3A_505[%parallel_loop3A_506] {strides = array<i32>} : memref<3200xf32, #tpu.memory_space<vmem>>, vector<16xf32>,
        %parallel_loop3A_508 = vector.shape_cast %parallel_loop3A_507 : vector<16xf32> to vector<16xf32>
        %parallel_loop3A_509 = vector.shape_cast %parallel_loop3A_494 : vector<16xf32> to vector<16xf32>
        tpu.vector_store %parallel_loop3A_505[%parallel_loop3A_506], %parallel_loop3A_509 {strides = array<i32>} : memref<3200xf32, #tpu.memory_space<vmem>>, vector<16xf32>,
      } {sc.loop_unroll_factor = 5 : i64, sc.parallel_access}
      %parallel_loop3A_285 = arith.constant 0 : i32
      %parallel_loop3A_286 = arith.constant 50 : i32
      %parallel_loop3A_287 = arith.constant 1 : i32
      %parallel_loop3A_288 = arith.constant 2 : i32
      %parallel_loop3A_289 = arith.constant 2 : i32
      %parallel_loop3A_290 = arith.constant 2 : i32
      scf.for %parallel_loop3A_397 = %parallel_loop3A_285 to %parallel_loop3A_286 step %parallel_loop3A_287  : i32 {
        %parallel_loop3A_398 = arith.constant 100 : i32
        %parallel_loop3A_399 = arith.addi %parallel_loop3A_398, %parallel_loop3A_397 : i32
        %parallel_loop3A_400 = arith.constant 0 : i32
        %parallel_loop3A_401 = arith.constant 0 : i32
        %parallel_loop3A_402 = tpu.memref_slice %arg6[%parallel_loop3A_288, %parallel_loop3A_400, %parallel_loop3A_401] : memref<4x200x64xf32, #tpu.memory_space<vmem>> -> memref<1x200x64xf32, #tpu.memory_space<vmem>>
        %parallel_loop3A_403 = tpu.memref_squeeze %parallel_loop3A_402 : memref<1x200x64xf32, #tpu.memory_space<vmem>> -> memref<200x64xf32, #tpu.memory_space<vmem>>
        %parallel_loop3A_404 = arith.index_cast %parallel_loop3A_399 : i32 to index
        %parallel_loop3A_405 = arith.constant 0 : index
        %parallel_loop3A_406 = tpu.vector_load %parallel_loop3A_403[%parallel_loop3A_404, %parallel_loop3A_405] {strides = array<i32>} : memref<200x64xf32, #tpu.memory_space<vmem>>, vector<1x16xf32>,
        %parallel_loop3A_407 = vector.shape_cast %parallel_loop3A_406 : vector<1x16xf32> to vector<16xf32>
        %parallel_loop3A_408 = arith.constant 8.000000e+00 : f32
        %parallel_loop3A_409 = vector.broadcast %parallel_loop3A_408 : f32 to vector<16xf32>
        %parallel_loop3A_410 = arith.mulf %parallel_loop3A_407, %parallel_loop3A_409 : vector<16xf32>
        %parallel_loop3A_411 = arith.constant 64 : i32
        %parallel_loop3A_412 = arith.muli %parallel_loop3A_397, %parallel_loop3A_411 : i32
        %parallel_loop3A_413 = arith.constant 0 : i32
        %parallel_loop3A_414 = arith.addi %parallel_loop3A_412, %parallel_loop3A_413 : i32
        %parallel_loop3A_415 = arith.constant 0 : i32
        %parallel_loop3A_416 = arith.constant 0 : i32
        %parallel_loop3A_417 = tpu.memref_slice %arg7[%parallel_loop3A_289, %parallel_loop3A_415, %parallel_loop3A_416] : memref<4x4x3200xf32, #tpu.memory_space<vmem>> -> memref<1x4x3200xf32, #tpu.memory_space<vmem>>
        %parallel_loop3A_418 = tpu.memref_squeeze %parallel_loop3A_417 : memref<1x4x3200xf32, #tpu.memory_space<vmem>> -> memref<4x3200xf32, #tpu.memory_space<vmem>>
        %parallel_loop3A_419 = arith.constant 0 : i32
        %parallel_loop3A_420 = tpu.memref_slice %parallel_loop3A_418[%parallel_loop3A_290, %parallel_loop3A_419] : memref<4x3200xf32, #tpu.memory_space<vmem>> -> memref<1x3200xf32, #tpu.memory_space<vmem>>
        %parallel_loop3A_421 = tpu.memref_squeeze %parallel_loop3A_420 : memref<1x3200xf32, #tpu.memory_space<vmem>> -> memref<3200xf32, #tpu.memory_space<vmem>>
        %parallel_loop3A_422 = arith.index_cast %parallel_loop3A_414 : i32 to index
        %parallel_loop3A_423 = tpu.vector_load %parallel_loop3A_421[%parallel_loop3A_422] {strides = array<i32>} : memref<3200xf32, #tpu.memory_space<vmem>>, vector<16xf32>,
        %parallel_loop3A_424 = vector.shape_cast %parallel_loop3A_423 : vector<16xf32> to vector<16xf32>
        %parallel_loop3A_425 = vector.shape_cast %parallel_loop3A_410 : vector<16xf32> to vector<16xf32>
        tpu.vector_store %parallel_loop3A_421[%parallel_loop3A_422], %parallel_loop3A_425 {strides = array<i32>} : memref<3200xf32, #tpu.memory_space<vmem>>, vector<16xf32>,
        %parallel_loop3A_426 = arith.constant 100 : i32
        %parallel_loop3A_427 = arith.addi %parallel_loop3A_426, %parallel_loop3A_397 : i32
        %parallel_loop3A_428 = arith.constant 0 : i32
        %parallel_loop3A_429 = arith.constant 0 : i32
        %parallel_loop3A_430 = tpu.memref_slice %arg6[%parallel_loop3A_288, %parallel_loop3A_428, %parallel_loop3A_429] : memref<4x200x64xf32, #tpu.memory_space<vmem>> -> memref<1x200x64xf32, #tpu.memory_space<vmem>>
        %parallel_loop3A_431 = tpu.memref_squeeze %parallel_loop3A_430 : memref<1x200x64xf32, #tpu.memory_space<vmem>> -> memref<200x64xf32, #tpu.memory_space<vmem>>
        %parallel_loop3A_432 = arith.index_cast %parallel_loop3A_427 : i32 to index
        %parallel_loop3A_433 = arith.constant 16 : index
        %parallel_loop3A_434 = tpu.vector_load %parallel_loop3A_431[%parallel_loop3A_432, %parallel_loop3A_433] {strides = array<i32>} : memref<200x64xf32, #tpu.memory_space<vmem>>, vector<1x16xf32>,
        %parallel_loop3A_435 = vector.shape_cast %parallel_loop3A_434 : vector<1x16xf32> to vector<16xf32>
        %parallel_loop3A_436 = arith.constant 8.000000e+00 : f32
        %parallel_loop3A_437 = vector.broadcast %parallel_loop3A_436 : f32 to vector<16xf32>
        %parallel_loop3A_438 = arith.mulf %parallel_loop3A_435, %parallel_loop3A_437 : vector<16xf32>
        %parallel_loop3A_439 = arith.constant 64 : i32
        %parallel_loop3A_440 = arith.muli %parallel_loop3A_397, %parallel_loop3A_439 : i32
        %parallel_loop3A_441 = arith.constant 16 : i32
        %parallel_loop3A_442 = arith.addi %parallel_loop3A_440, %parallel_loop3A_441 : i32
        %parallel_loop3A_443 = arith.constant 0 : i32
        %parallel_loop3A_444 = arith.constant 0 : i32
        %parallel_loop3A_445 = tpu.memref_slice %arg7[%parallel_loop3A_289, %parallel_loop3A_443, %parallel_loop3A_444] : memref<4x4x3200xf32, #tpu.memory_space<vmem>> -> memref<1x4x3200xf32, #tpu.memory_space<vmem>>
        %parallel_loop3A_446 = tpu.memref_squeeze %parallel_loop3A_445 : memref<1x4x3200xf32, #tpu.memory_space<vmem>> -> memref<4x3200xf32, #tpu.memory_space<vmem>>
        %parallel_loop3A_447 = arith.constant 0 : i32
        %parallel_loop3A_448 = tpu.memref_slice %parallel_loop3A_446[%parallel_loop3A_290, %parallel_loop3A_447] : memref<4x3200xf32, #tpu.memory_space<vmem>> -> memref<1x3200xf32, #tpu.memory_space<vmem>>
        %parallel_loop3A_449 = tpu.memref_squeeze %parallel_loop3A_448 : memref<1x3200xf32, #tpu.memory_space<vmem>> -> memref<3200xf32, #tpu.memory_space<vmem>>
        %parallel_loop3A_450 = arith.index_cast %parallel_loop3A_442 : i32 to index
        %parallel_loop3A_451 = tpu.vector_load %parallel_loop3A_449[%parallel_loop3A_450] {strides = array<i32>} : memref<3200xf32, #tpu.memory_space<vmem>>, vector<16xf32>,
        %parallel_loop3A_452 = vector.shape_cast %parallel_loop3A_451 : vector<16xf32> to vector<16xf32>
        %parallel_loop3A_453 = vector.shape_cast %parallel_loop3A_438 : vector<16xf32> to vector<16xf32>
        tpu.vector_store %parallel_loop3A_449[%parallel_loop3A_450], %parallel_loop3A_453 {strides = array<i32>} : memref<3200xf32, #tpu.memory_space<vmem>>, vector<16xf32>,
        %parallel_loop3A_454 = arith.constant 100 : i32
        %parallel_loop3A_455 = arith.addi %parallel_loop3A_454, %parallel_loop3A_397 : i32
        %parallel_loop3A_456 = arith.constant 0 : i32
        %parallel_loop3A_457 = arith.constant 0 : i32
        %parallel_loop3A_458 = tpu.memref_slice %arg6[%parallel_loop3A_288, %parallel_loop3A_456, %parallel_loop3A_457] : memref<4x200x64xf32, #tpu.memory_space<vmem>> -> memref<1x200x64xf32, #tpu.memory_space<vmem>>
        %parallel_loop3A_459 = tpu.memref_squeeze %parallel_loop3A_458 : memref<1x200x64xf32, #tpu.memory_space<vmem>> -> memref<200x64xf32, #tpu.memory_space<vmem>>
        %parallel_loop3A_460 = arith.index_cast %parallel_loop3A_455 : i32 to index
        %parallel_loop3A_461 = arith.constant 32 : index
        %parallel_loop3A_462 = tpu.vector_load %parallel_loop3A_459[%parallel_loop3A_460, %parallel_loop3A_461] {strides = array<i32>} : memref<200x64xf32, #tpu.memory_space<vmem>>, vector<1x16xf32>,
        %parallel_loop3A_463 = vector.shape_cast %parallel_loop3A_462 : vector<1x16xf32> to vector<16xf32>
        %parallel_loop3A_464 = arith.constant 8.000000e+00 : f32
        %parallel_loop3A_465 = vector.broadcast %parallel_loop3A_464 : f32 to vector<16xf32>
        %parallel_loop3A_466 = arith.mulf %parallel_loop3A_463, %parallel_loop3A_465 : vector<16xf32>
        %parallel_loop3A_467 = arith.constant 64 : i32
        %parallel_loop3A_468 = arith.muli %parallel_loop3A_397, %parallel_loop3A_467 : i32
        %parallel_loop3A_469 = arith.constant 32 : i32
        %parallel_loop3A_470 = arith.addi %parallel_loop3A_468, %parallel_loop3A_469 : i32
        %parallel_loop3A_471 = arith.constant 0 : i32
        %parallel_loop3A_472 = arith.constant 0 : i32
        %parallel_loop3A_473 = tpu.memref_slice %arg7[%parallel_loop3A_289, %parallel_loop3A_471, %parallel_loop3A_472] : memref<4x4x3200xf32, #tpu.memory_space<vmem>> -> memref<1x4x3200xf32, #tpu.memory_space<vmem>>
        %parallel_loop3A_474 = tpu.memref_squeeze %parallel_loop3A_473 : memref<1x4x3200xf32, #tpu.memory_space<vmem>> -> memref<4x3200xf32, #tpu.memory_space<vmem>>
        %parallel_loop3A_475 = arith.constant 0 : i32
        %parallel_loop3A_476 = tpu.memref_slice %parallel_loop3A_474[%parallel_loop3A_290, %parallel_loop3A_475] : memref<4x3200xf32, #tpu.memory_space<vmem>> -> memref<1x3200xf32, #tpu.memory_space<vmem>>
        %parallel_loop3A_477 = tpu.memref_squeeze %parallel_loop3A_476 : memref<1x3200xf32, #tpu.memory_space<vmem>> -> memref<3200xf32, #tpu.memory_space<vmem>>
        %parallel_loop3A_478 = arith.index_cast %parallel_loop3A_470 : i32 to index
        %parallel_loop3A_479 = tpu.vector_load %parallel_loop3A_477[%parallel_loop3A_478] {strides = array<i32>} : memref<3200xf32, #tpu.memory_space<vmem>>, vector<16xf32>,
        %parallel_loop3A_480 = vector.shape_cast %parallel_loop3A_479 : vector<16xf32> to vector<16xf32>
        %parallel_loop3A_481 = vector.shape_cast %parallel_loop3A_466 : vector<16xf32> to vector<16xf32>
        tpu.vector_store %parallel_loop3A_477[%parallel_loop3A_478], %parallel_loop3A_481 {strides = array<i32>} : memref<3200xf32, #tpu.memory_space<vmem>>, vector<16xf32>,
        %parallel_loop3A_482 = arith.constant 100 : i32
        %parallel_loop3A_483 = arith.addi %parallel_loop3A_482, %parallel_loop3A_397 : i32
        %parallel_loop3A_484 = arith.constant 0 : i32
        %parallel_loop3A_485 = arith.constant 0 : i32
        %parallel_loop3A_486 = tpu.memref_slice %arg6[%parallel_loop3A_288, %parallel_loop3A_484, %parallel_loop3A_485] : memref<4x200x64xf32, #tpu.memory_space<vmem>> -> memref<1x200x64xf32, #tpu.memory_space<vmem>>
        %parallel_loop3A_487 = tpu.memref_squeeze %parallel_loop3A_486 : memref<1x200x64xf32, #tpu.memory_space<vmem>> -> memref<200x64xf32, #tpu.memory_space<vmem>>
        %parallel_loop3A_488 = arith.index_cast %parallel_loop3A_483 : i32 to index
        %parallel_loop3A_489 = arith.constant 48 : index
        %parallel_loop3A_490 = tpu.vector_load %parallel_loop3A_487[%parallel_loop3A_488, %parallel_loop3A_489] {strides = array<i32>} : memref<200x64xf32, #tpu.memory_space<vmem>>, vector<1x16xf32>,
        %parallel_loop3A_491 = vector.shape_cast %parallel_loop3A_490 : vector<1x16xf32> to vector<16xf32>
        %parallel_loop3A_492 = arith.constant 8.000000e+00 : f32
        %parallel_loop3A_493 = vector.broadcast %parallel_loop3A_492 : f32 to vector<16xf32>
        %parallel_loop3A_494 = arith.mulf %parallel_loop3A_491, %parallel_loop3A_493 : vector<16xf32>
        %parallel_loop3A_495 = arith.constant 64 : i32
        %parallel_loop3A_496 = arith.muli %parallel_loop3A_397, %parallel_loop3A_495 : i32
        %parallel_loop3A_497 = arith.constant 48 : i32
        %parallel_loop3A_498 = arith.addi %parallel_loop3A_496, %parallel_loop3A_497 : i32
        %parallel_loop3A_499 = arith.constant 0 : i32
        %parallel_loop3A_500 = arith.constant 0 : i32
        %parallel_loop3A_501 = tpu.memref_slice %arg7[%parallel_loop3A_289, %parallel_loop3A_499, %parallel_loop3A_500] : memref<4x4x3200xf32, #tpu.memory_space<vmem>> -> memref<1x4x3200xf32, #tpu.memory_space<vmem>>
        %parallel_loop3A_502 = tpu.memref_squeeze %parallel_loop3A_501 : memref<1x4x3200xf32, #tpu.memory_space<vmem>> -> memref<4x3200xf32, #tpu.memory_space<vmem>>
        %parallel_loop3A_503 = arith.constant 0 : i32
        %parallel_loop3A_504 = tpu.memref_slice %parallel_loop3A_502[%parallel_loop3A_290, %parallel_loop3A_503] : memref<4x3200xf32, #tpu.memory_space<vmem>> -> memref<1x3200xf32, #tpu.memory_space<vmem>>
        %parallel_loop3A_505 = tpu.memref_squeeze %parallel_loop3A_504 : memref<1x3200xf32, #tpu.memory_space<vmem>> -> memref<3200xf32, #tpu.memory_space<vmem>>
        %parallel_loop3A_506 = arith.index_cast %parallel_loop3A_498 : i32 to index
        %parallel_loop3A_507 = tpu.vector_load %parallel_loop3A_505[%parallel_loop3A_506] {strides = array<i32>} : memref<3200xf32, #tpu.memory_space<vmem>>, vector<16xf32>,
        %parallel_loop3A_508 = vector.shape_cast %parallel_loop3A_507 : vector<16xf32> to vector<16xf32>
        %parallel_loop3A_509 = vector.shape_cast %parallel_loop3A_494 : vector<16xf32> to vector<16xf32>
        tpu.vector_store %parallel_loop3A_505[%parallel_loop3A_506], %parallel_loop3A_509 {strides = array<i32>} : memref<3200xf32, #tpu.memory_space<vmem>>, vector<16xf32>,
      } {sc.loop_unroll_factor = 5 : i64, sc.parallel_access}
      %parallel_loop3A_291 = arith.constant 0 : i32
      %parallel_loop3A_292 = arith.constant 50 : i32
      %parallel_loop3A_293 = arith.constant 1 : i32
      %parallel_loop3A_294 = arith.constant 2 : i32
      %parallel_loop3A_295 = arith.constant 2 : i32
      %parallel_loop3A_296 = arith.constant 3 : i32
      scf.for %parallel_loop3A_397 = %parallel_loop3A_291 to %parallel_loop3A_292 step %parallel_loop3A_293  : i32 {
        %parallel_loop3A_398 = arith.constant 150 : i32
        %parallel_loop3A_399 = arith.addi %parallel_loop3A_398, %parallel_loop3A_397 : i32
        %parallel_loop3A_400 = arith.constant 0 : i32
        %parallel_loop3A_401 = arith.constant 0 : i32
        %parallel_loop3A_402 = tpu.memref_slice %arg6[%parallel_loop3A_294, %parallel_loop3A_400, %parallel_loop3A_401] : memref<4x200x64xf32, #tpu.memory_space<vmem>> -> memref<1x200x64xf32, #tpu.memory_space<vmem>>
        %parallel_loop3A_403 = tpu.memref_squeeze %parallel_loop3A_402 : memref<1x200x64xf32, #tpu.memory_space<vmem>> -> memref<200x64xf32, #tpu.memory_space<vmem>>
        %parallel_loop3A_404 = arith.index_cast %parallel_loop3A_399 : i32 to index
        %parallel_loop3A_405 = arith.constant 0 : index
        %parallel_loop3A_406 = tpu.vector_load %parallel_loop3A_403[%parallel_loop3A_404, %parallel_loop3A_405] {strides = array<i32>} : memref<200x64xf32, #tpu.memory_space<vmem>>, vector<1x16xf32>,
        %parallel_loop3A_407 = vector.shape_cast %parallel_loop3A_406 : vector<1x16xf32> to vector<16xf32>
        %parallel_loop3A_408 = arith.constant 8.000000e+00 : f32
        %parallel_loop3A_409 = vector.broadcast %parallel_loop3A_408 : f32 to vector<16xf32>
        %parallel_loop3A_410 = arith.mulf %parallel_loop3A_407, %parallel_loop3A_409 : vector<16xf32>
        %parallel_loop3A_411 = arith.constant 64 : i32
        %parallel_loop3A_412 = arith.muli %parallel_loop3A_397, %parallel_loop3A_411 : i32
        %parallel_loop3A_413 = arith.constant 0 : i32
        %parallel_loop3A_414 = arith.addi %parallel_loop3A_412, %parallel_loop3A_413 : i32
        %parallel_loop3A_415 = arith.constant 0 : i32
        %parallel_loop3A_416 = arith.constant 0 : i32
        %parallel_loop3A_417 = tpu.memref_slice %arg7[%parallel_loop3A_295, %parallel_loop3A_415, %parallel_loop3A_416] : memref<4x4x3200xf32, #tpu.memory_space<vmem>> -> memref<1x4x3200xf32, #tpu.memory_space<vmem>>
        %parallel_loop3A_418 = tpu.memref_squeeze %parallel_loop3A_417 : memref<1x4x3200xf32, #tpu.memory_space<vmem>> -> memref<4x3200xf32, #tpu.memory_space<vmem>>
        %parallel_loop3A_419 = arith.constant 0 : i32
        %parallel_loop3A_420 = tpu.memref_slice %parallel_loop3A_418[%parallel_loop3A_296, %parallel_loop3A_419] : memref<4x3200xf32, #tpu.memory_space<vmem>> -> memref<1x3200xf32, #tpu.memory_space<vmem>>
        %parallel_loop3A_421 = tpu.memref_squeeze %parallel_loop3A_420 : memref<1x3200xf32, #tpu.memory_space<vmem>> -> memref<3200xf32, #tpu.memory_space<vmem>>
        %parallel_loop3A_422 = arith.index_cast %parallel_loop3A_414 : i32 to index
        %parallel_loop3A_423 = tpu.vector_load %parallel_loop3A_421[%parallel_loop3A_422] {strides = array<i32>} : memref<3200xf32, #tpu.memory_space<vmem>>, vector<16xf32>,
        %parallel_loop3A_424 = vector.shape_cast %parallel_loop3A_423 : vector<16xf32> to vector<16xf32>
        %parallel_loop3A_425 = vector.shape_cast %parallel_loop3A_410 : vector<16xf32> to vector<16xf32>
        tpu.vector_store %parallel_loop3A_421[%parallel_loop3A_422], %parallel_loop3A_425 {strides = array<i32>} : memref<3200xf32, #tpu.memory_space<vmem>>, vector<16xf32>,
        %parallel_loop3A_426 = arith.constant 150 : i32
        %parallel_loop3A_427 = arith.addi %parallel_loop3A_426, %parallel_loop3A_397 : i32
        %parallel_loop3A_428 = arith.constant 0 : i32
        %parallel_loop3A_429 = arith.constant 0 : i32
        %parallel_loop3A_430 = tpu.memref_slice %arg6[%parallel_loop3A_294, %parallel_loop3A_428, %parallel_loop3A_429] : memref<4x200x64xf32, #tpu.memory_space<vmem>> -> memref<1x200x64xf32, #tpu.memory_space<vmem>>
        %parallel_loop3A_431 = tpu.memref_squeeze %parallel_loop3A_430 : memref<1x200x64xf32, #tpu.memory_space<vmem>> -> memref<200x64xf32, #tpu.memory_space<vmem>>
        %parallel_loop3A_432 = arith.index_cast %parallel_loop3A_427 : i32 to index
        %parallel_loop3A_433 = arith.constant 16 : index
        %parallel_loop3A_434 = tpu.vector_load %parallel_loop3A_431[%parallel_loop3A_432, %parallel_loop3A_433] {strides = array<i32>} : memref<200x64xf32, #tpu.memory_space<vmem>>, vector<1x16xf32>,
        %parallel_loop3A_435 = vector.shape_cast %parallel_loop3A_434 : vector<1x16xf32> to vector<16xf32>
        %parallel_loop3A_436 = arith.constant 8.000000e+00 : f32
        %parallel_loop3A_437 = vector.broadcast %parallel_loop3A_436 : f32 to vector<16xf32>
        %parallel_loop3A_438 = arith.mulf %parallel_loop3A_435, %parallel_loop3A_437 : vector<16xf32>
        %parallel_loop3A_439 = arith.constant 64 : i32
        %parallel_loop3A_440 = arith.muli %parallel_loop3A_397, %parallel_loop3A_439 : i32
        %parallel_loop3A_441 = arith.constant 16 : i32
        %parallel_loop3A_442 = arith.addi %parallel_loop3A_440, %parallel_loop3A_441 : i32
        %parallel_loop3A_443 = arith.constant 0 : i32
        %parallel_loop3A_444 = arith.constant 0 : i32
        %parallel_loop3A_445 = tpu.memref_slice %arg7[%parallel_loop3A_295, %parallel_loop3A_443, %parallel_loop3A_444] : memref<4x4x3200xf32, #tpu.memory_space<vmem>> -> memref<1x4x3200xf32, #tpu.memory_space<vmem>>
        %parallel_loop3A_446 = tpu.memref_squeeze %parallel_loop3A_445 : memref<1x4x3200xf32, #tpu.memory_space<vmem>> -> memref<4x3200xf32, #tpu.memory_space<vmem>>
        %parallel_loop3A_447 = arith.constant 0 : i32
        %parallel_loop3A_448 = tpu.memref_slice %parallel_loop3A_446[%parallel_loop3A_296, %parallel_loop3A_447] : memref<4x3200xf32, #tpu.memory_space<vmem>> -> memref<1x3200xf32, #tpu.memory_space<vmem>>
        %parallel_loop3A_449 = tpu.memref_squeeze %parallel_loop3A_448 : memref<1x3200xf32, #tpu.memory_space<vmem>> -> memref<3200xf32, #tpu.memory_space<vmem>>
        %parallel_loop3A_450 = arith.index_cast %parallel_loop3A_442 : i32 to index
        %parallel_loop3A_451 = tpu.vector_load %parallel_loop3A_449[%parallel_loop3A_450] {strides = array<i32>} : memref<3200xf32, #tpu.memory_space<vmem>>, vector<16xf32>,
        %parallel_loop3A_452 = vector.shape_cast %parallel_loop3A_451 : vector<16xf32> to vector<16xf32>
        %parallel_loop3A_453 = vector.shape_cast %parallel_loop3A_438 : vector<16xf32> to vector<16xf32>
        tpu.vector_store %parallel_loop3A_449[%parallel_loop3A_450], %parallel_loop3A_453 {strides = array<i32>} : memref<3200xf32, #tpu.memory_space<vmem>>, vector<16xf32>,
        %parallel_loop3A_454 = arith.constant 150 : i32
        %parallel_loop3A_455 = arith.addi %parallel_loop3A_454, %parallel_loop3A_397 : i32
        %parallel_loop3A_456 = arith.constant 0 : i32
        %parallel_loop3A_457 = arith.constant 0 : i32
        %parallel_loop3A_458 = tpu.memref_slice %arg6[%parallel_loop3A_294, %parallel_loop3A_456, %parallel_loop3A_457] : memref<4x200x64xf32, #tpu.memory_space<vmem>> -> memref<1x200x64xf32, #tpu.memory_space<vmem>>
        %parallel_loop3A_459 = tpu.memref_squeeze %parallel_loop3A_458 : memref<1x200x64xf32, #tpu.memory_space<vmem>> -> memref<200x64xf32, #tpu.memory_space<vmem>>
        %parallel_loop3A_460 = arith.index_cast %parallel_loop3A_455 : i32 to index
        %parallel_loop3A_461 = arith.constant 32 : index
        %parallel_loop3A_462 = tpu.vector_load %parallel_loop3A_459[%parallel_loop3A_460, %parallel_loop3A_461] {strides = array<i32>} : memref<200x64xf32, #tpu.memory_space<vmem>>, vector<1x16xf32>,
        %parallel_loop3A_463 = vector.shape_cast %parallel_loop3A_462 : vector<1x16xf32> to vector<16xf32>
        %parallel_loop3A_464 = arith.constant 8.000000e+00 : f32
        %parallel_loop3A_465 = vector.broadcast %parallel_loop3A_464 : f32 to vector<16xf32>
        %parallel_loop3A_466 = arith.mulf %parallel_loop3A_463, %parallel_loop3A_465 : vector<16xf32>
        %parallel_loop3A_467 = arith.constant 64 : i32
        %parallel_loop3A_468 = arith.muli %parallel_loop3A_397, %parallel_loop3A_467 : i32
        %parallel_loop3A_469 = arith.constant 32 : i32
        %parallel_loop3A_470 = arith.addi %parallel_loop3A_468, %parallel_loop3A_469 : i32
        %parallel_loop3A_471 = arith.constant 0 : i32
        %parallel_loop3A_472 = arith.constant 0 : i32
        %parallel_loop3A_473 = tpu.memref_slice %arg7[%parallel_loop3A_295, %parallel_loop3A_471, %parallel_loop3A_472] : memref<4x4x3200xf32, #tpu.memory_space<vmem>> -> memref<1x4x3200xf32, #tpu.memory_space<vmem>>
        %parallel_loop3A_474 = tpu.memref_squeeze %parallel_loop3A_473 : memref<1x4x3200xf32, #tpu.memory_space<vmem>> -> memref<4x3200xf32, #tpu.memory_space<vmem>>
        %parallel_loop3A_475 = arith.constant 0 : i32
        %parallel_loop3A_476 = tpu.memref_slice %parallel_loop3A_474[%parallel_loop3A_296, %parallel_loop3A_475] : memref<4x3200xf32, #tpu.memory_space<vmem>> -> memref<1x3200xf32, #tpu.memory_space<vmem>>
        %parallel_loop3A_477 = tpu.memref_squeeze %parallel_loop3A_476 : memref<1x3200xf32, #tpu.memory_space<vmem>> -> memref<3200xf32, #tpu.memory_space<vmem>>
        %parallel_loop3A_478 = arith.index_cast %parallel_loop3A_470 : i32 to index
        %parallel_loop3A_479 = tpu.vector_load %parallel_loop3A_477[%parallel_loop3A_478] {strides = array<i32>} : memref<3200xf32, #tpu.memory_space<vmem>>, vector<16xf32>,
        %parallel_loop3A_480 = vector.shape_cast %parallel_loop3A_479 : vector<16xf32> to vector<16xf32>
        %parallel_loop3A_481 = vector.shape_cast %parallel_loop3A_466 : vector<16xf32> to vector<16xf32>
        tpu.vector_store %parallel_loop3A_477[%parallel_loop3A_478], %parallel_loop3A_481 {strides = array<i32>} : memref<3200xf32, #tpu.memory_space<vmem>>, vector<16xf32>,
        %parallel_loop3A_482 = arith.constant 150 : i32
        %parallel_loop3A_483 = arith.addi %parallel_loop3A_482, %parallel_loop3A_397 : i32
        %parallel_loop3A_484 = arith.constant 0 : i32
        %parallel_loop3A_485 = arith.constant 0 : i32
        %parallel_loop3A_486 = tpu.memref_slice %arg6[%parallel_loop3A_294, %parallel_loop3A_484, %parallel_loop3A_485] : memref<4x200x64xf32, #tpu.memory_space<vmem>> -> memref<1x200x64xf32, #tpu.memory_space<vmem>>
        %parallel_loop3A_487 = tpu.memref_squeeze %parallel_loop3A_486 : memref<1x200x64xf32, #tpu.memory_space<vmem>> -> memref<200x64xf32, #tpu.memory_space<vmem>>
        %parallel_loop3A_488 = arith.index_cast %parallel_loop3A_483 : i32 to index
        %parallel_loop3A_489 = arith.constant 48 : index
        %parallel_loop3A_490 = tpu.vector_load %parallel_loop3A_487[%parallel_loop3A_488, %parallel_loop3A_489] {strides = array<i32>} : memref<200x64xf32, #tpu.memory_space<vmem>>, vector<1x16xf32>,
        %parallel_loop3A_491 = vector.shape_cast %parallel_loop3A_490 : vector<1x16xf32> to vector<16xf32>
        %parallel_loop3A_492 = arith.constant 8.000000e+00 : f32
        %parallel_loop3A_493 = vector.broadcast %parallel_loop3A_492 : f32 to vector<16xf32>
        %parallel_loop3A_494 = arith.mulf %parallel_loop3A_491, %parallel_loop3A_493 : vector<16xf32>
        %parallel_loop3A_495 = arith.constant 64 : i32
        %parallel_loop3A_496 = arith.muli %parallel_loop3A_397, %parallel_loop3A_495 : i32
        %parallel_loop3A_497 = arith.constant 48 : i32
        %parallel_loop3A_498 = arith.addi %parallel_loop3A_496, %parallel_loop3A_497 : i32
        %parallel_loop3A_499 = arith.constant 0 : i32
        %parallel_loop3A_500 = arith.constant 0 : i32
        %parallel_loop3A_501 = tpu.memref_slice %arg7[%parallel_loop3A_295, %parallel_loop3A_499, %parallel_loop3A_500] : memref<4x4x3200xf32, #tpu.memory_space<vmem>> -> memref<1x4x3200xf32, #tpu.memory_space<vmem>>
        %parallel_loop3A_502 = tpu.memref_squeeze %parallel_loop3A_501 : memref<1x4x3200xf32, #tpu.memory_space<vmem>> -> memref<4x3200xf32, #tpu.memory_space<vmem>>
        %parallel_loop3A_503 = arith.constant 0 : i32
        %parallel_loop3A_504 = tpu.memref_slice %parallel_loop3A_502[%parallel_loop3A_296, %parallel_loop3A_503] : memref<4x3200xf32, #tpu.memory_space<vmem>> -> memref<1x3200xf32, #tpu.memory_space<vmem>>
        %parallel_loop3A_505 = tpu.memref_squeeze %parallel_loop3A_504 : memref<1x3200xf32, #tpu.memory_space<vmem>> -> memref<3200xf32, #tpu.memory_space<vmem>>
        %parallel_loop3A_506 = arith.index_cast %parallel_loop3A_498 : i32 to index
        %parallel_loop3A_507 = tpu.vector_load %parallel_loop3A_505[%parallel_loop3A_506] {strides = array<i32>} : memref<3200xf32, #tpu.memory_space<vmem>>, vector<16xf32>,
        %parallel_loop3A_508 = vector.shape_cast %parallel_loop3A_507 : vector<16xf32> to vector<16xf32>
        %parallel_loop3A_509 = vector.shape_cast %parallel_loop3A_494 : vector<16xf32> to vector<16xf32>
        tpu.vector_store %parallel_loop3A_505[%parallel_loop3A_506], %parallel_loop3A_509 {strides = array<i32>} : memref<3200xf32, #tpu.memory_space<vmem>>, vector<16xf32>,
      } {sc.loop_unroll_factor = 5 : i64, sc.parallel_access}
      %mul3A_297 = arith.constant 4 : i32
      %mul3A_298 = arith.muli %add3A_254, %mul3A_297 : i32
      %add3A_299 = arith.addi %mul3A_4, %mul3A_298 : i32
      %dma_start3A_300 = arith.constant 2 : i32
      %dma_start3A_301 = arith.constant 2 : i32
      %dma_start3A_302 = arith.constant 0 : i32
      %dma_start3A_303 = arith.constant 0 : i32
      %dma_start3A_304 = tpu.memref_slice %arg7[%dma_start3A_300, %dma_start3A_302, %dma_start3A_303] : memref<4x4x3200xf32, #tpu.memory_space<vmem>> -> memref<1x4x3200xf32, #tpu.memory_space<vmem>>
      %dma_start3A_305 = tpu.memref_squeeze %dma_start3A_304 : memref<1x4x3200xf32, #tpu.memory_space<vmem>> -> memref<4x3200xf32, #tpu.memory_space<vmem>>
      %dma_start3A_306 = arith.constant 0 : i32
      %dma_start3A_307 = tpu.memref_slice %arg4[%add3A_299, %dma_start3A_306] : memref<4096x3200xf32, #tpu.memory_space<hbm>> -> memref<4x3200xf32, #tpu.memory_space<hbm>>
      %dma_start3A_308 = tpu.memref_slice %arg9[%dma_start3A_301] : memref<4x!tpu.dma_semaphore, #tpu.memory_space<semaphore_mem>> -> memref<1x!tpu.dma_semaphore, #tpu.memory_space<semaphore_mem>>
      %dma_start3A_309 = tpu.memref_squeeze %dma_start3A_308 : memref<1x!tpu.dma_semaphore, #tpu.memory_space<semaphore_mem>> -> memref<!tpu.dma_semaphore, #tpu.memory_space<semaphore_mem>>
      %dma_start3A_310 = arith.constant 0 : i32
      %dma_start3A_311 = tpu.memref_slice %arg4[%add3A_299, %dma_start3A_310] : memref<4096x3200xf32, #tpu.memory_space<hbm>> -> memref<4x3200xf32, #tpu.memory_space<hbm>>
      %dma_start3A_312 = arith.constant 0 : i32
      %dma_start3A_313 = arith.constant 0 : i32
      %dma_start3A_314 = tpu.memref_slice %arg7[%dma_start3A_300, %dma_start3A_312, %dma_start3A_313] : memref<4x4x3200xf32, #tpu.memory_space<vmem>> -> memref<1x4x3200xf32, #tpu.memory_space<vmem>>
      %dma_start3A_315 = tpu.memref_squeeze %dma_start3A_314 : memref<1x4x3200xf32, #tpu.memory_space<vmem>> -> memref<4x3200xf32, #tpu.memory_space<vmem>>
      tpu.enqueue_dma source(%dma_start3A_315 : memref<4x3200xf32, #tpu.memory_space<vmem>>) target(%dma_start3A_311 : memref<4x3200xf32, #tpu.memory_space<hbm>>) target_semaphore(%dma_start3A_309 : memref<!tpu.dma_semaphore, #tpu.memory_space<semaphore_mem>>)
      %add3A_316 = arith.constant 4 : i32
      %add3A_317 = arith.addi %add3A_254, %add3A_316 : i32
      %sub3A_318 = arith.constant 1 : i32
      %sub3A_319 = arith.subi %add3A_317, %sub3A_318 : i32
      %lt3A_320 = arith.constant 32 : i32
      %lt3A_321 = arith.cmpi slt, %sub3A_319, %lt3A_320 : i32
      %convert_element_type3A_322 = arith.extui %lt3A_321 : i1 to i32
      %cond3A_323 = arith.constant 0 : i32
      %cond3A_324 = arith.cmpi ne, %convert_element_type3A_322, %cond3A_323 : i32
      scf.if %cond3A_324 {
        %mul3A_397 = arith.constant 200 : i32
        %mul3A_398 = arith.muli %sub3A_319, %mul3A_397 : i32
        %dma_start3A_399 = arith.constant 1 : i32
        %dma_start3A_400 = arith.constant 1 : i32
        %dma_start3A_401 = arith.constant 0 : i32
        %dma_start3A_402 = arith.constant 0 : i32
        %dma_start3A_403 = tpu.memref_slice %arg6[%dma_start3A_399, %dma_start3A_401, %dma_start3A_402] : memref<4x200x64xf32, #tpu.memory_space<vmem>> -> memref<1x200x64xf32, #tpu.memory_space<vmem>>
        %dma_start3A_404 = tpu.memref_squeeze %dma_start3A_403 : memref<1x200x64xf32, #tpu.memory_space<vmem>> -> memref<200x64xf32, #tpu.memory_space<vmem>>
        %dma_start3A_405 = tpu.memref_slice %arg5[%mul3A_398] : memref<6400xi32, #tpu.memory_space<vmem>> -> memref<200xi32, #tpu.memory_space<vmem>>
        %dma_start3A_406 = arith.constant 0 : i32
        %dma_start3A_407 = arith.constant 0 : i32
        %dma_start3A_408 = tpu.memref_slice %arg3[%dma_start3A_406, %dma_start3A_407] : memref<100000x64xf32, #tpu.memory_space<hbm>> -> memref<100000x64xf32, #tpu.memory_space<hbm>>
        %dma_start3A_409 = tpu.memref_slice %arg8[%dma_start3A_400] : memref<4x!tpu.dma_semaphore, #tpu.memory_space<semaphore_mem>> -> memref<1x!tpu.dma_semaphore, #tpu.memory_space<semaphore_mem>>
        %dma_start3A_410 = tpu.memref_squeeze %dma_start3A_409 : memref<1x!tpu.dma_semaphore, #tpu.memory_space<semaphore_mem>> -> memref<!tpu.dma_semaphore, #tpu.memory_space<semaphore_mem>>
        tpu.enqueue_indirect_dma source(%dma_start3A_408 : memref<100000x64xf32, #tpu.memory_space<hbm>>) target(%dma_start3A_404 : memref<200x64xf32, #tpu.memory_space<vmem>>) offsets(%dma_start3A_405 : memref<200xi32, #tpu.memory_space<vmem>>) semaphore(%dma_start3A_410 : memref<!tpu.dma_semaphore, #tpu.memory_space<semaphore_mem>>)
      } else {
      }
      %add3A_325 = arith.constant 3 : i32
      %add3A_326 = arith.addi %add3A_114, %add3A_325 : i32
      %dma_wait3A_327 = arith.constant 3 : i32
      %dma_wait3A_328 = arith.constant 3 : i32
      %dma_wait3A_329 = arith.constant 0 : i32
      %dma_wait3A_330 = arith.constant 0 : i32
      %dma_wait3A_331 = tpu.memref_slice %arg6[%dma_wait3A_327, %dma_wait3A_329, %dma_wait3A_330] : memref<4x200x64xf32, #tpu.memory_space<vmem>> -> memref<1x200x64xf32, #tpu.memory_space<vmem>>
      %dma_wait3A_332 = tpu.memref_squeeze %dma_wait3A_331 : memref<1x200x64xf32, #tpu.memory_space<vmem>> -> memref<200x64xf32, #tpu.memory_space<vmem>>
      %dma_wait3A_333 = arith.constant 0 : i32
      %dma_wait3A_334 = tpu.memref_slice %arg5[%dma_wait3A_333] : memref<6400xi32, #tpu.memory_space<vmem>> -> memref<200xi32, #tpu.memory_space<vmem>>
      %dma_wait3A_335 = arith.constant 0 : i32
      %dma_wait3A_336 = arith.constant 0 : i32
      %dma_wait3A_337 = tpu.memref_slice %arg3[%dma_wait3A_335, %dma_wait3A_336] : memref<100000x64xf32, #tpu.memory_space<hbm>> -> memref<100000x64xf32, #tpu.memory_space<hbm>>
      %dma_wait3A_338 = tpu.memref_slice %arg8[%dma_wait3A_328] : memref<4x!tpu.dma_semaphore, #tpu.memory_space<semaphore_mem>> -> memref<1x!tpu.dma_semaphore, #tpu.memory_space<semaphore_mem>>
      %dma_wait3A_339 = tpu.memref_squeeze %dma_wait3A_338 : memref<1x!tpu.dma_semaphore, #tpu.memory_space<semaphore_mem>> -> memref<!tpu.dma_semaphore, #tpu.memory_space<semaphore_mem>>
      tpu.wait_indirect_dma semaphore(%dma_wait3A_339 : memref<!tpu.dma_semaphore, #tpu.memory_space<semaphore_mem>>) src(%dma_wait3A_337 : memref<100000x64xf32, #tpu.memory_space<hbm>>) dst(%dma_wait3A_332 : memref<200x64xf32, #tpu.memory_space<vmem>>)
      %ge3A_340 = arith.constant 4 : i32
      %ge3A_341 = arith.cmpi sge, %add3A_326, %ge3A_340 : i32
      %convert_element_type3A_342 = arith.extui %ge3A_341 : i1 to i32
      %cond3A_343 = arith.constant 0 : i32
      %cond3A_344 = arith.cmpi ne, %convert_element_type3A_342, %cond3A_343 : i32
      scf.if %cond3A_344 {
        %dma_wait3A_397 = arith.constant 3 : i32
        %dma_wait3A_398 = arith.constant 3 : i32
        %dma_wait3A_399 = arith.constant 0 : i32
        %dma_wait3A_400 = arith.constant 0 : i32
        %dma_wait3A_401 = tpu.memref_slice %arg7[%dma_wait3A_397, %dma_wait3A_399, %dma_wait3A_400] : memref<4x4x3200xf32, #tpu.memory_space<vmem>> -> memref<1x4x3200xf32, #tpu.memory_space<vmem>>
        %dma_wait3A_402 = tpu.memref_squeeze %dma_wait3A_401 : memref<1x4x3200xf32, #tpu.memory_space<vmem>> -> memref<4x3200xf32, #tpu.memory_space<vmem>>
        %dma_wait3A_403 = arith.constant 0 : i32
        %dma_wait3A_404 = tpu.memref_slice %arg4[%mul3A_4, %dma_wait3A_403] : memref<4096x3200xf32, #tpu.memory_space<hbm>> -> memref<4x3200xf32, #tpu.memory_space<hbm>>
        %dma_wait3A_405 = tpu.memref_slice %arg9[%dma_wait3A_398] : memref<4x!tpu.dma_semaphore, #tpu.memory_space<semaphore_mem>> -> memref<1x!tpu.dma_semaphore, #tpu.memory_space<semaphore_mem>>
        %dma_wait3A_406 = tpu.memref_squeeze %dma_wait3A_405 : memref<1x!tpu.dma_semaphore, #tpu.memory_space<semaphore_mem>> -> memref<!tpu.dma_semaphore, #tpu.memory_space<semaphore_mem>>
        %dma_wait3A_407 = arith.constant 0 : i32
        %dma_wait3A_408 = tpu.memref_slice %arg4[%mul3A_4, %dma_wait3A_407] : memref<4096x3200xf32, #tpu.memory_space<hbm>> -> memref<4x3200xf32, #tpu.memory_space<hbm>>
        %dma_wait3A_409 = arith.constant 0 : i32
        %dma_wait3A_410 = arith.constant 0 : i32
        %dma_wait3A_411 = tpu.memref_slice %arg7[%dma_wait3A_397, %dma_wait3A_409, %dma_wait3A_410] : memref<4x4x3200xf32, #tpu.memory_space<vmem>> -> memref<1x4x3200xf32, #tpu.memory_space<vmem>>
        %dma_wait3A_412 = tpu.memref_squeeze %dma_wait3A_411 : memref<1x4x3200xf32, #tpu.memory_space<vmem>> -> memref<4x3200xf32, #tpu.memory_space<vmem>>
        tpu.wait_dma2 semaphore(%dma_wait3A_406 : memref<!tpu.dma_semaphore, #tpu.memory_space<semaphore_mem>>) src(%dma_wait3A_412 : memref<4x3200xf32, #tpu.memory_space<vmem>>) dst(%dma_wait3A_408 : memref<4x3200xf32, #tpu.memory_space<hbm>>)
      } else {
      }
      %parallel_loop3A_345 = arith.constant 0 : i32
      %parallel_loop3A_346 = arith.constant 50 : i32
      %parallel_loop3A_347 = arith.constant 1 : i32
      %parallel_loop3A_348 = arith.constant 3 : i32
      %parallel_loop3A_349 = arith.constant 3 : i32
      %parallel_loop3A_350 = arith.constant 0 : i32
      scf.for %parallel_loop3A_397 = %parallel_loop3A_345 to %parallel_loop3A_346 step %parallel_loop3A_347  : i32 {
        %parallel_loop3A_398 = arith.constant 0 : i32
        %parallel_loop3A_399 = arith.addi %parallel_loop3A_398, %parallel_loop3A_397 : i32
        %parallel_loop3A_400 = arith.constant 0 : i32
        %parallel_loop3A_401 = arith.constant 0 : i32
        %parallel_loop3A_402 = tpu.memref_slice %arg6[%parallel_loop3A_348, %parallel_loop3A_400, %parallel_loop3A_401] : memref<4x200x64xf32, #tpu.memory_space<vmem>> -> memref<1x200x64xf32, #tpu.memory_space<vmem>>
        %parallel_loop3A_403 = tpu.memref_squeeze %parallel_loop3A_402 : memref<1x200x64xf32, #tpu.memory_space<vmem>> -> memref<200x64xf32, #tpu.memory_space<vmem>>
        %parallel_loop3A_404 = arith.index_cast %parallel_loop3A_399 : i32 to index
        %parallel_loop3A_405 = arith.constant 0 : index
        %parallel_loop3A_406 = tpu.vector_load %parallel_loop3A_403[%parallel_loop3A_404, %parallel_loop3A_405] {strides = array<i32>} : memref<200x64xf32, #tpu.memory_space<vmem>>, vector<1x16xf32>,
        %parallel_loop3A_407 = vector.shape_cast %parallel_loop3A_406 : vector<1x16xf32> to vector<16xf32>
        %parallel_loop3A_408 = arith.constant 8.000000e+00 : f32
        %parallel_loop3A_409 = vector.broadcast %parallel_loop3A_408 : f32 to vector<16xf32>
        %parallel_loop3A_410 = arith.mulf %parallel_loop3A_407, %parallel_loop3A_409 : vector<16xf32>
        %parallel_loop3A_411 = arith.constant 64 : i32
        %parallel_loop3A_412 = arith.muli %parallel_loop3A_397, %parallel_loop3A_411 : i32
        %parallel_loop3A_413 = arith.constant 0 : i32
        %parallel_loop3A_414 = arith.addi %parallel_loop3A_412, %parallel_loop3A_413 : i32
        %parallel_loop3A_415 = arith.constant 0 : i32
        %parallel_loop3A_416 = arith.constant 0 : i32
        %parallel_loop3A_417 = tpu.memref_slice %arg7[%parallel_loop3A_349, %parallel_loop3A_415, %parallel_loop3A_416] : memref<4x4x3200xf32, #tpu.memory_space<vmem>> -> memref<1x4x3200xf32, #tpu.memory_space<vmem>>
        %parallel_loop3A_418 = tpu.memref_squeeze %parallel_loop3A_417 : memref<1x4x3200xf32, #tpu.memory_space<vmem>> -> memref<4x3200xf32, #tpu.memory_space<vmem>>
        %parallel_loop3A_419 = arith.constant 0 : i32
        %parallel_loop3A_420 = tpu.memref_slice %parallel_loop3A_418[%parallel_loop3A_350, %parallel_loop3A_419] : memref<4x3200xf32, #tpu.memory_space<vmem>> -> memref<1x3200xf32, #tpu.memory_space<vmem>>
        %parallel_loop3A_421 = tpu.memref_squeeze %parallel_loop3A_420 : memref<1x3200xf32, #tpu.memory_space<vmem>> -> memref<3200xf32, #tpu.memory_space<vmem>>
        %parallel_loop3A_422 = arith.index_cast %parallel_loop3A_414 : i32 to index
        %parallel_loop3A_423 = tpu.vector_load %parallel_loop3A_421[%parallel_loop3A_422] {strides = array<i32>} : memref<3200xf32, #tpu.memory_space<vmem>>, vector<16xf32>,
        %parallel_loop3A_424 = vector.shape_cast %parallel_loop3A_423 : vector<16xf32> to vector<16xf32>
        %parallel_loop3A_425 = vector.shape_cast %parallel_loop3A_410 : vector<16xf32> to vector<16xf32>
        tpu.vector_store %parallel_loop3A_421[%parallel_loop3A_422], %parallel_loop3A_425 {strides = array<i32>} : memref<3200xf32, #tpu.memory_space<vmem>>, vector<16xf32>,
        %parallel_loop3A_426 = arith.constant 0 : i32
        %parallel_loop3A_427 = arith.addi %parallel_loop3A_426, %parallel_loop3A_397 : i32
        %parallel_loop3A_428 = arith.constant 0 : i32
        %parallel_loop3A_429 = arith.constant 0 : i32
        %parallel_loop3A_430 = tpu.memref_slice %arg6[%parallel_loop3A_348, %parallel_loop3A_428, %parallel_loop3A_429] : memref<4x200x64xf32, #tpu.memory_space<vmem>> -> memref<1x200x64xf32, #tpu.memory_space<vmem>>
        %parallel_loop3A_431 = tpu.memref_squeeze %parallel_loop3A_430 : memref<1x200x64xf32, #tpu.memory_space<vmem>> -> memref<200x64xf32, #tpu.memory_space<vmem>>
        %parallel_loop3A_432 = arith.index_cast %parallel_loop3A_427 : i32 to index
        %parallel_loop3A_433 = arith.constant 16 : index
        %parallel_loop3A_434 = tpu.vector_load %parallel_loop3A_431[%parallel_loop3A_432, %parallel_loop3A_433] {strides = array<i32>} : memref<200x64xf32, #tpu.memory_space<vmem>>, vector<1x16xf32>,
        %parallel_loop3A_435 = vector.shape_cast %parallel_loop3A_434 : vector<1x16xf32> to vector<16xf32>
        %parallel_loop3A_436 = arith.constant 8.000000e+00 : f32
        %parallel_loop3A_437 = vector.broadcast %parallel_loop3A_436 : f32 to vector<16xf32>
        %parallel_loop3A_438 = arith.mulf %parallel_loop3A_435, %parallel_loop3A_437 : vector<16xf32>
        %parallel_loop3A_439 = arith.constant 64 : i32
        %parallel_loop3A_440 = arith.muli %parallel_loop3A_397, %parallel_loop3A_439 : i32
        %parallel_loop3A_441 = arith.constant 16 : i32
        %parallel_loop3A_442 = arith.addi %parallel_loop3A_440, %parallel_loop3A_441 : i32
        %parallel_loop3A_443 = arith.constant 0 : i32
        %parallel_loop3A_444 = arith.constant 0 : i32
        %parallel_loop3A_445 = tpu.memref_slice %arg7[%parallel_loop3A_349, %parallel_loop3A_443, %parallel_loop3A_444] : memref<4x4x3200xf32, #tpu.memory_space<vmem>> -> memref<1x4x3200xf32, #tpu.memory_space<vmem>>
        %parallel_loop3A_446 = tpu.memref_squeeze %parallel_loop3A_445 : memref<1x4x3200xf32, #tpu.memory_space<vmem>> -> memref<4x3200xf32, #tpu.memory_space<vmem>>
        %parallel_loop3A_447 = arith.constant 0 : i32
        %parallel_loop3A_448 = tpu.memref_slice %parallel_loop3A_446[%parallel_loop3A_350, %parallel_loop3A_447] : memref<4x3200xf32, #tpu.memory_space<vmem>> -> memref<1x3200xf32, #tpu.memory_space<vmem>>
        %parallel_loop3A_449 = tpu.memref_squeeze %parallel_loop3A_448 : memref<1x3200xf32, #tpu.memory_space<vmem>> -> memref<3200xf32, #tpu.memory_space<vmem>>
        %parallel_loop3A_450 = arith.index_cast %parallel_loop3A_442 : i32 to index
        %parallel_loop3A_451 = tpu.vector_load %parallel_loop3A_449[%parallel_loop3A_450] {strides = array<i32>} : memref<3200xf32, #tpu.memory_space<vmem>>, vector<16xf32>,
        %parallel_loop3A_452 = vector.shape_cast %parallel_loop3A_451 : vector<16xf32> to vector<16xf32>
        %parallel_loop3A_453 = vector.shape_cast %parallel_loop3A_438 : vector<16xf32> to vector<16xf32>
        tpu.vector_store %parallel_loop3A_449[%parallel_loop3A_450], %parallel_loop3A_453 {strides = array<i32>} : memref<3200xf32, #tpu.memory_space<vmem>>, vector<16xf32>,
        %parallel_loop3A_454 = arith.constant 0 : i32
        %parallel_loop3A_455 = arith.addi %parallel_loop3A_454, %parallel_loop3A_397 : i32
        %parallel_loop3A_456 = arith.constant 0 : i32
        %parallel_loop3A_457 = arith.constant 0 : i32
        %parallel_loop3A_458 = tpu.memref_slice %arg6[%parallel_loop3A_348, %parallel_loop3A_456, %parallel_loop3A_457] : memref<4x200x64xf32, #tpu.memory_space<vmem>> -> memref<1x200x64xf32, #tpu.memory_space<vmem>>
        %parallel_loop3A_459 = tpu.memref_squeeze %parallel_loop3A_458 : memref<1x200x64xf32, #tpu.memory_space<vmem>> -> memref<200x64xf32, #tpu.memory_space<vmem>>
        %parallel_loop3A_460 = arith.index_cast %parallel_loop3A_455 : i32 to index
        %parallel_loop3A_461 = arith.constant 32 : index
        %parallel_loop3A_462 = tpu.vector_load %parallel_loop3A_459[%parallel_loop3A_460, %parallel_loop3A_461] {strides = array<i32>} : memref<200x64xf32, #tpu.memory_space<vmem>>, vector<1x16xf32>,
        %parallel_loop3A_463 = vector.shape_cast %parallel_loop3A_462 : vector<1x16xf32> to vector<16xf32>
        %parallel_loop3A_464 = arith.constant 8.000000e+00 : f32
        %parallel_loop3A_465 = vector.broadcast %parallel_loop3A_464 : f32 to vector<16xf32>
        %parallel_loop3A_466 = arith.mulf %parallel_loop3A_463, %parallel_loop3A_465 : vector<16xf32>
        %parallel_loop3A_467 = arith.constant 64 : i32
        %parallel_loop3A_468 = arith.muli %parallel_loop3A_397, %parallel_loop3A_467 : i32
        %parallel_loop3A_469 = arith.constant 32 : i32
        %parallel_loop3A_470 = arith.addi %parallel_loop3A_468, %parallel_loop3A_469 : i32
        %parallel_loop3A_471 = arith.constant 0 : i32
        %parallel_loop3A_472 = arith.constant 0 : i32
        %parallel_loop3A_473 = tpu.memref_slice %arg7[%parallel_loop3A_349, %parallel_loop3A_471, %parallel_loop3A_472] : memref<4x4x3200xf32, #tpu.memory_space<vmem>> -> memref<1x4x3200xf32, #tpu.memory_space<vmem>>
        %parallel_loop3A_474 = tpu.memref_squeeze %parallel_loop3A_473 : memref<1x4x3200xf32, #tpu.memory_space<vmem>> -> memref<4x3200xf32, #tpu.memory_space<vmem>>
        %parallel_loop3A_475 = arith.constant 0 : i32
        %parallel_loop3A_476 = tpu.memref_slice %parallel_loop3A_474[%parallel_loop3A_350, %parallel_loop3A_475] : memref<4x3200xf32, #tpu.memory_space<vmem>> -> memref<1x3200xf32, #tpu.memory_space<vmem>>
        %parallel_loop3A_477 = tpu.memref_squeeze %parallel_loop3A_476 : memref<1x3200xf32, #tpu.memory_space<vmem>> -> memref<3200xf32, #tpu.memory_space<vmem>>
        %parallel_loop3A_478 = arith.index_cast %parallel_loop3A_470 : i32 to index
        %parallel_loop3A_479 = tpu.vector_load %parallel_loop3A_477[%parallel_loop3A_478] {strides = array<i32>} : memref<3200xf32, #tpu.memory_space<vmem>>, vector<16xf32>,
        %parallel_loop3A_480 = vector.shape_cast %parallel_loop3A_479 : vector<16xf32> to vector<16xf32>
        %parallel_loop3A_481 = vector.shape_cast %parallel_loop3A_466 : vector<16xf32> to vector<16xf32>
        tpu.vector_store %parallel_loop3A_477[%parallel_loop3A_478], %parallel_loop3A_481 {strides = array<i32>} : memref<3200xf32, #tpu.memory_space<vmem>>, vector<16xf32>,
        %parallel_loop3A_482 = arith.constant 0 : i32
        %parallel_loop3A_483 = arith.addi %parallel_loop3A_482, %parallel_loop3A_397 : i32
        %parallel_loop3A_484 = arith.constant 0 : i32
        %parallel_loop3A_485 = arith.constant 0 : i32
        %parallel_loop3A_486 = tpu.memref_slice %arg6[%parallel_loop3A_348, %parallel_loop3A_484, %parallel_loop3A_485] : memref<4x200x64xf32, #tpu.memory_space<vmem>> -> memref<1x200x64xf32, #tpu.memory_space<vmem>>
        %parallel_loop3A_487 = tpu.memref_squeeze %parallel_loop3A_486 : memref<1x200x64xf32, #tpu.memory_space<vmem>> -> memref<200x64xf32, #tpu.memory_space<vmem>>
        %parallel_loop3A_488 = arith.index_cast %parallel_loop3A_483 : i32 to index
        %parallel_loop3A_489 = arith.constant 48 : index
        %parallel_loop3A_490 = tpu.vector_load %parallel_loop3A_487[%parallel_loop3A_488, %parallel_loop3A_489] {strides = array<i32>} : memref<200x64xf32, #tpu.memory_space<vmem>>, vector<1x16xf32>,
        %parallel_loop3A_491 = vector.shape_cast %parallel_loop3A_490 : vector<1x16xf32> to vector<16xf32>
        %parallel_loop3A_492 = arith.constant 8.000000e+00 : f32
        %parallel_loop3A_493 = vector.broadcast %parallel_loop3A_492 : f32 to vector<16xf32>
        %parallel_loop3A_494 = arith.mulf %parallel_loop3A_491, %parallel_loop3A_493 : vector<16xf32>
        %parallel_loop3A_495 = arith.constant 64 : i32
        %parallel_loop3A_496 = arith.muli %parallel_loop3A_397, %parallel_loop3A_495 : i32
        %parallel_loop3A_497 = arith.constant 48 : i32
        %parallel_loop3A_498 = arith.addi %parallel_loop3A_496, %parallel_loop3A_497 : i32
        %parallel_loop3A_499 = arith.constant 0 : i32
        %parallel_loop3A_500 = arith.constant 0 : i32
        %parallel_loop3A_501 = tpu.memref_slice %arg7[%parallel_loop3A_349, %parallel_loop3A_499, %parallel_loop3A_500] : memref<4x4x3200xf32, #tpu.memory_space<vmem>> -> memref<1x4x3200xf32, #tpu.memory_space<vmem>>
        %parallel_loop3A_502 = tpu.memref_squeeze %parallel_loop3A_501 : memref<1x4x3200xf32, #tpu.memory_space<vmem>> -> memref<4x3200xf32, #tpu.memory_space<vmem>>
        %parallel_loop3A_503 = arith.constant 0 : i32
        %parallel_loop3A_504 = tpu.memref_slice %parallel_loop3A_502[%parallel_loop3A_350, %parallel_loop3A_503] : memref<4x3200xf32, #tpu.memory_space<vmem>> -> memref<1x3200xf32, #tpu.memory_space<vmem>>
        %parallel_loop3A_505 = tpu.memref_squeeze %parallel_loop3A_504 : memref<1x3200xf32, #tpu.memory_space<vmem>> -> memref<3200xf32, #tpu.memory_space<vmem>>
        %parallel_loop3A_506 = arith.index_cast %parallel_loop3A_498 : i32 to index
        %parallel_loop3A_507 = tpu.vector_load %parallel_loop3A_505[%parallel_loop3A_506] {strides = array<i32>} : memref<3200xf32, #tpu.memory_space<vmem>>, vector<16xf32>,
        %parallel_loop3A_508 = vector.shape_cast %parallel_loop3A_507 : vector<16xf32> to vector<16xf32>
        %parallel_loop3A_509 = vector.shape_cast %parallel_loop3A_494 : vector<16xf32> to vector<16xf32>
        tpu.vector_store %parallel_loop3A_505[%parallel_loop3A_506], %parallel_loop3A_509 {strides = array<i32>} : memref<3200xf32, #tpu.memory_space<vmem>>, vector<16xf32>,
      } {sc.loop_unroll_factor = 5 : i64, sc.parallel_access}
      %parallel_loop3A_351 = arith.constant 0 : i32
      %parallel_loop3A_352 = arith.constant 50 : i32
      %parallel_loop3A_353 = arith.constant 1 : i32
      %parallel_loop3A_354 = arith.constant 3 : i32
      %parallel_loop3A_355 = arith.constant 3 : i32
      %parallel_loop3A_356 = arith.constant 1 : i32
      scf.for %parallel_loop3A_397 = %parallel_loop3A_351 to %parallel_loop3A_352 step %parallel_loop3A_353  : i32 {
        %parallel_loop3A_398 = arith.constant 50 : i32
        %parallel_loop3A_399 = arith.addi %parallel_loop3A_398, %parallel_loop3A_397 : i32
        %parallel_loop3A_400 = arith.constant 0 : i32
        %parallel_loop3A_401 = arith.constant 0 : i32
        %parallel_loop3A_402 = tpu.memref_slice %arg6[%parallel_loop3A_354, %parallel_loop3A_400, %parallel_loop3A_401] : memref<4x200x64xf32, #tpu.memory_space<vmem>> -> memref<1x200x64xf32, #tpu.memory_space<vmem>>
        %parallel_loop3A_403 = tpu.memref_squeeze %parallel_loop3A_402 : memref<1x200x64xf32, #tpu.memory_space<vmem>> -> memref<200x64xf32, #tpu.memory_space<vmem>>
        %parallel_loop3A_404 = arith.index_cast %parallel_loop3A_399 : i32 to index
        %parallel_loop3A_405 = arith.constant 0 : index
        %parallel_loop3A_406 = tpu.vector_load %parallel_loop3A_403[%parallel_loop3A_404, %parallel_loop3A_405] {strides = array<i32>} : memref<200x64xf32, #tpu.memory_space<vmem>>, vector<1x16xf32>,
        %parallel_loop3A_407 = vector.shape_cast %parallel_loop3A_406 : vector<1x16xf32> to vector<16xf32>
        %parallel_loop3A_408 = arith.constant 8.000000e+00 : f32
        %parallel_loop3A_409 = vector.broadcast %parallel_loop3A_408 : f32 to vector<16xf32>
        %parallel_loop3A_410 = arith.mulf %parallel_loop3A_407, %parallel_loop3A_409 : vector<16xf32>
        %parallel_loop3A_411 = arith.constant 64 : i32
        %parallel_loop3A_412 = arith.muli %parallel_loop3A_397, %parallel_loop3A_411 : i32
        %parallel_loop3A_413 = arith.constant 0 : i32
        %parallel_loop3A_414 = arith.addi %parallel_loop3A_412, %parallel_loop3A_413 : i32
        %parallel_loop3A_415 = arith.constant 0 : i32
        %parallel_loop3A_416 = arith.constant 0 : i32
        %parallel_loop3A_417 = tpu.memref_slice %arg7[%parallel_loop3A_355, %parallel_loop3A_415, %parallel_loop3A_416] : memref<4x4x3200xf32, #tpu.memory_space<vmem>> -> memref<1x4x3200xf32, #tpu.memory_space<vmem>>
        %parallel_loop3A_418 = tpu.memref_squeeze %parallel_loop3A_417 : memref<1x4x3200xf32, #tpu.memory_space<vmem>> -> memref<4x3200xf32, #tpu.memory_space<vmem>>
        %parallel_loop3A_419 = arith.constant 0 : i32
        %parallel_loop3A_420 = tpu.memref_slice %parallel_loop3A_418[%parallel_loop3A_356, %parallel_loop3A_419] : memref<4x3200xf32, #tpu.memory_space<vmem>> -> memref<1x3200xf32, #tpu.memory_space<vmem>>
        %parallel_loop3A_421 = tpu.memref_squeeze %parallel_loop3A_420 : memref<1x3200xf32, #tpu.memory_space<vmem>> -> memref<3200xf32, #tpu.memory_space<vmem>>
        %parallel_loop3A_422 = arith.index_cast %parallel_loop3A_414 : i32 to index
        %parallel_loop3A_423 = tpu.vector_load %parallel_loop3A_421[%parallel_loop3A_422] {strides = array<i32>} : memref<3200xf32, #tpu.memory_space<vmem>>, vector<16xf32>,
        %parallel_loop3A_424 = vector.shape_cast %parallel_loop3A_423 : vector<16xf32> to vector<16xf32>
        %parallel_loop3A_425 = vector.shape_cast %parallel_loop3A_410 : vector<16xf32> to vector<16xf32>
        tpu.vector_store %parallel_loop3A_421[%parallel_loop3A_422], %parallel_loop3A_425 {strides = array<i32>} : memref<3200xf32, #tpu.memory_space<vmem>>, vector<16xf32>,
        %parallel_loop3A_426 = arith.constant 50 : i32
        %parallel_loop3A_427 = arith.addi %parallel_loop3A_426, %parallel_loop3A_397 : i32
        %parallel_loop3A_428 = arith.constant 0 : i32
        %parallel_loop3A_429 = arith.constant 0 : i32
        %parallel_loop3A_430 = tpu.memref_slice %arg6[%parallel_loop3A_354, %parallel_loop3A_428, %parallel_loop3A_429] : memref<4x200x64xf32, #tpu.memory_space<vmem>> -> memref<1x200x64xf32, #tpu.memory_space<vmem>>
        %parallel_loop3A_431 = tpu.memref_squeeze %parallel_loop3A_430 : memref<1x200x64xf32, #tpu.memory_space<vmem>> -> memref<200x64xf32, #tpu.memory_space<vmem>>
        %parallel_loop3A_432 = arith.index_cast %parallel_loop3A_427 : i32 to index
        %parallel_loop3A_433 = arith.constant 16 : index
        %parallel_loop3A_434 = tpu.vector_load %parallel_loop3A_431[%parallel_loop3A_432, %parallel_loop3A_433] {strides = array<i32>} : memref<200x64xf32, #tpu.memory_space<vmem>>, vector<1x16xf32>,
        %parallel_loop3A_435 = vector.shape_cast %parallel_loop3A_434 : vector<1x16xf32> to vector<16xf32>
        %parallel_loop3A_436 = arith.constant 8.000000e+00 : f32
        %parallel_loop3A_437 = vector.broadcast %parallel_loop3A_436 : f32 to vector<16xf32>
        %parallel_loop3A_438 = arith.mulf %parallel_loop3A_435, %parallel_loop3A_437 : vector<16xf32>
        %parallel_loop3A_439 = arith.constant 64 : i32
        %parallel_loop3A_440 = arith.muli %parallel_loop3A_397, %parallel_loop3A_439 : i32
        %parallel_loop3A_441 = arith.constant 16 : i32
        %parallel_loop3A_442 = arith.addi %parallel_loop3A_440, %parallel_loop3A_441 : i32
        %parallel_loop3A_443 = arith.constant 0 : i32
        %parallel_loop3A_444 = arith.constant 0 : i32
        %parallel_loop3A_445 = tpu.memref_slice %arg7[%parallel_loop3A_355, %parallel_loop3A_443, %parallel_loop3A_444] : memref<4x4x3200xf32, #tpu.memory_space<vmem>> -> memref<1x4x3200xf32, #tpu.memory_space<vmem>>
        %parallel_loop3A_446 = tpu.memref_squeeze %parallel_loop3A_445 : memref<1x4x3200xf32, #tpu.memory_space<vmem>> -> memref<4x3200xf32, #tpu.memory_space<vmem>>
        %parallel_loop3A_447 = arith.constant 0 : i32
        %parallel_loop3A_448 = tpu.memref_slice %parallel_loop3A_446[%parallel_loop3A_356, %parallel_loop3A_447] : memref<4x3200xf32, #tpu.memory_space<vmem>> -> memref<1x3200xf32, #tpu.memory_space<vmem>>
        %parallel_loop3A_449 = tpu.memref_squeeze %parallel_loop3A_448 : memref<1x3200xf32, #tpu.memory_space<vmem>> -> memref<3200xf32, #tpu.memory_space<vmem>>
        %parallel_loop3A_450 = arith.index_cast %parallel_loop3A_442 : i32 to index
        %parallel_loop3A_451 = tpu.vector_load %parallel_loop3A_449[%parallel_loop3A_450] {strides = array<i32>} : memref<3200xf32, #tpu.memory_space<vmem>>, vector<16xf32>,
        %parallel_loop3A_452 = vector.shape_cast %parallel_loop3A_451 : vector<16xf32> to vector<16xf32>
        %parallel_loop3A_453 = vector.shape_cast %parallel_loop3A_438 : vector<16xf32> to vector<16xf32>
        tpu.vector_store %parallel_loop3A_449[%parallel_loop3A_450], %parallel_loop3A_453 {strides = array<i32>} : memref<3200xf32, #tpu.memory_space<vmem>>, vector<16xf32>,
        %parallel_loop3A_454 = arith.constant 50 : i32
        %parallel_loop3A_455 = arith.addi %parallel_loop3A_454, %parallel_loop3A_397 : i32
        %parallel_loop3A_456 = arith.constant 0 : i32
        %parallel_loop3A_457 = arith.constant 0 : i32
        %parallel_loop3A_458 = tpu.memref_slice %arg6[%parallel_loop3A_354, %parallel_loop3A_456, %parallel_loop3A_457] : memref<4x200x64xf32, #tpu.memory_space<vmem>> -> memref<1x200x64xf32, #tpu.memory_space<vmem>>
        %parallel_loop3A_459 = tpu.memref_squeeze %parallel_loop3A_458 : memref<1x200x64xf32, #tpu.memory_space<vmem>> -> memref<200x64xf32, #tpu.memory_space<vmem>>
        %parallel_loop3A_460 = arith.index_cast %parallel_loop3A_455 : i32 to index
        %parallel_loop3A_461 = arith.constant 32 : index
        %parallel_loop3A_462 = tpu.vector_load %parallel_loop3A_459[%parallel_loop3A_460, %parallel_loop3A_461] {strides = array<i32>} : memref<200x64xf32, #tpu.memory_space<vmem>>, vector<1x16xf32>,
        %parallel_loop3A_463 = vector.shape_cast %parallel_loop3A_462 : vector<1x16xf32> to vector<16xf32>
        %parallel_loop3A_464 = arith.constant 8.000000e+00 : f32
        %parallel_loop3A_465 = vector.broadcast %parallel_loop3A_464 : f32 to vector<16xf32>
        %parallel_loop3A_466 = arith.mulf %parallel_loop3A_463, %parallel_loop3A_465 : vector<16xf32>
        %parallel_loop3A_467 = arith.constant 64 : i32
        %parallel_loop3A_468 = arith.muli %parallel_loop3A_397, %parallel_loop3A_467 : i32
        %parallel_loop3A_469 = arith.constant 32 : i32
        %parallel_loop3A_470 = arith.addi %parallel_loop3A_468, %parallel_loop3A_469 : i32
        %parallel_loop3A_471 = arith.constant 0 : i32
        %parallel_loop3A_472 = arith.constant 0 : i32
        %parallel_loop3A_473 = tpu.memref_slice %arg7[%parallel_loop3A_355, %parallel_loop3A_471, %parallel_loop3A_472] : memref<4x4x3200xf32, #tpu.memory_space<vmem>> -> memref<1x4x3200xf32, #tpu.memory_space<vmem>>
        %parallel_loop3A_474 = tpu.memref_squeeze %parallel_loop3A_473 : memref<1x4x3200xf32, #tpu.memory_space<vmem>> -> memref<4x3200xf32, #tpu.memory_space<vmem>>
        %parallel_loop3A_475 = arith.constant 0 : i32
        %parallel_loop3A_476 = tpu.memref_slice %parallel_loop3A_474[%parallel_loop3A_356, %parallel_loop3A_475] : memref<4x3200xf32, #tpu.memory_space<vmem>> -> memref<1x3200xf32, #tpu.memory_space<vmem>>
        %parallel_loop3A_477 = tpu.memref_squeeze %parallel_loop3A_476 : memref<1x3200xf32, #tpu.memory_space<vmem>> -> memref<3200xf32, #tpu.memory_space<vmem>>
        %parallel_loop3A_478 = arith.index_cast %parallel_loop3A_470 : i32 to index
        %parallel_loop3A_479 = tpu.vector_load %parallel_loop3A_477[%parallel_loop3A_478] {strides = array<i32>} : memref<3200xf32, #tpu.memory_space<vmem>>, vector<16xf32>,
        %parallel_loop3A_480 = vector.shape_cast %parallel_loop3A_479 : vector<16xf32> to vector<16xf32>
        %parallel_loop3A_481 = vector.shape_cast %parallel_loop3A_466 : vector<16xf32> to vector<16xf32>
        tpu.vector_store %parallel_loop3A_477[%parallel_loop3A_478], %parallel_loop3A_481 {strides = array<i32>} : memref<3200xf32, #tpu.memory_space<vmem>>, vector<16xf32>,
        %parallel_loop3A_482 = arith.constant 50 : i32
        %parallel_loop3A_483 = arith.addi %parallel_loop3A_482, %parallel_loop3A_397 : i32
        %parallel_loop3A_484 = arith.constant 0 : i32
        %parallel_loop3A_485 = arith.constant 0 : i32
        %parallel_loop3A_486 = tpu.memref_slice %arg6[%parallel_loop3A_354, %parallel_loop3A_484, %parallel_loop3A_485] : memref<4x200x64xf32, #tpu.memory_space<vmem>> -> memref<1x200x64xf32, #tpu.memory_space<vmem>>
        %parallel_loop3A_487 = tpu.memref_squeeze %parallel_loop3A_486 : memref<1x200x64xf32, #tpu.memory_space<vmem>> -> memref<200x64xf32, #tpu.memory_space<vmem>>
        %parallel_loop3A_488 = arith.index_cast %parallel_loop3A_483 : i32 to index
        %parallel_loop3A_489 = arith.constant 48 : index
        %parallel_loop3A_490 = tpu.vector_load %parallel_loop3A_487[%parallel_loop3A_488, %parallel_loop3A_489] {strides = array<i32>} : memref<200x64xf32, #tpu.memory_space<vmem>>, vector<1x16xf32>,
        %parallel_loop3A_491 = vector.shape_cast %parallel_loop3A_490 : vector<1x16xf32> to vector<16xf32>
        %parallel_loop3A_492 = arith.constant 8.000000e+00 : f32
        %parallel_loop3A_493 = vector.broadcast %parallel_loop3A_492 : f32 to vector<16xf32>
        %parallel_loop3A_494 = arith.mulf %parallel_loop3A_491, %parallel_loop3A_493 : vector<16xf32>
        %parallel_loop3A_495 = arith.constant 64 : i32
        %parallel_loop3A_496 = arith.muli %parallel_loop3A_397, %parallel_loop3A_495 : i32
        %parallel_loop3A_497 = arith.constant 48 : i32
        %parallel_loop3A_498 = arith.addi %parallel_loop3A_496, %parallel_loop3A_497 : i32
        %parallel_loop3A_499 = arith.constant 0 : i32
        %parallel_loop3A_500 = arith.constant 0 : i32
        %parallel_loop3A_501 = tpu.memref_slice %arg7[%parallel_loop3A_355, %parallel_loop3A_499, %parallel_loop3A_500] : memref<4x4x3200xf32, #tpu.memory_space<vmem>> -> memref<1x4x3200xf32, #tpu.memory_space<vmem>>
        %parallel_loop3A_502 = tpu.memref_squeeze %parallel_loop3A_501 : memref<1x4x3200xf32, #tpu.memory_space<vmem>> -> memref<4x3200xf32, #tpu.memory_space<vmem>>
        %parallel_loop3A_503 = arith.constant 0 : i32
        %parallel_loop3A_504 = tpu.memref_slice %parallel_loop3A_502[%parallel_loop3A_356, %parallel_loop3A_503] : memref<4x3200xf32, #tpu.memory_space<vmem>> -> memref<1x3200xf32, #tpu.memory_space<vmem>>
        %parallel_loop3A_505 = tpu.memref_squeeze %parallel_loop3A_504 : memref<1x3200xf32, #tpu.memory_space<vmem>> -> memref<3200xf32, #tpu.memory_space<vmem>>
        %parallel_loop3A_506 = arith.index_cast %parallel_loop3A_498 : i32 to index
        %parallel_loop3A_507 = tpu.vector_load %parallel_loop3A_505[%parallel_loop3A_506] {strides = array<i32>} : memref<3200xf32, #tpu.memory_space<vmem>>, vector<16xf32>,
        %parallel_loop3A_508 = vector.shape_cast %parallel_loop3A_507 : vector<16xf32> to vector<16xf32>
        %parallel_loop3A_509 = vector.shape_cast %parallel_loop3A_494 : vector<16xf32> to vector<16xf32>
        tpu.vector_store %parallel_loop3A_505[%parallel_loop3A_506], %parallel_loop3A_509 {strides = array<i32>} : memref<3200xf32, #tpu.memory_space<vmem>>, vector<16xf32>,
      } {sc.loop_unroll_factor = 5 : i64, sc.parallel_access}
      %parallel_loop3A_357 = arith.constant 0 : i32
      %parallel_loop3A_358 = arith.constant 50 : i32
      %parallel_loop3A_359 = arith.constant 1 : i32
      %parallel_loop3A_360 = arith.constant 3 : i32
      %parallel_loop3A_361 = arith.constant 3 : i32
      %parallel_loop3A_362 = arith.constant 2 : i32
      scf.for %parallel_loop3A_397 = %parallel_loop3A_357 to %parallel_loop3A_358 step %parallel_loop3A_359  : i32 {
        %parallel_loop3A_398 = arith.constant 100 : i32
        %parallel_loop3A_399 = arith.addi %parallel_loop3A_398, %parallel_loop3A_397 : i32
        %parallel_loop3A_400 = arith.constant 0 : i32
        %parallel_loop3A_401 = arith.constant 0 : i32
        %parallel_loop3A_402 = tpu.memref_slice %arg6[%parallel_loop3A_360, %parallel_loop3A_400, %parallel_loop3A_401] : memref<4x200x64xf32, #tpu.memory_space<vmem>> -> memref<1x200x64xf32, #tpu.memory_space<vmem>>
        %parallel_loop3A_403 = tpu.memref_squeeze %parallel_loop3A_402 : memref<1x200x64xf32, #tpu.memory_space<vmem>> -> memref<200x64xf32, #tpu.memory_space<vmem>>
        %parallel_loop3A_404 = arith.index_cast %parallel_loop3A_399 : i32 to index
        %parallel_loop3A_405 = arith.constant 0 : index
        %parallel_loop3A_406 = tpu.vector_load %parallel_loop3A_403[%parallel_loop3A_404, %parallel_loop3A_405] {strides = array<i32>} : memref<200x64xf32, #tpu.memory_space<vmem>>, vector<1x16xf32>,
        %parallel_loop3A_407 = vector.shape_cast %parallel_loop3A_406 : vector<1x16xf32> to vector<16xf32>
        %parallel_loop3A_408 = arith.constant 8.000000e+00 : f32
        %parallel_loop3A_409 = vector.broadcast %parallel_loop3A_408 : f32 to vector<16xf32>
        %parallel_loop3A_410 = arith.mulf %parallel_loop3A_407, %parallel_loop3A_409 : vector<16xf32>
        %parallel_loop3A_411 = arith.constant 64 : i32
        %parallel_loop3A_412 = arith.muli %parallel_loop3A_397, %parallel_loop3A_411 : i32
        %parallel_loop3A_413 = arith.constant 0 : i32
        %parallel_loop3A_414 = arith.addi %parallel_loop3A_412, %parallel_loop3A_413 : i32
        %parallel_loop3A_415 = arith.constant 0 : i32
        %parallel_loop3A_416 = arith.constant 0 : i32
        %parallel_loop3A_417 = tpu.memref_slice %arg7[%parallel_loop3A_361, %parallel_loop3A_415, %parallel_loop3A_416] : memref<4x4x3200xf32, #tpu.memory_space<vmem>> -> memref<1x4x3200xf32, #tpu.memory_space<vmem>>
        %parallel_loop3A_418 = tpu.memref_squeeze %parallel_loop3A_417 : memref<1x4x3200xf32, #tpu.memory_space<vmem>> -> memref<4x3200xf32, #tpu.memory_space<vmem>>
        %parallel_loop3A_419 = arith.constant 0 : i32
        %parallel_loop3A_420 = tpu.memref_slice %parallel_loop3A_418[%parallel_loop3A_362, %parallel_loop3A_419] : memref<4x3200xf32, #tpu.memory_space<vmem>> -> memref<1x3200xf32, #tpu.memory_space<vmem>>
        %parallel_loop3A_421 = tpu.memref_squeeze %parallel_loop3A_420 : memref<1x3200xf32, #tpu.memory_space<vmem>> -> memref<3200xf32, #tpu.memory_space<vmem>>
        %parallel_loop3A_422 = arith.index_cast %parallel_loop3A_414 : i32 to index
        %parallel_loop3A_423 = tpu.vector_load %parallel_loop3A_421[%parallel_loop3A_422] {strides = array<i32>} : memref<3200xf32, #tpu.memory_space<vmem>>, vector<16xf32>,
        %parallel_loop3A_424 = vector.shape_cast %parallel_loop3A_423 : vector<16xf32> to vector<16xf32>
        %parallel_loop3A_425 = vector.shape_cast %parallel_loop3A_410 : vector<16xf32> to vector<16xf32>
        tpu.vector_store %parallel_loop3A_421[%parallel_loop3A_422], %parallel_loop3A_425 {strides = array<i32>} : memref<3200xf32, #tpu.memory_space<vmem>>, vector<16xf32>,
        %parallel_loop3A_426 = arith.constant 100 : i32
        %parallel_loop3A_427 = arith.addi %parallel_loop3A_426, %parallel_loop3A_397 : i32
        %parallel_loop3A_428 = arith.constant 0 : i32
        %parallel_loop3A_429 = arith.constant 0 : i32
        %parallel_loop3A_430 = tpu.memref_slice %arg6[%parallel_loop3A_360, %parallel_loop3A_428, %parallel_loop3A_429] : memref<4x200x64xf32, #tpu.memory_space<vmem>> -> memref<1x200x64xf32, #tpu.memory_space<vmem>>
        %parallel_loop3A_431 = tpu.memref_squeeze %parallel_loop3A_430 : memref<1x200x64xf32, #tpu.memory_space<vmem>> -> memref<200x64xf32, #tpu.memory_space<vmem>>
        %parallel_loop3A_432 = arith.index_cast %parallel_loop3A_427 : i32 to index
        %parallel_loop3A_433 = arith.constant 16 : index
        %parallel_loop3A_434 = tpu.vector_load %parallel_loop3A_431[%parallel_loop3A_432, %parallel_loop3A_433] {strides = array<i32>} : memref<200x64xf32, #tpu.memory_space<vmem>>, vector<1x16xf32>,
        %parallel_loop3A_435 = vector.shape_cast %parallel_loop3A_434 : vector<1x16xf32> to vector<16xf32>
        %parallel_loop3A_436 = arith.constant 8.000000e+00 : f32
        %parallel_loop3A_437 = vector.broadcast %parallel_loop3A_436 : f32 to vector<16xf32>
        %parallel_loop3A_438 = arith.mulf %parallel_loop3A_435, %parallel_loop3A_437 : vector<16xf32>
        %parallel_loop3A_439 = arith.constant 64 : i32
        %parallel_loop3A_440 = arith.muli %parallel_loop3A_397, %parallel_loop3A_439 : i32
        %parallel_loop3A_441 = arith.constant 16 : i32
        %parallel_loop3A_442 = arith.addi %parallel_loop3A_440, %parallel_loop3A_441 : i32
        %parallel_loop3A_443 = arith.constant 0 : i32
        %parallel_loop3A_444 = arith.constant 0 : i32
        %parallel_loop3A_445 = tpu.memref_slice %arg7[%parallel_loop3A_361, %parallel_loop3A_443, %parallel_loop3A_444] : memref<4x4x3200xf32, #tpu.memory_space<vmem>> -> memref<1x4x3200xf32, #tpu.memory_space<vmem>>
        %parallel_loop3A_446 = tpu.memref_squeeze %parallel_loop3A_445 : memref<1x4x3200xf32, #tpu.memory_space<vmem>> -> memref<4x3200xf32, #tpu.memory_space<vmem>>
        %parallel_loop3A_447 = arith.constant 0 : i32
        %parallel_loop3A_448 = tpu.memref_slice %parallel_loop3A_446[%parallel_loop3A_362, %parallel_loop3A_447] : memref<4x3200xf32, #tpu.memory_space<vmem>> -> memref<1x3200xf32, #tpu.memory_space<vmem>>
        %parallel_loop3A_449 = tpu.memref_squeeze %parallel_loop3A_448 : memref<1x3200xf32, #tpu.memory_space<vmem>> -> memref<3200xf32, #tpu.memory_space<vmem>>
        %parallel_loop3A_450 = arith.index_cast %parallel_loop3A_442 : i32 to index
        %parallel_loop3A_451 = tpu.vector_load %parallel_loop3A_449[%parallel_loop3A_450] {strides = array<i32>} : memref<3200xf32, #tpu.memory_space<vmem>>, vector<16xf32>,
        %parallel_loop3A_452 = vector.shape_cast %parallel_loop3A_451 : vector<16xf32> to vector<16xf32>
        %parallel_loop3A_453 = vector.shape_cast %parallel_loop3A_438 : vector<16xf32> to vector<16xf32>
        tpu.vector_store %parallel_loop3A_449[%parallel_loop3A_450], %parallel_loop3A_453 {strides = array<i32>} : memref<3200xf32, #tpu.memory_space<vmem>>, vector<16xf32>,
        %parallel_loop3A_454 = arith.constant 100 : i32
        %parallel_loop3A_455 = arith.addi %parallel_loop3A_454, %parallel_loop3A_397 : i32
        %parallel_loop3A_456 = arith.constant 0 : i32
        %parallel_loop3A_457 = arith.constant 0 : i32
        %parallel_loop3A_458 = tpu.memref_slice %arg6[%parallel_loop3A_360, %parallel_loop3A_456, %parallel_loop3A_457] : memref<4x200x64xf32, #tpu.memory_space<vmem>> -> memref<1x200x64xf32, #tpu.memory_space<vmem>>
        %parallel_loop3A_459 = tpu.memref_squeeze %parallel_loop3A_458 : memref<1x200x64xf32, #tpu.memory_space<vmem>> -> memref<200x64xf32, #tpu.memory_space<vmem>>
        %parallel_loop3A_460 = arith.index_cast %parallel_loop3A_455 : i32 to index
        %parallel_loop3A_461 = arith.constant 32 : index
        %parallel_loop3A_462 = tpu.vector_load %parallel_loop3A_459[%parallel_loop3A_460, %parallel_loop3A_461] {strides = array<i32>} : memref<200x64xf32, #tpu.memory_space<vmem>>, vector<1x16xf32>,
        %parallel_loop3A_463 = vector.shape_cast %parallel_loop3A_462 : vector<1x16xf32> to vector<16xf32>
        %parallel_loop3A_464 = arith.constant 8.000000e+00 : f32
        %parallel_loop3A_465 = vector.broadcast %parallel_loop3A_464 : f32 to vector<16xf32>
        %parallel_loop3A_466 = arith.mulf %parallel_loop3A_463, %parallel_loop3A_465 : vector<16xf32>
        %parallel_loop3A_467 = arith.constant 64 : i32
        %parallel_loop3A_468 = arith.muli %parallel_loop3A_397, %parallel_loop3A_467 : i32
        %parallel_loop3A_469 = arith.constant 32 : i32
        %parallel_loop3A_470 = arith.addi %parallel_loop3A_468, %parallel_loop3A_469 : i32
        %parallel_loop3A_471 = arith.constant 0 : i32
        %parallel_loop3A_472 = arith.constant 0 : i32
        %parallel_loop3A_473 = tpu.memref_slice %arg7[%parallel_loop3A_361, %parallel_loop3A_471, %parallel_loop3A_472] : memref<4x4x3200xf32, #tpu.memory_space<vmem>> -> memref<1x4x3200xf32, #tpu.memory_space<vmem>>
        %parallel_loop3A_474 = tpu.memref_squeeze %parallel_loop3A_473 : memref<1x4x3200xf32, #tpu.memory_space<vmem>> -> memref<4x3200xf32, #tpu.memory_space<vmem>>
        %parallel_loop3A_475 = arith.constant 0 : i32
        %parallel_loop3A_476 = tpu.memref_slice %parallel_loop3A_474[%parallel_loop3A_362, %parallel_loop3A_475] : memref<4x3200xf32, #tpu.memory_space<vmem>> -> memref<1x3200xf32, #tpu.memory_space<vmem>>
        %parallel_loop3A_477 = tpu.memref_squeeze %parallel_loop3A_476 : memref<1x3200xf32, #tpu.memory_space<vmem>> -> memref<3200xf32, #tpu.memory_space<vmem>>
        %parallel_loop3A_478 = arith.index_cast %parallel_loop3A_470 : i32 to index
        %parallel_loop3A_479 = tpu.vector_load %parallel_loop3A_477[%parallel_loop3A_478] {strides = array<i32>} : memref<3200xf32, #tpu.memory_space<vmem>>, vector<16xf32>,
        %parallel_loop3A_480 = vector.shape_cast %parallel_loop3A_479 : vector<16xf32> to vector<16xf32>
        %parallel_loop3A_481 = vector.shape_cast %parallel_loop3A_466 : vector<16xf32> to vector<16xf32>
        tpu.vector_store %parallel_loop3A_477[%parallel_loop3A_478], %parallel_loop3A_481 {strides = array<i32>} : memref<3200xf32, #tpu.memory_space<vmem>>, vector<16xf32>,
        %parallel_loop3A_482 = arith.constant 100 : i32
        %parallel_loop3A_483 = arith.addi %parallel_loop3A_482, %parallel_loop3A_397 : i32
        %parallel_loop3A_484 = arith.constant 0 : i32
        %parallel_loop3A_485 = arith.constant 0 : i32
        %parallel_loop3A_486 = tpu.memref_slice %arg6[%parallel_loop3A_360, %parallel_loop3A_484, %parallel_loop3A_485] : memref<4x200x64xf32, #tpu.memory_space<vmem>> -> memref<1x200x64xf32, #tpu.memory_space<vmem>>
        %parallel_loop3A_487 = tpu.memref_squeeze %parallel_loop3A_486 : memref<1x200x64xf32, #tpu.memory_space<vmem>> -> memref<200x64xf32, #tpu.memory_space<vmem>>
        %parallel_loop3A_488 = arith.index_cast %parallel_loop3A_483 : i32 to index
        %parallel_loop3A_489 = arith.constant 48 : index
        %parallel_loop3A_490 = tpu.vector_load %parallel_loop3A_487[%parallel_loop3A_488, %parallel_loop3A_489] {strides = array<i32>} : memref<200x64xf32, #tpu.memory_space<vmem>>, vector<1x16xf32>,
        %parallel_loop3A_491 = vector.shape_cast %parallel_loop3A_490 : vector<1x16xf32> to vector<16xf32>
        %parallel_loop3A_492 = arith.constant 8.000000e+00 : f32
        %parallel_loop3A_493 = vector.broadcast %parallel_loop3A_492 : f32 to vector<16xf32>
        %parallel_loop3A_494 = arith.mulf %parallel_loop3A_491, %parallel_loop3A_493 : vector<16xf32>
        %parallel_loop3A_495 = arith.constant 64 : i32
        %parallel_loop3A_496 = arith.muli %parallel_loop3A_397, %parallel_loop3A_495 : i32
        %parallel_loop3A_497 = arith.constant 48 : i32
        %parallel_loop3A_498 = arith.addi %parallel_loop3A_496, %parallel_loop3A_497 : i32
        %parallel_loop3A_499 = arith.constant 0 : i32
        %parallel_loop3A_500 = arith.constant 0 : i32
        %parallel_loop3A_501 = tpu.memref_slice %arg7[%parallel_loop3A_361, %parallel_loop3A_499, %parallel_loop3A_500] : memref<4x4x3200xf32, #tpu.memory_space<vmem>> -> memref<1x4x3200xf32, #tpu.memory_space<vmem>>
        %parallel_loop3A_502 = tpu.memref_squeeze %parallel_loop3A_501 : memref<1x4x3200xf32, #tpu.memory_space<vmem>> -> memref<4x3200xf32, #tpu.memory_space<vmem>>
        %parallel_loop3A_503 = arith.constant 0 : i32
        %parallel_loop3A_504 = tpu.memref_slice %parallel_loop3A_502[%parallel_loop3A_362, %parallel_loop3A_503] : memref<4x3200xf32, #tpu.memory_space<vmem>> -> memref<1x3200xf32, #tpu.memory_space<vmem>>
        %parallel_loop3A_505 = tpu.memref_squeeze %parallel_loop3A_504 : memref<1x3200xf32, #tpu.memory_space<vmem>> -> memref<3200xf32, #tpu.memory_space<vmem>>
        %parallel_loop3A_506 = arith.index_cast %parallel_loop3A_498 : i32 to index
        %parallel_loop3A_507 = tpu.vector_load %parallel_loop3A_505[%parallel_loop3A_506] {strides = array<i32>} : memref<3200xf32, #tpu.memory_space<vmem>>, vector<16xf32>,
        %parallel_loop3A_508 = vector.shape_cast %parallel_loop3A_507 : vector<16xf32> to vector<16xf32>
        %parallel_loop3A_509 = vector.shape_cast %parallel_loop3A_494 : vector<16xf32> to vector<16xf32>
        tpu.vector_store %parallel_loop3A_505[%parallel_loop3A_506], %parallel_loop3A_509 {strides = array<i32>} : memref<3200xf32, #tpu.memory_space<vmem>>, vector<16xf32>,
      } {sc.loop_unroll_factor = 5 : i64, sc.parallel_access}
      %parallel_loop3A_363 = arith.constant 0 : i32
      %parallel_loop3A_364 = arith.constant 50 : i32
      %parallel_loop3A_365 = arith.constant 1 : i32
      %parallel_loop3A_366 = arith.constant 3 : i32
      %parallel_loop3A_367 = arith.constant 3 : i32
      %parallel_loop3A_368 = arith.constant 3 : i32
      scf.for %parallel_loop3A_397 = %parallel_loop3A_363 to %parallel_loop3A_364 step %parallel_loop3A_365  : i32 {
        %parallel_loop3A_398 = arith.constant 150 : i32
        %parallel_loop3A_399 = arith.addi %parallel_loop3A_398, %parallel_loop3A_397 : i32
        %parallel_loop3A_400 = arith.constant 0 : i32
        %parallel_loop3A_401 = arith.constant 0 : i32
        %parallel_loop3A_402 = tpu.memref_slice %arg6[%parallel_loop3A_366, %parallel_loop3A_400, %parallel_loop3A_401] : memref<4x200x64xf32, #tpu.memory_space<vmem>> -> memref<1x200x64xf32, #tpu.memory_space<vmem>>
        %parallel_loop3A_403 = tpu.memref_squeeze %parallel_loop3A_402 : memref<1x200x64xf32, #tpu.memory_space<vmem>> -> memref<200x64xf32, #tpu.memory_space<vmem>>
        %parallel_loop3A_404 = arith.index_cast %parallel_loop3A_399 : i32 to index
        %parallel_loop3A_405 = arith.constant 0 : index
        %parallel_loop3A_406 = tpu.vector_load %parallel_loop3A_403[%parallel_loop3A_404, %parallel_loop3A_405] {strides = array<i32>} : memref<200x64xf32, #tpu.memory_space<vmem>>, vector<1x16xf32>,
        %parallel_loop3A_407 = vector.shape_cast %parallel_loop3A_406 : vector<1x16xf32> to vector<16xf32>
        %parallel_loop3A_408 = arith.constant 8.000000e+00 : f32
        %parallel_loop3A_409 = vector.broadcast %parallel_loop3A_408 : f32 to vector<16xf32>
        %parallel_loop3A_410 = arith.mulf %parallel_loop3A_407, %parallel_loop3A_409 : vector<16xf32>
        %parallel_loop3A_411 = arith.constant 64 : i32
        %parallel_loop3A_412 = arith.muli %parallel_loop3A_397, %parallel_loop3A_411 : i32
        %parallel_loop3A_413 = arith.constant 0 : i32
        %parallel_loop3A_414 = arith.addi %parallel_loop3A_412, %parallel_loop3A_413 : i32
        %parallel_loop3A_415 = arith.constant 0 : i32
        %parallel_loop3A_416 = arith.constant 0 : i32
        %parallel_loop3A_417 = tpu.memref_slice %arg7[%parallel_loop3A_367, %parallel_loop3A_415, %parallel_loop3A_416] : memref<4x4x3200xf32, #tpu.memory_space<vmem>> -> memref<1x4x3200xf32, #tpu.memory_space<vmem>>
        %parallel_loop3A_418 = tpu.memref_squeeze %parallel_loop3A_417 : memref<1x4x3200xf32, #tpu.memory_space<vmem>> -> memref<4x3200xf32, #tpu.memory_space<vmem>>
        %parallel_loop3A_419 = arith.constant 0 : i32
        %parallel_loop3A_420 = tpu.memref_slice %parallel_loop3A_418[%parallel_loop3A_368, %parallel_loop3A_419] : memref<4x3200xf32, #tpu.memory_space<vmem>> -> memref<1x3200xf32, #tpu.memory_space<vmem>>
        %parallel_loop3A_421 = tpu.memref_squeeze %parallel_loop3A_420 : memref<1x3200xf32, #tpu.memory_space<vmem>> -> memref<3200xf32, #tpu.memory_space<vmem>>
        %parallel_loop3A_422 = arith.index_cast %parallel_loop3A_414 : i32 to index
        %parallel_loop3A_423 = tpu.vector_load %parallel_loop3A_421[%parallel_loop3A_422] {strides = array<i32>} : memref<3200xf32, #tpu.memory_space<vmem>>, vector<16xf32>,
        %parallel_loop3A_424 = vector.shape_cast %parallel_loop3A_423 : vector<16xf32> to vector<16xf32>
        %parallel_loop3A_425 = vector.shape_cast %parallel_loop3A_410 : vector<16xf32> to vector<16xf32>
        tpu.vector_store %parallel_loop3A_421[%parallel_loop3A_422], %parallel_loop3A_425 {strides = array<i32>} : memref<3200xf32, #tpu.memory_space<vmem>>, vector<16xf32>,
        %parallel_loop3A_426 = arith.constant 150 : i32
        %parallel_loop3A_427 = arith.addi %parallel_loop3A_426, %parallel_loop3A_397 : i32
        %parallel_loop3A_428 = arith.constant 0 : i32
        %parallel_loop3A_429 = arith.constant 0 : i32
        %parallel_loop3A_430 = tpu.memref_slice %arg6[%parallel_loop3A_366, %parallel_loop3A_428, %parallel_loop3A_429] : memref<4x200x64xf32, #tpu.memory_space<vmem>> -> memref<1x200x64xf32, #tpu.memory_space<vmem>>
        %parallel_loop3A_431 = tpu.memref_squeeze %parallel_loop3A_430 : memref<1x200x64xf32, #tpu.memory_space<vmem>> -> memref<200x64xf32, #tpu.memory_space<vmem>>
        %parallel_loop3A_432 = arith.index_cast %parallel_loop3A_427 : i32 to index
        %parallel_loop3A_433 = arith.constant 16 : index
        %parallel_loop3A_434 = tpu.vector_load %parallel_loop3A_431[%parallel_loop3A_432, %parallel_loop3A_433] {strides = array<i32>} : memref<200x64xf32, #tpu.memory_space<vmem>>, vector<1x16xf32>,
        %parallel_loop3A_435 = vector.shape_cast %parallel_loop3A_434 : vector<1x16xf32> to vector<16xf32>
        %parallel_loop3A_436 = arith.constant 8.000000e+00 : f32
        %parallel_loop3A_437 = vector.broadcast %parallel_loop3A_436 : f32 to vector<16xf32>
        %parallel_loop3A_438 = arith.mulf %parallel_loop3A_435, %parallel_loop3A_437 : vector<16xf32>
        %parallel_loop3A_439 = arith.constant 64 : i32
        %parallel_loop3A_440 = arith.muli %parallel_loop3A_397, %parallel_loop3A_439 : i32
        %parallel_loop3A_441 = arith.constant 16 : i32
        %parallel_loop3A_442 = arith.addi %parallel_loop3A_440, %parallel_loop3A_441 : i32
        %parallel_loop3A_443 = arith.constant 0 : i32
        %parallel_loop3A_444 = arith.constant 0 : i32
        %parallel_loop3A_445 = tpu.memref_slice %arg7[%parallel_loop3A_367, %parallel_loop3A_443, %parallel_loop3A_444] : memref<4x4x3200xf32, #tpu.memory_space<vmem>> -> memref<1x4x3200xf32, #tpu.memory_space<vmem>>
        %parallel_loop3A_446 = tpu.memref_squeeze %parallel_loop3A_445 : memref<1x4x3200xf32, #tpu.memory_space<vmem>> -> memref<4x3200xf32, #tpu.memory_space<vmem>>
        %parallel_loop3A_447 = arith.constant 0 : i32
        %parallel_loop3A_448 = tpu.memref_slice %parallel_loop3A_446[%parallel_loop3A_368, %parallel_loop3A_447] : memref<4x3200xf32, #tpu.memory_space<vmem>> -> memref<1x3200xf32, #tpu.memory_space<vmem>>
        %parallel_loop3A_449 = tpu.memref_squeeze %parallel_loop3A_448 : memref<1x3200xf32, #tpu.memory_space<vmem>> -> memref<3200xf32, #tpu.memory_space<vmem>>
        %parallel_loop3A_450 = arith.index_cast %parallel_loop3A_442 : i32 to index
        %parallel_loop3A_451 = tpu.vector_load %parallel_loop3A_449[%parallel_loop3A_450] {strides = array<i32>} : memref<3200xf32, #tpu.memory_space<vmem>>, vector<16xf32>,
        %parallel_loop3A_452 = vector.shape_cast %parallel_loop3A_451 : vector<16xf32> to vector<16xf32>
        %parallel_loop3A_453 = vector.shape_cast %parallel_loop3A_438 : vector<16xf32> to vector<16xf32>
        tpu.vector_store %parallel_loop3A_449[%parallel_loop3A_450], %parallel_loop3A_453 {strides = array<i32>} : memref<3200xf32, #tpu.memory_space<vmem>>, vector<16xf32>,
        %parallel_loop3A_454 = arith.constant 150 : i32
        %parallel_loop3A_455 = arith.addi %parallel_loop3A_454, %parallel_loop3A_397 : i32
        %parallel_loop3A_456 = arith.constant 0 : i32
        %parallel_loop3A_457 = arith.constant 0 : i32
        %parallel_loop3A_458 = tpu.memref_slice %arg6[%parallel_loop3A_366, %parallel_loop3A_456, %parallel_loop3A_457] : memref<4x200x64xf32, #tpu.memory_space<vmem>> -> memref<1x200x64xf32, #tpu.memory_space<vmem>>
        %parallel_loop3A_459 = tpu.memref_squeeze %parallel_loop3A_458 : memref<1x200x64xf32, #tpu.memory_space<vmem>> -> memref<200x64xf32, #tpu.memory_space<vmem>>
        %parallel_loop3A_460 = arith.index_cast %parallel_loop3A_455 : i32 to index
        %parallel_loop3A_461 = arith.constant 32 : index
        %parallel_loop3A_462 = tpu.vector_load %parallel_loop3A_459[%parallel_loop3A_460, %parallel_loop3A_461] {strides = array<i32>} : memref<200x64xf32, #tpu.memory_space<vmem>>, vector<1x16xf32>,
        %parallel_loop3A_463 = vector.shape_cast %parallel_loop3A_462 : vector<1x16xf32> to vector<16xf32>
        %parallel_loop3A_464 = arith.constant 8.000000e+00 : f32
        %parallel_loop3A_465 = vector.broadcast %parallel_loop3A_464 : f32 to vector<16xf32>
        %parallel_loop3A_466 = arith.mulf %parallel_loop3A_463, %parallel_loop3A_465 : vector<16xf32>
        %parallel_loop3A_467 = arith.constant 64 : i32
        %parallel_loop3A_468 = arith.muli %parallel_loop3A_397, %parallel_loop3A_467 : i32
        %parallel_loop3A_469 = arith.constant 32 : i32
        %parallel_loop3A_470 = arith.addi %parallel_loop3A_468, %parallel_loop3A_469 : i32
        %parallel_loop3A_471 = arith.constant 0 : i32
        %parallel_loop3A_472 = arith.constant 0 : i32
        %parallel_loop3A_473 = tpu.memref_slice %arg7[%parallel_loop3A_367, %parallel_loop3A_471, %parallel_loop3A_472] : memref<4x4x3200xf32, #tpu.memory_space<vmem>> -> memref<1x4x3200xf32, #tpu.memory_space<vmem>>
        %parallel_loop3A_474 = tpu.memref_squeeze %parallel_loop3A_473 : memref<1x4x3200xf32, #tpu.memory_space<vmem>> -> memref<4x3200xf32, #tpu.memory_space<vmem>>
        %parallel_loop3A_475 = arith.constant 0 : i32
        %parallel_loop3A_476 = tpu.memref_slice %parallel_loop3A_474[%parallel_loop3A_368, %parallel_loop3A_475] : memref<4x3200xf32, #tpu.memory_space<vmem>> -> memref<1x3200xf32, #tpu.memory_space<vmem>>
        %parallel_loop3A_477 = tpu.memref_squeeze %parallel_loop3A_476 : memref<1x3200xf32, #tpu.memory_space<vmem>> -> memref<3200xf32, #tpu.memory_space<vmem>>
        %parallel_loop3A_478 = arith.index_cast %parallel_loop3A_470 : i32 to index
        %parallel_loop3A_479 = tpu.vector_load %parallel_loop3A_477[%parallel_loop3A_478] {strides = array<i32>} : memref<3200xf32, #tpu.memory_space<vmem>>, vector<16xf32>,
        %parallel_loop3A_480 = vector.shape_cast %parallel_loop3A_479 : vector<16xf32> to vector<16xf32>
        %parallel_loop3A_481 = vector.shape_cast %parallel_loop3A_466 : vector<16xf32> to vector<16xf32>
        tpu.vector_store %parallel_loop3A_477[%parallel_loop3A_478], %parallel_loop3A_481 {strides = array<i32>} : memref<3200xf32, #tpu.memory_space<vmem>>, vector<16xf32>,
        %parallel_loop3A_482 = arith.constant 150 : i32
        %parallel_loop3A_483 = arith.addi %parallel_loop3A_482, %parallel_loop3A_397 : i32
        %parallel_loop3A_484 = arith.constant 0 : i32
        %parallel_loop3A_485 = arith.constant 0 : i32
        %parallel_loop3A_486 = tpu.memref_slice %arg6[%parallel_loop3A_366, %parallel_loop3A_484, %parallel_loop3A_485] : memref<4x200x64xf32, #tpu.memory_space<vmem>> -> memref<1x200x64xf32, #tpu.memory_space<vmem>>
        %parallel_loop3A_487 = tpu.memref_squeeze %parallel_loop3A_486 : memref<1x200x64xf32, #tpu.memory_space<vmem>> -> memref<200x64xf32, #tpu.memory_space<vmem>>
        %parallel_loop3A_488 = arith.index_cast %parallel_loop3A_483 : i32 to index
        %parallel_loop3A_489 = arith.constant 48 : index
        %parallel_loop3A_490 = tpu.vector_load %parallel_loop3A_487[%parallel_loop3A_488, %parallel_loop3A_489] {strides = array<i32>} : memref<200x64xf32, #tpu.memory_space<vmem>>, vector<1x16xf32>,
        %parallel_loop3A_491 = vector.shape_cast %parallel_loop3A_490 : vector<1x16xf32> to vector<16xf32>
        %parallel_loop3A_492 = arith.constant 8.000000e+00 : f32
        %parallel_loop3A_493 = vector.broadcast %parallel_loop3A_492 : f32 to vector<16xf32>
        %parallel_loop3A_494 = arith.mulf %parallel_loop3A_491, %parallel_loop3A_493 : vector<16xf32>
        %parallel_loop3A_495 = arith.constant 64 : i32
        %parallel_loop3A_496 = arith.muli %parallel_loop3A_397, %parallel_loop3A_495 : i32
        %parallel_loop3A_497 = arith.constant 48 : i32
        %parallel_loop3A_498 = arith.addi %parallel_loop3A_496, %parallel_loop3A_497 : i32
        %parallel_loop3A_499 = arith.constant 0 : i32
        %parallel_loop3A_500 = arith.constant 0 : i32
        %parallel_loop3A_501 = tpu.memref_slice %arg7[%parallel_loop3A_367, %parallel_loop3A_499, %parallel_loop3A_500] : memref<4x4x3200xf32, #tpu.memory_space<vmem>> -> memref<1x4x3200xf32, #tpu.memory_space<vmem>>
        %parallel_loop3A_502 = tpu.memref_squeeze %parallel_loop3A_501 : memref<1x4x3200xf32, #tpu.memory_space<vmem>> -> memref<4x3200xf32, #tpu.memory_space<vmem>>
        %parallel_loop3A_503 = arith.constant 0 : i32
        %parallel_loop3A_504 = tpu.memref_slice %parallel_loop3A_502[%parallel_loop3A_368, %parallel_loop3A_503] : memref<4x3200xf32, #tpu.memory_space<vmem>> -> memref<1x3200xf32, #tpu.memory_space<vmem>>
        %parallel_loop3A_505 = tpu.memref_squeeze %parallel_loop3A_504 : memref<1x3200xf32, #tpu.memory_space<vmem>> -> memref<3200xf32, #tpu.memory_space<vmem>>
        %parallel_loop3A_506 = arith.index_cast %parallel_loop3A_498 : i32 to index
        %parallel_loop3A_507 = tpu.vector_load %parallel_loop3A_505[%parallel_loop3A_506] {strides = array<i32>} : memref<3200xf32, #tpu.memory_space<vmem>>, vector<16xf32>,
        %parallel_loop3A_508 = vector.shape_cast %parallel_loop3A_507 : vector<16xf32> to vector<16xf32>
        %parallel_loop3A_509 = vector.shape_cast %parallel_loop3A_494 : vector<16xf32> to vector<16xf32>
        tpu.vector_store %parallel_loop3A_505[%parallel_loop3A_506], %parallel_loop3A_509 {strides = array<i32>} : memref<3200xf32, #tpu.memory_space<vmem>>, vector<16xf32>,
      } {sc.loop_unroll_factor = 5 : i64, sc.parallel_access}
      %mul3A_369 = arith.constant 4 : i32
      %mul3A_370 = arith.muli %add3A_326, %mul3A_369 : i32
      %add3A_371 = arith.addi %mul3A_4, %mul3A_370 : i32
      %dma_start3A_372 = arith.constant 3 : i32
      %dma_start3A_373 = arith.constant 3 : i32
      %dma_start3A_374 = arith.constant 0 : i32
      %dma_start3A_375 = arith.constant 0 : i32
      %dma_start3A_376 = tpu.memref_slice %arg7[%dma_start3A_372, %dma_start3A_374, %dma_start3A_375] : memref<4x4x3200xf32, #tpu.memory_space<vmem>> -> memref<1x4x3200xf32, #tpu.memory_space<vmem>>
      %dma_start3A_377 = tpu.memref_squeeze %dma_start3A_376 : memref<1x4x3200xf32, #tpu.memory_space<vmem>> -> memref<4x3200xf32, #tpu.memory_space<vmem>>
      %dma_start3A_378 = arith.constant 0 : i32
      %dma_start3A_379 = tpu.memref_slice %arg4[%add3A_371, %dma_start3A_378] : memref<4096x3200xf32, #tpu.memory_space<hbm>> -> memref<4x3200xf32, #tpu.memory_space<hbm>>
      %dma_start3A_380 = tpu.memref_slice %arg9[%dma_start3A_373] : memref<4x!tpu.dma_semaphore, #tpu.memory_space<semaphore_mem>> -> memref<1x!tpu.dma_semaphore, #tpu.memory_space<semaphore_mem>>
      %dma_start3A_381 = tpu.memref_squeeze %dma_start3A_380 : memref<1x!tpu.dma_semaphore, #tpu.memory_space<semaphore_mem>> -> memref<!tpu.dma_semaphore, #tpu.memory_space<semaphore_mem>>
      %dma_start3A_382 = arith.constant 0 : i32
      %dma_start3A_383 = tpu.memref_slice %arg4[%add3A_371, %dma_start3A_382] : memref<4096x3200xf32, #tpu.memory_space<hbm>> -> memref<4x3200xf32, #tpu.memory_space<hbm>>
      %dma_start3A_384 = arith.constant 0 : i32
      %dma_start3A_385 = arith.constant 0 : i32
      %dma_start3A_386 = tpu.memref_slice %arg7[%dma_start3A_372, %dma_start3A_384, %dma_start3A_385] : memref<4x4x3200xf32, #tpu.memory_space<vmem>> -> memref<1x4x3200xf32, #tpu.memory_space<vmem>>
      %dma_start3A_387 = tpu.memref_squeeze %dma_start3A_386 : memref<1x4x3200xf32, #tpu.memory_space<vmem>> -> memref<4x3200xf32, #tpu.memory_space<vmem>>
      tpu.enqueue_dma source(%dma_start3A_387 : memref<4x3200xf32, #tpu.memory_space<vmem>>) target(%dma_start3A_383 : memref<4x3200xf32, #tpu.memory_space<hbm>>) target_semaphore(%dma_start3A_381 : memref<!tpu.dma_semaphore, #tpu.memory_space<semaphore_mem>>)
      %add3A_388 = arith.constant 4 : i32
      %add3A_389 = arith.addi %add3A_326, %add3A_388 : i32
      %sub3A_390 = arith.constant 1 : i32
      %sub3A_391 = arith.subi %add3A_389, %sub3A_390 : i32
      %lt3A_392 = arith.constant 32 : i32
      %lt3A_393 = arith.cmpi slt, %sub3A_391, %lt3A_392 : i32
      %convert_element_type3A_394 = arith.extui %lt3A_393 : i1 to i32
      %cond3A_395 = arith.constant 0 : i32
      %cond3A_396 = arith.cmpi ne, %convert_element_type3A_394, %cond3A_395 : i32
      scf.if %cond3A_396 {
        %mul3A_397 = arith.constant 200 : i32
        %mul3A_398 = arith.muli %sub3A_391, %mul3A_397 : i32
        %dma_start3A_399 = arith.constant 2 : i32
        %dma_start3A_400 = arith.constant 2 : i32
        %dma_start3A_401 = arith.constant 0 : i32
        %dma_start3A_402 = arith.constant 0 : i32
        %dma_start3A_403 = tpu.memref_slice %arg6[%dma_start3A_399, %dma_start3A_401, %dma_start3A_402] : memref<4x200x64xf32, #tpu.memory_space<vmem>> -> memref<1x200x64xf32, #tpu.memory_space<vmem>>
        %dma_start3A_404 = tpu.memref_squeeze %dma_start3A_403 : memref<1x200x64xf32, #tpu.memory_space<vmem>> -> memref<200x64xf32, #tpu.memory_space<vmem>>
        %dma_start3A_405 = tpu.memref_slice %arg5[%mul3A_398] : memref<6400xi32, #tpu.memory_space<vmem>> -> memref<200xi32, #tpu.memory_space<vmem>>
        %dma_start3A_406 = arith.constant 0 : i32
        %dma_start3A_407 = arith.constant 0 : i32
        %dma_start3A_408 = tpu.memref_slice %arg3[%dma_start3A_406, %dma_start3A_407] : memref<100000x64xf32, #tpu.memory_space<hbm>> -> memref<100000x64xf32, #tpu.memory_space<hbm>>
        %dma_start3A_409 = tpu.memref_slice %arg8[%dma_start3A_400] : memref<4x!tpu.dma_semaphore, #tpu.memory_space<semaphore_mem>> -> memref<1x!tpu.dma_semaphore, #tpu.memory_space<semaphore_mem>>
        %dma_start3A_410 = tpu.memref_squeeze %dma_start3A_409 : memref<1x!tpu.dma_semaphore, #tpu.memory_space<semaphore_mem>> -> memref<!tpu.dma_semaphore, #tpu.memory_space<semaphore_mem>>
        tpu.enqueue_indirect_dma source(%dma_start3A_408 : memref<100000x64xf32, #tpu.memory_space<hbm>>) target(%dma_start3A_404 : memref<200x64xf32, #tpu.memory_space<vmem>>) offsets(%dma_start3A_405 : memref<200xi32, #tpu.memory_space<vmem>>) semaphore(%dma_start3A_410 : memref<!tpu.dma_semaphore, #tpu.memory_space<semaphore_mem>>)
      } else {
      }
    }
    %scan3A_46 = arith.constant 8 : i32
    %dma_wait3A = arith.constant 0 : i32
    %dma_wait3A_47 = arith.constant 0 : i32
    %dma_wait3A_48 = arith.constant 0 : i32
    %dma_wait3A_49 = arith.constant 0 : i32
    %dma_wait3A_50 = tpu.memref_slice %arg7[%dma_wait3A, %dma_wait3A_48, %dma_wait3A_49] : memref<4x4x3200xf32, #tpu.memory_space<vmem>> -> memref<1x4x3200xf32, #tpu.memory_space<vmem>>
    %dma_wait3A_51 = tpu.memref_squeeze %dma_wait3A_50 : memref<1x4x3200xf32, #tpu.memory_space<vmem>> -> memref<4x3200xf32, #tpu.memory_space<vmem>>
    %dma_wait3A_52 = arith.constant 0 : i32
    %dma_wait3A_53 = tpu.memref_slice %arg4[%mul3A_4, %dma_wait3A_52] : memref<4096x3200xf32, #tpu.memory_space<hbm>> -> memref<4x3200xf32, #tpu.memory_space<hbm>>
    %dma_wait3A_54 = tpu.memref_slice %arg9[%dma_wait3A_47] : memref<4x!tpu.dma_semaphore, #tpu.memory_space<semaphore_mem>> -> memref<1x!tpu.dma_semaphore, #tpu.memory_space<semaphore_mem>>
    %dma_wait3A_55 = tpu.memref_squeeze %dma_wait3A_54 : memref<1x!tpu.dma_semaphore, #tpu.memory_space<semaphore_mem>> -> memref<!tpu.dma_semaphore, #tpu.memory_space<semaphore_mem>>
    %dma_wait3A_56 = arith.constant 0 : i32
    %dma_wait3A_57 = tpu.memref_slice %arg4[%mul3A_4, %dma_wait3A_56] : memref<4096x3200xf32, #tpu.memory_space<hbm>> -> memref<4x3200xf32, #tpu.memory_space<hbm>>
    %dma_wait3A_58 = arith.constant 0 : i32
    %dma_wait3A_59 = arith.constant 0 : i32
    %dma_wait3A_60 = tpu.memref_slice %arg7[%dma_wait3A, %dma_wait3A_58, %dma_wait3A_59] : memref<4x4x3200xf32, #tpu.memory_space<vmem>> -> memref<1x4x3200xf32, #tpu.memory_space<vmem>>
    %dma_wait3A_61 = tpu.memref_squeeze %dma_wait3A_60 : memref<1x4x3200xf32, #tpu.memory_space<vmem>> -> memref<4x3200xf32, #tpu.memory_space<vmem>>
    tpu.wait_dma2 semaphore(%dma_wait3A_55 : memref<!tpu.dma_semaphore, #tpu.memory_space<semaphore_mem>>) src(%dma_wait3A_61 : memref<4x3200xf32, #tpu.memory_space<vmem>>) dst(%dma_wait3A_57 : memref<4x3200xf32, #tpu.memory_space<hbm>>)
    %dma_wait3A_62 = arith.constant 1 : i32
    %dma_wait3A_63 = arith.constant 1 : i32
    %dma_wait3A_64 = arith.constant 0 : i32
    %dma_wait3A_65 = arith.constant 0 : i32
    %dma_wait3A_66 = tpu.memref_slice %arg7[%dma_wait3A_62, %dma_wait3A_64, %dma_wait3A_65] : memref<4x4x3200xf32, #tpu.memory_space<vmem>> -> memref<1x4x3200xf32, #tpu.memory_space<vmem>>
    %dma_wait3A_67 = tpu.memref_squeeze %dma_wait3A_66 : memref<1x4x3200xf32, #tpu.memory_space<vmem>> -> memref<4x3200xf32, #tpu.memory_space<vmem>>
    %dma_wait3A_68 = arith.constant 0 : i32
    %dma_wait3A_69 = tpu.memref_slice %arg4[%mul3A_4, %dma_wait3A_68] : memref<4096x3200xf32, #tpu.memory_space<hbm>> -> memref<4x3200xf32, #tpu.memory_space<hbm>>
    %dma_wait3A_70 = tpu.memref_slice %arg9[%dma_wait3A_63] : memref<4x!tpu.dma_semaphore, #tpu.memory_space<semaphore_mem>> -> memref<1x!tpu.dma_semaphore, #tpu.memory_space<semaphore_mem>>
    %dma_wait3A_71 = tpu.memref_squeeze %dma_wait3A_70 : memref<1x!tpu.dma_semaphore, #tpu.memory_space<semaphore_mem>> -> memref<!tpu.dma_semaphore, #tpu.memory_space<semaphore_mem>>
    %dma_wait3A_72 = arith.constant 0 : i32
    %dma_wait3A_73 = tpu.memref_slice %arg4[%mul3A_4, %dma_wait3A_72] : memref<4096x3200xf32, #tpu.memory_space<hbm>> -> memref<4x3200xf32, #tpu.memory_space<hbm>>
    %dma_wait3A_74 = arith.constant 0 : i32
    %dma_wait3A_75 = arith.constant 0 : i32
    %dma_wait3A_76 = tpu.memref_slice %arg7[%dma_wait3A_62, %dma_wait3A_74, %dma_wait3A_75] : memref<4x4x3200xf32, #tpu.memory_space<vmem>> -> memref<1x4x3200xf32, #tpu.memory_space<vmem>>
    %dma_wait3A_77 = tpu.memref_squeeze %dma_wait3A_76 : memref<1x4x3200xf32, #tpu.memory_space<vmem>> -> memref<4x3200xf32, #tpu.memory_space<vmem>>
    tpu.wait_dma2 semaphore(%dma_wait3A_71 : memref<!tpu.dma_semaphore, #tpu.memory_space<semaphore_mem>>) src(%dma_wait3A_77 : memref<4x3200xf32, #tpu.memory_space<vmem>>) dst(%dma_wait3A_73 : memref<4x3200xf32, #tpu.memory_space<hbm>>)
    %dma_wait3A_78 = arith.constant 2 : i32
    %dma_wait3A_79 = arith.constant 2 : i32
    %dma_wait3A_80 = arith.constant 0 : i32
    %dma_wait3A_81 = arith.constant 0 : i32
    %dma_wait3A_82 = tpu.memref_slice %arg7[%dma_wait3A_78, %dma_wait3A_80, %dma_wait3A_81] : memref<4x4x3200xf32, #tpu.memory_space<vmem>> -> memref<1x4x3200xf32, #tpu.memory_space<vmem>>
    %dma_wait3A_83 = tpu.memref_squeeze %dma_wait3A_82 : memref<1x4x3200xf32, #tpu.memory_space<vmem>> -> memref<4x3200xf32, #tpu.memory_space<vmem>>
    %dma_wait3A_84 = arith.constant 0 : i32
    %dma_wait3A_85 = tpu.memref_slice %arg4[%mul3A_4, %dma_wait3A_84] : memref<4096x3200xf32, #tpu.memory_space<hbm>> -> memref<4x3200xf32, #tpu.memory_space<hbm>>
    %dma_wait3A_86 = tpu.memref_slice %arg9[%dma_wait3A_79] : memref<4x!tpu.dma_semaphore, #tpu.memory_space<semaphore_mem>> -> memref<1x!tpu.dma_semaphore, #tpu.memory_space<semaphore_mem>>
    %dma_wait3A_87 = tpu.memref_squeeze %dma_wait3A_86 : memref<1x!tpu.dma_semaphore, #tpu.memory_space<semaphore_mem>> -> memref<!tpu.dma_semaphore, #tpu.memory_space<semaphore_mem>>
    %dma_wait3A_88 = arith.constant 0 : i32
    %dma_wait3A_89 = tpu.memref_slice %arg4[%mul3A_4, %dma_wait3A_88] : memref<4096x3200xf32, #tpu.memory_space<hbm>> -> memref<4x3200xf32, #tpu.memory_space<hbm>>
    %dma_wait3A_90 = arith.constant 0 : i32
    %dma_wait3A_91 = arith.constant 0 : i32
    %dma_wait3A_92 = tpu.memref_slice %arg7[%dma_wait3A_78, %dma_wait3A_90, %dma_wait3A_91] : memref<4x4x3200xf32, #tpu.memory_space<vmem>> -> memref<1x4x3200xf32, #tpu.memory_space<vmem>>
    %dma_wait3A_93 = tpu.memref_squeeze %dma_wait3A_92 : memref<1x4x3200xf32, #tpu.memory_space<vmem>> -> memref<4x3200xf32, #tpu.memory_space<vmem>>
    tpu.wait_dma2 semaphore(%dma_wait3A_87 : memref<!tpu.dma_semaphore, #tpu.memory_space<semaphore_mem>>) src(%dma_wait3A_93 : memref<4x3200xf32, #tpu.memory_space<vmem>>) dst(%dma_wait3A_89 : memref<4x3200xf32, #tpu.memory_space<hbm>>)
    %dma_wait3A_94 = arith.constant 3 : i32
    %dma_wait3A_95 = arith.constant 3 : i32
    %dma_wait3A_96 = arith.constant 0 : i32
    %dma_wait3A_97 = arith.constant 0 : i32
    %dma_wait3A_98 = tpu.memref_slice %arg7[%dma_wait3A_94, %dma_wait3A_96, %dma_wait3A_97] : memref<4x4x3200xf32, #tpu.memory_space<vmem>> -> memref<1x4x3200xf32, #tpu.memory_space<vmem>>
    %dma_wait3A_99 = tpu.memref_squeeze %dma_wait3A_98 : memref<1x4x3200xf32, #tpu.memory_space<vmem>> -> memref<4x3200xf32, #tpu.memory_space<vmem>>
    %dma_wait3A_100 = arith.constant 0 : i32
    %dma_wait3A_101 = tpu.memref_slice %arg4[%mul3A_4, %dma_wait3A_100] : memref<4096x3200xf32, #tpu.memory_space<hbm>> -> memref<4x3200xf32, #tpu.memory_space<hbm>>
    %dma_wait3A_102 = tpu.memref_slice %arg9[%dma_wait3A_95] : memref<4x!tpu.dma_semaphore, #tpu.memory_space<semaphore_mem>> -> memref<1x!tpu.dma_semaphore, #tpu.memory_space<semaphore_mem>>
    %dma_wait3A_103 = tpu.memref_squeeze %dma_wait3A_102 : memref<1x!tpu.dma_semaphore, #tpu.memory_space<semaphore_mem>> -> memref<!tpu.dma_semaphore, #tpu.memory_space<semaphore_mem>>
    %dma_wait3A_104 = arith.constant 0 : i32
    %dma_wait3A_105 = tpu.memref_slice %arg4[%mul3A_4, %dma_wait3A_104] : memref<4096x3200xf32, #tpu.memory_space<hbm>> -> memref<4x3200xf32, #tpu.memory_space<hbm>>
    %dma_wait3A_106 = arith.constant 0 : i32
    %dma_wait3A_107 = arith.constant 0 : i32
    %dma_wait3A_108 = tpu.memref_slice %arg7[%dma_wait3A_94, %dma_wait3A_106, %dma_wait3A_107] : memref<4x4x3200xf32, #tpu.memory_space<vmem>> -> memref<1x4x3200xf32, #tpu.memory_space<vmem>>
    %dma_wait3A_109 = tpu.memref_squeeze %dma_wait3A_108 : memref<1x4x3200xf32, #tpu.memory_space<vmem>> -> memref<4x3200xf32, #tpu.memory_space<vmem>>
    tpu.wait_dma2 semaphore(%dma_wait3A_103 : memref<!tpu.dma_semaphore, #tpu.memory_space<semaphore_mem>>) src(%dma_wait3A_109 : memref<4x3200xf32, #tpu.memory_space<vmem>>) dst(%dma_wait3A_105 : memref<4x3200xf32, #tpu.memory_space<hbm>>)
    return
  }
}

</mosaic_0001>

<sc_bundles>
// kernel: kernel.3.cloned.1.call-start
scs
__scs_entry_jumppad:
0x0: {  	(pc) =	sbr.rel $0x88, $3  }
0x1: {  	(tag) =	ssettag $0x0;
	lr =	simm.s32 $0x1  }
0x2: {  	[smem:$0x3F9F] =	sst lr;
	_ =	strace $0xD0000000  }
0x3: {  	_ = 	snop  }
0x4: {  	_ = 	snop  }
0x5: {  	_ = 	snop  }
0x6: {  	_ = 	snop  }
0x7: {  	_ = 	snop  }
__scs_overlays_trampoline_lowered:
0x8: {  	[smem:$0x3FAE] =	sst s0  }
0x9: {  	[smem:$0x3FAF] =	sst s1  }
0xa: {  	[smem:$0x3FB0] =	sst s2  }
0xb: {  	[smem:$0x3FB1] =	sst s3  }
0xc: {  	[smem:$0x3FB2] =	sst s4  }
0xd: {  	[smem:$0x3FB3] =	sst s5  }
0xe: {  	[smem:$0x3FB4] =	sst s6  }
0xf: {  	[smem:$0x3FB5] =	sst s7  }
0x10: {  	[smem:$0x3FB6] =	sst s8  }
0x11: {  	[smem:$0x3FB7] =	sst s9;
	s0 =	simm.s32 @!p0 $0x0  }
0x12: {  	s1 =	sld [smem:$0x3F9D];
	s0 =	simm.s32 @p0 $0x1  }
0x13: {  	[smem:$0x3FB8] =	sst s0;
	s0 =	simm.s32 @!p1 $0x0  }
0x14: {  	s2 =	sld [smem:$0x3F9C];
	s0 =	simm.s32 @p1 $0x1  }
0x15: {  	[smem:$0x3FB9] =	sst s0;
	s0 =	simm.s32 @!p2 $0x0  }
0x16: {  	s3 =	sld [smem:$0x3FDB];
	s0 =	simm.s32 @p2 $0x1  }
0x17: {  	s4 =	simm.s32 $0x1BF5;
	[smem:$0x3FBB] =	sst s0  }
0x18: {  	s0 =	sld [smem:$0x3F9E];
	_ =	swait.ge [sflag:s4], $0x0  }
0x19: {  	s7 =	sld [smem:$0x3F9F]  }
0x1a: {  	s8 =	sadd.s32 $0xFFFFE003, lr  }
0x1b: {  	s9 =	sadd.s32 $0xFFFFFEF7, lr;
	s5 =	simm.s32 $0xFFFFFFFF;
	p2 =	slt.u32 s8, $0xFFFFF086  }
0x1c: {  	p1 =	slt.u32 s9, $0xF7A;
	s5 =	simm.s32 @!p2 $0x0  }
0x1d: {  	s5 =	simm.s32 @p1 $0x1;
	p0 =	seq.s32 s7, s2  }
0x1e: {  	s7 =	smul.u32 @!p0 $0xF7A, s2;
	p2 =	seq.s32 @!p0 s5, $0x0  }
0x1f: {  	s9 =	smul.u32 $0xF7A, s1;
	s8 =	simm.s32 @!p0 $0x1BF5;
	p2 =	por !p2, p0  }
0x20: {  	[sflag:s8] =	ssyncset.s32 @!p0 $0xFFFFF086;
	s6 =	sadd.s32 @!p0 s3, s7;
	s7 =	simm.s32 @!p0 $0x108  }
0x21: {  	s3 =	sadd.s32 s3, s9;
	s6 =	sadd.s32 @!p0 $0x88, s6;
	s7 =	simm.s32 @p2 $0x1082  }
0x22: {  	[simem:s7], [sflag:s8] =	dma.local @!p0 [hbm:s6], $0xF7A  }
0x23: {  	s9 =	sor.u32 $0xD0000000, s2;
	s6 =	simm.s32 $0x108;
	_ =	swait.ge @!p0 [sflag:s8], $0x0  }
0x24: {  	s3 =	sadd.s32 $0x88, s3;
	s6 =	simm.s32 @!p1 $0x1082;
	[sflag:s4] =	ssyncset.s32 $0xFFFFF086  }
0x25: {  	[simem:s6], [sflag:s4] =	dma.local [hbm:s3], $0xF7A  }
0x26: {  	[smem:$0x3F9F] =	sst s1;
	(tag) =	ssettag s2;
	_ =	strace s9  }
0x27: {  	s1 =	sld [smem:$0x3FAF]  }
0x28: {  	s2 =	sld [smem:$0x3FB0]  }
0x29: {  	s4 =	sld [smem:$0x3FB2]  }
0x2a: {  	p0 =	seq.s32 s5, $0x0;
	s5 =	sld [smem:$0x3FB3]  }
0x2b: {  	s6 =	sld [smem:$0x3FB4]  }
0x2c: {  	s7 =	sld [smem:$0x3FB5]  }
0x2d: {  	s3 =	simm.s32 $0x108;
	s8 =	sld [smem:$0x3FB6]  }
0x2e: {  	s3 =	simm.s32 @!p0 $0x1082;
	s9 =	sld [smem:$0x3FB7]  }
0x2f: {  	lr =	sadd.s32 s0, s3;
	s0 =	sld [smem:$0x3FAE]  }
0x30: {  	s3 =	sld [smem:$0x3FB1]  }
0x31: {  	[smem:$0x3FBA] =	sst s10  }
0x32: {  	s10 =	sld [smem:$0x3FB8];
	_ =	sdelay $0x3  }
0x33: {  	p0 =	seq.s32 s10, $0x1;
	s10 =	sld [smem:$0x3FBA];
	_ =	sdelay $0x3  }
0x34: {  	[smem:$0x3FBA] =	sst s10  }
0x35: {  	s10 =	sld [smem:$0x3FB9];
	_ =	sdelay $0x3  }
0x36: {  	p1 =	seq.s32 s10, $0x1;
	s10 =	sld [smem:$0x3FBA];
	_ =	sdelay $0x3  }
0x37: {  	[smem:$0x3FBA] =	sst s10  }
0x38: {  	s10 =	sld [smem:$0x3FBB]  }
0x39: {  	_ = 	snop;
	(pc) =	sbr.ind lr, $3  }
0x3a: {  	_ = 	snop  }
0x3b: {  	_ = 	snop  }
0x3c: {  	p2 =	seq.s32 s10, $0x1;
	s10 =	sld [smem:$0x3FBA]  }
0x3d: {  	_ =	shalt  }
0x3e: {  	_ =	shalt  }
0x3f: {  	_ =	shalt  }
0x40: {  	_ =	shalt  }
0x41: {  	_ =	shalt  }
0x42: {  	_ =	shalt  }
0x43: {  	_ =	shalt  }
0x44: {  	_ =	shalt  }
0x45: {  	_ =	shalt  }
0x46: {  	_ =	shalt  }
0x47: {  	_ =	shalt  }
0x48: {  	_ =	shalt  }
0x49: {  	_ =	shalt  }
0x4a: {  	_ =	shalt  }
0x4b: {  	_ =	shalt  }
0x4c: {  	_ =	shalt  }
0x4d: {  	_ =	shalt  }
0x4e: {  	_ =	shalt  }
0x4f: {  	_ =	shalt  }
0x50: {  	_ =	shalt  }
0x51: {  	_ =	shalt  }
0x52: {  	_ =	shalt  }
0x53: {  	_ =	shalt  }
0x54: {  	_ =	shalt  }
0x55: {  	_ =	shalt  }
0x56: {  	_ =	shalt  }
0x57: {  	_ =	shalt  }
0x58: {  	_ =	shalt  }
0x59: {  	_ =	shalt  }
0x5a: {  	_ =	shalt  }
0x5b: {  	_ =	shalt  }
0x5c: {  	_ =	shalt  }
0x5d: {  	_ =	shalt  }
0x5e: {  	_ =	shalt  }
0x5f: {  	_ =	shalt  }
0x60: {  	_ =	shalt  }
0x61: {  	_ =	shalt  }
0x62: {  	_ =	shalt  }
0x63: {  	_ =	shalt  }
0x64: {  	_ =	shalt  }
0x65: {  	_ =	shalt  }
0x66: {  	_ =	shalt  }
0x67: {  	_ =	shalt  }
0x68: {  	_ =	shalt  }
0x69: {  	_ =	shalt  }
0x6a: {  	_ =	shalt  }
0x6b: {  	_ =	shalt  }
0x6c: {  	_ =	shalt  }
0x6d: {  	_ =	shalt  }
0x6e: {  	_ =	shalt  }
0x6f: {  	_ =	shalt  }
0x70: {  	_ =	shalt  }
0x71: {  	_ =	shalt  }
0x72: {  	_ =	shalt  }
0x73: {  	_ =	shalt  }
0x74: {  	_ =	shalt  }
0x75: {  	_ =	shalt  }
0x76: {  	_ =	shalt  }
0x77: {  	_ =	shalt  }
0x78: {  	_ =	shalt  }
0x79: {  	_ =	shalt  }
0x7a: {  	_ =	shalt  }
0x7b: {  	_ =	shalt  }
0x7c: {  	_ =	shalt  }
0x7d: {  	_ =	shalt  }
0x7e: {  	_ =	shalt  }
0x7f: {  	_ =	shalt  }
0x80: {  	_ =	shalt  }
0x81: {  	_ =	shalt  }
0x82: {  	_ =	shalt  }
0x83: {  	_ =	shalt  }
0x84: {  	_ =	shalt  }
0x85: {  	_ =	shalt  }
0x86: {  	_ =	shalt  }
0x87: {  	_ =	shalt  }
.Lfunc_end0:
.L_simem_size_0:
called_computation.1_lowered:
.L_overlay_start_0:
0x88: {  	s2 =	sld [smem:$0x3FD9]  }
0x89: {  	s3 =	sld [smem:$0x3FFE];
	_ =	sdelay $0x1  }
0x8a: {  	s1 =	srdreg.scid  }
0x8b: {  	s0 =	sand.u32 $0x1, s1  }
0x8c: {  	s17 =	sshll.u32 s0, $0xA;
	s2 =	sadd.s32 s3, s2  }
0x8d: {  	s2 =	sadd.s32 s2, s17  }
0x8e: {  	[smem:$0x3FC6] =	sst s2  }
0x8f: {  	_ = 	snop  }
0x90: {  	s2 =	sld [smem:$0x3FD0];
	(tm) =	ssettm $0x1  }
0x91: {  	s18 =	sld [smem:$0x3FFB];
	_ =	sdelay $0x3  }
0x92: {  	_ =	strace s18  }
0x93: {  	s3 =	sld [smem:$0x3FFC];
	_ =	sdelay $0x3  }
0x94: {  	_ =	strace s3  }
0x95: {  	s3 =	sld [smem:$0x3FFD];
	_ =	sdelay $0x3  }
0x96: {  	_ =	strace s3  }
0x97: {  	_ =	strace $0x8FFFFFFF  }
0x98: {  	s19 =	sld [smem:$0x3FDB];
	_ =	sdelay $0x1  }
0x99: {  	s4 =	simm.s32 $_scs_section_size  }
0x9a: {  	s5 =	simm.s32 $_size__tile_overlayer_lowered;
	s6 =	simm.s32 $_tile_overlayer_lowered  }
0x9b: {  	s22 =	simm.s32 $0x1BFF;
	s21 =	sshll.u32 s6, $0x1;
	s3 =	sadd.s32 s4, s19  }
0x9c: {  	s7 =	simm.s32 $0x0;
	s20 =	sshll.u32 s5, $0x1;
	s5 =	sadd.s32 s21, s3  }
0x9d: {  	[timem:s7], [sflag:s22] =	dma.local [hbm:s5], s20  }
0x9e: {  	_ =	swait.ge [sflag:s22], s20  }
0x9f: {  	s4 =	ssub.s32 $0x0, s20;
	[sflag:s22] =	ssyncset.done $0x0  }
0xa0: {  	[sflag:s22] =	ssyncadd.s32 s4;
	_ =	sdelay $0x1  }
0xa1: {  	s23 =	simm.s32 $0x1B8B  }
0xa2: {  	_ =	swait.ge [sflag:s23], $0x1  }
0xa3: {  	[sflag:s23] =	ssyncset.done $0x0  }
0xa4: {  	s25 =	simm.s32 $0x1B8E;
	s24 =	sld [smem:$0x3FFE];
	[sflag:s23] =	ssyncadd.s32 $0xFFFFFFFF  }
0xa5: {  	s26 =	simm.s32 $execute0_lowered;
	[smem:$0x3FD2] =	sst s25  }
0xa6: {  	s5 =	sshll.u32 s26, $0x1;
	_ =	strace $0x80000046;
	[dreg:$0x1] =	wrdreg $0xFFFFFFFF  }
0xa7: {  	s28 =	simm.s32 $_size_execute0_lowered;
	s3 =	sadd.s32 s3, s5;
	[dreg:$0x0] =	wrdreg $0x0  }
0xa8: {  	s5 =	sshll.u32 s28, $0x1;
	[dreg:$0x2] =	wrdreg s3  }
0xa9: {  	[dreg:$0x3] =	wrdreg s5  }
0xaa: {  	[dreg:$0x4] =	wrdreg $0xC0  }
0xab: {  	_ =	task [dreg:s7], $0x5FFFF  }
0xac: {  	[dreg:$0x1] =	wrdreg $0xFFFFFFFF  }
0xad: {  	[dreg:$0x0] =	wrdreg $0x60  }
0xae: {  	[dreg:$0x2] =	wrdreg s24  }
0xaf: {  	[dreg:$0x3] =	wrdreg s2  }
0xb0: {  	[dreg:$0x4] =	wrdreg $0x9  }
0xb1: {  	_ =	task.clear_ibuf [dreg:s7], $0x5FFFF;
	_ =	strace $0x90000046  }
0xb2: {  	s29 =	simm.s32 $0x9;
	_ =	strace $0x80000048  }
0xb3: {  	_ =	swait.ge [sflag:s29], $0x1  }
0xb4: {  	[sflag:s29] =	ssyncadd.s32 $0xFFFFFFFF  }
0xb5: {  	_ =	strace $0x90000048  }
0xb6: {  	_ =	sfence  }
0xb7: {  	s30 =	sld [smem:$0x0];
	_ =	sdelay $0x2  }
0xb8: {  	s31 =	sshll.u32 s1, $0xD;
	s1 =	sshrl.u32 s1, $0x2  }
0xb9: {  	s3 =	sand.u32 $0x4000, s31;
	s1 =	sadd.s32 s1, s30  }
0xba: {  	s0 =	sor.u32 s3, s0;
	s1 =	sshll.u32 s1, $0x11  }
0xbb: {  	s0 =	sor.u32 s1, s0  }
0xbc: {  	s0 =	sadd.s32 $0x8F2B, s0  }
0xbd: {  	[sflag:s0] =	ssyncadd.remote.s32 $0x1  }
0xbe: {  	_ =	sfence.sel $0xFFFF  }
0xbf: {  	[dreg:$0x0] =	wrdreg $0xFFFFFFFF;
	(pc) =	sbr.abs _section_cstart, $3  }
0xc0: {  	[dreg:$0x1] =	wrdreg $0xFFFFFFFF  }
0xc1: {  	_ =	task.clear_ibuf [dreg:s7], $0x2FFFF;
	_ =	strace $0x9FFFFFFF  }
0xc2: {  	(tm) =	ssettm $0x7FFFFFFF  }
0xc3: {  	_ =	shalt  }
tec
execute0_lowered:
.L_overlay_start_1:
0x0: {  	(tag) =	ssettag $0x1  }
0x1: {  	s0 =	rddreg [dreg:$0x0];
	s1 =	srdreg.scid  }
0x2: {  	s3 =	stileid.u32;
	s2 =	rddreg [dreg:$0x1];
	s8 =	simm.s32 $0x9  }
0x3: {  	s9 =	simm.s32 $0xC8;
	s10 =	simm.s32 $0x1900;
	s11 =	simm.s32 $0x4B00  }
0x4: {  	s13 =	simm.s32 $0x7D00;
	s14 =	simm.s32 $0x1;
	s15 =	simm.s32 $0xE100  }
0x5: {  	s16 =	simm.s32 $0xAF00;
	s17 =	simm.s32 $0x2;
	s18 =	simm.s32 $0x11300  }
0x6: {  	s19 =	simm.s32 $0x3;
	s20 =	simm.s32 $0x7;
	s21 =	simm.s32 $0x14500  }
0x7: {  	s22 =	simm.s32 $0x4;
	s1 =	sand.u32 $0x1, s1;
	s4 =	sshll.u32 s3, $0x1  }
0x8: {  	s23 =	simm.s32 $0x8;
	s24 =	simm.s32 $0x17700;
	s5 =	sor.u32 s1, s4  }
0x9: {  	s25 =	simm.s32 $0x5;
	s26 =	simm.s32 $0x6;
	s4 =	smul.u32 $0x320, s5  }
.Ltmp0:
0xa: {  	s3 =	simm.s32 $0x0;
	s1 =	ssub.s32 $0x2, s1;
	(pc) =	sbr.rel .LBB2_1-.Ltmp0, $4  }
0xb: {  	[smem:$0x7FF] =	sst s3;
	s30 =	sshrl.u32 s1, $0x1;
	s6 =	sadd.s32 s4, s0  }
0xc: {  	s4 =	sadd.s32 $0x6C00, s0;
	s0 =	ssub.s32 s1, s30;
	s31 =	sadd.s32 $0x800, s6  }
0xd: {  	_ =	strace $0x80000047;
	s0 =	smax.u32 s0, $0x1;
	[dreg:$0x3] =	wrdreg s31  }
0xe: {  	s28 =	simm.s32 $0x0;
	s5 =	sshll.u32 s5, $0x7;
	[dreg:$0x4] =	wrdreg s0  }
.LBB2_52:
0xf: {  	_ =	swait.ge [sflag:s25], $0x3200  }
0x10: {  	[sflag:s25] =	ssyncset.done $0x0  }
0x11: {  	[sflag:s25] =	ssyncadd.s32 $0xFFFFCE00  }
0x12: {  	_ =	swait.ge [sflag:s26], $0x3200  }
0x13: {  	[sflag:s26] =	ssyncset.done $0x0  }
0x14: {  	[sflag:s26] =	ssyncadd.s32 $0xFFFFCE00  }
0x15: {  	_ =	swait.ge [sflag:s20], $0x3200  }
0x16: {  	[sflag:s20] =	ssyncset.done $0x0  }
0x17: {  	[sflag:s20] =	ssyncadd.s32 $0xFFFFCE00  }
0x18: {  	_ =	swait.ge [sflag:s23], $0x3200  }
0x19: {  	s28 =	sadd.s32 $0x1, s28;
	s0 =	rddreg [dreg:$0x4]  }
0x1a: {  	p0 =	sne.s32 s28, s0  }
.Ltmp1:
0x1b: {  	_ = 	snop;
	(pc) =	sbr.rel @!p0 .LBB2_53-.Ltmp1, $3  }
0x1c: {  	_ =	sdelay $0x1  }
0x1d: {  	[sflag:s23] =	ssyncset.done $0x0  }
0x1e: {  	[sflag:s23] =	ssyncadd.s32 $0xFFFFCE00  }
.LBB2_1:
0x1f: {  	s0 =	rddreg [dreg:$0x3]  }
0x20: {  	[tilespmem:s3], [sflag:$0x9] =	stream.linear.gather [hbm4b:s0+s3], $0x1900, $0x38;
	[tilespmem:$0x1A900] =	vst v63  }
0x21: {  	_ =	swait.ge [sflag:s8], $0x1900  }
0x22: {  	[sflag:s8] =	ssyncset.done $0x0  }
0x23: {  	[sflag:s8] =	ssyncadd.s32 $0xFFFFE700  }
0x24: {  	[tilespmem:s10], [sflag:$0x1] =	stream.indirect.gather [hbm4b:s4+s9], $0x40, s3, s9, $0xb8;
	[tilespmem:$0x1A900] =	vst v63  }
0x25: {  	_ = 	snop  }
0x26: {  	[tilespmem:s11], [sflag:$0x2] =	stream.indirect.gather [hbm4b:s4+s9], $0x40, s9, s9, $0xb8;
	[tilespmem:$0x1A900] =	vst v63  }
0x27: {  	s31 =	simm.s32 $0x190;
	s29 =	simm.s32 $0x0  }
0x28: {  	[tilespmem:s13], [sflag:$0x3] =	stream.indirect.gather [hbm4b:s4+s9], $0x40, s31, s9, $0xb8;
	[tilespmem:$0x1A900] =	vst v63  }
.LBB2_2:
0x29: {  	_ =	swait.ge [sflag:s14], $0x3200  }
0x2a: {  	p0 =	seq.s32 s29, $0x0;
	[sflag:s14] =	ssyncset.done $0x0  }
0x2b: {  	s0 =	simm.s32 @!p0 $0x5;
	[sflag:s14] =	ssyncadd.s32 $0xFFFFCE00  }
0x2c: {  	_ =	swait.ge @!p0 [sflag:s0], $0x3200  }
0x2d: {  	[sflag:s0] =	ssyncset.done @!p0 $0x0  }
0x2e: {  	s6 =	simm.s32 $0x19A0;
	[sflag:s0] =	ssyncadd.s32 @!p0 $0xFFFFCE00  }
0x2f: {  	v0 =	vld [tilespmem:s6+$0x60]  }
0x30: {  	v1 =	vld [tilespmem:s6+$0xFFFFFFA0];
	_ =	sdelay $0x1  }
0x31: {  	v2 =	vld [tilespmem:s6+$0xFFFFFFE0]  }
0x32: {  	v3 =	vld [tilespmem:s6+$0x20]  }
0x33: {  	v0 =	vmul.f32 $8.000000000e+00, v0  }
0x34: {  	s1 =	simm.s32 $0xE1A0;
	v1 =	vmul.f32 $8.000000000e+00, v1  }
0x35: {  	v4 =	vld [tilespmem:s6+$0xFFFFFF60];
	[tilespmem:s1+$0x60] =	vst v0  }
0x36: {  	v2 =	vmul.f32 $8.000000000e+00, v2;
	[tilespmem:s1+$0xFFFFFFA0] =	vst v1;
	v1 =	vld [tilespmem:s6+$0x70]  }
0x37: {  	v0 =	vmul.f32 $8.000000000e+00, v3  }
0x38: {  	[tilespmem:s1+$0xFFFFFFE0] =	vst v2;
	v3 =	vld [tilespmem:s6+$0xFFFFFFB0]  }
0x39: {  	v2 =	vld [tilespmem:s6+$0xFFFFFFF0];
	[tilespmem:s1+$0x20] =	vst v0  }
0x3a: {  	v4 =	vmul.f32 $8.000000000e+00, v4;
	v0 =	vld [tilespmem:s6+$0x30]  }
0x3b: {  	v1 =	vmul.f32 $8.000000000e+00, v1  }
0x3c: {  	[tilespmem:s1+$0xFFFFFF60] =	vst v4  }
0x3d: {  	v4 =	vld [tilespmem:s6+$0xFFFFFF70];
	v3 =	vmul.f32 $8.000000000e+00, v3;
	[tilespmem:s1+$0x70] =	vst v1  }
0x3e: {  	s0 =	simm.s32 $0x1AE0;
	v2 =	vmul.f32 $8.000000000e+00, v2;
	v1 =	vld [tilespmem:s6+$0x80]  }
0x3f: {  	v5 =	vld [tilespmem:s0+$0x60];
	[tilespmem:s1+$0xFFFFFFB0] =	vst v3;
	v0 =	vmul.f32 $8.000000000e+00, v0  }
0x40: {  	[tilespmem:s1+$0xFFFFFFF0] =	vst v2;
	v3 =	vld [tilespmem:s6+$0xFFFFFFC0]  }
0x41: {  	v2 =	vld [tilespmem:s6+$0x0];
	[tilespmem:s1+$0x30] =	vst v0  }
0x42: {  	v4 =	vmul.f32 $8.000000000e+00, v4;
	v0 =	vld [tilespmem:s6+$0x40]  }
0x43: {  	v6 =	vld [tilespmem:s0+$0xFFFFFFA0];
	v1 =	vmul.f32 $8.000000000e+00, v1  }
0x44: {  	v5 =	vmul.f32 $8.000000000e+00, v5;
	[tilespmem:s1+$0xFFFFFF70] =	vst v4;
	v4 =	vld [tilespmem:s0+$0xFFFFFFE0]  }
0x45: {  	s31 =	simm.s32 $0xE2E0;
	v7 =	vld [tilespmem:s0+$0x20];
	v3 =	vmul.f32 $8.000000000e+00, v3;
	[tilespmem:s1+$0x80] =	vst v1  }
0x46: {  	[tilespmem:s31+$0x60] =	vst v5;
	v2 =	vmul.f32 $8.000000000e+00, v2;
	v1 =	vld [tilespmem:s6+$0x90]  }
0x47: {  	[tilespmem:s1+$0xFFFFFFC0] =	vst v3;
	v0 =	vmul.f32 $8.000000000e+00, v0;
	v3 =	vld [tilespmem:s0+$0xFFFFFF60]  }
0x48: {  	[tilespmem:s1+$0x0] =	vst v2;
	v2 =	vmul.f32 $8.000000000e+00, v6;
	v6 =	vld [tilespmem:s6+$0xFFFFFF80]  }
0x49: {  	[tilespmem:s1+$0x40] =	vst v0;
	v0 =	vmul.f32 $8.000000000e+00, v4;
	v4 =	vld [tilespmem:s6+$0xFFFFFFD0]  }
0x4a: {  	v5 =	vld [tilespmem:s0+$0x70];
	[tilespmem:s31+$0xFFFFFFA0] =	vst v2;
	v2 =	vmul.f32 $8.000000000e+00, v7  }
0x4b: {  	v7 =	vld [tilespmem:s0+$0xFFFFFFB0];
	[tilespmem:s31+$0xFFFFFFE0] =	vst v0;
	v0 =	vmul.f32 $8.000000000e+00, v1  }
0x4c: {  	[tilespmem:s31+$0x20] =	vst v2;
	v1 =	vmul.f32 $8.000000000e+00, v3;
	v3 =	vld [tilespmem:s0+$0xFFFFFFF0]  }
0x4d: {  	v2 =	vld [tilespmem:s0+$0x30];
	v6 =	vmul.f32 $8.000000000e+00, v6;
	[tilespmem:s1+$0x90] =	vst v0  }
0x4e: {  	[tilespmem:s31+$0xFFFFFF60] =	vst v1;
	v0 =	vmul.f32 $8.000000000e+00, v4;
	v4 =	vld [tilespmem:s6+$0x10]  }
0x4f: {  	[tilespmem:s1+$0xFFFFFF80] =	vst v6;
	v1 =	vmul.f32 $8.000000000e+00, v5;
	v8 =	vld [tilespmem:s0+$0xFFFFFF70]  }
0x50: {  	v5 =	vmul.f32 $8.000000000e+00, v7;
	v7 =	vld [tilespmem:s6+$0xFFFFFF90];
	[tilespmem:s1+$0xFFFFFFD0] =	vst v0  }
0x51: {  	[tilespmem:s31+$0x70] =	vst v1;
	v0 =	vld [tilespmem:s6+$0x50];
	v6 =	vmul.f32 $8.000000000e+00, v3  }
0x52: {  	[tilespmem:s31+$0xFFFFFFB0] =	vst v5;
	v2 =	vmul.f32 $8.000000000e+00, v2;
	v3 =	vld [tilespmem:s0+$0x80]  }
0x53: {  	v1 =	vld [tilespmem:s0+$0xFFFFFFC0];
	[tilespmem:s31+$0xFFFFFFF0] =	vst v6;
	v9 =	vmul.f32 $8.000000000e+00, v4  }
0x54: {  	[tilespmem:s31+$0x30] =	vst v2;
	v4 =	vld [tilespmem:s0+$0x0];
	v6 =	vmul.f32 $8.000000000e+00, v8  }
0x55: {  	s30 =	sshll.u32 s29, $0x2;
	s12 =	simm.s32 $0x1C20;
	s6 =	simm.s32 $0x5;
	v2 =	vld [tilespmem:s0+$0x40];
	v5 =	vmul.f32 $8.000000000e+00, v7;
	[tilespmem:s1+$0x10] =	vst v9  }
.LBB2_3:
0x56: {  	v7 =	vld [tilespmem:s12+$0x60];
	s6 =	sadd.s32 $0x5, s6;
	[tilespmem:s31+$0xFFFFFF70] =	vst v6;
	v0 =	vmul.f32 $8.000000000e+00, v0  }
0x57: {  	v6 =	vld [tilespmem:s12+$0xFFFFFFA0];
	p1 =	slt.u32 s6, $0x2D;
	v3 =	vmul.f32 $8.000000000e+00, v3;
	[tilespmem:s1+$0xFFFFFF90] =	vst v5  }
0x58: {  	v5 =	vld [tilespmem:s12+$0xFFFFFFE0];
	v1 =	vmul.f32 $8.000000000e+00, v1;
	[tilespmem:s1+$0x50] =	vst v0;
	s1 =	smov.u32 s31  }
0x59: {  	v0 =	vld [tilespmem:s12+$0x20];
	v4 =	vmul.f32 $8.000000000e+00, v4;
	[tilespmem:s31+$0x80] =	vst v3  }
0x5a: {  	[tilespmem:s31+$0xFFFFFFC0] =	vst v1;
	v1 =	vmul.f32 $8.000000000e+00, v2;
	v2 =	vld [tilespmem:s0+$0x90]  }
0x5b: {  	v3 =	vld [tilespmem:s12+$0xFFFFFF60];
	v7 =	vmul.f32 $8.000000000e+00, v7;
	[tilespmem:s31+$0x0] =	vst v4  }
0x5c: {  	s31 =	sadd.s32 $0x140, s31;
	v4 =	vmul.f32 $8.000000000e+00, v6;
	v6 =	vld [tilespmem:s0+$0xFFFFFF80];
	[tilespmem:s1+$0x40] =	vst v1  }
0x5d: {  	v1 =	vmul.f32 $8.000000000e+00, v5;
	[tilespmem:s31+$0x60] =	vst v7;
	v5 =	vld [tilespmem:s0+$0xFFFFFFD0]  }
0x5e: {  	[tilespmem:s31+$0xFFFFFFA0] =	vst v4;
	v0 =	vmul.f32 $8.000000000e+00, v0;
	v4 =	vld [tilespmem:s12+$0x70]  }
0x5f: {  	v7 =	vld [tilespmem:s12+$0xFFFFFFB0];
	[tilespmem:s31+$0xFFFFFFE0] =	vst v1;
	v1 =	vmul.f32 $8.000000000e+00, v2  }
0x60: {  	v2 =	vmul.f32 $8.000000000e+00, v3;
	v3 =	vld [tilespmem:s12+$0xFFFFFFF0];
	[tilespmem:s31+$0x20] =	vst v0  }
0x61: {  	v8 =	vld [tilespmem:s12+$0x30];
	v0 =	vmul.f32 $8.000000000e+00, v6;
	[tilespmem:s1+$0x90] =	vst v1  }
0x62: {  	[tilespmem:s31+$0xFFFFFF60] =	vst v2;
	v1 =	vmul.f32 $8.000000000e+00, v5;
	v2 =	vld [tilespmem:s0+$0x10]  }
0x63: {  	v5 =	vld [tilespmem:s12+$0xFFFFFF70];
	v4 =	vmul.f32 $8.000000000e+00, v4;
	[tilespmem:s1+$0xFFFFFF80] =	vst v0  }
0x64: {  	v6 =	vmul.f32 $8.000000000e+00, v7;
	v7 =	vld [tilespmem:s0+$0xFFFFFF90];
	[tilespmem:s1+$0xFFFFFFD0] =	vst v1  }
.Ltmp2:
0x65: {  	v9 =	vmul.f32 $8.000000000e+00, v3;
	[tilespmem:s31+$0x70] =	vst v4;
	v0 =	vld [tilespmem:s0+$0x50];
	s0 =	smov.u32 s12;
	(pc) =	sbr.rel @p1 .LBB2_3-.Ltmp2, $4  }
0x66: {  	[tilespmem:s31+$0xFFFFFFB0] =	vst v6;
	v8 =	vmul.f32 $8.000000000e+00, v8;
	v3 =	vld [tilespmem:s12+$0x80]  }
0x67: {  	v1 =	vld [tilespmem:s12+$0xFFFFFFC0];
	[tilespmem:s31+$0xFFFFFFF0] =	vst v9;
	v9 =	vmul.f32 $8.000000000e+00, v2  }
0x68: {  	v6 =	vmul.f32 $8.000000000e+00, v5;
	v4 =	vld [tilespmem:s12+$0x0];
	[tilespmem:s31+$0x30] =	vst v8  }
0x69: {  	s12 =	sadd.s32 $0x140, s12;
	v2 =	vld [tilespmem:s0+$0x40];
	v5 =	vmul.f32 $8.000000000e+00, v7;
	[tilespmem:s1+$0x10] =	vst v9  }
0x6a: {  	[tilespmem:s31+$0xFFFFFF70] =	vst v6  }
0x6b: {  	v6 =	vld [tilespmem:s0+$0xFFFFFF80];
	v3 =	vmul.f32 $8.000000000e+00, v3  }
0x6c: {  	v1 =	vmul.f32 $8.000000000e+00, v1  }
0x6d: {  	v4 =	vmul.f32 $8.000000000e+00, v4;
	[tilespmem:s31+$0x80] =	vst v3  }
0x6e: {  	[tilespmem:s31+$0xFFFFFFC0] =	vst v1;
	v1 =	vld [tilespmem:s0+$0x90]  }
0x6f: {  	v2 =	vmul.f32 $8.000000000e+00, v2;
	[tilespmem:s31+$0x0] =	vst v4  }
0x70: {  	v3 =	vmul.f32 $8.000000000e+00, v6;
	v6 =	vld [tilespmem:s0+$0x10]  }
0x71: {  	v4 =	vld [tilespmem:s0+$0xFFFFFFD0];
	[tilespmem:s31+$0x40] =	vst v2  }
0x72: {  	[tilespmem:s31+$0xFFFFFF80] =	vst v3;
	v3 =	vld [tilespmem:s0+$0x50]  }
0x73: {  	v2 =	vld [tilespmem:s0+$0xFFFFFF90];
	v1 =	vmul.f32 $8.000000000e+00, v1  }
0x74: {  	v0 =	vmul.f32 $8.000000000e+00, v0;
	[tilespmem:s1+$0xFFFFFF90] =	vst v5  }
0x75: {  	[tilespmem:s31+$0x90] =	vst v1;
	v1 =	vmul.f32 $8.000000000e+00, v6  }
0x76: {  	[tilespmem:s1+$0x50] =	vst v0;
	v0 =	vmul.f32 $8.000000000e+00, v4  }
0x77: {  	[tilespmem:s31+$0x10] =	vst v1;
	v1 =	vmul.f32 $8.000000000e+00, v3  }
0x78: {  	[tilespmem:s31+$0xFFFFFFD0] =	vst v0;
	v0 =	vmul.f32 $8.000000000e+00, v2  }
0x79: {  	[tilespmem:s31+$0x50] =	vst v1  }
0x7a: {  	s6 =	simm.s32 $0x26B0;
	[tilespmem:s31+$0xFFFFFF90] =	vst v0  }
0x7b: {  	v0 =	vld [tilespmem:s6+$0xFFFFFFD0]  }
0x7c: {  	v1 =	vld [tilespmem:s6+$0xFFFFFF10];
	_ =	sdelay $0x1  }
0x7d: {  	v2 =	vld [tilespmem:s6+$0xFFFFFF50]  }
0x7e: {  	v3 =	vld [tilespmem:s6+$0xFFFFFF90]  }
0x7f: {  	v0 =	vmul.f32 $8.000000000e+00, v0  }
0x80: {  	s1 =	simm.s32 $0xEEB0;
	v1 =	vmul.f32 $8.000000000e+00, v1  }
0x81: {  	v4 =	vld [tilespmem:s6+$0xFFFFFED0];
	[tilespmem:s1+$0xFFFFFFD0] =	vst v0  }
0x82: {  	v2 =	vmul.f32 $8.000000000e+00, v2;
	[tilespmem:s1+$0xFFFFFF10] =	vst v1;
	v1 =	vld [tilespmem:s6+$0xFFFFFFE0]  }
0x83: {  	v0 =	vmul.f32 $8.000000000e+00, v3  }
0x84: {  	[tilespmem:s1+$0xFFFFFF50] =	vst v2;
	v3 =	vld [tilespmem:s6+$0xFFFFFF20]  }
0x85: {  	v2 =	vld [tilespmem:s6+$0xFFFFFF60];
	[tilespmem:s1+$0xFFFFFF90] =	vst v0  }
0x86: {  	v4 =	vmul.f32 $8.000000000e+00, v4;
	v0 =	vld [tilespmem:s6+$0xFFFFFFA0]  }
0x87: {  	v1 =	vmul.f32 $8.000000000e+00, v1  }
0x88: {  	[tilespmem:s1+$0xFFFFFED0] =	vst v4  }
0x89: {  	v4 =	vld [tilespmem:s6+$0xFFFFFEE0];
	v3 =	vmul.f32 $8.000000000e+00, v3;
	[tilespmem:s1+$0xFFFFFFE0] =	vst v1  }
0x8a: {  	s0 =	simm.s32 $0x27F0;
	v2 =	vmul.f32 $8.000000000e+00, v2;
	v1 =	vld [tilespmem:s6+$0xFFFFFFF0]  }
0x8b: {  	v5 =	vld [tilespmem:s0+$0xFFFFFFD0];
	[tilespmem:s1+$0xFFFFFF20] =	vst v3;
	v0 =	vmul.f32 $8.000000000e+00, v0  }
0x8c: {  	[tilespmem:s1+$0xFFFFFF60] =	vst v2;
	v3 =	vld [tilespmem:s6+$0xFFFFFF30]  }
0x8d: {  	v2 =	vld [tilespmem:s6+$0xFFFFFF70];
	[tilespmem:s1+$0xFFFFFFA0] =	vst v0  }
0x8e: {  	v4 =	vmul.f32 $8.000000000e+00, v4;
	v0 =	vld [tilespmem:s6+$0xFFFFFFB0]  }
0x8f: {  	v6 =	vld [tilespmem:s0+$0xFFFFFF10];
	v1 =	vmul.f32 $8.000000000e+00, v1  }
0x90: {  	v5 =	vmul.f32 $8.000000000e+00, v5;
	[tilespmem:s1+$0xFFFFFEE0] =	vst v4;
	v4 =	vld [tilespmem:s0+$0xFFFFFF50]  }
0x91: {  	s31 =	simm.s32 $0xEFF0;
	v7 =	vld [tilespmem:s0+$0xFFFFFF90];
	v3 =	vmul.f32 $8.000000000e+00, v3;
	[tilespmem:s1+$0xFFFFFFF0] =	vst v1  }
0x92: {  	[tilespmem:s31+$0xFFFFFFD0] =	vst v5;
	v2 =	vmul.f32 $8.000000000e+00, v2;
	v1 =	vld [tilespmem:s6+$0x0]  }
0x93: {  	[tilespmem:s1+$0xFFFFFF30] =	vst v3;
	v0 =	vmul.f32 $8.000000000e+00, v0;
	v3 =	vld [tilespmem:s0+$0xFFFFFED0]  }
0x94: {  	[tilespmem:s1+$0xFFFFFF70] =	vst v2;
	v2 =	vmul.f32 $8.000000000e+00, v6;
	v6 =	vld [tilespmem:s6+$0xFFFFFEF0]  }
0x95: {  	[tilespmem:s1+$0xFFFFFFB0] =	vst v0;
	v0 =	vmul.f32 $8.000000000e+00, v4;
	v4 =	vld [tilespmem:s6+$0xFFFFFF40]  }
0x96: {  	v5 =	vld [tilespmem:s0+$0xFFFFFFE0];
	[tilespmem:s31+$0xFFFFFF10] =	vst v2;
	v2 =	vmul.f32 $8.000000000e+00, v7  }
0x97: {  	v7 =	vld [tilespmem:s0+$0xFFFFFF20];
	[tilespmem:s31+$0xFFFFFF50] =	vst v0;
	v0 =	vmul.f32 $8.000000000e+00, v1  }
0x98: {  	[tilespmem:s31+$0xFFFFFF90] =	vst v2;
	v1 =	vmul.f32 $8.000000000e+00, v3;
	v3 =	vld [tilespmem:s0+$0xFFFFFF60]  }
0x99: {  	v2 =	vld [tilespmem:s0+$0xFFFFFFA0];
	v6 =	vmul.f32 $8.000000000e+00, v6;
	[tilespmem:s1+$0x0] =	vst v0  }
0x9a: {  	[tilespmem:s31+$0xFFFFFED0] =	vst v1;
	v0 =	vmul.f32 $8.000000000e+00, v4;
	v4 =	vld [tilespmem:s6+$0xFFFFFF80]  }
0x9b: {  	[tilespmem:s1+$0xFFFFFEF0] =	vst v6;
	v1 =	vmul.f32 $8.000000000e+00, v5;
	v8 =	vld [tilespmem:s0+$0xFFFFFEE0]  }
0x9c: {  	v5 =	vmul.f32 $8.000000000e+00, v7;
	v7 =	vld [tilespmem:s6+$0xFFFFFF00];
	[tilespmem:s1+$0xFFFFFF40] =	vst v0  }
0x9d: {  	[tilespmem:s31+$0xFFFFFFE0] =	vst v1;
	v0 =	vld [tilespmem:s6+$0xFFFFFFC0];
	v6 =	vmul.f32 $8.000000000e+00, v3  }
0x9e: {  	[tilespmem:s31+$0xFFFFFF20] =	vst v5;
	v2 =	vmul.f32 $8.000000000e+00, v2;
	v3 =	vld [tilespmem:s0+$0xFFFFFFF0]  }
0x9f: {  	v1 =	vld [tilespmem:s0+$0xFFFFFF30];
	[tilespmem:s31+$0xFFFFFF60] =	vst v6;
	v9 =	vmul.f32 $8.000000000e+00, v4  }
0xa0: {  	[tilespmem:s31+$0xFFFFFFA0] =	vst v2;
	v4 =	vld [tilespmem:s0+$0xFFFFFF70];
	v6 =	vmul.f32 $8.000000000e+00, v8  }
0xa1: {  	s12 =	simm.s32 $0x2930;
	s6 =	simm.s32 $0x5;
	v2 =	vld [tilespmem:s0+$0xFFFFFFB0];
	v5 =	vmul.f32 $8.000000000e+00, v7;
	[tilespmem:s1+$0xFFFFFF80] =	vst v9  }
.LBB2_5:
0xa2: {  	v7 =	vld [tilespmem:s12+$0xFFFFFFD0];
	s6 =	sadd.s32 $0x5, s6;
	[tilespmem:s31+$0xFFFFFEE0] =	vst v6;
	v0 =	vmul.f32 $8.000000000e+00, v0  }
0xa3: {  	v6 =	vld [tilespmem:s12+$0xFFFFFF10];
	p1 =	slt.u32 s6, $0x2D;
	v3 =	vmul.f32 $8.000000000e+00, v3;
	[tilespmem:s1+$0xFFFFFF00] =	vst v5  }
0xa4: {  	v5 =	vld [tilespmem:s12+$0xFFFFFF50];
	v1 =	vmul.f32 $8.000000000e+00, v1;
	[tilespmem:s1+$0xFFFFFFC0] =	vst v0;
	s1 =	smov.u32 s31  }
0xa5: {  	v0 =	vld [tilespmem:s12+$0xFFFFFF90];
	v4 =	vmul.f32 $8.000000000e+00, v4;
	[tilespmem:s31+$0xFFFFFFF0] =	vst v3  }
0xa6: {  	[tilespmem:s31+$0xFFFFFF30] =	vst v1;
	v1 =	vmul.f32 $8.000000000e+00, v2;
	v2 =	vld [tilespmem:s0+$0x0]  }
0xa7: {  	v3 =	vld [tilespmem:s12+$0xFFFFFED0];
	v7 =	vmul.f32 $8.000000000e+00, v7;
	[tilespmem:s31+$0xFFFFFF70] =	vst v4  }
0xa8: {  	s31 =	sadd.s32 $0x140, s31;
	v4 =	vmul.f32 $8.000000000e+00, v6;
	v6 =	vld [tilespmem:s0+$0xFFFFFEF0];
	[tilespmem:s1+$0xFFFFFFB0] =	vst v1  }
0xa9: {  	v1 =	vmul.f32 $8.000000000e+00, v5;
	[tilespmem:s31+$0xFFFFFFD0] =	vst v7;
	v5 =	vld [tilespmem:s0+$0xFFFFFF40]  }
0xaa: {  	[tilespmem:s31+$0xFFFFFF10] =	vst v4;
	v0 =	vmul.f32 $8.000000000e+00, v0;
	v4 =	vld [tilespmem:s12+$0xFFFFFFE0]  }
0xab: {  	v7 =	vld [tilespmem:s12+$0xFFFFFF20];
	[tilespmem:s31+$0xFFFFFF50] =	vst v1;
	v1 =	vmul.f32 $8.000000000e+00, v2  }
0xac: {  	v2 =	vmul.f32 $8.000000000e+00, v3;
	v3 =	vld [tilespmem:s12+$0xFFFFFF60];
	[tilespmem:s31+$0xFFFFFF90] =	vst v0  }
0xad: {  	v8 =	vld [tilespmem:s12+$0xFFFFFFA0];
	v0 =	vmul.f32 $8.000000000e+00, v6;
	[tilespmem:s1+$0x0] =	vst v1  }
0xae: {  	[tilespmem:s31+$0xFFFFFED0] =	vst v2;
	v1 =	vmul.f32 $8.000000000e+00, v5;
	v2 =	vld [tilespmem:s0+$0xFFFFFF80]  }
0xaf: {  	v5 =	vld [tilespmem:s12+$0xFFFFFEE0];
	v4 =	vmul.f32 $8.000000000e+00, v4;
	[tilespmem:s1+$0xFFFFFEF0] =	vst v0  }
0xb0: {  	v6 =	vmul.f32 $8.000000000e+00, v7;
	v7 =	vld [tilespmem:s0+$0xFFFFFF00];
	[tilespmem:s1+$0xFFFFFF40] =	vst v1  }
.Ltmp3:
0xb1: {  	v9 =	vmul.f32 $8.000000000e+00, v3;
	[tilespmem:s31+$0xFFFFFFE0] =	vst v4;
	v0 =	vld [tilespmem:s0+$0xFFFFFFC0];
	s0 =	smov.u32 s12;
	(pc) =	sbr.rel @p1 .LBB2_5-.Ltmp3, $4  }
0xb2: {  	[tilespmem:s31+$0xFFFFFF20] =	vst v6;
	v8 =	vmul.f32 $8.000000000e+00, v8;
	v3 =	vld [tilespmem:s12+$0xFFFFFFF0]  }
0xb3: {  	v1 =	vld [tilespmem:s12+$0xFFFFFF30];
	[tilespmem:s31+$0xFFFFFF60] =	vst v9;
	v9 =	vmul.f32 $8.000000000e+00, v2  }
0xb4: {  	v6 =	vmul.f32 $8.000000000e+00, v5;
	v4 =	vld [tilespmem:s12+$0xFFFFFF70];
	[tilespmem:s31+$0xFFFFFFA0] =	vst v8  }
0xb5: {  	s12 =	sadd.s32 $0x140, s12;
	v2 =	vld [tilespmem:s0+$0xFFFFFFB0];
	v5 =	vmul.f32 $8.000000000e+00, v7;
	[tilespmem:s1+$0xFFFFFF80] =	vst v9  }
0xb6: {  	[tilespmem:s31+$0xFFFFFEE0] =	vst v6  }
0xb7: {  	v6 =	vld [tilespmem:s0+$0xFFFFFEF0];
	v3 =	vmul.f32 $8.000000000e+00, v3  }
0xb8: {  	v1 =	vmul.f32 $8.000000000e+00, v1  }
0xb9: {  	v4 =	vmul.f32 $8.000000000e+00, v4;
	[tilespmem:s31+$0xFFFFFFF0] =	vst v3  }
0xba: {  	[tilespmem:s31+$0xFFFFFF30] =	vst v1;
	v1 =	vld [tilespmem:s0+$0x0]  }
0xbb: {  	v2 =	vmul.f32 $8.000000000e+00, v2;
	[tilespmem:s31+$0xFFFFFF70] =	vst v4  }
0xbc: {  	v3 =	vmul.f32 $8.000000000e+00, v6;
	v6 =	vld [tilespmem:s0+$0xFFFFFF80]  }
0xbd: {  	v4 =	vld [tilespmem:s0+$0xFFFFFF40];
	[tilespmem:s31+$0xFFFFFFB0] =	vst v2  }
0xbe: {  	[tilespmem:s31+$0xFFFFFEF0] =	vst v3;
	v3 =	vld [tilespmem:s0+$0xFFFFFFC0]  }
0xbf: {  	v2 =	vld [tilespmem:s0+$0xFFFFFF00];
	v1 =	vmul.f32 $8.000000000e+00, v1  }
0xc0: {  	v0 =	vmul.f32 $8.000000000e+00, v0;
	[tilespmem:s1+$0xFFFFFF00] =	vst v5  }
0xc1: {  	[tilespmem:s31+$0x0] =	vst v1;
	v1 =	vmul.f32 $8.000000000e+00, v6  }
0xc2: {  	[tilespmem:s1+$0xFFFFFFC0] =	vst v0;
	v0 =	vmul.f32 $8.000000000e+00, v4  }
0xc3: {  	[tilespmem:s31+$0xFFFFFF80] =	vst v1;
	v1 =	vmul.f32 $8.000000000e+00, v3  }
0xc4: {  	[tilespmem:s31+$0xFFFFFF40] =	vst v0;
	v0 =	vmul.f32 $8.000000000e+00, v2  }
0xc5: {  	[tilespmem:s31+$0xFFFFFFC0] =	vst v1  }
0xc6: {  	s6 =	simm.s32 $0x3330;
	[tilespmem:s31+$0xFFFFFF00] =	vst v0  }
0xc7: {  	v0 =	vld [tilespmem:s6+$0xFFFFFFD0]  }
0xc8: {  	v1 =	vld [tilespmem:s6+$0xFFFFFF10]  }
0xc9: {  	v2 =	vld [tilespmem:s6+$0xFFFFFF50]  }
0xca: {  	v3 =	vld [tilespmem:s6+$0xFFFFFF90];
	_ =	sdelay $0x1  }
0xcb: {  	v0 =	vmul.f32 $8.000000000e+00, v0  }
0xcc: {  	s1 =	simm.s32 $0xFB30;
	v4 =	vld [tilespmem:s6+$0xFFFFFED0];
	v1 =	vmul.f32 $8.000000000e+00, v1  }
0xcd: {  	v2 =	vmul.f32 $8.000000000e+00, v2;
	[tilespmem:s1+$0xFFFFFFD0] =	vst v0  }
0xce: {  	[tilespmem:s1+$0xFFFFFF10] =	vst v1;
	v0 =	vmul.f32 $8.000000000e+00, v3;
	v1 =	vld [tilespmem:s6+$0xFFFFFFE0]  }
0xcf: {  	[tilespmem:s1+$0xFFFFFF50] =	vst v2;
	v3 =	vld [tilespmem:s6+$0xFFFFFF20]  }
0xd0: {  	v2 =	vld [tilespmem:s6+$0xFFFFFF60];
	[tilespmem:s1+$0xFFFFFF90] =	vst v0  }
0xd1: {  	v0 =	vmul.f32 $8.000000000e+00, v4;
	v4 =	vld [tilespmem:s6+$0xFFFFFFA0];
	_ =	sdelay $0x1  }
0xd2: {  	[tilespmem:s1+$0xFFFFFED0] =	vst v0;
	v0 =	vmul.f32 $8.000000000e+00, v1  }
0xd3: {  	p2 =	por $0x1, $0x1;
	v1 =	vld [tilespmem:s6+$0xFFFFFEE0];
	v3 =	vmul.f32 $8.000000000e+00, v3  }
.Ltmp4:
0xd4: {  	v2 =	vmul.f32 $8.000000000e+00, v2;
	[tilespmem:s1+$0xFFFFFFE0] =	vst v0;
	(pc) =	sbr.rel @!p2 .LBB2_7-.Ltmp4, $4  }
0xd5: {  	[tilespmem:s1+$0xFFFFFF20] =	vst v3;
	v5 =	vmul.f32 $8.000000000e+00, v4;
	v3 =	vld [tilespmem:s6+$0xFFFFFFF0]  }
0xd6: {  	[tilespmem:s1+$0xFFFFFF60] =	vst v2;
	v0 =	vld [tilespmem:s6+$0xFFFFFF30]  }
0xd7: {  	v4 =	vld [tilespmem:s6+$0xFFFFFF70];
	[tilespmem:s1+$0xFFFFFFA0] =	vst v5  }
0xd8: {  	s12 =	simm.s32 $0x3470;
	p1 =	por $0x0, $0x0;
	v6 =	vmul.f32 $8.000000000e+00, v1;
	v1 =	vld [tilespmem:s6+$0xFFFFFFB0]  }
0xd9: {  	v2 =	vld [tilespmem:s12+$0xFFFFFFD0]  }
0xda: {  	v5 =	vld [tilespmem:s12+$0xFFFFFF10];
	v3 =	vmul.f32 $8.000000000e+00, v3  }
0xdb: {  	[tilespmem:s1+$0xFFFFFEE0] =	vst v6;
	v6 =	vld [tilespmem:s12+$0xFFFFFF50];
	v0 =	vmul.f32 $8.000000000e+00, v0  }
0xdc: {  	v7 =	vld [tilespmem:s12+$0xFFFFFF90];
	v4 =	vmul.f32 $8.000000000e+00, v4;
	[tilespmem:s1+$0xFFFFFFF0] =	vst v3  }
0xdd: {  	[tilespmem:s1+$0xFFFFFF30] =	vst v0;
	v0 =	vmul.f32 $8.000000000e+00, v1;
	v1 =	vld [tilespmem:s6+$0x0]  }
0xde: {  	v3 =	vld [tilespmem:s12+$0xFFFFFED0];
	v2 =	vmul.f32 $8.000000000e+00, v2;
	[tilespmem:s1+$0xFFFFFF70] =	vst v4  }
0xdf: {  	s0 =	simm.s32 $0xFC70;
	v4 =	vmul.f32 $8.000000000e+00, v5;
	v5 =	vld [tilespmem:s6+$0xFFFFFEF0];
	[tilespmem:s1+$0xFFFFFFB0] =	vst v0  }
0xe0: {  	v0 =	vmul.f32 $8.000000000e+00, v6;
	[tilespmem:s0+$0xFFFFFFD0] =	vst v2;
	v2 =	vld [tilespmem:s6+$0xFFFFFF40]  }
0xe1: {  	[tilespmem:s0+$0xFFFFFF10] =	vst v4;
	v4 =	vmul.f32 $8.000000000e+00, v7;
	v6 =	vld [tilespmem:s12+$0xFFFFFFE0]  }
0xe2: {  	v7 =	vld [tilespmem:s12+$0xFFFFFF20];
	[tilespmem:s0+$0xFFFFFF50] =	vst v0;
	v0 =	vmul.f32 $8.000000000e+00, v1  }
0xe3: {  	v1 =	vmul.f32 $8.000000000e+00, v3;
	v3 =	vld [tilespmem:s12+$0xFFFFFF60];
	[tilespmem:s0+$0xFFFFFF90] =	vst v4  }
0xe4: {  	v4 =	vld [tilespmem:s12+$0xFFFFFFA0];
	v5 =	vmul.f32 $8.000000000e+00, v5;
	[tilespmem:s1+$0x0] =	vst v0  }
0xe5: {  	[tilespmem:s0+$0xFFFFFED0] =	vst v1;
	v1 =	vld [tilespmem:s6+$0xFFFFFF80];
	v0 =	vmul.f32 $8.000000000e+00, v2  }
0xe6: {  	v8 =	vld [tilespmem:s12+$0xFFFFFEE0];
	[tilespmem:s1+$0xFFFFFEF0] =	vst v5;
	v2 =	vmul.f32 $8.000000000e+00, v6  }
0xe7: {  	p4 =	por $0x1, $0x1;
	v5 =	vmul.f32 $8.000000000e+00, v7;
	v7 =	vld [tilespmem:s6+$0xFFFFFF00];
	[tilespmem:s1+$0xFFFFFF40] =	vst v0  }
.Ltmp5:
0xe8: {  	v6 =	vmul.f32 $8.000000000e+00, v3;
	[tilespmem:s0+$0xFFFFFFE0] =	vst v2;
	v2 =	vld [tilespmem:s6+$0xFFFFFFC0];
	(pc) =	sbr.rel @!p4 .LBB2_9-.Ltmp5, $4  }
0xe9: {  	[tilespmem:s0+$0xFFFFFF20] =	vst v5;
	v5 =	vmul.f32 $8.000000000e+00, v4;
	v3 =	vld [tilespmem:s12+$0xFFFFFFF0]  }
0xea: {  	v0 =	vld [tilespmem:s12+$0xFFFFFF30];
	[tilespmem:s0+$0xFFFFFF60] =	vst v6;
	v9 =	vmul.f32 $8.000000000e+00, v1  }
0xeb: {  	v4 =	vld [tilespmem:s12+$0xFFFFFF70];
	[tilespmem:s0+$0xFFFFFFA0] =	vst v5;
	v6 =	vmul.f32 $8.000000000e+00, v8  }
0xec: {  	s31 =	simm.s32 $0x35B0;
	p3 =	por $0x1, $0x1;
	s6 =	simm.s32 $0x5;
	v1 =	vld [tilespmem:s12+$0xFFFFFFB0];
	v5 =	vmul.f32 $8.000000000e+00, v7;
	[tilespmem:s1+$0xFFFFFF80] =	vst v9  }
.LBB2_10:
0xed: {  	v7 =	vld [tilespmem:s31+$0xFFFFFFD0];
	s6 =	sadd.s32 $0x5, s6;
	[tilespmem:s0+$0xFFFFFEE0] =	vst v6;
	v2 =	vmul.f32 $8.000000000e+00, v2  }
0xee: {  	v6 =	vld [tilespmem:s31+$0xFFFFFF10];
	p4 =	slt.u32 s6, $0x2D;
	v3 =	vmul.f32 $8.000000000e+00, v3;
	[tilespmem:s1+$0xFFFFFF00] =	vst v5  }
0xef: {  	v5 =	vld [tilespmem:s31+$0xFFFFFF50];
	v0 =	vmul.f32 $8.000000000e+00, v0;
	[tilespmem:s1+$0xFFFFFFC0] =	vst v2;
	s1 =	smov.u32 s0  }
0xf0: {  	v2 =	vld [tilespmem:s31+$0xFFFFFF90];
	v4 =	vmul.f32 $8.000000000e+00, v4;
	[tilespmem:s0+$0xFFFFFFF0] =	vst v3  }
0xf1: {  	[tilespmem:s0+$0xFFFFFF30] =	vst v0;
	v0 =	vmul.f32 $8.000000000e+00, v1;
	v1 =	vld [tilespmem:s12+$0x0]  }
0xf2: {  	v3 =	vld [tilespmem:s31+$0xFFFFFED0];
	v7 =	vmul.f32 $8.000000000e+00, v7;
	[tilespmem:s0+$0xFFFFFF70] =	vst v4  }
0xf3: {  	s0 =	sadd.s32 $0x140, s0;
	v4 =	vmul.f32 $8.000000000e+00, v6;
	v6 =	vld [tilespmem:s12+$0xFFFFFEF0];
	[tilespmem:s1+$0xFFFFFFB0] =	vst v0  }
0xf4: {  	v0 =	vmul.f32 $8.000000000e+00, v5;
	[tilespmem:s0+$0xFFFFFFD0] =	vst v7;
	v5 =	vld [tilespmem:s12+$0xFFFFFF40]  }
0xf5: {  	[tilespmem:s0+$0xFFFFFF10] =	vst v4;
	v2 =	vmul.f32 $8.000000000e+00, v2;
	v4 =	vld [tilespmem:s31+$0xFFFFFFE0]  }
0xf6: {  	v7 =	vld [tilespmem:s31+$0xFFFFFF20];
	[tilespmem:s0+$0xFFFFFF50] =	vst v0;
	v0 =	vmul.f32 $8.000000000e+00, v1  }
0xf7: {  	v1 =	vmul.f32 $8.000000000e+00, v3;
	v3 =	vld [tilespmem:s31+$0xFFFFFF60];
	[tilespmem:s0+$0xFFFFFF90] =	vst v2  }
0xf8: {  	v8 =	vld [tilespmem:s31+$0xFFFFFFA0];
	v2 =	vmul.f32 $8.000000000e+00, v6;
	[tilespmem:s1+$0x0] =	vst v0  }
0xf9: {  	[tilespmem:s0+$0xFFFFFED0] =	vst v1;
	v0 =	vmul.f32 $8.000000000e+00, v5;
	v1 =	vld [tilespmem:s12+$0xFFFFFF80]  }
0xfa: {  	v5 =	vld [tilespmem:s31+$0xFFFFFEE0];
	v4 =	vmul.f32 $8.000000000e+00, v4;
	[tilespmem:s1+$0xFFFFFEF0] =	vst v2  }
0xfb: {  	v6 =	vmul.f32 $8.000000000e+00, v7;
	v7 =	vld [tilespmem:s12+$0xFFFFFF00];
	[tilespmem:s1+$0xFFFFFF40] =	vst v0  }
.Ltmp6:
0xfc: {  	v9 =	vmul.f32 $8.000000000e+00, v3;
	[tilespmem:s0+$0xFFFFFFE0] =	vst v4;
	v2 =	vld [tilespmem:s12+$0xFFFFFFC0];
	s12 =	smov.u32 s31;
	(pc) =	sbr.rel @p4 .LBB2_10-.Ltmp6, $4  }
0xfd: {  	[tilespmem:s0+$0xFFFFFF20] =	vst v6;
	v8 =	vmul.f32 $8.000000000e+00, v8;
	v3 =	vld [tilespmem:s31+$0xFFFFFFF0]  }
0xfe: {  	v0 =	vld [tilespmem:s31+$0xFFFFFF30];
	[tilespmem:s0+$0xFFFFFF60] =	vst v9;
	v9 =	vmul.f32 $8.000000000e+00, v1  }
0xff: {  	v6 =	vmul.f32 $8.000000000e+00, v5;
	v4 =	vld [tilespmem:s31+$0xFFFFFF70];
	[tilespmem:s0+$0xFFFFFFA0] =	vst v8  }
0x100: {  	s31 =	sadd.s32 $0x140, s31;
	v1 =	vld [tilespmem:s12+$0xFFFFFFB0];
	v5 =	vmul.f32 $8.000000000e+00, v7;
	[tilespmem:s1+$0xFFFFFF80] =	vst v9  }
0x101: {  	s6 =	smov.u32 s12  }
.LBB2_12:
0x102: {  	[tilespmem:s0+$0xFFFFFEE0] =	vst v6  }
0x103: {  	v3 =	vmul.f32 $8.000000000e+00, v3;
	v6 =	vld [tilespmem:s6+$0xFFFFFEF0]  }
0x104: {  	v0 =	vmul.f32 $8.000000000e+00, v0  }
0x105: {  	v4 =	vmul.f32 $8.000000000e+00, v4;
	[tilespmem:s0+$0xFFFFFFF0] =	vst v3  }
0x106: {  	[tilespmem:s0+$0xFFFFFF30] =	vst v0;
	v0 =	vld [tilespmem:s6+$0x0]  }
0x107: {  	v1 =	vmul.f32 $8.000000000e+00, v1;
	[tilespmem:s0+$0xFFFFFF70] =	vst v4  }
0x108: {  	v3 =	vmul.f32 $8.000000000e+00, v6;
	v6 =	vld [tilespmem:s6+$0xFFFFFF80]  }
0x109: {  	v4 =	vld [tilespmem:s6+$0xFFFFFF40];
	[tilespmem:s0+$0xFFFFFFB0] =	vst v1  }
0x10a: {  	[tilespmem:s0+$0xFFFFFEF0] =	vst v3;
	v3 =	vld [tilespmem:s6+$0xFFFFFFC0]  }
0x10b: {  	v0 =	vmul.f32 $8.000000000e+00, v0;
	v1 =	vld [tilespmem:s6+$0xFFFFFF00]  }
0x10c: {  	v2 =	vmul.f32 @p3 $8.000000000e+00, v2;
	[tilespmem:s1+$0xFFFFFF00] =	vst @p3 v5  }
0x10d: {  	[tilespmem:s0+$0x0] =	vst v0;
	v0 =	vmul.f32 $8.000000000e+00, v6  }
0x10e: {  	[tilespmem:s1+$0xFFFFFFC0] =	vst @p3 v2;
	v2 =	vmul.f32 $8.000000000e+00, v4  }
0x10f: {  	[tilespmem:s0+$0xFFFFFF80] =	vst v0;
	v0 =	vmul.f32 $8.000000000e+00, v3  }
0x110: {  	[tilespmem:s0+$0xFFFFFF40] =	vst v2;
	v1 =	vmul.f32 $8.000000000e+00, v1  }
0x111: {  	[tilespmem:s0+$0xFFFFFFC0] =	vst v0  }
0x112: {  	s6 =	simm.s32 $0x3FB0;
	[tilespmem:s0+$0xFFFFFF00] =	vst v1  }
0x113: {  	v0 =	vld [tilespmem:s6+$0xFFFFFFD0]  }
0x114: {  	v1 =	vld [tilespmem:s6+$0xFFFFFF10]  }
0x115: {  	v2 =	vld [tilespmem:s6+$0xFFFFFF50]  }
0x116: {  	v3 =	vld [tilespmem:s6+$0xFFFFFF90];
	_ =	sdelay $0x1  }
0x117: {  	v0 =	vmul.f32 $8.000000000e+00, v0  }
0x118: {  	s1 =	simm.s32 $0x107B0;
	v4 =	vld [tilespmem:s6+$0xFFFFFED0];
	v1 =	vmul.f32 $8.000000000e+00, v1  }
0x119: {  	v2 =	vmul.f32 $8.000000000e+00, v2;
	[tilespmem:s1+$0xFFFFFFD0] =	vst v0  }
0x11a: {  	[tilespmem:s1+$0xFFFFFF10] =	vst v1;
	v0 =	vmul.f32 $8.000000000e+00, v3;
	v1 =	vld [tilespmem:s6+$0xFFFFFFE0]  }
0x11b: {  	[tilespmem:s1+$0xFFFFFF50] =	vst v2;
	v3 =	vld [tilespmem:s6+$0xFFFFFF20]  }
0x11c: {  	v2 =	vld [tilespmem:s6+$0xFFFFFF60];
	[tilespmem:s1+$0xFFFFFF90] =	vst v0  }
0x11d: {  	v0 =	vmul.f32 $8.000000000e+00, v4;
	v4 =	vld [tilespmem:s6+$0xFFFFFFA0];
	_ =	sdelay $0x1  }
0x11e: {  	[tilespmem:s1+$0xFFFFFED0] =	vst v0;
	v0 =	vmul.f32 $8.000000000e+00, v1  }
0x11f: {  	v1 =	vld [tilespmem:s6+$0xFFFFFEE0];
	v3 =	vmul.f32 $8.000000000e+00, v3  }
.Ltmp7:
0x120: {  	v2 =	vmul.f32 $8.000000000e+00, v2;
	[tilespmem:s1+$0xFFFFFFE0] =	vst v0;
	(pc) =	sbr.rel @!p2 .LBB2_13-.Ltmp7, $4  }
0x121: {  	[tilespmem:s1+$0xFFFFFF20] =	vst v3;
	v5 =	vmul.f32 $8.000000000e+00, v4;
	v4 =	vld [tilespmem:s6+$0xFFFFFFF0]  }
0x122: {  	[tilespmem:s1+$0xFFFFFF60] =	vst v2;
	v0 =	vld [tilespmem:s6+$0xFFFFFF30]  }
0x123: {  	v3 =	vld [tilespmem:s6+$0xFFFFFF70];
	[tilespmem:s1+$0xFFFFFFA0] =	vst v5  }
0x124: {  	s12 =	simm.s32 $0x40F0;
	v6 =	vmul.f32 $8.000000000e+00, v1;
	v2 =	vld [tilespmem:s6+$0xFFFFFFB0]  }
0x125: {  	v1 =	vld [tilespmem:s12+$0xFFFFFFD0]  }
0x126: {  	v5 =	vld [tilespmem:s12+$0xFFFFFF10];
	v4 =	vmul.f32 $8.000000000e+00, v4  }
0x127: {  	[tilespmem:s1+$0xFFFFFEE0] =	vst v6;
	v6 =	vld [tilespmem:s12+$0xFFFFFF50];
	v0 =	vmul.f32 $8.000000000e+00, v0  }
0x128: {  	v7 =	vld [tilespmem:s12+$0xFFFFFF90];
	v3 =	vmul.f32 $8.000000000e+00, v3;
	[tilespmem:s1+$0xFFFFFFF0] =	vst v4  }
0x129: {  	[tilespmem:s1+$0xFFFFFF30] =	vst v0;
	v0 =	vmul.f32 $8.000000000e+00, v2;
	v2 =	vld [tilespmem:s6+$0x0]  }
0x12a: {  	v4 =	vld [tilespmem:s12+$0xFFFFFED0];
	v1 =	vmul.f32 $8.000000000e+00, v1;
	[tilespmem:s1+$0xFFFFFF70] =	vst v3  }
0x12b: {  	s0 =	simm.s32 $0x108F0;
	v3 =	vmul.f32 $8.000000000e+00, v5;
	v5 =	vld [tilespmem:s6+$0xFFFFFEF0];
	[tilespmem:s1+$0xFFFFFFB0] =	vst v0  }
0x12c: {  	v0 =	vmul.f32 $8.000000000e+00, v6;
	[tilespmem:s0+$0xFFFFFFD0] =	vst v1;
	v1 =	vld [tilespmem:s6+$0xFFFFFF40]  }
0x12d: {  	[tilespmem:s0+$0xFFFFFF10] =	vst v3;
	v3 =	vmul.f32 $8.000000000e+00, v7;
	v6 =	vld [tilespmem:s12+$0xFFFFFFE0]  }
0x12e: {  	v7 =	vld [tilespmem:s12+$0xFFFFFF20];
	[tilespmem:s0+$0xFFFFFF50] =	vst v0;
	v0 =	vmul.f32 $8.000000000e+00, v2  }
0x12f: {  	v2 =	vmul.f32 $8.000000000e+00, v4;
	v4 =	vld [tilespmem:s12+$0xFFFFFF60];
	[tilespmem:s0+$0xFFFFFF90] =	vst v3  }
0x130: {  	v3 =	vld [tilespmem:s12+$0xFFFFFFA0];
	v5 =	vmul.f32 $8.000000000e+00, v5;
	[tilespmem:s1+$0x0] =	vst v0  }
0x131: {  	[tilespmem:s0+$0xFFFFFED0] =	vst v2;
	v2 =	vld [tilespmem:s6+$0xFFFFFF80];
	v0 =	vmul.f32 $8.000000000e+00, v1  }
0x132: {  	v8 =	vld [tilespmem:s12+$0xFFFFFEE0];
	[tilespmem:s1+$0xFFFFFEF0] =	vst v5;
	v1 =	vmul.f32 $8.000000000e+00, v6  }
0x133: {  	p2 =	por $0x1, $0x1;
	v5 =	vmul.f32 $8.000000000e+00, v7;
	v7 =	vld [tilespmem:s6+$0xFFFFFF00];
	[tilespmem:s1+$0xFFFFFF40] =	vst v0  }
.Ltmp8:
0x134: {  	v6 =	vmul.f32 $8.000000000e+00, v4;
	[tilespmem:s0+$0xFFFFFFE0] =	vst v1;
	v1 =	vld [tilespmem:s6+$0xFFFFFFC0];
	(pc) =	sbr.rel @!p2 .LBB2_15-.Ltmp8, $4  }
0x135: {  	[tilespmem:s0+$0xFFFFFF20] =	vst v5;
	v5 =	vmul.f32 $8.000000000e+00, v3;
	v4 =	vld [tilespmem:s12+$0xFFFFFFF0]  }
0x136: {  	v0 =	vld [tilespmem:s12+$0xFFFFFF30];
	[tilespmem:s0+$0xFFFFFF60] =	vst v6;
	v9 =	vmul.f32 $8.000000000e+00, v2  }
0x137: {  	v3 =	vld [tilespmem:s12+$0xFFFFFF70];
	[tilespmem:s0+$0xFFFFFFA0] =	vst v5;
	v6 =	vmul.f32 $8.000000000e+00, v8  }
0x138: {  	s31 =	simm.s32 $0x4230;
	p1 =	por $0x1, $0x1;
	s6 =	simm.s32 $0x5;
	v2 =	vld [tilespmem:s12+$0xFFFFFFB0];
	v5 =	vmul.f32 $8.000000000e+00, v7;
	[tilespmem:s1+$0xFFFFFF80] =	vst v9  }
.LBB2_16:
0x139: {  	v7 =	vld [tilespmem:s31+$0xFFFFFFD0];
	s6 =	sadd.s32 $0x5, s6;
	[tilespmem:s0+$0xFFFFFEE0] =	vst v6;
	v1 =	vmul.f32 $8.000000000e+00, v1  }
0x13a: {  	v6 =	vld [tilespmem:s31+$0xFFFFFF10];
	p2 =	slt.u32 s6, $0x2D;
	v4 =	vmul.f32 $8.000000000e+00, v4;
	[tilespmem:s1+$0xFFFFFF00] =	vst v5  }
0x13b: {  	v5 =	vld [tilespmem:s31+$0xFFFFFF50];
	v0 =	vmul.f32 $8.000000000e+00, v0;
	[tilespmem:s1+$0xFFFFFFC0] =	vst v1;
	s1 =	smov.u32 s0  }
0x13c: {  	v1 =	vld [tilespmem:s31+$0xFFFFFF90];
	v3 =	vmul.f32 $8.000000000e+00, v3;
	[tilespmem:s0+$0xFFFFFFF0] =	vst v4  }
0x13d: {  	[tilespmem:s0+$0xFFFFFF30] =	vst v0;
	v0 =	vmul.f32 $8.000000000e+00, v2;
	v2 =	vld [tilespmem:s12+$0x0]  }
0x13e: {  	v4 =	vld [tilespmem:s31+$0xFFFFFED0];
	v7 =	vmul.f32 $8.000000000e+00, v7;
	[tilespmem:s0+$0xFFFFFF70] =	vst v3  }
0x13f: {  	s0 =	sadd.s32 $0x140, s0;
	v3 =	vmul.f32 $8.000000000e+00, v6;
	v6 =	vld [tilespmem:s12+$0xFFFFFEF0];
	[tilespmem:s1+$0xFFFFFFB0] =	vst v0  }
0x140: {  	v0 =	vmul.f32 $8.000000000e+00, v5;
	[tilespmem:s0+$0xFFFFFFD0] =	vst v7;
	v5 =	vld [tilespmem:s12+$0xFFFFFF40]  }
0x141: {  	[tilespmem:s0+$0xFFFFFF10] =	vst v3;
	v1 =	vmul.f32 $8.000000000e+00, v1;
	v3 =	vld [tilespmem:s31+$0xFFFFFFE0]  }
0x142: {  	v7 =	vld [tilespmem:s31+$0xFFFFFF20];
	[tilespmem:s0+$0xFFFFFF50] =	vst v0;
	v0 =	vmul.f32 $8.000000000e+00, v2  }
0x143: {  	v2 =	vmul.f32 $8.000000000e+00, v4;
	v4 =	vld [tilespmem:s31+$0xFFFFFF60];
	[tilespmem:s0+$0xFFFFFF90] =	vst v1  }
0x144: {  	v8 =	vld [tilespmem:s31+$0xFFFFFFA0];
	v1 =	vmul.f32 $8.000000000e+00, v6;
	[tilespmem:s1+$0x0] =	vst v0  }
0x145: {  	[tilespmem:s0+$0xFFFFFED0] =	vst v2;
	v0 =	vmul.f32 $8.000000000e+00, v5;
	v2 =	vld [tilespmem:s12+$0xFFFFFF80]  }
0x146: {  	v5 =	vld [tilespmem:s31+$0xFFFFFEE0];
	v3 =	vmul.f32 $8.000000000e+00, v3;
	[tilespmem:s1+$0xFFFFFEF0] =	vst v1  }
0x147: {  	v6 =	vmul.f32 $8.000000000e+00, v7;
	v7 =	vld [tilespmem:s12+$0xFFFFFF00];
	[tilespmem:s1+$0xFFFFFF40] =	vst v0  }
.Ltmp9:
0x148: {  	v9 =	vmul.f32 $8.000000000e+00, v4;
	[tilespmem:s0+$0xFFFFFFE0] =	vst v3;
	v1 =	vld [tilespmem:s12+$0xFFFFFFC0];
	s12 =	smov.u32 s31;
	(pc) =	sbr.rel @p2 .LBB2_16-.Ltmp9, $4  }
0x149: {  	[tilespmem:s0+$0xFFFFFF20] =	vst v6;
	v8 =	vmul.f32 $8.000000000e+00, v8;
	v4 =	vld [tilespmem:s31+$0xFFFFFFF0]  }
0x14a: {  	v0 =	vld [tilespmem:s31+$0xFFFFFF30];
	[tilespmem:s0+$0xFFFFFF60] =	vst v9;
	v9 =	vmul.f32 $8.000000000e+00, v2  }
0x14b: {  	v6 =	vmul.f32 $8.000000000e+00, v5;
	v3 =	vld [tilespmem:s31+$0xFFFFFF70];
	[tilespmem:s0+$0xFFFFFFA0] =	vst v8  }
0x14c: {  	s31 =	sadd.s32 $0x140, s31;
	v2 =	vld [tilespmem:s12+$0xFFFFFFB0];
	v5 =	vmul.f32 $8.000000000e+00, v7;
	[tilespmem:s1+$0xFFFFFF80] =	vst v9  }
0x14d: {  	s6 =	smov.u32 s12  }
.LBB2_18:
0x14e: {  	[tilespmem:s0+$0xFFFFFEE0] =	vst v6  }
0x14f: {  	v4 =	vmul.f32 $8.000000000e+00, v4;
	v6 =	vld [tilespmem:s6+$0xFFFFFEF0]  }
0x150: {  	v0 =	vmul.f32 $8.000000000e+00, v0  }
0x151: {  	v3 =	vmul.f32 $8.000000000e+00, v3;
	[tilespmem:s0+$0xFFFFFFF0] =	vst v4  }
0x152: {  	[tilespmem:s0+$0xFFFFFF30] =	vst v0;
	v0 =	vld [tilespmem:s6+$0x0]  }
0x153: {  	v2 =	vmul.f32 $8.000000000e+00, v2;
	[tilespmem:s0+$0xFFFFFF70] =	vst v3  }
0x154: {  	v4 =	vmul.f32 $8.000000000e+00, v6;
	v6 =	vld [tilespmem:s6+$0xFFFFFF80]  }
0x155: {  	v3 =	vld [tilespmem:s6+$0xFFFFFF40];
	[tilespmem:s0+$0xFFFFFFB0] =	vst v2  }
0x156: {  	[tilespmem:s0+$0xFFFFFEF0] =	vst v4;
	v4 =	vld [tilespmem:s6+$0xFFFFFFC0]  }
0x157: {  	v0 =	vmul.f32 $8.000000000e+00, v0;
	v2 =	vld [tilespmem:s6+$0xFFFFFF00]  }
0x158: {  	v1 =	vmul.f32 @p1 $8.000000000e+00, v1;
	[tilespmem:s1+$0xFFFFFF00] =	vst @p1 v5  }
0x159: {  	[tilespmem:s0+$0x0] =	vst v0;
	v0 =	vmul.f32 $8.000000000e+00, v6  }
0x15a: {  	s31 =	sshll.u32 s29, $0x4;
	[tilespmem:s1+$0xFFFFFFC0] =	vst @p1 v1;
	v1 =	vmul.f32 $8.000000000e+00, v3  }
0x15b: {  	s6 =	sadd.s32 s5, s31;
	[tilespmem:s0+$0xFFFFFF80] =	vst v0;
	v0 =	vmul.f32 $8.000000000e+00, v4  }
0x15c: {  	s1 =	smul.u32 $0x190, s6;
	[tilespmem:s0+$0xFFFFFF40] =	vst v1;
	v1 =	vmul.f32 $8.000000000e+00, v2  }
0x15d: {  	s30 =	sor.u32 $0x3, s30;
	[tilespmem:s0+$0xFFFFFFC0] =	vst v0  }
0x15e: {  	s12 =	smul.u32 $0x320, s30;
	s7 =	sadd.s32 s2, s1;
	[tilespmem:s0+$0xFFFFFF00] =	vst v1  }
0x15f: {  	[hbm4b:s7+s3] =	stream.linear.scatter [tilespmem:s15], [sflag:$0x5], $0x3200, $0x38;
	[tilespmem:$0x1A900] =	vst v63  }
0x160: {  	s6 =	sshra.s32 s12, $0x2  }
0x161: {  	[tilespmem:s16], [sflag:$0x4] =	stream.indirect.gather [hbm4b:s4+s9], $0x40, s6, s9, $0xb8;
	[tilespmem:$0x1A900] =	vst v63  }
0x162: {  	_ =	swait.ge [sflag:s17], $0x3200  }
0x163: {  	[sflag:s17] =	ssyncset.done $0x0  }
0x164: {  	s0 =	simm.s32 @!p0 $0x6;
	[sflag:s17] =	ssyncadd.s32 $0xFFFFCE00  }
0x165: {  	_ =	swait.ge @!p0 [sflag:s0], $0x3200  }
0x166: {  	[sflag:s0] =	ssyncset.done @!p0 $0x0  }
0x167: {  	s7 =	simm.s32 $0x4C30;
	[sflag:s0] =	ssyncadd.s32 @!p0 $0xFFFFCE00  }
0x168: {  	v0 =	vld [tilespmem:s7+$0xFFFFFFD0]  }
0x169: {  	v1 =	vld [tilespmem:s7+$0xFFFFFF10];
	_ =	sdelay $0x1  }
0x16a: {  	v2 =	vld [tilespmem:s7+$0xFFFFFF50]  }
0x16b: {  	v3 =	vld [tilespmem:s7+$0xFFFFFF90]  }
0x16c: {  	v0 =	vmul.f32 $8.000000000e+00, v0  }
0x16d: {  	s1 =	simm.s32 $0x11430;
	v1 =	vmul.f32 $8.000000000e+00, v1  }
0x16e: {  	v4 =	vld [tilespmem:s7+$0xFFFFFED0];
	[tilespmem:s1+$0xFFFFFFD0] =	vst v0  }
0x16f: {  	v2 =	vmul.f32 $8.000000000e+00, v2;
	[tilespmem:s1+$0xFFFFFF10] =	vst v1;
	v1 =	vld [tilespmem:s7+$0xFFFFFFE0]  }
0x170: {  	v0 =	vmul.f32 $8.000000000e+00, v3  }
0x171: {  	[tilespmem:s1+$0xFFFFFF50] =	vst v2;
	v3 =	vld [tilespmem:s7+$0xFFFFFF20]  }
0x172: {  	v2 =	vld [tilespmem:s7+$0xFFFFFF60];
	[tilespmem:s1+$0xFFFFFF90] =	vst v0  }
0x173: {  	v4 =	vmul.f32 $8.000000000e+00, v4;
	v0 =	vld [tilespmem:s7+$0xFFFFFFA0]  }
0x174: {  	v1 =	vmul.f32 $8.000000000e+00, v1  }
0x175: {  	[tilespmem:s1+$0xFFFFFED0] =	vst v4  }
0x176: {  	v4 =	vld [tilespmem:s7+$0xFFFFFEE0];
	v3 =	vmul.f32 $8.000000000e+00, v3;
	[tilespmem:s1+$0xFFFFFFE0] =	vst v1  }
0x177: {  	s0 =	simm.s32 $0x4D70;
	v2 =	vmul.f32 $8.000000000e+00, v2;
	v1 =	vld [tilespmem:s7+$0xFFFFFFF0]  }
0x178: {  	v5 =	vld [tilespmem:s0+$0xFFFFFFD0];
	[tilespmem:s1+$0xFFFFFF20] =	vst v3;
	v0 =	vmul.f32 $8.000000000e+00, v0  }
0x179: {  	[tilespmem:s1+$0xFFFFFF60] =	vst v2;
	v3 =	vld [tilespmem:s7+$0xFFFFFF30]  }
0x17a: {  	v2 =	vld [tilespmem:s7+$0xFFFFFF70];
	[tilespmem:s1+$0xFFFFFFA0] =	vst v0  }
0x17b: {  	v4 =	vmul.f32 $8.000000000e+00, v4;
	v0 =	vld [tilespmem:s7+$0xFFFFFFB0]  }
0x17c: {  	v6 =	vld [tilespmem:s0+$0xFFFFFF10];
	v1 =	vmul.f32 $8.000000000e+00, v1  }
0x17d: {  	v5 =	vmul.f32 $8.000000000e+00, v5;
	[tilespmem:s1+$0xFFFFFEE0] =	vst v4;
	v4 =	vld [tilespmem:s0+$0xFFFFFF50]  }
0x17e: {  	s12 =	simm.s32 $0x11570;
	v7 =	vld [tilespmem:s0+$0xFFFFFF90];
	v3 =	vmul.f32 $8.000000000e+00, v3;
	[tilespmem:s1+$0xFFFFFFF0] =	vst v1  }
0x17f: {  	[tilespmem:s12+$0xFFFFFFD0] =	vst v5;
	v2 =	vmul.f32 $8.000000000e+00, v2;
	v1 =	vld [tilespmem:s7+$0x0]  }
0x180: {  	[tilespmem:s1+$0xFFFFFF30] =	vst v3;
	v0 =	vmul.f32 $8.000000000e+00, v0;
	v3 =	vld [tilespmem:s0+$0xFFFFFED0]  }
0x181: {  	[tilespmem:s1+$0xFFFFFF70] =	vst v2;
	v2 =	vmul.f32 $8.000000000e+00, v6;
	v6 =	vld [tilespmem:s7+$0xFFFFFEF0]  }
0x182: {  	[tilespmem:s1+$0xFFFFFFB0] =	vst v0;
	v0 =	vmul.f32 $8.000000000e+00, v4;
	v4 =	vld [tilespmem:s7+$0xFFFFFF40]  }
0x183: {  	v5 =	vld [tilespmem:s0+$0xFFFFFFE0];
	[tilespmem:s12+$0xFFFFFF10] =	vst v2;
	v2 =	vmul.f32 $8.000000000e+00, v7  }
0x184: {  	v7 =	vld [tilespmem:s0+$0xFFFFFF20];
	[tilespmem:s12+$0xFFFFFF50] =	vst v0;
	v0 =	vmul.f32 $8.000000000e+00, v1  }
0x185: {  	[tilespmem:s12+$0xFFFFFF90] =	vst v2;
	v1 =	vmul.f32 $8.000000000e+00, v3;
	v3 =	vld [tilespmem:s0+$0xFFFFFF60]  }
0x186: {  	v2 =	vld [tilespmem:s0+$0xFFFFFFA0];
	v6 =	vmul.f32 $8.000000000e+00, v6;
	[tilespmem:s1+$0x0] =	vst v0  }
0x187: {  	[tilespmem:s12+$0xFFFFFED0] =	vst v1;
	v0 =	vmul.f32 $8.000000000e+00, v4;
	v4 =	vld [tilespmem:s7+$0xFFFFFF80]  }
0x188: {  	[tilespmem:s1+$0xFFFFFEF0] =	vst v6;
	v1 =	vmul.f32 $8.000000000e+00, v5;
	v8 =	vld [tilespmem:s0+$0xFFFFFEE0]  }
0x189: {  	v5 =	vmul.f32 $8.000000000e+00, v7;
	v7 =	vld [tilespmem:s7+$0xFFFFFF00];
	[tilespmem:s1+$0xFFFFFF40] =	vst v0  }
0x18a: {  	[tilespmem:s12+$0xFFFFFFE0] =	vst v1;
	v0 =	vld [tilespmem:s7+$0xFFFFFFC0];
	v6 =	vmul.f32 $8.000000000e+00, v3  }
0x18b: {  	[tilespmem:s12+$0xFFFFFF20] =	vst v5;
	v2 =	vmul.f32 $8.000000000e+00, v2;
	v3 =	vld [tilespmem:s0+$0xFFFFFFF0]  }
0x18c: {  	v1 =	vld [tilespmem:s0+$0xFFFFFF30];
	[tilespmem:s12+$0xFFFFFF60] =	vst v6;
	v9 =	vmul.f32 $8.000000000e+00, v4  }
0x18d: {  	[tilespmem:s12+$0xFFFFFFA0] =	vst v2;
	v4 =	vld [tilespmem:s0+$0xFFFFFF70];
	v6 =	vmul.f32 $8.000000000e+00, v8  }
0x18e: {  	s6 =	simm.s32 $0x5;
	s7 =	simm.s32 $0x4EB0;
	v2 =	vld [tilespmem:s0+$0xFFFFFFB0];
	v5 =	vmul.f32 $8.000000000e+00, v7;
	[tilespmem:s1+$0xFFFFFF80] =	vst v9  }
.LBB2_19:
0x18f: {  	v7 =	vld [tilespmem:s7+$0xFFFFFFD0];
	s6 =	sadd.s32 $0x5, s6;
	[tilespmem:s12+$0xFFFFFEE0] =	vst v6;
	v0 =	vmul.f32 $8.000000000e+00, v0  }
0x190: {  	v6 =	vld [tilespmem:s7+$0xFFFFFF10];
	p1 =	slt.u32 s6, $0x2D;
	v3 =	vmul.f32 $8.000000000e+00, v3;
	[tilespmem:s1+$0xFFFFFF00] =	vst v5  }
0x191: {  	v5 =	vld [tilespmem:s7+$0xFFFFFF50];
	v1 =	vmul.f32 $8.000000000e+00, v1;
	[tilespmem:s1+$0xFFFFFFC0] =	vst v0;
	s1 =	smov.u32 s12  }
0x192: {  	v0 =	vld [tilespmem:s7+$0xFFFFFF90];
	v4 =	vmul.f32 $8.000000000e+00, v4;
	[tilespmem:s12+$0xFFFFFFF0] =	vst v3  }
0x193: {  	[tilespmem:s12+$0xFFFFFF30] =	vst v1;
	v1 =	vmul.f32 $8.000000000e+00, v2;
	v2 =	vld [tilespmem:s0+$0x0]  }
0x194: {  	v3 =	vld [tilespmem:s7+$0xFFFFFED0];
	v7 =	vmul.f32 $8.000000000e+00, v7;
	[tilespmem:s12+$0xFFFFFF70] =	vst v4  }
0x195: {  	s12 =	sadd.s32 $0x140, s12;
	v4 =	vmul.f32 $8.000000000e+00, v6;
	v6 =	vld [tilespmem:s0+$0xFFFFFEF0];
	[tilespmem:s1+$0xFFFFFFB0] =	vst v1  }
0x196: {  	v1 =	vmul.f32 $8.000000000e+00, v5;
	[tilespmem:s12+$0xFFFFFFD0] =	vst v7;
	v5 =	vld [tilespmem:s0+$0xFFFFFF40]  }
0x197: {  	[tilespmem:s12+$0xFFFFFF10] =	vst v4;
	v0 =	vmul.f32 $8.000000000e+00, v0;
	v4 =	vld [tilespmem:s7+$0xFFFFFFE0]  }
0x198: {  	v7 =	vld [tilespmem:s7+$0xFFFFFF20];
	[tilespmem:s12+$0xFFFFFF50] =	vst v1;
	v1 =	vmul.f32 $8.000000000e+00, v2  }
0x199: {  	v2 =	vmul.f32 $8.000000000e+00, v3;
	v3 =	vld [tilespmem:s7+$0xFFFFFF60];
	[tilespmem:s12+$0xFFFFFF90] =	vst v0  }
0x19a: {  	v8 =	vld [tilespmem:s7+$0xFFFFFFA0];
	v0 =	vmul.f32 $8.000000000e+00, v6;
	[tilespmem:s1+$0x0] =	vst v1  }
0x19b: {  	[tilespmem:s12+$0xFFFFFED0] =	vst v2;
	v1 =	vmul.f32 $8.000000000e+00, v5;
	v2 =	vld [tilespmem:s0+$0xFFFFFF80]  }
0x19c: {  	v5 =	vld [tilespmem:s7+$0xFFFFFEE0];
	v4 =	vmul.f32 $8.000000000e+00, v4;
	[tilespmem:s1+$0xFFFFFEF0] =	vst v0  }
0x19d: {  	v6 =	vmul.f32 $8.000000000e+00, v7;
	v7 =	vld [tilespmem:s0+$0xFFFFFF00];
	[tilespmem:s1+$0xFFFFFF40] =	vst v1  }
.Ltmp10:
0x19e: {  	v9 =	vmul.f32 $8.000000000e+00, v3;
	[tilespmem:s12+$0xFFFFFFE0] =	vst v4;
	v0 =	vld [tilespmem:s0+$0xFFFFFFC0];
	s0 =	smov.u32 s7;
	(pc) =	sbr.rel @p1 .LBB2_19-.Ltmp10, $4  }
0x19f: {  	[tilespmem:s12+$0xFFFFFF20] =	vst v6;
	v8 =	vmul.f32 $8.000000000e+00, v8;
	v3 =	vld [tilespmem:s7+$0xFFFFFFF0]  }
0x1a0: {  	v1 =	vld [tilespmem:s7+$0xFFFFFF30];
	[tilespmem:s12+$0xFFFFFF60] =	vst v9;
	v9 =	vmul.f32 $8.000000000e+00, v2  }
0x1a1: {  	v6 =	vmul.f32 $8.000000000e+00, v5;
	v4 =	vld [tilespmem:s7+$0xFFFFFF70];
	[tilespmem:s12+$0xFFFFFFA0] =	vst v8  }
0x1a2: {  	s7 =	sadd.s32 $0x140, s7;
	v2 =	vld [tilespmem:s0+$0xFFFFFFB0];
	v5 =	vmul.f32 $8.000000000e+00, v7;
	[tilespmem:s1+$0xFFFFFF80] =	vst v9  }
0x1a3: {  	[tilespmem:s12+$0xFFFFFEE0] =	vst v6  }
0x1a4: {  	v6 =	vld [tilespmem:s0+$0xFFFFFEF0];
	v3 =	vmul.f32 $8.000000000e+00, v3  }
0x1a5: {  	v1 =	vmul.f32 $8.000000000e+00, v1  }
0x1a6: {  	v4 =	vmul.f32 $8.000000000e+00, v4;
	[tilespmem:s12+$0xFFFFFFF0] =	vst v3  }
0x1a7: {  	[tilespmem:s12+$0xFFFFFF30] =	vst v1;
	v1 =	vld [tilespmem:s0+$0x0]  }
0x1a8: {  	v2 =	vmul.f32 $8.000000000e+00, v2;
	[tilespmem:s12+$0xFFFFFF70] =	vst v4  }
0x1a9: {  	v3 =	vmul.f32 $8.000000000e+00, v6;
	v6 =	vld [tilespmem:s0+$0xFFFFFF80]  }
0x1aa: {  	v4 =	vld [tilespmem:s0+$0xFFFFFF40];
	[tilespmem:s12+$0xFFFFFFB0] =	vst v2  }
0x1ab: {  	[tilespmem:s12+$0xFFFFFEF0] =	vst v3;
	v3 =	vld [tilespmem:s0+$0xFFFFFFC0]  }
0x1ac: {  	v2 =	vld [tilespmem:s0+$0xFFFFFF00];
	v1 =	vmul.f32 $8.000000000e+00, v1  }
0x1ad: {  	v0 =	vmul.f32 $8.000000000e+00, v0;
	[tilespmem:s1+$0xFFFFFF00] =	vst v5  }
0x1ae: {  	[tilespmem:s12+$0x0] =	vst v1;
	v1 =	vmul.f32 $8.000000000e+00, v6  }
0x1af: {  	[tilespmem:s1+$0xFFFFFFC0] =	vst v0;
	v0 =	vmul.f32 $8.000000000e+00, v4  }
0x1b0: {  	[tilespmem:s12+$0xFFFFFF80] =	vst v1;
	v1 =	vmul.f32 $8.000000000e+00, v3  }
0x1b1: {  	[tilespmem:s12+$0xFFFFFF40] =	vst v0;
	v0 =	vmul.f32 $8.000000000e+00, v2  }
0x1b2: {  	[tilespmem:s12+$0xFFFFFFC0] =	vst v1  }
0x1b3: {  	s6 =	simm.s32 $0x58B0;
	[tilespmem:s12+$0xFFFFFF00] =	vst v0  }
0x1b4: {  	v0 =	vld [tilespmem:s6+$0xFFFFFFD0]  }
0x1b5: {  	v1 =	vld [tilespmem:s6+$0xFFFFFF10];
	_ =	sdelay $0x1  }
0x1b6: {  	v2 =	vld [tilespmem:s6+$0xFFFFFF50]  }
0x1b7: {  	v3 =	vld [tilespmem:s6+$0xFFFFFF90]  }
0x1b8: {  	v0 =	vmul.f32 $8.000000000e+00, v0  }
0x1b9: {  	s1 =	simm.s32 $0x120B0;
	v1 =	vmul.f32 $8.000000000e+00, v1  }
0x1ba: {  	v4 =	vld [tilespmem:s6+$0xFFFFFED0];
	[tilespmem:s1+$0xFFFFFFD0] =	vst v0  }
0x1bb: {  	v2 =	vmul.f32 $8.000000000e+00, v2;
	[tilespmem:s1+$0xFFFFFF10] =	vst v1;
	v1 =	vld [tilespmem:s6+$0xFFFFFFE0]  }
0x1bc: {  	v0 =	vmul.f32 $8.000000000e+00, v3  }
0x1bd: {  	[tilespmem:s1+$0xFFFFFF50] =	vst v2;
	v3 =	vld [tilespmem:s6+$0xFFFFFF20]  }
0x1be: {  	v2 =	vld [tilespmem:s6+$0xFFFFFF60];
	[tilespmem:s1+$0xFFFFFF90] =	vst v0  }
0x1bf: {  	v4 =	vmul.f32 $8.000000000e+00, v4;
	v0 =	vld [tilespmem:s6+$0xFFFFFFA0]  }
0x1c0: {  	v1 =	vmul.f32 $8.000000000e+00, v1  }
0x1c1: {  	[tilespmem:s1+$0xFFFFFED0] =	vst v4  }
0x1c2: {  	v4 =	vld [tilespmem:s6+$0xFFFFFEE0];
	v3 =	vmul.f32 $8.000000000e+00, v3;
	[tilespmem:s1+$0xFFFFFFE0] =	vst v1  }
0x1c3: {  	s0 =	simm.s32 $0x59F0;
	v2 =	vmul.f32 $8.000000000e+00, v2;
	v1 =	vld [tilespmem:s6+$0xFFFFFFF0]  }
0x1c4: {  	v5 =	vld [tilespmem:s0+$0xFFFFFFD0];
	[tilespmem:s1+$0xFFFFFF20] =	vst v3;
	v0 =	vmul.f32 $8.000000000e+00, v0  }
0x1c5: {  	[tilespmem:s1+$0xFFFFFF60] =	vst v2;
	v3 =	vld [tilespmem:s6+$0xFFFFFF30]  }
0x1c6: {  	v2 =	vld [tilespmem:s6+$0xFFFFFF70];
	[tilespmem:s1+$0xFFFFFFA0] =	vst v0  }
0x1c7: {  	v4 =	vmul.f32 $8.000000000e+00, v4;
	v0 =	vld [tilespmem:s6+$0xFFFFFFB0]  }
0x1c8: {  	v6 =	vld [tilespmem:s0+$0xFFFFFF10];
	v1 =	vmul.f32 $8.000000000e+00, v1  }
0x1c9: {  	v5 =	vmul.f32 $8.000000000e+00, v5;
	[tilespmem:s1+$0xFFFFFEE0] =	vst v4;
	v4 =	vld [tilespmem:s0+$0xFFFFFF50]  }
0x1ca: {  	s12 =	simm.s32 $0x121F0;
	v7 =	vld [tilespmem:s0+$0xFFFFFF90];
	v3 =	vmul.f32 $8.000000000e+00, v3;
	[tilespmem:s1+$0xFFFFFFF0] =	vst v1  }
0x1cb: {  	[tilespmem:s12+$0xFFFFFFD0] =	vst v5;
	v2 =	vmul.f32 $8.000000000e+00, v2;
	v1 =	vld [tilespmem:s6+$0x0]  }
0x1cc: {  	[tilespmem:s1+$0xFFFFFF30] =	vst v3;
	v0 =	vmul.f32 $8.000000000e+00, v0;
	v3 =	vld [tilespmem:s0+$0xFFFFFED0]  }
0x1cd: {  	[tilespmem:s1+$0xFFFFFF70] =	vst v2;
	v2 =	vmul.f32 $8.000000000e+00, v6;
	v6 =	vld [tilespmem:s6+$0xFFFFFEF0]  }
0x1ce: {  	[tilespmem:s1+$0xFFFFFFB0] =	vst v0;
	v0 =	vmul.f32 $8.000000000e+00, v4;
	v4 =	vld [tilespmem:s6+$0xFFFFFF40]  }
0x1cf: {  	v5 =	vld [tilespmem:s0+$0xFFFFFFE0];
	[tilespmem:s12+$0xFFFFFF10] =	vst v2;
	v2 =	vmul.f32 $8.000000000e+00, v7  }
0x1d0: {  	v7 =	vld [tilespmem:s0+$0xFFFFFF20];
	[tilespmem:s12+$0xFFFFFF50] =	vst v0;
	v0 =	vmul.f32 $8.000000000e+00, v1  }
0x1d1: {  	[tilespmem:s12+$0xFFFFFF90] =	vst v2;
	v1 =	vmul.f32 $8.000000000e+00, v3;
	v3 =	vld [tilespmem:s0+$0xFFFFFF60]  }
0x1d2: {  	v2 =	vld [tilespmem:s0+$0xFFFFFFA0];
	v6 =	vmul.f32 $8.000000000e+00, v6;
	[tilespmem:s1+$0x0] =	vst v0  }
0x1d3: {  	[tilespmem:s12+$0xFFFFFED0] =	vst v1;
	v0 =	vmul.f32 $8.000000000e+00, v4;
	v4 =	vld [tilespmem:s6+$0xFFFFFF80]  }
0x1d4: {  	[tilespmem:s1+$0xFFFFFEF0] =	vst v6;
	v1 =	vmul.f32 $8.000000000e+00, v5;
	v8 =	vld [tilespmem:s0+$0xFFFFFEE0]  }
0x1d5: {  	v5 =	vmul.f32 $8.000000000e+00, v7;
	v7 =	vld [tilespmem:s6+$0xFFFFFF00];
	[tilespmem:s1+$0xFFFFFF40] =	vst v0  }
0x1d6: {  	[tilespmem:s12+$0xFFFFFFE0] =	vst v1;
	v0 =	vld [tilespmem:s6+$0xFFFFFFC0];
	v6 =	vmul.f32 $8.000000000e+00, v3  }
0x1d7: {  	[tilespmem:s12+$0xFFFFFF20] =	vst v5;
	v2 =	vmul.f32 $8.000000000e+00, v2;
	v3 =	vld [tilespmem:s0+$0xFFFFFFF0]  }
0x1d8: {  	v1 =	vld [tilespmem:s0+$0xFFFFFF30];
	[tilespmem:s12+$0xFFFFFF60] =	vst v6;
	v9 =	vmul.f32 $8.000000000e+00, v4  }
0x1d9: {  	[tilespmem:s12+$0xFFFFFFA0] =	vst v2;
	v4 =	vld [tilespmem:s0+$0xFFFFFF70];
	v6 =	vmul.f32 $8.000000000e+00, v8  }
0x1da: {  	s7 =	simm.s32 $0x5B30;
	s6 =	simm.s32 $0x5;
	v2 =	vld [tilespmem:s0+$0xFFFFFFB0];
	v5 =	vmul.f32 $8.000000000e+00, v7;
	[tilespmem:s1+$0xFFFFFF80] =	vst v9  }
.LBB2_21:
0x1db: {  	v7 =	vld [tilespmem:s7+$0xFFFFFFD0];
	s6 =	sadd.s32 $0x5, s6;
	[tilespmem:s12+$0xFFFFFEE0] =	vst v6;
	v0 =	vmul.f32 $8.000000000e+00, v0  }
0x1dc: {  	v6 =	vld [tilespmem:s7+$0xFFFFFF10];
	p1 =	slt.u32 s6, $0x2D;
	v3 =	vmul.f32 $8.000000000e+00, v3;
	[tilespmem:s1+$0xFFFFFF00] =	vst v5  }
0x1dd: {  	v5 =	vld [tilespmem:s7+$0xFFFFFF50];
	v1 =	vmul.f32 $8.000000000e+00, v1;
	[tilespmem:s1+$0xFFFFFFC0] =	vst v0;
	s1 =	smov.u32 s12  }
0x1de: {  	v0 =	vld [tilespmem:s7+$0xFFFFFF90];
	v4 =	vmul.f32 $8.000000000e+00, v4;
	[tilespmem:s12+$0xFFFFFFF0] =	vst v3  }
0x1df: {  	[tilespmem:s12+$0xFFFFFF30] =	vst v1;
	v1 =	vmul.f32 $8.000000000e+00, v2;
	v2 =	vld [tilespmem:s0+$0x0]  }
0x1e0: {  	v3 =	vld [tilespmem:s7+$0xFFFFFED0];
	v7 =	vmul.f32 $8.000000000e+00, v7;
	[tilespmem:s12+$0xFFFFFF70] =	vst v4  }
0x1e1: {  	s12 =	sadd.s32 $0x140, s12;
	v4 =	vmul.f32 $8.000000000e+00, v6;
	v6 =	vld [tilespmem:s0+$0xFFFFFEF0];
	[tilespmem:s1+$0xFFFFFFB0] =	vst v1  }
0x1e2: {  	v1 =	vmul.f32 $8.000000000e+00, v5;
	[tilespmem:s12+$0xFFFFFFD0] =	vst v7;
	v5 =	vld [tilespmem:s0+$0xFFFFFF40]  }
0x1e3: {  	[tilespmem:s12+$0xFFFFFF10] =	vst v4;
	v0 =	vmul.f32 $8.000000000e+00, v0;
	v4 =	vld [tilespmem:s7+$0xFFFFFFE0]  }
0x1e4: {  	v7 =	vld [tilespmem:s7+$0xFFFFFF20];
	[tilespmem:s12+$0xFFFFFF50] =	vst v1;
	v1 =	vmul.f32 $8.000000000e+00, v2  }
0x1e5: {  	v2 =	vmul.f32 $8.000000000e+00, v3;
	v3 =	vld [tilespmem:s7+$0xFFFFFF60];
	[tilespmem:s12+$0xFFFFFF90] =	vst v0  }
0x1e6: {  	v8 =	vld [tilespmem:s7+$0xFFFFFFA0];
	v0 =	vmul.f32 $8.000000000e+00, v6;
	[tilespmem:s1+$0x0] =	vst v1  }
0x1e7: {  	[tilespmem:s12+$0xFFFFFED0] =	vst v2;
	v1 =	vmul.f32 $8.000000000e+00, v5;
	v2 =	vld [tilespmem:s0+$0xFFFFFF80]  }
0x1e8: {  	v5 =	vld [tilespmem:s7+$0xFFFFFEE0];
	v4 =	vmul.f32 $8.000000000e+00, v4;
	[tilespmem:s1+$0xFFFFFEF0] =	vst v0  }
0x1e9: {  	v6 =	vmul.f32 $8.000000000e+00, v7;
	v7 =	vld [tilespmem:s0+$0xFFFFFF00];
	[tilespmem:s1+$0xFFFFFF40] =	vst v1  }
.Ltmp11:
0x1ea: {  	v9 =	vmul.f32 $8.000000000e+00, v3;
	[tilespmem:s12+$0xFFFFFFE0] =	vst v4;
	v0 =	vld [tilespmem:s0+$0xFFFFFFC0];
	s0 =	smov.u32 s7;
	(pc) =	sbr.rel @p1 .LBB2_21-.Ltmp11, $4  }
0x1eb: {  	[tilespmem:s12+$0xFFFFFF20] =	vst v6;
	v8 =	vmul.f32 $8.000000000e+00, v8;
	v3 =	vld [tilespmem:s7+$0xFFFFFFF0]  }
0x1ec: {  	v1 =	vld [tilespmem:s7+$0xFFFFFF30];
	[tilespmem:s12+$0xFFFFFF60] =	vst v9;
	v9 =	vmul.f32 $8.000000000e+00, v2  }
0x1ed: {  	v6 =	vmul.f32 $8.000000000e+00, v5;
	v4 =	vld [tilespmem:s7+$0xFFFFFF70];
	[tilespmem:s12+$0xFFFFFFA0] =	vst v8  }
0x1ee: {  	s7 =	sadd.s32 $0x140, s7;
	v2 =	vld [tilespmem:s0+$0xFFFFFFB0];
	v5 =	vmul.f32 $8.000000000e+00, v7;
	[tilespmem:s1+$0xFFFFFF80] =	vst v9  }
0x1ef: {  	[tilespmem:s12+$0xFFFFFEE0] =	vst v6  }
0x1f0: {  	v6 =	vld [tilespmem:s0+$0xFFFFFEF0];
	v3 =	vmul.f32 $8.000000000e+00, v3  }
0x1f1: {  	v1 =	vmul.f32 $8.000000000e+00, v1  }
0x1f2: {  	v4 =	vmul.f32 $8.000000000e+00, v4;
	[tilespmem:s12+$0xFFFFFFF0] =	vst v3  }
0x1f3: {  	[tilespmem:s12+$0xFFFFFF30] =	vst v1;
	v1 =	vld [tilespmem:s0+$0x0]  }
0x1f4: {  	v2 =	vmul.f32 $8.000000000e+00, v2;
	[tilespmem:s12+$0xFFFFFF70] =	vst v4  }
0x1f5: {  	v3 =	vmul.f32 $8.000000000e+00, v6;
	v6 =	vld [tilespmem:s0+$0xFFFFFF80]  }
0x1f6: {  	v4 =	vld [tilespmem:s0+$0xFFFFFF40];
	[tilespmem:s12+$0xFFFFFFB0] =	vst v2  }
0x1f7: {  	[tilespmem:s12+$0xFFFFFEF0] =	vst v3;
	v3 =	vld [tilespmem:s0+$0xFFFFFFC0]  }
0x1f8: {  	v2 =	vld [tilespmem:s0+$0xFFFFFF00];
	v1 =	vmul.f32 $8.000000000e+00, v1  }
0x1f9: {  	v0 =	vmul.f32 $8.000000000e+00, v0;
	[tilespmem:s1+$0xFFFFFF00] =	vst v5  }
0x1fa: {  	[tilespmem:s12+$0x0] =	vst v1;
	v1 =	vmul.f32 $8.000000000e+00, v6  }
0x1fb: {  	[tilespmem:s1+$0xFFFFFFC0] =	vst v0;
	v0 =	vmul.f32 $8.000000000e+00, v4  }
0x1fc: {  	[tilespmem:s12+$0xFFFFFF80] =	vst v1;
	v1 =	vmul.f32 $8.000000000e+00, v3  }
0x1fd: {  	[tilespmem:s12+$0xFFFFFF40] =	vst v0;
	v0 =	vmul.f32 $8.000000000e+00, v2  }
0x1fe: {  	[tilespmem:s12+$0xFFFFFFC0] =	vst v1  }
0x1ff: {  	s1 =	simm.s32 $0x0;
	[tilespmem:s12+$0xFFFFFF00] =	vst v0  }
0x200: {  	v0 =	vld [tilespmem:s1+$0x6530]  }
0x201: {  	v1 =	vld [tilespmem:s1+$0x6400]  }
0x202: {  	v2 =	vld [tilespmem:s1+$0x6410]  }
0x203: {  	v3 =	vld [tilespmem:s1+$0x6420]  }
0x204: {  	v4 =	vld [tilespmem:s1+$0x6430]  }
0x205: {  	v5 =	vld [tilespmem:s1+$0x6440];
	v0 =	vmul.f32 $8.000000000e+00, v0  }
0x206: {  	v6 =	vld [tilespmem:s1+$0x6450];
	v1 =	vmul.f32 $8.000000000e+00, v1  }
0x207: {  	v7 =	vld [tilespmem:s1+$0x6460];
	v2 =	vmul.f32 $8.000000000e+00, v2;
	[tilespmem:s1+$0x12D30] =	vst v0  }
0x208: {  	[tilespmem:s1+$0x12C00] =	vst v1;
	v0 =	vmul.f32 $8.000000000e+00, v3;
	v1 =	vld [tilespmem:s1+$0x6470]  }
0x209: {  	[tilespmem:s1+$0x12C10] =	vst v2;
	v2 =	vmul.f32 $8.000000000e+00, v4;
	v3 =	vld [tilespmem:s1+$0x6480]  }
0x20a: {  	v4 =	vld [tilespmem:s1+$0x6490];
	[tilespmem:s1+$0x12C20] =	vst v0;
	v0 =	vmul.f32 $8.000000000e+00, v5  }
0x20b: {  	[tilespmem:s1+$0x12C30] =	vst v2;
	v2 =	vmul.f32 $8.000000000e+00, v6;
	v5 =	vld [tilespmem:s1+$0x64A0]  }
0x20c: {  	v6 =	vld [tilespmem:s1+$0x64B0];
	[tilespmem:s1+$0x12C40] =	vst v0;
	v0 =	vmul.f32 $8.000000000e+00, v7  }
0x20d: {  	p1 =	por $0x1, $0x1;
	[tilespmem:s1+$0x12C50] =	vst v2;
	v7 =	vld [tilespmem:s1+$0x64C0];
	v1 =	vmul.f32 $8.000000000e+00, v1  }
.Ltmp12:
0x20e: {  	v2 =	vld [tilespmem:s1+$0x64D0];
	v3 =	vmul.f32 $8.000000000e+00, v3;
	[tilespmem:s1+$0x12C60] =	vst v0;
	(pc) =	sbr.rel @!p1 .LBB2_24-.Ltmp12, $4  }
0x20f: {  	v4 =	vmul.f32 $8.000000000e+00, v4;
	v0 =	vld [tilespmem:s1+$0x64E0];
	[tilespmem:s1+$0x12C70] =	vst v1  }
0x210: {  	[tilespmem:s1+$0x12C80] =	vst v3;
	v5 =	vmul.f32 $8.000000000e+00, v5;
	v1 =	vld [tilespmem:s1+$0x64F0]  }
0x211: {  	[tilespmem:s1+$0x12C90] =	vst v4;
	v3 =	vld [tilespmem:s1+$0x6500];
	v6 =	vmul.f32 $8.000000000e+00, v6  }
0x212: {  	s6 =	simm.s32 $0x0;
	s7 =	simm.s32 $0x500;
	s0 =	simm.s32 $0x0;
	v4 =	vld [tilespmem:s1+$0x6510];
	[tilespmem:s1+$0x12CA0] =	vst v5;
	v5 =	vmul.f32 $8.000000000e+00, v7  }
.LBB2_23:
0x213: {  	s12 =	sshra.s32 s7, $0x2;
	s6 =	sadd.s32 $0x5, s6;
	[tilespmem:s0+$0x12CB0] =	vst v6;
	v2 =	vmul.f32 $8.000000000e+00, v2;
	v6 =	vld [tilespmem:s0+$0x6520]  }
0x214: {  	v7 =	vld [tilespmem:s12+$0x6530];
	p1 =	slt.u32 s6, $0x2D;
	[tilespmem:s0+$0x12CC0] =	vst v5;
	v0 =	vmul.f32 $8.000000000e+00, v0  }
0x215: {  	v5 =	vld [tilespmem:s12+$0x6400];
	[tilespmem:s0+$0x12CD0] =	vst v2;
	v1 =	vmul.f32 $8.000000000e+00, v1  }
0x216: {  	v2 =	vld [tilespmem:s12+$0x6410];
	[tilespmem:s0+$0x12CE0] =	vst v0;
	v0 =	vmul.f32 $8.000000000e+00, v3  }
0x217: {  	v3 =	vld [tilespmem:s12+$0x6420];
	[tilespmem:s0+$0x12CF0] =	vst v1;
	v1 =	vmul.f32 $8.000000000e+00, v4  }
0x218: {  	v4 =	vld [tilespmem:s12+$0x6430];
	[tilespmem:s0+$0x12D00] =	vst v0;
	v0 =	vmul.f32 $8.000000000e+00, v6  }
0x219: {  	v6 =	vld [tilespmem:s12+$0x6440];
	v7 =	vmul.f32 $8.000000000e+00, v7;
	[tilespmem:s0+$0x12D10] =	vst v1  }
0x21a: {  	v1 =	vmul.f32 $8.000000000e+00, v5;
	v5 =	vld [tilespmem:s12+$0x6450];
	[tilespmem:s0+$0x12D20] =	vst v0;
	s0 =	smov.u32 s12  }
0x21b: {  	v0 =	vmul.f32 $8.000000000e+00, v2;
	v2 =	vld [tilespmem:s0+$0x6460];
	[tilespmem:s0+$0x12D30] =	vst v7  }
0x21c: {  	[tilespmem:s0+$0x12C00] =	vst v1;
	v1 =	vmul.f32 $8.000000000e+00, v3;
	v3 =	vld [tilespmem:s0+$0x6470]  }
0x21d: {  	[tilespmem:s0+$0x12C10] =	vst v0;
	v0 =	vmul.f32 $8.000000000e+00, v4;
	v4 =	vld [tilespmem:s0+$0x6480]  }
0x21e: {  	[tilespmem:s0+$0x12C20] =	vst v1;
	v1 =	vmul.f32 $8.000000000e+00, v6;
	v6 =	vld [tilespmem:s0+$0x6490]  }
0x21f: {  	[tilespmem:s0+$0x12C30] =	vst v0;
	v0 =	vmul.f32 $8.000000000e+00, v5;
	v5 =	vld [tilespmem:s0+$0x64A0]  }
0x220: {  	[tilespmem:s0+$0x12C40] =	vst v1;
	v1 =	vmul.f32 $8.000000000e+00, v2;
	v7 =	vld [tilespmem:s0+$0x64B0]  }
0x221: {  	[tilespmem:s0+$0x12C50] =	vst v0;
	v0 =	vmul.f32 $8.000000000e+00, v3;
	v8 =	vld [tilespmem:s0+$0x64C0]  }
.Ltmp13:
0x222: {  	[tilespmem:s0+$0x12C60] =	vst v1;
	v1 =	vmul.f32 $8.000000000e+00, v4;
	v2 =	vld [tilespmem:s0+$0x64D0];
	(pc) =	sbr.rel @p1 .LBB2_23-.Ltmp13, $4  }
0x223: {  	[tilespmem:s0+$0x12C70] =	vst v0;
	v3 =	vmul.f32 $8.000000000e+00, v6;
	v0 =	vld [tilespmem:s0+$0x64E0]  }
0x224: {  	[tilespmem:s0+$0x12C80] =	vst v1;
	v4 =	vmul.f32 $8.000000000e+00, v5;
	v1 =	vld [tilespmem:s0+$0x64F0]  }
0x225: {  	[tilespmem:s0+$0x12C90] =	vst v3;
	v6 =	vmul.f32 $8.000000000e+00, v7;
	v3 =	vld [tilespmem:s0+$0x6500]  }
0x226: {  	s7 =	sadd.s32 $0x500, s7;
	[tilespmem:s0+$0x12CA0] =	vst v4;
	v5 =	vmul.f32 $8.000000000e+00, v8;
	v4 =	vld [tilespmem:s0+$0x6510]  }
.LBB2_24:
0x227: {  	[tilespmem:s0+$0x12CB0] =	vst v6;
	v2 =	vmul.f32 $8.000000000e+00, v2;
	v6 =	vld [tilespmem:s0+$0x6520]  }
0x228: {  	[tilespmem:s0+$0x12CC0] =	vst v5;
	v0 =	vmul.f32 $8.000000000e+00, v0  }
0x229: {  	[tilespmem:s0+$0x12CD0] =	vst v2;
	v1 =	vmul.f32 $8.000000000e+00, v1  }
0x22a: {  	[tilespmem:s0+$0x12CE0] =	vst v0;
	v0 =	vmul.f32 $8.000000000e+00, v3  }
0x22b: {  	[tilespmem:s0+$0x12CF0] =	vst v1;
	v1 =	vmul.f32 $8.000000000e+00, v4  }
0x22c: {  	[tilespmem:s0+$0x12D00] =	vst v0;
	v0 =	vmul.f32 $8.000000000e+00, v6  }
0x22d: {  	[tilespmem:s0+$0x12D10] =	vst v1  }
0x22e: {  	[tilespmem:s0+$0x12D20] =	vst v0  }
0x22f: {  	v0 =	vld [tilespmem:s1+$0x71B0]  }
0x230: {  	v1 =	vld [tilespmem:s1+$0x7080]  }
0x231: {  	v2 =	vld [tilespmem:s1+$0x7090]  }
0x232: {  	v3 =	vld [tilespmem:s1+$0x70A0]  }
0x233: {  	v4 =	vld [tilespmem:s1+$0x70B0]  }
0x234: {  	v5 =	vld [tilespmem:s1+$0x70C0];
	v0 =	vmul.f32 $8.000000000e+00, v0  }
0x235: {  	v6 =	vld [tilespmem:s1+$0x70D0];
	v1 =	vmul.f32 $8.000000000e+00, v1  }
0x236: {  	v7 =	vld [tilespmem:s1+$0x70E0];
	v2 =	vmul.f32 $8.000000000e+00, v2;
	[tilespmem:s1+$0x139B0] =	vst v0  }
0x237: {  	[tilespmem:s1+$0x13880] =	vst v1;
	v0 =	vmul.f32 $8.000000000e+00, v3;
	v1 =	vld [tilespmem:s1+$0x70F0]  }
0x238: {  	[tilespmem:s1+$0x13890] =	vst v2;
	v2 =	vmul.f32 $8.000000000e+00, v4;
	v3 =	vld [tilespmem:s1+$0x7100]  }
0x239: {  	v4 =	vld [tilespmem:s1+$0x7110];
	[tilespmem:s1+$0x138A0] =	vst v0;
	v0 =	vmul.f32 $8.000000000e+00, v5  }
0x23a: {  	[tilespmem:s1+$0x138B0] =	vst v2;
	v2 =	vmul.f32 $8.000000000e+00, v6;
	v5 =	vld [tilespmem:s1+$0x7120]  }
0x23b: {  	v6 =	vld [tilespmem:s1+$0x7130];
	[tilespmem:s1+$0x138C0] =	vst v0;
	v0 =	vmul.f32 $8.000000000e+00, v7  }
0x23c: {  	p1 =	por $0x1, $0x1;
	[tilespmem:s1+$0x138D0] =	vst v2;
	v7 =	vld [tilespmem:s1+$0x7140];
	v1 =	vmul.f32 $8.000000000e+00, v1  }
.Ltmp14:
0x23d: {  	v2 =	vld [tilespmem:s1+$0x7150];
	v3 =	vmul.f32 $8.000000000e+00, v3;
	[tilespmem:s1+$0x138E0] =	vst v0;
	(pc) =	sbr.rel @!p1 .LBB2_26-.Ltmp14, $4  }
0x23e: {  	v4 =	vmul.f32 $8.000000000e+00, v4;
	v0 =	vld [tilespmem:s1+$0x7160];
	[tilespmem:s1+$0x138F0] =	vst v1  }
0x23f: {  	[tilespmem:s1+$0x13900] =	vst v3;
	v5 =	vmul.f32 $8.000000000e+00, v5;
	v1 =	vld [tilespmem:s1+$0x7170]  }
0x240: {  	[tilespmem:s1+$0x13910] =	vst v4;
	v3 =	vld [tilespmem:s1+$0x7180];
	v6 =	vmul.f32 $8.000000000e+00, v6  }
0x241: {  	s6 =	simm.s32 $0x500;
	s0 =	simm.s32 $0x0;
	v4 =	vld [tilespmem:s1+$0x7190];
	[tilespmem:s1+$0x13920] =	vst v5;
	v5 =	vmul.f32 $8.000000000e+00, v7  }
.LBB2_25:
0x242: {  	s7 =	sshra.s32 s6, $0x2;
	s0 =	sadd.s32 $0x5, s0;
	[tilespmem:s1+$0x13930] =	vst v6;
	v2 =	vmul.f32 $8.000000000e+00, v2;
	v6 =	vld [tilespmem:s1+$0x71A0]  }
0x243: {  	v7 =	vld [tilespmem:s7+$0x71B0];
	p1 =	slt.u32 s0, $0x2D;
	[tilespmem:s1+$0x13940] =	vst v5;
	v0 =	vmul.f32 $8.000000000e+00, v0  }
0x244: {  	v5 =	vld [tilespmem:s7+$0x7080];
	[tilespmem:s1+$0x13950] =	vst v2;
	v1 =	vmul.f32 $8.000000000e+00, v1  }
0x245: {  	v2 =	vld [tilespmem:s7+$0x7090];
	[tilespmem:s1+$0x13960] =	vst v0;
	v0 =	vmul.f32 $8.000000000e+00, v3  }
0x246: {  	v3 =	vld [tilespmem:s7+$0x70A0];
	[tilespmem:s1+$0x13970] =	vst v1;
	v1 =	vmul.f32 $8.000000000e+00, v4  }
0x247: {  	v4 =	vld [tilespmem:s7+$0x70B0];
	[tilespmem:s1+$0x13980] =	vst v0;
	v0 =	vmul.f32 $8.000000000e+00, v6  }
0x248: {  	v6 =	vld [tilespmem:s7+$0x70C0];
	v7 =	vmul.f32 $8.000000000e+00, v7;
	[tilespmem:s1+$0x13990] =	vst v1  }
0x249: {  	v1 =	vmul.f32 $8.000000000e+00, v5;
	v5 =	vld [tilespmem:s7+$0x70D0];
	[tilespmem:s1+$0x139A0] =	vst v0;
	s1 =	smov.u32 s7  }
0x24a: {  	v0 =	vmul.f32 $8.000000000e+00, v2;
	v2 =	vld [tilespmem:s1+$0x70E0];
	[tilespmem:s1+$0x139B0] =	vst v7  }
0x24b: {  	[tilespmem:s1+$0x13880] =	vst v1;
	v1 =	vmul.f32 $8.000000000e+00, v3;
	v3 =	vld [tilespmem:s1+$0x70F0]  }
0x24c: {  	[tilespmem:s1+$0x13890] =	vst v0;
	v0 =	vmul.f32 $8.000000000e+00, v4;
	v4 =	vld [tilespmem:s1+$0x7100]  }
0x24d: {  	[tilespmem:s1+$0x138A0] =	vst v1;
	v1 =	vmul.f32 $8.000000000e+00, v6;
	v6 =	vld [tilespmem:s1+$0x7110]  }
0x24e: {  	[tilespmem:s1+$0x138B0] =	vst v0;
	v0 =	vmul.f32 $8.000000000e+00, v5;
	v5 =	vld [tilespmem:s1+$0x7120]  }
0x24f: {  	[tilespmem:s1+$0x138C0] =	vst v1;
	v1 =	vmul.f32 $8.000000000e+00, v2;
	v7 =	vld [tilespmem:s1+$0x7130]  }
0x250: {  	[tilespmem:s1+$0x138D0] =	vst v0;
	v0 =	vmul.f32 $8.000000000e+00, v3;
	v8 =	vld [tilespmem:s1+$0x7140]  }
.Ltmp15:
0x251: {  	[tilespmem:s1+$0x138E0] =	vst v1;
	v1 =	vmul.f32 $8.000000000e+00, v4;
	v2 =	vld [tilespmem:s1+$0x7150];
	(pc) =	sbr.rel @p1 .LBB2_25-.Ltmp15, $4  }
0x252: {  	[tilespmem:s1+$0x138F0] =	vst v0;
	v3 =	vmul.f32 $8.000000000e+00, v6;
	v0 =	vld [tilespmem:s1+$0x7160]  }
0x253: {  	[tilespmem:s1+$0x13900] =	vst v1;
	v4 =	vmul.f32 $8.000000000e+00, v5;
	v1 =	vld [tilespmem:s1+$0x7170]  }
0x254: {  	[tilespmem:s1+$0x13910] =	vst v3;
	v6 =	vmul.f32 $8.000000000e+00, v7;
	v3 =	vld [tilespmem:s1+$0x7180]  }
0x255: {  	s6 =	sadd.s32 $0x500, s6;
	[tilespmem:s1+$0x13920] =	vst v4;
	v5 =	vmul.f32 $8.000000000e+00, v8;
	v4 =	vld [tilespmem:s1+$0x7190]  }
.LBB2_26:
0x256: {  	[tilespmem:s1+$0x13930] =	vst v6;
	v2 =	vmul.f32 $8.000000000e+00, v2;
	v60 =	vld [tilespmem:s1+$0x71A0]  }
0x257: {  	[tilespmem:s1+$0x13940] =	vst v5;
	v0 =	vmul.f32 $8.000000000e+00, v0  }
0x258: {  	s0 =	sadd.s32 s31, s5;
	[tilespmem:s1+$0x13950] =	vst v2;
	v1 =	vmul.f32 $8.000000000e+00, v1  }
0x259: {  	p1 =	sne.s32 s29, $0x7;
	s0 =	smul.u32 $0x190, s0;
	[tilespmem:s1+$0x13960] =	vst v0;
	v61 =	vmul.f32 $8.000000000e+00, v3  }
.Ltmp16:
0x25a: {  	[tilespmem:s1+$0x13970] =	vst v1;
	v62 =	vmul.f32 $8.000000000e+00, v4;
	(pc) =	sbr.rel @p1 .LBB2_28-.Ltmp16, $4  }
0x25b: {  	[tilespmem:s1+$0x13980] =	vst v61;
	v63 =	vmul.f32 $8.000000000e+00, v60  }
0x25c: {  	s31 =	sadd.s32 s2, s0;
	[tilespmem:s1+$0x13990] =	vst v62  }
0x25d: {  	s0 =	sadd.s32 $0x640, s31;
	[tilespmem:s1+$0x139A0] =	vst v63  }
0x25e: {  	[hbm4b:s0+s3] =	stream.linear.scatter [tilespmem:s18], [sflag:$0x6], $0x3200, $0x38;
	[tilespmem:$0x1A900] =	vst v63  }
.Ltmp17:
0x25f: {  	(pc) =	sbr.rel .LBB2_29-.Ltmp17, $4  }
0x260: {  	_ = 	snop  }
0x261: {  	_ =	swait.ge [sflag:s19], $0x3200  }
0x262: {  	[sflag:s19] =	ssyncset.done $0x0  }
0x263: {  	[sflag:s19] =	ssyncadd.s32 $0xFFFFCE00  }
.LBB2_28:
0x264: {  	s0 =	smul.u32 $0xC80, s29;
	_ =	sdelay $0x1  }
0x265: {  	s0 =	sshra.s32 s0, $0x2  }
.Ltmp18:
0x266: {  	s0 =	sadd.s32 $0x320, s0;
	(pc) =	sbr.rel @p0 .LBB2_30-.Ltmp18, $4  }
0x267: {  	[tilespmem:s10], [sflag:$0x1] =	stream.indirect.gather [hbm4b:s4+s9], $0x40, s0, s9, $0xb8;
	[tilespmem:$0x1A900] =	vst v63  }
0x268: {  	_ =	swait.ge [sflag:s19], $0x3200  }
0x269: {  	[sflag:s19] =	ssyncset.done $0x0  }
0x26a: {  	[sflag:s19] =	ssyncadd.s32 $0xFFFFCE00  }
.LBB2_29:
0x26b: {  	_ =	swait.ge [sflag:s20], $0x3200  }
0x26c: {  	[sflag:s20] =	ssyncset.done $0x0  }
0x26d: {  	[sflag:s20] =	ssyncadd.s32 $0xFFFFCE00  }
.LBB2_30:
0x26e: {  	s1 =	simm.s32 $0x0  }
0x26f: {  	v0 =	vld [tilespmem:s1+$0x7E30]  }
0x270: {  	v1 =	vld [tilespmem:s1+$0x7D00]  }
0x271: {  	v2 =	vld [tilespmem:s1+$0x7D10]  }
0x272: {  	v3 =	vld [tilespmem:s1+$0x7D20]  }
0x273: {  	v4 =	vld [tilespmem:s1+$0x7D30]  }
0x274: {  	v5 =	vld [tilespmem:s1+$0x7D40];
	v0 =	vmul.f32 $8.000000000e+00, v0  }
0x275: {  	v6 =	vld [tilespmem:s1+$0x7D50];
	v1 =	vmul.f32 $8.000000000e+00, v1  }
0x276: {  	v7 =	vld [tilespmem:s1+$0x7D60];
	v2 =	vmul.f32 $8.000000000e+00, v2;
	[tilespmem:s1+$0x14630] =	vst v0  }
0x277: {  	[tilespmem:s1+$0x14500] =	vst v1;
	v0 =	vmul.f32 $8.000000000e+00, v3;
	v1 =	vld [tilespmem:s1+$0x7D70]  }
0x278: {  	[tilespmem:s1+$0x14510] =	vst v2;
	v2 =	vmul.f32 $8.000000000e+00, v4;
	v3 =	vld [tilespmem:s1+$0x7D80]  }
0x279: {  	v4 =	vld [tilespmem:s1+$0x7D90];
	[tilespmem:s1+$0x14520] =	vst v0;
	v0 =	vmul.f32 $8.000000000e+00, v5  }
0x27a: {  	[tilespmem:s1+$0x14530] =	vst v2;
	v2 =	vmul.f32 $8.000000000e+00, v6;
	v5 =	vld [tilespmem:s1+$0x7DA0]  }
0x27b: {  	v6 =	vld [tilespmem:s1+$0x7DB0];
	[tilespmem:s1+$0x14540] =	vst v0;
	v0 =	vmul.f32 $8.000000000e+00, v7  }
0x27c: {  	[tilespmem:s1+$0x14550] =	vst v2;
	v7 =	vld [tilespmem:s1+$0x7DC0];
	v1 =	vmul.f32 $8.000000000e+00, v1  }
0x27d: {  	v2 =	vmul.f32 $8.000000000e+00, v3;
	v3 =	vld [tilespmem:s1+$0x7DD0];
	[tilespmem:s1+$0x14560] =	vst v0  }
0x27e: {  	v4 =	vmul.f32 $8.000000000e+00, v4;
	v0 =	vld [tilespmem:s1+$0x7DE0];
	[tilespmem:s1+$0x14570] =	vst v1  }
0x27f: {  	[tilespmem:s1+$0x14580] =	vst v2;
	v5 =	vmul.f32 $8.000000000e+00, v5;
	v1 =	vld [tilespmem:s1+$0x7DF0]  }
0x280: {  	[tilespmem:s1+$0x14590] =	vst v4;
	v2 =	vld [tilespmem:s1+$0x7E00];
	v6 =	vmul.f32 $8.000000000e+00, v6  }
0x281: {  	s6 =	simm.s32 $0x0;
	s7 =	simm.s32 $0x500;
	s0 =	simm.s32 $0x0;
	v4 =	vld [tilespmem:s1+$0x7E10];
	[tilespmem:s1+$0x145A0] =	vst v5;
	v5 =	vmul.f32 $8.000000000e+00, v7  }
.LBB2_31:
0x282: {  	s12 =	sshra.s32 s7, $0x2;
	s6 =	sadd.s32 $0x5, s6;
	[tilespmem:s0+$0x145B0] =	vst v6;
	v3 =	vmul.f32 $8.000000000e+00, v3;
	v6 =	vld [tilespmem:s0+$0x7E20]  }
0x283: {  	v7 =	vld [tilespmem:s12+$0x7E30];
	p2 =	slt.u32 s6, $0x2D;
	[tilespmem:s0+$0x145C0] =	vst v5;
	v0 =	vmul.f32 $8.000000000e+00, v0  }
0x284: {  	v5 =	vld [tilespmem:s12+$0x7D00];
	[tilespmem:s0+$0x145D0] =	vst v3;
	v1 =	vmul.f32 $8.000000000e+00, v1  }
0x285: {  	v3 =	vld [tilespmem:s12+$0x7D10];
	[tilespmem:s0+$0x145E0] =	vst v0;
	v0 =	vmul.f32 $8.000000000e+00, v2  }
0x286: {  	v2 =	vld [tilespmem:s12+$0x7D20];
	[tilespmem:s0+$0x145F0] =	vst v1;
	v1 =	vmul.f32 $8.000000000e+00, v4  }
0x287: {  	v4 =	vld [tilespmem:s12+$0x7D30];
	[tilespmem:s0+$0x14600] =	vst v0;
	v0 =	vmul.f32 $8.000000000e+00, v6  }
0x288: {  	v6 =	vld [tilespmem:s12+$0x7D40];
	v7 =	vmul.f32 $8.000000000e+00, v7;
	[tilespmem:s0+$0x14610] =	vst v1  }
0x289: {  	v1 =	vmul.f32 $8.000000000e+00, v5;
	v5 =	vld [tilespmem:s12+$0x7D50];
	[tilespmem:s0+$0x14620] =	vst v0;
	s0 =	smov.u32 s12  }
0x28a: {  	v0 =	vmul.f32 $8.000000000e+00, v3;
	v3 =	vld [tilespmem:s0+$0x7D60];
	[tilespmem:s0+$0x14630] =	vst v7  }
0x28b: {  	[tilespmem:s0+$0x14500] =	vst v1;
	v1 =	vmul.f32 $8.000000000e+00, v2;
	v2 =	vld [tilespmem:s0+$0x7D70]  }
0x28c: {  	[tilespmem:s0+$0x14510] =	vst v0;
	v0 =	vmul.f32 $8.000000000e+00, v4;
	v4 =	vld [tilespmem:s0+$0x7D80]  }
0x28d: {  	[tilespmem:s0+$0x14520] =	vst v1;
	v1 =	vmul.f32 $8.000000000e+00, v6;
	v6 =	vld [tilespmem:s0+$0x7D90]  }
0x28e: {  	[tilespmem:s0+$0x14530] =	vst v0;
	v0 =	vmul.f32 $8.000000000e+00, v5;
	v5 =	vld [tilespmem:s0+$0x7DA0]  }
0x28f: {  	[tilespmem:s0+$0x14540] =	vst v1;
	v1 =	vmul.f32 $8.000000000e+00, v3;
	v7 =	vld [tilespmem:s0+$0x7DB0]  }
0x290: {  	[tilespmem:s0+$0x14550] =	vst v0;
	v0 =	vmul.f32 $8.000000000e+00, v2;
	v8 =	vld [tilespmem:s0+$0x7DC0]  }
.Ltmp19:
0x291: {  	[tilespmem:s0+$0x14560] =	vst v1;
	v1 =	vmul.f32 $8.000000000e+00, v4;
	v3 =	vld [tilespmem:s0+$0x7DD0];
	(pc) =	sbr.rel @p2 .LBB2_31-.Ltmp19, $4  }
0x292: {  	[tilespmem:s0+$0x14570] =	vst v0;
	v2 =	vmul.f32 $8.000000000e+00, v6;
	v0 =	vld [tilespmem:s0+$0x7DE0]  }
0x293: {  	[tilespmem:s0+$0x14580] =	vst v1;
	v4 =	vmul.f32 $8.000000000e+00, v5;
	v1 =	vld [tilespmem:s0+$0x7DF0]  }
0x294: {  	[tilespmem:s0+$0x14590] =	vst v2;
	v6 =	vmul.f32 $8.000000000e+00, v7;
	v2 =	vld [tilespmem:s0+$0x7E00]  }
0x295: {  	s7 =	sadd.s32 $0x500, s7;
	[tilespmem:s0+$0x145A0] =	vst v4;
	v5 =	vmul.f32 $8.000000000e+00, v8;
	v4 =	vld [tilespmem:s0+$0x7E10]  }
0x296: {  	[tilespmem:s0+$0x145B0] =	vst v6;
	v3 =	vmul.f32 $8.000000000e+00, v3;
	v6 =	vld [tilespmem:s0+$0x7E20]  }
0x297: {  	[tilespmem:s0+$0x145C0] =	vst v5;
	v0 =	vmul.f32 $8.000000000e+00, v0  }
0x298: {  	[tilespmem:s0+$0x145D0] =	vst v3;
	v1 =	vmul.f32 $8.000000000e+00, v1  }
0x299: {  	[tilespmem:s0+$0x145E0] =	vst v0;
	v0 =	vmul.f32 $8.000000000e+00, v2  }
0x29a: {  	[tilespmem:s0+$0x145F0] =	vst v1;
	v1 =	vmul.f32 $8.000000000e+00, v4  }
0x29b: {  	[tilespmem:s0+$0x14600] =	vst v0;
	v0 =	vmul.f32 $8.000000000e+00, v6  }
0x29c: {  	[tilespmem:s0+$0x14610] =	vst v1  }
0x29d: {  	[tilespmem:s0+$0x14620] =	vst v0  }
0x29e: {  	v0 =	vld [tilespmem:s1+$0x8AB0]  }
0x29f: {  	v1 =	vld [tilespmem:s1+$0x8980]  }
0x2a0: {  	v2 =	vld [tilespmem:s1+$0x8990]  }
0x2a1: {  	v3 =	vld [tilespmem:s1+$0x89A0]  }
0x2a2: {  	v4 =	vld [tilespmem:s1+$0x89B0]  }
0x2a3: {  	v5 =	vld [tilespmem:s1+$0x89C0];
	v0 =	vmul.f32 $8.000000000e+00, v0  }
0x2a4: {  	v6 =	vld [tilespmem:s1+$0x89D0];
	v1 =	vmul.f32 $8.000000000e+00, v1  }
0x2a5: {  	v7 =	vld [tilespmem:s1+$0x89E0];
	v2 =	vmul.f32 $8.000000000e+00, v2;
	[tilespmem:s1+$0x152B0] =	vst v0  }
0x2a6: {  	[tilespmem:s1+$0x15180] =	vst v1;
	v0 =	vmul.f32 $8.000000000e+00, v3;
	v1 =	vld [tilespmem:s1+$0x89F0]  }
0x2a7: {  	[tilespmem:s1+$0x15190] =	vst v2;
	v2 =	vmul.f32 $8.000000000e+00, v4;
	v3 =	vld [tilespmem:s1+$0x8A00]  }
0x2a8: {  	v4 =	vld [tilespmem:s1+$0x8A10];
	[tilespmem:s1+$0x151A0] =	vst v0;
	v0 =	vmul.f32 $8.000000000e+00, v5  }
0x2a9: {  	[tilespmem:s1+$0x151B0] =	vst v2;
	v2 =	vmul.f32 $8.000000000e+00, v6;
	v5 =	vld [tilespmem:s1+$0x8A20]  }
0x2aa: {  	v6 =	vld [tilespmem:s1+$0x8A30];
	[tilespmem:s1+$0x151C0] =	vst v0;
	v0 =	vmul.f32 $8.000000000e+00, v7  }
0x2ab: {  	[tilespmem:s1+$0x151D0] =	vst v2;
	v7 =	vld [tilespmem:s1+$0x8A40];
	v1 =	vmul.f32 $8.000000000e+00, v1  }
0x2ac: {  	v2 =	vmul.f32 $8.000000000e+00, v3;
	v3 =	vld [tilespmem:s1+$0x8A50];
	[tilespmem:s1+$0x151E0] =	vst v0  }
0x2ad: {  	v4 =	vmul.f32 $8.000000000e+00, v4;
	v0 =	vld [tilespmem:s1+$0x8A60];
	[tilespmem:s1+$0x151F0] =	vst v1  }
0x2ae: {  	[tilespmem:s1+$0x15200] =	vst v2;
	v5 =	vmul.f32 $8.000000000e+00, v5;
	v1 =	vld [tilespmem:s1+$0x8A70]  }
0x2af: {  	[tilespmem:s1+$0x15210] =	vst v4;
	v2 =	vld [tilespmem:s1+$0x8A80];
	v6 =	vmul.f32 $8.000000000e+00, v6  }
0x2b0: {  	s6 =	simm.s32 $0x500;
	s0 =	simm.s32 $0x0;
	v4 =	vld [tilespmem:s1+$0x8A90];
	[tilespmem:s1+$0x15220] =	vst v5;
	v5 =	vmul.f32 $8.000000000e+00, v7  }
.LBB2_33:
0x2b1: {  	s7 =	sshra.s32 s6, $0x2;
	s0 =	sadd.s32 $0x5, s0;
	[tilespmem:s1+$0x15230] =	vst v6;
	v3 =	vmul.f32 $8.000000000e+00, v3;
	v6 =	vld [tilespmem:s1+$0x8AA0]  }
0x2b2: {  	v7 =	vld [tilespmem:s7+$0x8AB0];
	p2 =	slt.u32 s0, $0x2D;
	[tilespmem:s1+$0x15240] =	vst v5;
	v0 =	vmul.f32 $8.000000000e+00, v0  }
0x2b3: {  	v5 =	vld [tilespmem:s7+$0x8980];
	[tilespmem:s1+$0x15250] =	vst v3;
	v1 =	vmul.f32 $8.000000000e+00, v1  }
0x2b4: {  	v3 =	vld [tilespmem:s7+$0x8990];
	[tilespmem:s1+$0x15260] =	vst v0;
	v0 =	vmul.f32 $8.000000000e+00, v2  }
0x2b5: {  	v2 =	vld [tilespmem:s7+$0x89A0];
	[tilespmem:s1+$0x15270] =	vst v1;
	v1 =	vmul.f32 $8.000000000e+00, v4  }
0x2b6: {  	v4 =	vld [tilespmem:s7+$0x89B0];
	[tilespmem:s1+$0x15280] =	vst v0;
	v0 =	vmul.f32 $8.000000000e+00, v6  }
0x2b7: {  	v6 =	vld [tilespmem:s7+$0x89C0];
	v7 =	vmul.f32 $8.000000000e+00, v7;
	[tilespmem:s1+$0x15290] =	vst v1  }
0x2b8: {  	v1 =	vmul.f32 $8.000000000e+00, v5;
	v5 =	vld [tilespmem:s7+$0x89D0];
	[tilespmem:s1+$0x152A0] =	vst v0;
	s1 =	smov.u32 s7  }
0x2b9: {  	v0 =	vmul.f32 $8.000000000e+00, v3;
	v3 =	vld [tilespmem:s1+$0x89E0];
	[tilespmem:s1+$0x152B0] =	vst v7  }
0x2ba: {  	[tilespmem:s1+$0x15180] =	vst v1;
	v1 =	vmul.f32 $8.000000000e+00, v2;
	v2 =	vld [tilespmem:s1+$0x89F0]  }
0x2bb: {  	[tilespmem:s1+$0x15190] =	vst v0;
	v0 =	vmul.f32 $8.000000000e+00, v4;
	v4 =	vld [tilespmem:s1+$0x8A00]  }
0x2bc: {  	[tilespmem:s1+$0x151A0] =	vst v1;
	v1 =	vmul.f32 $8.000000000e+00, v6;
	v6 =	vld [tilespmem:s1+$0x8A10]  }
0x2bd: {  	[tilespmem:s1+$0x151B0] =	vst v0;
	v0 =	vmul.f32 $8.000000000e+00, v5;
	v5 =	vld [tilespmem:s1+$0x8A20]  }
0x2be: {  	[tilespmem:s1+$0x151C0] =	vst v1;
	v1 =	vmul.f32 $8.000000000e+00, v3;
	v7 =	vld [tilespmem:s1+$0x8A30]  }
0x2bf: {  	[tilespmem:s1+$0x151D0] =	vst v0;
	v0 =	vmul.f32 $8.000000000e+00, v2;
	v8 =	vld [tilespmem:s1+$0x8A40]  }
.Ltmp20:
0x2c0: {  	[tilespmem:s1+$0x151E0] =	vst v1;
	v1 =	vmul.f32 $8.000000000e+00, v4;
	v3 =	vld [tilespmem:s1+$0x8A50];
	(pc) =	sbr.rel @p2 .LBB2_33-.Ltmp20, $4  }
0x2c1: {  	[tilespmem:s1+$0x151F0] =	vst v0;
	v2 =	vmul.f32 $8.000000000e+00, v6;
	v0 =	vld [tilespmem:s1+$0x8A60]  }
0x2c2: {  	[tilespmem:s1+$0x15200] =	vst v1;
	v4 =	vmul.f32 $8.000000000e+00, v5;
	v1 =	vld [tilespmem:s1+$0x8A70]  }
0x2c3: {  	[tilespmem:s1+$0x15210] =	vst v2;
	v6 =	vmul.f32 $8.000000000e+00, v7;
	v2 =	vld [tilespmem:s1+$0x8A80]  }
0x2c4: {  	s6 =	sadd.s32 $0x500, s6;
	[tilespmem:s1+$0x15220] =	vst v4;
	v5 =	vmul.f32 $8.000000000e+00, v8;
	v4 =	vld [tilespmem:s1+$0x8A90]  }
0x2c5: {  	[tilespmem:s1+$0x15230] =	vst v6;
	v3 =	vmul.f32 $8.000000000e+00, v3;
	v6 =	vld [tilespmem:s1+$0x8AA0]  }
0x2c6: {  	[tilespmem:s1+$0x15240] =	vst v5;
	v0 =	vmul.f32 $8.000000000e+00, v0  }
0x2c7: {  	[tilespmem:s1+$0x15250] =	vst v3;
	v1 =	vmul.f32 $8.000000000e+00, v1  }
0x2c8: {  	[tilespmem:s1+$0x15260] =	vst v0;
	v0 =	vmul.f32 $8.000000000e+00, v2  }
0x2c9: {  	[tilespmem:s1+$0x15270] =	vst v1;
	v1 =	vmul.f32 $8.000000000e+00, v4  }
0x2ca: {  	[tilespmem:s1+$0x15280] =	vst v0;
	v0 =	vmul.f32 $8.000000000e+00, v6  }
0x2cb: {  	[tilespmem:s1+$0x15290] =	vst v1  }
0x2cc: {  	[tilespmem:s1+$0x152A0] =	vst v0;
	s1 =	simm.s32 $0x0  }
0x2cd: {  	v0 =	vld [tilespmem:s1+$0x9730]  }
0x2ce: {  	v1 =	vld [tilespmem:s1+$0x9600]  }
0x2cf: {  	v2 =	vld [tilespmem:s1+$0x9610]  }
0x2d0: {  	v3 =	vld [tilespmem:s1+$0x9620]  }
0x2d1: {  	v4 =	vld [tilespmem:s1+$0x9630]  }
0x2d2: {  	v5 =	vld [tilespmem:s1+$0x9640];
	v0 =	vmul.f32 $8.000000000e+00, v0  }
0x2d3: {  	v6 =	vld [tilespmem:s1+$0x9650];
	v1 =	vmul.f32 $8.000000000e+00, v1  }
0x2d4: {  	v7 =	vld [tilespmem:s1+$0x9660];
	v2 =	vmul.f32 $8.000000000e+00, v2;
	[tilespmem:s1+$0x15F30] =	vst v0  }
0x2d5: {  	[tilespmem:s1+$0x15E00] =	vst v1;
	v0 =	vmul.f32 $8.000000000e+00, v3;
	v1 =	vld [tilespmem:s1+$0x9670]  }
0x2d6: {  	[tilespmem:s1+$0x15E10] =	vst v2;
	v2 =	vmul.f32 $8.000000000e+00, v4;
	v3 =	vld [tilespmem:s1+$0x9680]  }
0x2d7: {  	v4 =	vld [tilespmem:s1+$0x9690];
	[tilespmem:s1+$0x15E20] =	vst v0;
	v0 =	vmul.f32 $8.000000000e+00, v5  }
0x2d8: {  	[tilespmem:s1+$0x15E30] =	vst v2;
	v2 =	vmul.f32 $8.000000000e+00, v6;
	v5 =	vld [tilespmem:s1+$0x96A0]  }
0x2d9: {  	v6 =	vld [tilespmem:s1+$0x96B0];
	[tilespmem:s1+$0x15E40] =	vst v0;
	v0 =	vmul.f32 $8.000000000e+00, v7  }
0x2da: {  	[tilespmem:s1+$0x15E50] =	vst v2;
	v7 =	vld [tilespmem:s1+$0x96C0];
	v1 =	vmul.f32 $8.000000000e+00, v1  }
0x2db: {  	v2 =	vmul.f32 $8.000000000e+00, v3;
	v3 =	vld [tilespmem:s1+$0x96D0];
	[tilespmem:s1+$0x15E60] =	vst v0  }
0x2dc: {  	v4 =	vmul.f32 $8.000000000e+00, v4;
	v0 =	vld [tilespmem:s1+$0x96E0];
	[tilespmem:s1+$0x15E70] =	vst v1  }
0x2dd: {  	[tilespmem:s1+$0x15E80] =	vst v2;
	v5 =	vmul.f32 $8.000000000e+00, v5;
	v1 =	vld [tilespmem:s1+$0x96F0]  }
0x2de: {  	[tilespmem:s1+$0x15E90] =	vst v4;
	v2 =	vld [tilespmem:s1+$0x9700];
	v6 =	vmul.f32 $8.000000000e+00, v6  }
0x2df: {  	s6 =	simm.s32 $0x0;
	s7 =	simm.s32 $0x500;
	s0 =	simm.s32 $0x0;
	v4 =	vld [tilespmem:s1+$0x9710];
	[tilespmem:s1+$0x15EA0] =	vst v5;
	v5 =	vmul.f32 $8.000000000e+00, v7  }
.LBB2_35:
0x2e0: {  	s12 =	sshra.s32 s7, $0x2;
	s6 =	sadd.s32 $0x5, s6;
	[tilespmem:s0+$0x15EB0] =	vst v6;
	v3 =	vmul.f32 $8.000000000e+00, v3;
	v6 =	vld [tilespmem:s0+$0x9720]  }
0x2e1: {  	v7 =	vld [tilespmem:s12+$0x9730];
	p2 =	slt.u32 s6, $0x2D;
	[tilespmem:s0+$0x15EC0] =	vst v5;
	v0 =	vmul.f32 $8.000000000e+00, v0  }
0x2e2: {  	v5 =	vld [tilespmem:s12+$0x9600];
	[tilespmem:s0+$0x15ED0] =	vst v3;
	v1 =	vmul.f32 $8.000000000e+00, v1  }
0x2e3: {  	v3 =	vld [tilespmem:s12+$0x9610];
	[tilespmem:s0+$0x15EE0] =	vst v0;
	v0 =	vmul.f32 $8.000000000e+00, v2  }
0x2e4: {  	v2 =	vld [tilespmem:s12+$0x9620];
	[tilespmem:s0+$0x15EF0] =	vst v1;
	v1 =	vmul.f32 $8.000000000e+00, v4  }
0x2e5: {  	v4 =	vld [tilespmem:s12+$0x9630];
	[tilespmem:s0+$0x15F00] =	vst v0;
	v0 =	vmul.f32 $8.000000000e+00, v6  }
0x2e6: {  	v6 =	vld [tilespmem:s12+$0x9640];
	v7 =	vmul.f32 $8.000000000e+00, v7;
	[tilespmem:s0+$0x15F10] =	vst v1  }
0x2e7: {  	v1 =	vmul.f32 $8.000000000e+00, v5;
	v5 =	vld [tilespmem:s12+$0x9650];
	[tilespmem:s0+$0x15F20] =	vst v0;
	s0 =	smov.u32 s12  }
0x2e8: {  	v0 =	vmul.f32 $8.000000000e+00, v3;
	v3 =	vld [tilespmem:s0+$0x9660];
	[tilespmem:s0+$0x15F30] =	vst v7  }
0x2e9: {  	[tilespmem:s0+$0x15E00] =	vst v1;
	v1 =	vmul.f32 $8.000000000e+00, v2;
	v2 =	vld [tilespmem:s0+$0x9670]  }
0x2ea: {  	[tilespmem:s0+$0x15E10] =	vst v0;
	v0 =	vmul.f32 $8.000000000e+00, v4;
	v4 =	vld [tilespmem:s0+$0x9680]  }
0x2eb: {  	[tilespmem:s0+$0x15E20] =	vst v1;
	v1 =	vmul.f32 $8.000000000e+00, v6;
	v6 =	vld [tilespmem:s0+$0x9690]  }
0x2ec: {  	[tilespmem:s0+$0x15E30] =	vst v0;
	v0 =	vmul.f32 $8.000000000e+00, v5;
	v5 =	vld [tilespmem:s0+$0x96A0]  }
0x2ed: {  	[tilespmem:s0+$0x15E40] =	vst v1;
	v1 =	vmul.f32 $8.000000000e+00, v3;
	v7 =	vld [tilespmem:s0+$0x96B0]  }
0x2ee: {  	[tilespmem:s0+$0x15E50] =	vst v0;
	v0 =	vmul.f32 $8.000000000e+00, v2;
	v8 =	vld [tilespmem:s0+$0x96C0]  }
.Ltmp21:
0x2ef: {  	[tilespmem:s0+$0x15E60] =	vst v1;
	v1 =	vmul.f32 $8.000000000e+00, v4;
	v3 =	vld [tilespmem:s0+$0x96D0];
	(pc) =	sbr.rel @p2 .LBB2_35-.Ltmp21, $4  }
0x2f0: {  	[tilespmem:s0+$0x15E70] =	vst v0;
	v2 =	vmul.f32 $8.000000000e+00, v6;
	v0 =	vld [tilespmem:s0+$0x96E0]  }
0x2f1: {  	[tilespmem:s0+$0x15E80] =	vst v1;
	v4 =	vmul.f32 $8.000000000e+00, v5;
	v1 =	vld [tilespmem:s0+$0x96F0]  }
0x2f2: {  	[tilespmem:s0+$0x15E90] =	vst v2;
	v6 =	vmul.f32 $8.000000000e+00, v7;
	v2 =	vld [tilespmem:s0+$0x9700]  }
0x2f3: {  	s7 =	sadd.s32 $0x500, s7;
	[tilespmem:s0+$0x15EA0] =	vst v4;
	v5 =	vmul.f32 $8.000000000e+00, v8;
	v4 =	vld [tilespmem:s0+$0x9710]  }
0x2f4: {  	[tilespmem:s0+$0x15EB0] =	vst v6;
	v3 =	vmul.f32 $8.000000000e+00, v3;
	v6 =	vld [tilespmem:s0+$0x9720]  }
0x2f5: {  	[tilespmem:s0+$0x15EC0] =	vst v5;
	v0 =	vmul.f32 $8.000000000e+00, v0  }
0x2f6: {  	[tilespmem:s0+$0x15ED0] =	vst v3;
	v1 =	vmul.f32 $8.000000000e+00, v1  }
0x2f7: {  	[tilespmem:s0+$0x15EE0] =	vst v0;
	v0 =	vmul.f32 $8.000000000e+00, v2  }
0x2f8: {  	[tilespmem:s0+$0x15EF0] =	vst v1;
	v1 =	vmul.f32 $8.000000000e+00, v4  }
0x2f9: {  	[tilespmem:s0+$0x15F00] =	vst v0;
	v0 =	vmul.f32 $8.000000000e+00, v6  }
0x2fa: {  	[tilespmem:s0+$0x15F10] =	vst v1  }
0x2fb: {  	[tilespmem:s0+$0x15F20] =	vst v0  }
0x2fc: {  	v0 =	vld [tilespmem:s1+$0xA3B0]  }
0x2fd: {  	v1 =	vld [tilespmem:s1+$0xA280]  }
0x2fe: {  	v2 =	vld [tilespmem:s1+$0xA290]  }
0x2ff: {  	v3 =	vld [tilespmem:s1+$0xA2A0]  }
0x300: {  	v4 =	vld [tilespmem:s1+$0xA2B0]  }
0x301: {  	v5 =	vld [tilespmem:s1+$0xA2C0];
	v0 =	vmul.f32 $8.000000000e+00, v0  }
0x302: {  	v6 =	vld [tilespmem:s1+$0xA2D0];
	v1 =	vmul.f32 $8.000000000e+00, v1  }
0x303: {  	v7 =	vld [tilespmem:s1+$0xA2E0];
	v2 =	vmul.f32 $8.000000000e+00, v2;
	[tilespmem:s1+$0x16BB0] =	vst v0  }
0x304: {  	[tilespmem:s1+$0x16A80] =	vst v1;
	v0 =	vmul.f32 $8.000000000e+00, v3;
	v1 =	vld [tilespmem:s1+$0xA2F0]  }
0x305: {  	[tilespmem:s1+$0x16A90] =	vst v2;
	v2 =	vmul.f32 $8.000000000e+00, v4;
	v3 =	vld [tilespmem:s1+$0xA300]  }
0x306: {  	v4 =	vld [tilespmem:s1+$0xA310];
	[tilespmem:s1+$0x16AA0] =	vst v0;
	v0 =	vmul.f32 $8.000000000e+00, v5  }
0x307: {  	[tilespmem:s1+$0x16AB0] =	vst v2;
	v2 =	vmul.f32 $8.000000000e+00, v6;
	v5 =	vld [tilespmem:s1+$0xA320]  }
0x308: {  	v6 =	vld [tilespmem:s1+$0xA330];
	[tilespmem:s1+$0x16AC0] =	vst v0;
	v0 =	vmul.f32 $8.000000000e+00, v7  }
0x309: {  	[tilespmem:s1+$0x16AD0] =	vst v2;
	v7 =	vld [tilespmem:s1+$0xA340];
	v1 =	vmul.f32 $8.000000000e+00, v1  }
0x30a: {  	v2 =	vmul.f32 $8.000000000e+00, v3;
	v3 =	vld [tilespmem:s1+$0xA350];
	[tilespmem:s1+$0x16AE0] =	vst v0  }
0x30b: {  	v4 =	vmul.f32 $8.000000000e+00, v4;
	v0 =	vld [tilespmem:s1+$0xA360];
	[tilespmem:s1+$0x16AF0] =	vst v1  }
0x30c: {  	[tilespmem:s1+$0x16B00] =	vst v2;
	v5 =	vmul.f32 $8.000000000e+00, v5;
	v1 =	vld [tilespmem:s1+$0xA370]  }
0x30d: {  	[tilespmem:s1+$0x16B10] =	vst v4;
	v2 =	vld [tilespmem:s1+$0xA380];
	v6 =	vmul.f32 $8.000000000e+00, v6  }
0x30e: {  	s6 =	simm.s32 $0x500;
	s0 =	simm.s32 $0x0;
	v4 =	vld [tilespmem:s1+$0xA390];
	[tilespmem:s1+$0x16B20] =	vst v5;
	v5 =	vmul.f32 $8.000000000e+00, v7  }
.LBB2_37:
0x30f: {  	s7 =	sshra.s32 s6, $0x2;
	s0 =	sadd.s32 $0x5, s0;
	[tilespmem:s1+$0x16B30] =	vst v6;
	v3 =	vmul.f32 $8.000000000e+00, v3;
	v6 =	vld [tilespmem:s1+$0xA3A0]  }
0x310: {  	v7 =	vld [tilespmem:s7+$0xA3B0];
	p2 =	slt.u32 s0, $0x2D;
	[tilespmem:s1+$0x16B40] =	vst v5;
	v0 =	vmul.f32 $8.000000000e+00, v0  }
0x311: {  	v5 =	vld [tilespmem:s7+$0xA280];
	[tilespmem:s1+$0x16B50] =	vst v3;
	v1 =	vmul.f32 $8.000000000e+00, v1  }
0x312: {  	v3 =	vld [tilespmem:s7+$0xA290];
	[tilespmem:s1+$0x16B60] =	vst v0;
	v0 =	vmul.f32 $8.000000000e+00, v2  }
0x313: {  	v2 =	vld [tilespmem:s7+$0xA2A0];
	[tilespmem:s1+$0x16B70] =	vst v1;
	v1 =	vmul.f32 $8.000000000e+00, v4  }
0x314: {  	v4 =	vld [tilespmem:s7+$0xA2B0];
	[tilespmem:s1+$0x16B80] =	vst v0;
	v0 =	vmul.f32 $8.000000000e+00, v6  }
0x315: {  	v6 =	vld [tilespmem:s7+$0xA2C0];
	v7 =	vmul.f32 $8.000000000e+00, v7;
	[tilespmem:s1+$0x16B90] =	vst v1  }
0x316: {  	v1 =	vmul.f32 $8.000000000e+00, v5;
	v5 =	vld [tilespmem:s7+$0xA2D0];
	[tilespmem:s1+$0x16BA0] =	vst v0;
	s1 =	smov.u32 s7  }
0x317: {  	v0 =	vmul.f32 $8.000000000e+00, v3;
	v3 =	vld [tilespmem:s1+$0xA2E0];
	[tilespmem:s1+$0x16BB0] =	vst v7  }
0x318: {  	[tilespmem:s1+$0x16A80] =	vst v1;
	v1 =	vmul.f32 $8.000000000e+00, v2;
	v2 =	vld [tilespmem:s1+$0xA2F0]  }
0x319: {  	[tilespmem:s1+$0x16A90] =	vst v0;
	v0 =	vmul.f32 $8.000000000e+00, v4;
	v4 =	vld [tilespmem:s1+$0xA300]  }
0x31a: {  	[tilespmem:s1+$0x16AA0] =	vst v1;
	v1 =	vmul.f32 $8.000000000e+00, v6;
	v6 =	vld [tilespmem:s1+$0xA310]  }
0x31b: {  	[tilespmem:s1+$0x16AB0] =	vst v0;
	v0 =	vmul.f32 $8.000000000e+00, v5;
	v5 =	vld [tilespmem:s1+$0xA320]  }
0x31c: {  	[tilespmem:s1+$0x16AC0] =	vst v1;
	v1 =	vmul.f32 $8.000000000e+00, v3;
	v7 =	vld [tilespmem:s1+$0xA330]  }
0x31d: {  	[tilespmem:s1+$0x16AD0] =	vst v0;
	v0 =	vmul.f32 $8.000000000e+00, v2;
	v8 =	vld [tilespmem:s1+$0xA340]  }
.Ltmp22:
0x31e: {  	[tilespmem:s1+$0x16AE0] =	vst v1;
	v1 =	vmul.f32 $8.000000000e+00, v4;
	v3 =	vld [tilespmem:s1+$0xA350];
	(pc) =	sbr.rel @p2 .LBB2_37-.Ltmp22, $4  }
0x31f: {  	[tilespmem:s1+$0x16AF0] =	vst v0;
	v2 =	vmul.f32 $8.000000000e+00, v6;
	v0 =	vld [tilespmem:s1+$0xA360]  }
0x320: {  	[tilespmem:s1+$0x16B00] =	vst v1;
	v4 =	vmul.f32 $8.000000000e+00, v5;
	v1 =	vld [tilespmem:s1+$0xA370]  }
0x321: {  	[tilespmem:s1+$0x16B10] =	vst v2;
	v6 =	vmul.f32 $8.000000000e+00, v7;
	v2 =	vld [tilespmem:s1+$0xA380]  }
0x322: {  	s6 =	sadd.s32 $0x500, s6;
	[tilespmem:s1+$0x16B20] =	vst v4;
	v5 =	vmul.f32 $8.000000000e+00, v8;
	v4 =	vld [tilespmem:s1+$0xA390]  }
0x323: {  	[tilespmem:s1+$0x16B30] =	vst v6;
	v3 =	vmul.f32 $8.000000000e+00, v3;
	v60 =	vld [tilespmem:s1+$0xA3A0]  }
0x324: {  	[tilespmem:s1+$0x16B40] =	vst v5;
	v0 =	vmul.f32 $8.000000000e+00, v0  }
0x325: {  	[tilespmem:s1+$0x16B50] =	vst v3;
	v1 =	vmul.f32 $8.000000000e+00, v1  }
0x326: {  	[tilespmem:s1+$0x16B60] =	vst v0;
	v61 =	vmul.f32 $8.000000000e+00, v2  }
.Ltmp23:
0x327: {  	[tilespmem:s1+$0x16B70] =	vst v1;
	v62 =	vmul.f32 $8.000000000e+00, v4;
	(pc) =	sbr.rel @p1 .LBB2_40-.Ltmp23, $4  }
0x328: {  	[tilespmem:s1+$0x16B80] =	vst v61;
	v63 =	vmul.f32 $8.000000000e+00, v60  }
0x329: {  	[tilespmem:s1+$0x16B90] =	vst v62  }
0x32a: {  	s0 =	sadd.s32 $0xC80, s31;
	[tilespmem:s1+$0x16BA0] =	vst v63  }
0x32b: {  	[hbm4b:s0+s3] =	stream.linear.scatter [tilespmem:s21], [sflag:$0x7], $0x3200, $0x38;
	[tilespmem:$0x1A900] =	vst v63  }
.Ltmp24:
0x32c: {  	(pc) =	sbr.rel .LBB2_41-.Ltmp24, $4  }
0x32d: {  	_ = 	snop  }
0x32e: {  	_ =	swait.ge [sflag:s22], $0x3200  }
0x32f: {  	[sflag:s22] =	ssyncset.done $0x0  }
0x330: {  	[sflag:s22] =	ssyncadd.s32 $0xFFFFCE00  }
.LBB2_40:
0x331: {  	s0 =	smul.u32 $0xC80, s29;
	_ =	sdelay $0x1  }
0x332: {  	s0 =	sshra.s32 s0, $0x2  }
.Ltmp25:
0x333: {  	s0 =	sadd.s32 $0x3E8, s0;
	(pc) =	sbr.rel @p0 .LBB2_42-.Ltmp25, $4  }
0x334: {  	[tilespmem:s11], [sflag:$0x2] =	stream.indirect.gather [hbm4b:s4+s9], $0x40, s0, s9, $0xb8;
	[tilespmem:$0x1A900] =	vst v63  }
0x335: {  	_ =	swait.ge [sflag:s22], $0x3200  }
0x336: {  	[sflag:s22] =	ssyncset.done $0x0  }
0x337: {  	[sflag:s22] =	ssyncadd.s32 $0xFFFFCE00  }
.LBB2_41:
0x338: {  	_ =	swait.ge [sflag:s23], $0x3200  }
0x339: {  	[sflag:s23] =	ssyncset.done $0x0  }
0x33a: {  	[sflag:s23] =	ssyncadd.s32 $0xFFFFCE00  }
.LBB2_42:
0x33b: {  	s1 =	simm.s32 $0x0  }
0x33c: {  	v0 =	vld [tilespmem:s1+$0xB030]  }
0x33d: {  	v1 =	vld [tilespmem:s1+$0xAF00]  }
0x33e: {  	v2 =	vld [tilespmem:s1+$0xAF10]  }
0x33f: {  	v3 =	vld [tilespmem:s1+$0xAF20]  }
0x340: {  	v4 =	vld [tilespmem:s1+$0xAF30]  }
0x341: {  	v5 =	vld [tilespmem:s1+$0xAF40];
	v0 =	vmul.f32 $8.000000000e+00, v0  }
0x342: {  	v6 =	vld [tilespmem:s1+$0xAF50];
	v1 =	vmul.f32 $8.000000000e+00, v1  }
0x343: {  	v7 =	vld [tilespmem:s1+$0xAF60];
	v2 =	vmul.f32 $8.000000000e+00, v2;
	[tilespmem:s1+$0x17830] =	vst v0  }
0x344: {  	[tilespmem:s1+$0x17700] =	vst v1;
	v0 =	vmul.f32 $8.000000000e+00, v3;
	v1 =	vld [tilespmem:s1+$0xAF70]  }
0x345: {  	[tilespmem:s1+$0x17710] =	vst v2;
	v2 =	vmul.f32 $8.000000000e+00, v4;
	v3 =	vld [tilespmem:s1+$0xAF80]  }
0x346: {  	v4 =	vld [tilespmem:s1+$0xAF90];
	[tilespmem:s1+$0x17720] =	vst v0;
	v0 =	vmul.f32 $8.000000000e+00, v5  }
0x347: {  	[tilespmem:s1+$0x17730] =	vst v2;
	v2 =	vmul.f32 $8.000000000e+00, v6;
	v5 =	vld [tilespmem:s1+$0xAFA0]  }
0x348: {  	v6 =	vld [tilespmem:s1+$0xAFB0];
	[tilespmem:s1+$0x17740] =	vst v0;
	v0 =	vmul.f32 $8.000000000e+00, v7  }
0x349: {  	[tilespmem:s1+$0x17750] =	vst v2;
	v7 =	vld [tilespmem:s1+$0xAFC0];
	v1 =	vmul.f32 $8.000000000e+00, v1  }
0x34a: {  	v2 =	vmul.f32 $8.000000000e+00, v3;
	v3 =	vld [tilespmem:s1+$0xAFD0];
	[tilespmem:s1+$0x17760] =	vst v0  }
0x34b: {  	v4 =	vmul.f32 $8.000000000e+00, v4;
	v0 =	vld [tilespmem:s1+$0xAFE0];
	[tilespmem:s1+$0x17770] =	vst v1  }
0x34c: {  	[tilespmem:s1+$0x17780] =	vst v2;
	v5 =	vmul.f32 $8.000000000e+00, v5;
	v1 =	vld [tilespmem:s1+$0xAFF0]  }
0x34d: {  	[tilespmem:s1+$0x17790] =	vst v4;
	v2 =	vld [tilespmem:s1+$0xB000];
	v6 =	vmul.f32 $8.000000000e+00, v6  }
0x34e: {  	s6 =	simm.s32 $0x0;
	s7 =	simm.s32 $0x500;
	s0 =	simm.s32 $0x0;
	v4 =	vld [tilespmem:s1+$0xB010];
	[tilespmem:s1+$0x177A0] =	vst v5;
	v5 =	vmul.f32 $8.000000000e+00, v7  }
.LBB2_43:
0x34f: {  	s12 =	sshra.s32 s7, $0x2;
	s6 =	sadd.s32 $0x5, s6;
	[tilespmem:s0+$0x177B0] =	vst v6;
	v3 =	vmul.f32 $8.000000000e+00, v3;
	v6 =	vld [tilespmem:s0+$0xB020]  }
0x350: {  	v7 =	vld [tilespmem:s12+$0xB030];
	p0 =	slt.u32 s6, $0x2D;
	[tilespmem:s0+$0x177C0] =	vst v5;
	v0 =	vmul.f32 $8.000000000e+00, v0  }
0x351: {  	v5 =	vld [tilespmem:s12+$0xAF00];
	[tilespmem:s0+$0x177D0] =	vst v3;
	v1 =	vmul.f32 $8.000000000e+00, v1  }
0x352: {  	v3 =	vld [tilespmem:s12+$0xAF10];
	[tilespmem:s0+$0x177E0] =	vst v0;
	v0 =	vmul.f32 $8.000000000e+00, v2  }
0x353: {  	v2 =	vld [tilespmem:s12+$0xAF20];
	[tilespmem:s0+$0x177F0] =	vst v1;
	v1 =	vmul.f32 $8.000000000e+00, v4  }
0x354: {  	v4 =	vld [tilespmem:s12+$0xAF30];
	[tilespmem:s0+$0x17800] =	vst v0;
	v0 =	vmul.f32 $8.000000000e+00, v6  }
0x355: {  	v6 =	vld [tilespmem:s12+$0xAF40];
	v7 =	vmul.f32 $8.000000000e+00, v7;
	[tilespmem:s0+$0x17810] =	vst v1  }
0x356: {  	v1 =	vmul.f32 $8.000000000e+00, v5;
	v5 =	vld [tilespmem:s12+$0xAF50];
	[tilespmem:s0+$0x17820] =	vst v0;
	s0 =	smov.u32 s12  }
0x357: {  	v0 =	vmul.f32 $8.000000000e+00, v3;
	v3 =	vld [tilespmem:s0+$0xAF60];
	[tilespmem:s0+$0x17830] =	vst v7  }
0x358: {  	[tilespmem:s0+$0x17700] =	vst v1;
	v1 =	vmul.f32 $8.000000000e+00, v2;
	v2 =	vld [tilespmem:s0+$0xAF70]  }
0x359: {  	[tilespmem:s0+$0x17710] =	vst v0;
	v0 =	vmul.f32 $8.000000000e+00, v4;
	v4 =	vld [tilespmem:s0+$0xAF80]  }
0x35a: {  	[tilespmem:s0+$0x17720] =	vst v1;
	v1 =	vmul.f32 $8.000000000e+00, v6;
	v6 =	vld [tilespmem:s0+$0xAF90]  }
0x35b: {  	[tilespmem:s0+$0x17730] =	vst v0;
	v0 =	vmul.f32 $8.000000000e+00, v5;
	v5 =	vld [tilespmem:s0+$0xAFA0]  }
0x35c: {  	[tilespmem:s0+$0x17740] =	vst v1;
	v1 =	vmul.f32 $8.000000000e+00, v3;
	v7 =	vld [tilespmem:s0+$0xAFB0]  }
0x35d: {  	[tilespmem:s0+$0x17750] =	vst v0;
	v0 =	vmul.f32 $8.000000000e+00, v2;
	v8 =	vld [tilespmem:s0+$0xAFC0]  }
.Ltmp26:
0x35e: {  	[tilespmem:s0+$0x17760] =	vst v1;
	v1 =	vmul.f32 $8.000000000e+00, v4;
	v3 =	vld [tilespmem:s0+$0xAFD0];
	(pc) =	sbr.rel @p0 .LBB2_43-.Ltmp26, $4  }
0x35f: {  	[tilespmem:s0+$0x17770] =	vst v0;
	v2 =	vmul.f32 $8.000000000e+00, v6;
	v0 =	vld [tilespmem:s0+$0xAFE0]  }
0x360: {  	[tilespmem:s0+$0x17780] =	vst v1;
	v4 =	vmul.f32 $8.000000000e+00, v5;
	v1 =	vld [tilespmem:s0+$0xAFF0]  }
0x361: {  	[tilespmem:s0+$0x17790] =	vst v2;
	v6 =	vmul.f32 $8.000000000e+00, v7;
	v2 =	vld [tilespmem:s0+$0xB000]  }
0x362: {  	s7 =	sadd.s32 $0x500, s7;
	[tilespmem:s0+$0x177A0] =	vst v4;
	v5 =	vmul.f32 $8.000000000e+00, v8;
	v4 =	vld [tilespmem:s0+$0xB010]  }
0x363: {  	[tilespmem:s0+$0x177B0] =	vst v6;
	v3 =	vmul.f32 $8.000000000e+00, v3;
	v6 =	vld [tilespmem:s0+$0xB020]  }
0x364: {  	[tilespmem:s0+$0x177C0] =	vst v5;
	v0 =	vmul.f32 $8.000000000e+00, v0  }
0x365: {  	[tilespmem:s0+$0x177D0] =	vst v3;
	v1 =	vmul.f32 $8.000000000e+00, v1  }
0x366: {  	[tilespmem:s0+$0x177E0] =	vst v0;
	v0 =	vmul.f32 $8.000000000e+00, v2  }
0x367: {  	[tilespmem:s0+$0x177F0] =	vst v1;
	v1 =	vmul.f32 $8.000000000e+00, v4  }
0x368: {  	[tilespmem:s0+$0x17800] =	vst v0;
	v0 =	vmul.f32 $8.000000000e+00, v6  }
0x369: {  	[tilespmem:s0+$0x17810] =	vst v1  }
0x36a: {  	[tilespmem:s0+$0x17820] =	vst v0  }
0x36b: {  	v0 =	vld [tilespmem:s1+$0xBCB0]  }
0x36c: {  	v1 =	vld [tilespmem:s1+$0xBB80]  }
0x36d: {  	v2 =	vld [tilespmem:s1+$0xBB90]  }
0x36e: {  	v3 =	vld [tilespmem:s1+$0xBBA0]  }
0x36f: {  	v4 =	vld [tilespmem:s1+$0xBBB0]  }
0x370: {  	v5 =	vld [tilespmem:s1+$0xBBC0];
	v0 =	vmul.f32 $8.000000000e+00, v0  }
0x371: {  	v6 =	vld [tilespmem:s1+$0xBBD0];
	v1 =	vmul.f32 $8.000000000e+00, v1  }
0x372: {  	v7 =	vld [tilespmem:s1+$0xBBE0];
	v2 =	vmul.f32 $8.000000000e+00, v2;
	[tilespmem:s1+$0x184B0] =	vst v0  }
0x373: {  	[tilespmem:s1+$0x18380] =	vst v1;
	v0 =	vmul.f32 $8.000000000e+00, v3;
	v1 =	vld [tilespmem:s1+$0xBBF0]  }
0x374: {  	[tilespmem:s1+$0x18390] =	vst v2;
	v2 =	vmul.f32 $8.000000000e+00, v4;
	v3 =	vld [tilespmem:s1+$0xBC00]  }
0x375: {  	v4 =	vld [tilespmem:s1+$0xBC10];
	[tilespmem:s1+$0x183A0] =	vst v0;
	v0 =	vmul.f32 $8.000000000e+00, v5  }
0x376: {  	[tilespmem:s1+$0x183B0] =	vst v2;
	v2 =	vmul.f32 $8.000000000e+00, v6;
	v5 =	vld [tilespmem:s1+$0xBC20]  }
0x377: {  	v6 =	vld [tilespmem:s1+$0xBC30];
	[tilespmem:s1+$0x183C0] =	vst v0;
	v0 =	vmul.f32 $8.000000000e+00, v7  }
0x378: {  	[tilespmem:s1+$0x183D0] =	vst v2;
	v7 =	vld [tilespmem:s1+$0xBC40];
	v1 =	vmul.f32 $8.000000000e+00, v1  }
0x379: {  	v2 =	vmul.f32 $8.000000000e+00, v3;
	v3 =	vld [tilespmem:s1+$0xBC50];
	[tilespmem:s1+$0x183E0] =	vst v0  }
0x37a: {  	v4 =	vmul.f32 $8.000000000e+00, v4;
	v0 =	vld [tilespmem:s1+$0xBC60];
	[tilespmem:s1+$0x183F0] =	vst v1  }
0x37b: {  	[tilespmem:s1+$0x18400] =	vst v2;
	v5 =	vmul.f32 $8.000000000e+00, v5;
	v1 =	vld [tilespmem:s1+$0xBC70]  }
0x37c: {  	[tilespmem:s1+$0x18410] =	vst v4;
	v2 =	vld [tilespmem:s1+$0xBC80];
	v6 =	vmul.f32 $8.000000000e+00, v6  }
0x37d: {  	s6 =	simm.s32 $0x500;
	s0 =	simm.s32 $0x0;
	v4 =	vld [tilespmem:s1+$0xBC90];
	[tilespmem:s1+$0x18420] =	vst v5;
	v5 =	vmul.f32 $8.000000000e+00, v7  }
.LBB2_45:
0x37e: {  	s7 =	sshra.s32 s6, $0x2;
	s0 =	sadd.s32 $0x5, s0;
	[tilespmem:s1+$0x18430] =	vst v6;
	v3 =	vmul.f32 $8.000000000e+00, v3;
	v6 =	vld [tilespmem:s1+$0xBCA0]  }
0x37f: {  	v7 =	vld [tilespmem:s7+$0xBCB0];
	p0 =	slt.u32 s0, $0x2D;
	[tilespmem:s1+$0x18440] =	vst v5;
	v0 =	vmul.f32 $8.000000000e+00, v0  }
0x380: {  	v5 =	vld [tilespmem:s7+$0xBB80];
	[tilespmem:s1+$0x18450] =	vst v3;
	v1 =	vmul.f32 $8.000000000e+00, v1  }
0x381: {  	v3 =	vld [tilespmem:s7+$0xBB90];
	[tilespmem:s1+$0x18460] =	vst v0;
	v0 =	vmul.f32 $8.000000000e+00, v2  }
0x382: {  	v2 =	vld [tilespmem:s7+$0xBBA0];
	[tilespmem:s1+$0x18470] =	vst v1;
	v1 =	vmul.f32 $8.000000000e+00, v4  }
0x383: {  	v4 =	vld [tilespmem:s7+$0xBBB0];
	[tilespmem:s1+$0x18480] =	vst v0;
	v0 =	vmul.f32 $8.000000000e+00, v6  }
0x384: {  	v6 =	vld [tilespmem:s7+$0xBBC0];
	v7 =	vmul.f32 $8.000000000e+00, v7;
	[tilespmem:s1+$0x18490] =	vst v1  }
0x385: {  	v1 =	vmul.f32 $8.000000000e+00, v5;
	v5 =	vld [tilespmem:s7+$0xBBD0];
	[tilespmem:s1+$0x184A0] =	vst v0;
	s1 =	smov.u32 s7  }
0x386: {  	v0 =	vmul.f32 $8.000000000e+00, v3;
	v3 =	vld [tilespmem:s1+$0xBBE0];
	[tilespmem:s1+$0x184B0] =	vst v7  }
0x387: {  	[tilespmem:s1+$0x18380] =	vst v1;
	v1 =	vmul.f32 $8.000000000e+00, v2;
	v2 =	vld [tilespmem:s1+$0xBBF0]  }
0x388: {  	[tilespmem:s1+$0x18390] =	vst v0;
	v0 =	vmul.f32 $8.000000000e+00, v4;
	v4 =	vld [tilespmem:s1+$0xBC00]  }
0x389: {  	[tilespmem:s1+$0x183A0] =	vst v1;
	v1 =	vmul.f32 $8.000000000e+00, v6;
	v6 =	vld [tilespmem:s1+$0xBC10]  }
0x38a: {  	[tilespmem:s1+$0x183B0] =	vst v0;
	v0 =	vmul.f32 $8.000000000e+00, v5;
	v5 =	vld [tilespmem:s1+$0xBC20]  }
0x38b: {  	[tilespmem:s1+$0x183C0] =	vst v1;
	v1 =	vmul.f32 $8.000000000e+00, v3;
	v7 =	vld [tilespmem:s1+$0xBC30]  }
0x38c: {  	[tilespmem:s1+$0x183D0] =	vst v0;
	v0 =	vmul.f32 $8.000000000e+00, v2;
	v8 =	vld [tilespmem:s1+$0xBC40]  }
.Ltmp27:
0x38d: {  	[tilespmem:s1+$0x183E0] =	vst v1;
	v1 =	vmul.f32 $8.000000000e+00, v4;
	v3 =	vld [tilespmem:s1+$0xBC50];
	(pc) =	sbr.rel @p0 .LBB2_45-.Ltmp27, $4  }
0x38e: {  	[tilespmem:s1+$0x183F0] =	vst v0;
	v2 =	vmul.f32 $8.000000000e+00, v6;
	v0 =	vld [tilespmem:s1+$0xBC60]  }
0x38f: {  	[tilespmem:s1+$0x18400] =	vst v1;
	v4 =	vmul.f32 $8.000000000e+00, v5;
	v1 =	vld [tilespmem:s1+$0xBC70]  }
0x390: {  	[tilespmem:s1+$0x18410] =	vst v2;
	v6 =	vmul.f32 $8.000000000e+00, v7;
	v2 =	vld [tilespmem:s1+$0xBC80]  }
0x391: {  	s6 =	sadd.s32 $0x500, s6;
	[tilespmem:s1+$0x18420] =	vst v4;
	v5 =	vmul.f32 $8.000000000e+00, v8;
	v4 =	vld [tilespmem:s1+$0xBC90]  }
0x392: {  	[tilespmem:s1+$0x18430] =	vst v6;
	v3 =	vmul.f32 $8.000000000e+00, v3;
	v6 =	vld [tilespmem:s1+$0xBCA0]  }
0x393: {  	[tilespmem:s1+$0x18440] =	vst v5;
	v0 =	vmul.f32 $8.000000000e+00, v0  }
0x394: {  	[tilespmem:s1+$0x18450] =	vst v3;
	v1 =	vmul.f32 $8.000000000e+00, v1  }
0x395: {  	[tilespmem:s1+$0x18460] =	vst v0;
	v0 =	vmul.f32 $8.000000000e+00, v2  }
0x396: {  	[tilespmem:s1+$0x18470] =	vst v1;
	v1 =	vmul.f32 $8.000000000e+00, v4  }
0x397: {  	[tilespmem:s1+$0x18480] =	vst v0;
	v0 =	vmul.f32 $8.000000000e+00, v6  }
0x398: {  	[tilespmem:s1+$0x18490] =	vst v1  }
0x399: {  	[tilespmem:s1+$0x184A0] =	vst v0;
	s1 =	simm.s32 $0x0  }
0x39a: {  	v0 =	vld [tilespmem:s1+$0xC930]  }
0x39b: {  	v1 =	vld [tilespmem:s1+$0xC800]  }
0x39c: {  	v2 =	vld [tilespmem:s1+$0xC810]  }
0x39d: {  	v3 =	vld [tilespmem:s1+$0xC820]  }
0x39e: {  	v4 =	vld [tilespmem:s1+$0xC830]  }
0x39f: {  	v5 =	vld [tilespmem:s1+$0xC840];
	v0 =	vmul.f32 $8.000000000e+00, v0  }
0x3a0: {  	v6 =	vld [tilespmem:s1+$0xC850];
	v1 =	vmul.f32 $8.000000000e+00, v1  }
0x3a1: {  	v7 =	vld [tilespmem:s1+$0xC860];
	v2 =	vmul.f32 $8.000000000e+00, v2;
	[tilespmem:s1+$0x19130] =	vst v0  }
0x3a2: {  	[tilespmem:s1+$0x19000] =	vst v1;
	v0 =	vmul.f32 $8.000000000e+00, v3;
	v1 =	vld [tilespmem:s1+$0xC870]  }
0x3a3: {  	[tilespmem:s1+$0x19010] =	vst v2;
	v2 =	vmul.f32 $8.000000000e+00, v4;
	v3 =	vld [tilespmem:s1+$0xC880]  }
0x3a4: {  	v4 =	vld [tilespmem:s1+$0xC890];
	[tilespmem:s1+$0x19020] =	vst v0;
	v0 =	vmul.f32 $8.000000000e+00, v5  }
0x3a5: {  	[tilespmem:s1+$0x19030] =	vst v2;
	v2 =	vmul.f32 $8.000000000e+00, v6;
	v5 =	vld [tilespmem:s1+$0xC8A0]  }
0x3a6: {  	v6 =	vld [tilespmem:s1+$0xC8B0];
	[tilespmem:s1+$0x19040] =	vst v0;
	v0 =	vmul.f32 $8.000000000e+00, v7  }
0x3a7: {  	[tilespmem:s1+$0x19050] =	vst v2;
	v7 =	vld [tilespmem:s1+$0xC8C0];
	v1 =	vmul.f32 $8.000000000e+00, v1  }
0x3a8: {  	v2 =	vmul.f32 $8.000000000e+00, v3;
	v3 =	vld [tilespmem:s1+$0xC8D0];
	[tilespmem:s1+$0x19060] =	vst v0  }
0x3a9: {  	v4 =	vmul.f32 $8.000000000e+00, v4;
	v0 =	vld [tilespmem:s1+$0xC8E0];
	[tilespmem:s1+$0x19070] =	vst v1  }
0x3aa: {  	[tilespmem:s1+$0x19080] =	vst v2;
	v5 =	vmul.f32 $8.000000000e+00, v5;
	v1 =	vld [tilespmem:s1+$0xC8F0]  }
0x3ab: {  	[tilespmem:s1+$0x19090] =	vst v4;
	v2 =	vld [tilespmem:s1+$0xC900];
	v6 =	vmul.f32 $8.000000000e+00, v6  }
0x3ac: {  	s6 =	simm.s32 $0x0;
	s7 =	simm.s32 $0x500;
	s0 =	simm.s32 $0x0;
	v4 =	vld [tilespmem:s1+$0xC910];
	[tilespmem:s1+$0x190A0] =	vst v5;
	v5 =	vmul.f32 $8.000000000e+00, v7  }
.LBB2_47:
0x3ad: {  	s12 =	sshra.s32 s7, $0x2;
	s6 =	sadd.s32 $0x5, s6;
	[tilespmem:s0+$0x190B0] =	vst v6;
	v3 =	vmul.f32 $8.000000000e+00, v3;
	v6 =	vld [tilespmem:s0+$0xC920]  }
0x3ae: {  	v7 =	vld [tilespmem:s12+$0xC930];
	p0 =	slt.u32 s6, $0x2D;
	[tilespmem:s0+$0x190C0] =	vst v5;
	v0 =	vmul.f32 $8.000000000e+00, v0  }
0x3af: {  	v5 =	vld [tilespmem:s12+$0xC800];
	[tilespmem:s0+$0x190D0] =	vst v3;
	v1 =	vmul.f32 $8.000000000e+00, v1  }
0x3b0: {  	v3 =	vld [tilespmem:s12+$0xC810];
	[tilespmem:s0+$0x190E0] =	vst v0;
	v0 =	vmul.f32 $8.000000000e+00, v2  }
0x3b1: {  	v2 =	vld [tilespmem:s12+$0xC820];
	[tilespmem:s0+$0x190F0] =	vst v1;
	v1 =	vmul.f32 $8.000000000e+00, v4  }
0x3b2: {  	v4 =	vld [tilespmem:s12+$0xC830];
	[tilespmem:s0+$0x19100] =	vst v0;
	v0 =	vmul.f32 $8.000000000e+00, v6  }
0x3b3: {  	v6 =	vld [tilespmem:s12+$0xC840];
	v7 =	vmul.f32 $8.000000000e+00, v7;
	[tilespmem:s0+$0x19110] =	vst v1  }
0x3b4: {  	v1 =	vmul.f32 $8.000000000e+00, v5;
	v5 =	vld [tilespmem:s12+$0xC850];
	[tilespmem:s0+$0x19120] =	vst v0;
	s0 =	smov.u32 s12  }
0x3b5: {  	v0 =	vmul.f32 $8.000000000e+00, v3;
	v3 =	vld [tilespmem:s0+$0xC860];
	[tilespmem:s0+$0x19130] =	vst v7  }
0x3b6: {  	[tilespmem:s0+$0x19000] =	vst v1;
	v1 =	vmul.f32 $8.000000000e+00, v2;
	v2 =	vld [tilespmem:s0+$0xC870]  }
0x3b7: {  	[tilespmem:s0+$0x19010] =	vst v0;
	v0 =	vmul.f32 $8.000000000e+00, v4;
	v4 =	vld [tilespmem:s0+$0xC880]  }
0x3b8: {  	[tilespmem:s0+$0x19020] =	vst v1;
	v1 =	vmul.f32 $8.000000000e+00, v6;
	v6 =	vld [tilespmem:s0+$0xC890]  }
0x3b9: {  	[tilespmem:s0+$0x19030] =	vst v0;
	v0 =	vmul.f32 $8.000000000e+00, v5;
	v5 =	vld [tilespmem:s0+$0xC8A0]  }
0x3ba: {  	[tilespmem:s0+$0x19040] =	vst v1;
	v1 =	vmul.f32 $8.000000000e+00, v3;
	v7 =	vld [tilespmem:s0+$0xC8B0]  }
0x3bb: {  	[tilespmem:s0+$0x19050] =	vst v0;
	v0 =	vmul.f32 $8.000000000e+00, v2;
	v8 =	vld [tilespmem:s0+$0xC8C0]  }
.Ltmp28:
0x3bc: {  	[tilespmem:s0+$0x19060] =	vst v1;
	v1 =	vmul.f32 $8.000000000e+00, v4;
	v3 =	vld [tilespmem:s0+$0xC8D0];
	(pc) =	sbr.rel @p0 .LBB2_47-.Ltmp28, $4  }
0x3bd: {  	[tilespmem:s0+$0x19070] =	vst v0;
	v2 =	vmul.f32 $8.000000000e+00, v6;
	v0 =	vld [tilespmem:s0+$0xC8E0]  }
0x3be: {  	[tilespmem:s0+$0x19080] =	vst v1;
	v4 =	vmul.f32 $8.000000000e+00, v5;
	v1 =	vld [tilespmem:s0+$0xC8F0]  }
0x3bf: {  	[tilespmem:s0+$0x19090] =	vst v2;
	v6 =	vmul.f32 $8.000000000e+00, v7;
	v2 =	vld [tilespmem:s0+$0xC900]  }
0x3c0: {  	s7 =	sadd.s32 $0x500, s7;
	[tilespmem:s0+$0x190A0] =	vst v4;
	v5 =	vmul.f32 $8.000000000e+00, v8;
	v4 =	vld [tilespmem:s0+$0xC910]  }
0x3c1: {  	[tilespmem:s0+$0x190B0] =	vst v6;
	v3 =	vmul.f32 $8.000000000e+00, v3;
	v6 =	vld [tilespmem:s0+$0xC920]  }
0x3c2: {  	[tilespmem:s0+$0x190C0] =	vst v5;
	v0 =	vmul.f32 $8.000000000e+00, v0  }
0x3c3: {  	[tilespmem:s0+$0x190D0] =	vst v3;
	v1 =	vmul.f32 $8.000000000e+00, v1  }
0x3c4: {  	[tilespmem:s0+$0x190E0] =	vst v0;
	v0 =	vmul.f32 $8.000000000e+00, v2  }
0x3c5: {  	[tilespmem:s0+$0x190F0] =	vst v1;
	v1 =	vmul.f32 $8.000000000e+00, v4  }
0x3c6: {  	[tilespmem:s0+$0x19100] =	vst v0;
	v0 =	vmul.f32 $8.000000000e+00, v6  }
0x3c7: {  	[tilespmem:s0+$0x19110] =	vst v1  }
0x3c8: {  	[tilespmem:s0+$0x19120] =	vst v0  }
0x3c9: {  	v0 =	vld [tilespmem:s1+$0xD5B0]  }
0x3ca: {  	v1 =	vld [tilespmem:s1+$0xD480]  }
0x3cb: {  	v2 =	vld [tilespmem:s1+$0xD490]  }
0x3cc: {  	v3 =	vld [tilespmem:s1+$0xD4A0]  }
0x3cd: {  	v4 =	vld [tilespmem:s1+$0xD4B0]  }
0x3ce: {  	v5 =	vld [tilespmem:s1+$0xD4C0];
	v0 =	vmul.f32 $8.000000000e+00, v0  }
0x3cf: {  	v6 =	vld [tilespmem:s1+$0xD4D0];
	v1 =	vmul.f32 $8.000000000e+00, v1  }
0x3d0: {  	v7 =	vld [tilespmem:s1+$0xD4E0];
	v2 =	vmul.f32 $8.000000000e+00, v2;
	[tilespmem:s1+$0x19DB0] =	vst v0  }
0x3d1: {  	[tilespmem:s1+$0x19C80] =	vst v1;
	v0 =	vmul.f32 $8.000000000e+00, v3;
	v1 =	vld [tilespmem:s1+$0xD4F0]  }
0x3d2: {  	[tilespmem:s1+$0x19C90] =	vst v2;
	v2 =	vmul.f32 $8.000000000e+00, v4;
	v3 =	vld [tilespmem:s1+$0xD500]  }
0x3d3: {  	v4 =	vld [tilespmem:s1+$0xD510];
	[tilespmem:s1+$0x19CA0] =	vst v0;
	v0 =	vmul.f32 $8.000000000e+00, v5  }
0x3d4: {  	[tilespmem:s1+$0x19CB0] =	vst v2;
	v2 =	vmul.f32 $8.000000000e+00, v6;
	v5 =	vld [tilespmem:s1+$0xD520]  }
0x3d5: {  	v6 =	vld [tilespmem:s1+$0xD530];
	[tilespmem:s1+$0x19CC0] =	vst v0;
	v0 =	vmul.f32 $8.000000000e+00, v7  }
0x3d6: {  	[tilespmem:s1+$0x19CD0] =	vst v2;
	v7 =	vld [tilespmem:s1+$0xD540];
	v1 =	vmul.f32 $8.000000000e+00, v1  }
0x3d7: {  	v2 =	vmul.f32 $8.000000000e+00, v3;
	v3 =	vld [tilespmem:s1+$0xD550];
	[tilespmem:s1+$0x19CE0] =	vst v0  }
0x3d8: {  	v4 =	vmul.f32 $8.000000000e+00, v4;
	v0 =	vld [tilespmem:s1+$0xD560];
	[tilespmem:s1+$0x19CF0] =	vst v1  }
0x3d9: {  	[tilespmem:s1+$0x19D00] =	vst v2;
	v5 =	vmul.f32 $8.000000000e+00, v5;
	v1 =	vld [tilespmem:s1+$0xD570]  }
0x3da: {  	[tilespmem:s1+$0x19D10] =	vst v4;
	v2 =	vld [tilespmem:s1+$0xD580];
	v6 =	vmul.f32 $8.000000000e+00, v6  }
0x3db: {  	s6 =	simm.s32 $0x500;
	s0 =	simm.s32 $0x0;
	v4 =	vld [tilespmem:s1+$0xD590];
	[tilespmem:s1+$0x19D20] =	vst v5;
	v5 =	vmul.f32 $8.000000000e+00, v7  }
.LBB2_49:
0x3dc: {  	s7 =	sshra.s32 s6, $0x2;
	s0 =	sadd.s32 $0x5, s0;
	[tilespmem:s1+$0x19D30] =	vst v6;
	v3 =	vmul.f32 $8.000000000e+00, v3;
	v6 =	vld [tilespmem:s1+$0xD5A0]  }
0x3dd: {  	v7 =	vld [tilespmem:s7+$0xD5B0];
	p0 =	slt.u32 s0, $0x2D;
	[tilespmem:s1+$0x19D40] =	vst v5;
	v0 =	vmul.f32 $8.000000000e+00, v0  }
0x3de: {  	v5 =	vld [tilespmem:s7+$0xD480];
	[tilespmem:s1+$0x19D50] =	vst v3;
	v1 =	vmul.f32 $8.000000000e+00, v1  }
0x3df: {  	v3 =	vld [tilespmem:s7+$0xD490];
	[tilespmem:s1+$0x19D60] =	vst v0;
	v0 =	vmul.f32 $8.000000000e+00, v2  }
0x3e0: {  	v2 =	vld [tilespmem:s7+$0xD4A0];
	[tilespmem:s1+$0x19D70] =	vst v1;
	v1 =	vmul.f32 $8.000000000e+00, v4  }
0x3e1: {  	v4 =	vld [tilespmem:s7+$0xD4B0];
	[tilespmem:s1+$0x19D80] =	vst v0;
	v0 =	vmul.f32 $8.000000000e+00, v6  }
0x3e2: {  	v6 =	vld [tilespmem:s7+$0xD4C0];
	v7 =	vmul.f32 $8.000000000e+00, v7;
	[tilespmem:s1+$0x19D90] =	vst v1  }
0x3e3: {  	v1 =	vmul.f32 $8.000000000e+00, v5;
	v5 =	vld [tilespmem:s7+$0xD4D0];
	[tilespmem:s1+$0x19DA0] =	vst v0;
	s1 =	smov.u32 s7  }
0x3e4: {  	v0 =	vmul.f32 $8.000000000e+00, v3;
	v3 =	vld [tilespmem:s1+$0xD4E0];
	[tilespmem:s1+$0x19DB0] =	vst v7  }
0x3e5: {  	[tilespmem:s1+$0x19C80] =	vst v1;
	v1 =	vmul.f32 $8.000000000e+00, v2;
	v2 =	vld [tilespmem:s1+$0xD4F0]  }
0x3e6: {  	[tilespmem:s1+$0x19C90] =	vst v0;
	v0 =	vmul.f32 $8.000000000e+00, v4;
	v4 =	vld [tilespmem:s1+$0xD500]  }
0x3e7: {  	[tilespmem:s1+$0x19CA0] =	vst v1;
	v1 =	vmul.f32 $8.000000000e+00, v6;
	v6 =	vld [tilespmem:s1+$0xD510]  }
0x3e8: {  	[tilespmem:s1+$0x19CB0] =	vst v0;
	v0 =	vmul.f32 $8.000000000e+00, v5;
	v5 =	vld [tilespmem:s1+$0xD520]  }
0x3e9: {  	[tilespmem:s1+$0x19CC0] =	vst v1;
	v1 =	vmul.f32 $8.000000000e+00, v3;
	v7 =	vld [tilespmem:s1+$0xD530]  }
0x3ea: {  	[tilespmem:s1+$0x19CD0] =	vst v0;
	v0 =	vmul.f32 $8.000000000e+00, v2;
	v8 =	vld [tilespmem:s1+$0xD540]  }
.Ltmp29:
0x3eb: {  	[tilespmem:s1+$0x19CE0] =	vst v1;
	v1 =	vmul.f32 $8.000000000e+00, v4;
	v3 =	vld [tilespmem:s1+$0xD550];
	(pc) =	sbr.rel @p0 .LBB2_49-.Ltmp29, $4  }
0x3ec: {  	[tilespmem:s1+$0x19CF0] =	vst v0;
	v2 =	vmul.f32 $8.000000000e+00, v6;
	v0 =	vld [tilespmem:s1+$0xD560]  }
0x3ed: {  	[tilespmem:s1+$0x19D00] =	vst v1;
	v4 =	vmul.f32 $8.000000000e+00, v5;
	v1 =	vld [tilespmem:s1+$0xD570]  }
0x3ee: {  	[tilespmem:s1+$0x19D10] =	vst v2;
	v6 =	vmul.f32 $8.000000000e+00, v7;
	v2 =	vld [tilespmem:s1+$0xD580]  }
0x3ef: {  	s6 =	sadd.s32 $0x500, s6;
	[tilespmem:s1+$0x19D20] =	vst v4;
	v5 =	vmul.f32 $8.000000000e+00, v8;
	v4 =	vld [tilespmem:s1+$0xD590]  }
0x3f0: {  	[tilespmem:s1+$0x19D30] =	vst v6;
	v3 =	vmul.f32 $8.000000000e+00, v3;
	v60 =	vld [tilespmem:s1+$0xD5A0]  }
0x3f1: {  	[tilespmem:s1+$0x19D40] =	vst v5;
	v0 =	vmul.f32 $8.000000000e+00, v0  }
0x3f2: {  	[tilespmem:s1+$0x19D50] =	vst v3;
	v1 =	vmul.f32 $8.000000000e+00, v1  }
0x3f3: {  	s0 =	sshll.u32 s30, $0x2;
	p0 =	seq.s32 s29, $0x7;
	[tilespmem:s1+$0x19D60] =	vst v0;
	v61 =	vmul.f32 $8.000000000e+00, v2  }
.Ltmp30:
0x3f4: {  	s0 =	sadd.s32 s5, s0;
	[tilespmem:s1+$0x19D70] =	vst v1;
	v62 =	vmul.f32 $8.000000000e+00, v4;
	(pc) =	sbr.rel @p0 .LBB2_52-.Ltmp30, $4  }
0x3f5: {  	s0 =	smul.u32 $0x190, s0;
	[tilespmem:s1+$0x19D80] =	vst v61;
	v63 =	vmul.f32 $8.000000000e+00, v60  }
0x3f6: {  	[tilespmem:s1+$0x19D90] =	vst v62  }
0x3f7: {  	s0 =	sadd.s32 s2, s0;
	[tilespmem:s1+$0x19DA0] =	vst v63  }
0x3f8: {  	[hbm4b:s0+s3] =	stream.linear.scatter [tilespmem:s24], [sflag:$0x8], $0x3200, $0x38;
	[tilespmem:$0x1A900] =	vst v63  }
0x3f9: {  	s0 =	smul.u32 $0xC80, s29  }
.Ltmp31:
0x3fa: {  	_ = 	snop;
	(pc) =	sbr.rel .LBB2_2-.Ltmp31, $4  }
0x3fb: {  	_ = 	snop  }
0x3fc: {  	s0 =	sshra.s32 s0, $0x2  }
0x3fd: {  	s29 =	sadd.s32 $0x1, s29;
	s0 =	sadd.s32 $0x4B0, s0  }
0x3fe: {  	[tilespmem:s13], [sflag:$0x3] =	stream.indirect.gather [hbm4b:s4+s9], $0x40, s0, s9, $0xb8;
	[tilespmem:$0x1A900] =	vst v63  }
.LBB2_7:
.Ltmp32:
0x3ff: {  	(pc) =	sbr.rel .LBB2_12-.Ltmp32, $2  }
0x400: {  	_ =	sdelay $0x2  }
0x401: {  	s0 =	simm.s32 $0xFB30;
	p3 =	por $0x0, $0x0  }
.LBB2_13:
.Ltmp33:
0x402: {  	(pc) =	sbr.rel .LBB2_18-.Ltmp33, $2  }
0x403: {  	_ =	sdelay $0x2  }
0x404: {  	s0 =	simm.s32 $0x107B0  }
.LBB2_9:
.Ltmp34:
0x405: {  	(pc) =	sbr.rel .LBB2_12-.Ltmp34, $2  }
0x406: {  	_ =	sdelay $0x2  }
0x407: {  	s6 =	simm.s32 $0x3470  }
.LBB2_15:
.Ltmp35:
0x408: {  	(pc) =	sbr.rel .LBB2_18-.Ltmp35, $2  }
0x409: {  	_ =	sdelay $0x2  }
0x40a: {  	s6 =	simm.s32 $0x40F0  }
.LBB2_53:
0x40b: {  	_ =	sfence.sel $0x180000  }
0x40c: {  	[bflag:$0x0] =	sbarrier.arrive $0xFFFF  }
0x40d: {  	_ =	strace $0x90000047  }
0x40e: {  	s0 =	stileid.u32;
	[bflag:$0x2] =	sbarrier.arrive $0xFFFF  }
0x40f: {  	p0 =	sne.s32 s0, $0x0;
	s0 =	rddreg [dreg:$0x2]  }
0x410: {  	s0 =	sadd.s32 @!p0 $0x100000, s0  }
0x411: {  	[sflag:s0] =	ssyncadd.tile.s32 @!p0 $0x1;
	_ =	shalt  }
.Lfunc_end2:
_tile_overlayer_lowered:
.L_overlay_start_2:
0x412: {  	(tag) =	ssettag $0x2  }
0x413: {  	s0 =	rddreg [dreg:$0x0];
	s2 =	stileid.u32  }
0x414: {  	s1 =	rddreg [dreg:$0x1];
	p0 =	sne.s32 s2, $0x0  }
0x415: {  	s3 =	rddreg [dreg:$0x2];
	[bflag:$0x3] =	sbarrier.arrive $0xFFFF;
	s2 =	simm.s32 @!p0 $0x1C09  }
0x416: {  	[timem:s3], [sflag:s2] =	dma.local @!p0 [hbm:s0], s1  }
0x417: {  	s0 =	simm.s32 @!p0 $0x9  }
0x418: {  	_ =	swait.ge @!p0 [sflag:s0], s1  }
0x419: {  	s1 =	ssub.s32 @!p0 $0x0, s1;
	[sflag:s0] =	ssyncset.done @!p0 $0x0  }
0x41a: {  	[sflag:s0] =	ssyncadd.s32 @!p0 s1  }
0x41b: {  	[bflag:$0x3] =	sbarrier.arrive $0xFFFF  }
0x41c: {  	_ =	shalt  }

// kernel: sparse-core-data-format-call.cloned.1.call-start
scs
called_computation_lowered:
.L_overlay_start_0:
0x0: {  	s2 =	sld [smem:$0x3FD9]  }
0x1: {  	s3 =	sld [smem:$0x3FFE];
	_ =	sdelay $0x1  }
0x2: {  	s1 =	srdreg.scid  }
0x3: {  	s0 =	sand.u32 $0x1, s1  }
0x4: {  	s18 =	sshll.u32 s0, $0xA;
	s2 =	sadd.s32 s3, s2  }
0x5: {  	s2 =	sadd.s32 s2, s18  }
0x6: {  	[smem:$0x3FC6] =	sst s2  }
0x7: {  	_ = 	snop  }
0x8: {  	s2 =	sld [smem:$0x3FD0];
	(tm) =	ssettm $0x1  }
0x9: {  	s19 =	sld [smem:$0x3FFB];
	_ =	sdelay $0x3  }
0xa: {  	_ =	strace s19  }
0xb: {  	s3 =	sld [smem:$0x3FFC];
	_ =	sdelay $0x3  }
0xc: {  	_ =	strace s3  }
0xd: {  	s3 =	sld [smem:$0x3FFD];
	_ =	sdelay $0x3  }
0xe: {  	_ =	strace s3  }
0xf: {  	_ =	strace $0x8FFFFFFF  }
0x10: {  	s20 =	sld [smem:$0x3FDB];
	_ =	sdelay $0x1  }
0x11: {  	s4 =	simm.s32 $_scs_section_size  }
0x12: {  	s5 =	simm.s32 $_size__tile_overlayer_lowered;
	s6 =	simm.s32 $_tile_overlayer_lowered  }
0x13: {  	s23 =	simm.s32 $0x1BFF;
	s22 =	sshll.u32 s6, $0x1;
	s3 =	sadd.s32 s4, s20  }
0x14: {  	s7 =	simm.s32 $0x0;
	s21 =	sshll.u32 s5, $0x1;
	s5 =	sadd.s32 s22, s3  }
0x15: {  	[timem:s7], [sflag:s23] =	dma.local [hbm:s5], s21  }
0x16: {  	_ =	swait.ge [sflag:s23], s21  }
0x17: {  	s4 =	ssub.s32 $0x0, s21;
	[sflag:s23] =	ssyncset.done $0x0  }
0x18: {  	[sflag:s23] =	ssyncadd.s32 s4;
	_ =	sdelay $0x1  }
0x19: {  	s24 =	simm.s32 $0x1B8B  }
0x1a: {  	_ =	swait.ge [sflag:s24], $0x1  }
0x1b: {  	[sflag:s24] =	ssyncset.done $0x0  }
0x1c: {  	s26 =	simm.s32 $0x1B8E;
	s25 =	sld [smem:$0x3FFE];
	[sflag:s24] =	ssyncadd.s32 $0xFFFFFFFF  }
0x1d: {  	s27 =	simm.s32 $execute0_lowered;
	[smem:$0x3FD2] =	sst s26  }
0x1e: {  	s5 =	sshll.u32 s27, $0x1;
	_ =	strace $0x80000049;
	[dreg:$0x1] =	wrdreg $0xFFFFFFFF  }
0x1f: {  	s28 =	simm.s32 $_size_execute0_lowered;
	s3 =	sadd.s32 s3, s5;
	[dreg:$0x0] =	wrdreg $0x0  }
0x20: {  	s5 =	sshll.u32 s28, $0x1;
	[dreg:$0x2] =	wrdreg s3  }
0x21: {  	[dreg:$0x3] =	wrdreg s5  }
0x22: {  	[dreg:$0x4] =	wrdreg $0xC0  }
0x23: {  	_ =	task [dreg:s7], $0x5FFFF  }
0x24: {  	[dreg:$0x1] =	wrdreg $0xFFFFFFFF  }
0x25: {  	[dreg:$0x0] =	wrdreg $0x60  }
0x26: {  	[dreg:$0x2] =	wrdreg s25  }
0x27: {  	[dreg:$0x3] =	wrdreg s2  }
0x28: {  	[dreg:$0x4] =	wrdreg $0x9  }
0x29: {  	_ =	task.clear_ibuf [dreg:s7], $0x5FFFF;
	_ =	strace $0x90000049  }
0x2a: {  	s29 =	simm.s32 $0x9;
	_ =	strace $0x8000004B  }
0x2b: {  	_ =	swait.ge [sflag:s29], $0x1  }
0x2c: {  	[sflag:s29] =	ssyncadd.s32 $0xFFFFFFFF  }
0x2d: {  	_ =	strace $0x9000004B  }
0x2e: {  	_ =	sfence  }
0x2f: {  	s30 =	sld [smem:$0x0];
	_ =	sdelay $0x2  }
0x30: {  	s31 =	sshll.u32 s1, $0xD;
	s1 =	sshrl.u32 s1, $0x2  }
0x31: {  	s3 =	sand.u32 $0x4000, s31;
	s1 =	sadd.s32 s1, s30  }
0x32: {  	s0 =	sor.u32 s3, s0;
	s1 =	sshll.u32 s1, $0x11  }
0x33: {  	s0 =	sor.u32 s1, s0  }
0x34: {  	s0 =	sadd.s32 $0x8F2B, s0  }
0x35: {  	[sflag:s0] =	ssyncadd.remote.s32 $0x1  }
0x36: {  	_ =	sfence.sel $0xFFFF  }
0x37: {  	[dreg:$0x0] =	wrdreg $0xFFFFFFFF;
	(pc) =	sbr.abs _section_cstart, $3  }
0x38: {  	[dreg:$0x1] =	wrdreg $0xFFFFFFFF  }
0x39: {  	_ =	task.clear_ibuf [dreg:s7], $0x2FFFF;
	_ =	strace $0x9FFFFFFF  }
0x3a: {  	(tm) =	ssettm $0x7FFFFFFF  }
0x3b: {  	_ =	shalt  }
tec
execute0_lowered:
.L_overlay_start_1:
0x0: {  	(tag) =	ssettag $0x1  }
0x1: {  	s0 =	srdreg.scid  }
0x2: {  	s1 =	sshll.u32 s0, $0x4  }
0x3: {  	s0 =	stileid.u32;
	s1 =	sand.u32 $0x10, s1  }
0x4: {  	s1 =	sor.u32 s0, s1  }
0x5: {  	s6 =	rddreg [dreg:$0x0];
	s4 =	simm.s32 $0x1;
	s2 =	sshll.u32 s1, $0x7  }
0x6: {  	s7 =	simm.s32 $0x2;
	s13 =	simm.s32 $0x0;
	s1 =	ssub.s32 $0x1000, s2  }
0x7: {  	s8 =	simm.s32 $0x8000;
	s12 =	simm.s32 $0x0;
	s3 =	sand.u32 $0xF80, s1  }
0x8: {  	s9 =	simm.s32 $0x0;
	s5 =	sshrl.u32 s1, $0xC;
	p0 =	sne.s32 s3, $0x0  }
.Ltmp0:
0x9: {  	s1 =	rddreg [dreg:$0x2];
	s4 =	simm.s32 @!p0 $0x0;
	(pc) =	sbr.rel .LBB1_1-.Ltmp0, $4  }
0xa: {  	s11 =	simm.s32 $0x0;
	s3 =	rddreg [dreg:$0x1];
	s5 =	sadd.s32 s4, s5  }
0xb: {  	_ =	strace $0x8000004A;
	s4 =	simm.s32 $0x1;
	s5 =	smul.u32 $0x19, s5  }
0xc: {  	s6 =	sadd.s32 $0x800, s6;
	s10 =	smov.u32 s2;
	[sflag:s4] =	ssyncpa.u1 $0x0  }
0xd: {  	p0 =	por $0x0, $0x0;
	[sflag:s7] =	ssyncpa.u1 $0x0;
	s7 =	sadd.s32 $0x1, s5  }
.LBB1_4:
0xe: {  	v5 =	vld [tilespmem:s16+$0xFFFFFFD0];
	[tilespmem:s17+$0x2040 ss:$0x81] =	vst.msk $0xffff, v3  }
0xf: {  	v58 =	vld [tilespmem:s16+$0xFFFFFFE0];
	[tilespmem:s17+$0x2850 ss:$0x81] =	vst.msk $0xffff, v4;
	s19 =	sshll.u32 s13, $0xC;
	s20 =	sshll.u32 s12, $0x3  }
0x10: {  	s18 =	sshra.s32 s18, $0x2;
	v59 =	vld [tilespmem:s16+$0xFFFFFFF0];
	[tilespmem:s17+$0x3060 ss:$0x81] =	vst.msk $0xffff, v2;
	s19 =	sand.u32 $0xFFFF8000, s19;
	s21 =	sand.u32 $0xFFFFFC00, s20  }
0x11: {  	[tilespmem:s17+$0x0 ss:$0x81] =	vst.msk $0xffff, v0;
	v60 =	vld [tilespmem:s16+$0x0];
	s15 =	sadd.s32 s18, s15;
	s25 =	sadd.s32 s21, s19  }
0x12: {  	v61 =	vld [tilespmem:s16+$0x10];
	[tilespmem:s15+$0x3870 ss:$0x81] =	vst.msk $0xffff, v1;
	s17 =	sshrl.u32 s25, $0xC  }
0x13: {  	v62 =	vld [tilespmem:s16+$0x20];
	s26 =	smulhi.u32 $0x147AE2, s17;
	[tilespmem:s15+$0x810 ss:$0x81] =	vst.msk $0xffff, v5  }
0x14: {  	v63 =	vld [tilespmem:s16+$0xFFFFFFC0];
	s27 =	sand.u32 $0x78, s12;
	s28 =	sshll.u32 s13, $0x7;
	s29 =	sand.u32 $0xC00, s20;
	[tilespmem:s15+$0x1020 ss:$0x81] =	vst.msk $0xffff, v58  }
0x15: {  	s13 =	sand.u32 $0x380, s28;
	s16 =	sor.u32 s27, s29;
	[tilespmem:s15+$0x1830 ss:$0x81] =	vst.msk $0xffff, v59;
	s18 =	smul.u32 $0xC80, s26  }
0x16: {  	s13 =	sor.u32 s13, s16;
	[tilespmem:s15+$0x2040 ss:$0x81] =	vst.msk $0xffff, v60  }
0x17: {  	s31 =	sand.u32 $0x7, s12;
	s13 =	sshrl.u32 s13, $0x3;
	[tilespmem:s15+$0x2850 ss:$0x81] =	vst.msk $0xffff, v61;
	s30 =	ssub.s32 s17, s18  }
0x18: {  	s12 =	sshll.u32 s31, $0x12;
	[tilespmem:s15+$0x3060 ss:$0x81] =	vst.msk $0xffff, v62;
	s13 =	sadd.s32 s3, s13;
	s16 =	sshll.u32 s30, $0x9  }
0x19: {  	s12 =	sor.u32 $0x400, s12;
	[tilespmem:s15+$0x0 ss:$0x81] =	vst.msk $0xffff, v63;
	s13 =	sadd.s32 s16, s13  }
0x1a: {  	[hbm4b:s13+s12] =	stream.strided.scatter [tilespmem:s14], [sflag:$0x2], $0x4000, s8, s12, $0x20;
	[tilespmem:$0x10100] =	vst v63  }
.LBB1_5:
0x1b: {  	s14 =	sadd.s32 $0x80, s9  }
0x1c: {  	s12 =	sadd.s32 $0x1000, s10;
	s16 =	smov.u32 s10;
	p2 =	sgt.s32 s14, $0xC7F  }
0x1d: {  	s16 =	smov.u32 @p2 s12  }
0x1e: {  	s14 =	simm.s32 @p2 $0x0;
	p2 =	sgt.s32 s16, $0xFFF  }
0x1f: {  	s16 =	smov.u32 @p2 s2;
	p2 =	sne.s32 s11, s7  }
.Ltmp1:
0x20: {  	p1 =	slt.u32 s11, $0x2;
	(pc) =	sbr.rel @!p2 .LBB1_6-.Ltmp1, $4  }
0x21: {  	s15 =	simm.s32 @!p1 $0x2  }
0x22: {  	s13 =	smov.u32 s9;
	p0 =	por !p0, !p0;
	_ =	swait.ge @!p1 [sflag:s15], $0x4000  }
0x23: {  	s12 =	smov.u32 s10;
	[sflag:s15] =	ssyncset.done @!p1 $0x0;
	s9 =	smov.u32 s14  }
0x24: {  	s11 =	sadd.s32 $0x1, s11;
	[sflag:s15] =	ssyncadd.s32 @!p1 $0xFFFFC000;
	s10 =	smov.u32 s16  }
.LBB1_1:
0x25: {  	p1 =	sge.u32 s11, s5  }
0x26: {  	s14 =	sshrl.u32 @!p1 s10, $0x3  }
0x27: {  	s15 =	sshll.u32 @!p1 s9, $0x3;
	s14 =	smul.u32 @!p1 $0x6400, s14  }
0x28: {  	s16 =	sshll.u32 @!p1 s10, $0x7;
	s15 =	sand.u32 @!p1 $0xFFFFFC00, s15  }
0x29: {  	s14 =	sadd.s32 @!p1 s14, s15;
	s15 =	sand.u32 @!p1 $0x380, s16  }
0x2a: {  	s16 =	sand.u32 @!p1 $0x7F, s9;
	s14 =	sor.u32 @!p1 s15, s14  }
0x2b: {  	s15 =	sor.u32 @!p1 s16, s14  }
0x2c: {  	s16 =	smulhi.u32 @!p1 $0x51EB851F, s15;
	_ =	sdelay $0x1  }
0x2d: {  	s14 =	smulhi.u32 @!p1 $0x51EB851F, s14;
	s16 =	sshrl.u32 @!p1 s16, $0xA  }
0x2e: {  	s16 =	smul.u32 @!p1 $0xC80, s16  }
0x2f: {  	s31 =	sadd.s32 $0xFFFFFFFF, s11;
	s17 =	sxor.u32 @!p1 $0xFFFFFFFF, s11;
	s14 =	sshrl.u32 @!p1 s14, $0xA  }
0x30: {  	s17 =	sshll.u32 @!p1 s17, $0xE;
	s14 =	sand.u32 @!p1 $0xFFF, s14;
	s15 =	ssub.s32 @!p1 s15, s16  }
0x31: {  	s14 =	smul.u32 @!p1 $0x190, s14;
	s16 =	sshrl.u32 @!p1 s15, $0x3;
	s15 =	sand.u32 @!p1 $0x7, s15  }
0x32: {  	s17 =	sand.u32 @!p1 $0x4000, s17;
	s16 =	sadd.s32 @!p1 s6, s16;
	s15 =	sshll.u32 @!p1 s15, $0x12  }
0x33: {  	s14 =	sadd.s32 @!p1 s14, s16;
	s15 =	sor.u32 @!p1 $0x400, s15;
	s16 =	simm.s32 @!p1 $0x6400  }
0x34: {  	[tilespmem:s17], [sflag:$0x1] =	stream.strided.gather @!p1 [hbm4b:s14+s15], $0x4000, s16, s15, $0x38;
	[tilespmem:$0x10100] =	vst v63  }
0x35: {  	p1 =	sge.u32 s31, s5  }
.Ltmp2:
0x36: {  	_ = 	snop;
	(pc) =	sbr.rel @p1 .LBB1_5-.Ltmp2, $1  }
0x37: {  	_ =	sdelay $0x3  }
0x38: {  	s14 =	simm.s32 $0x1  }
0x39: {  	_ =	swait.ge [sflag:s4], $0x4000;
	s14 =	simm.s32 @!p0 $0x0  }
0x3a: {  	[sflag:s4] =	ssyncset.done $0x0;
	s15 =	sshll.u32 s14, $0xE  }
0x3b: {  	[sflag:s4] =	ssyncadd.s32 $0xFFFFC000;
	s16 =	sor.u32 $0x40, s15  }
0x3c: {  	s14 =	smul.u32 $0x10200, s14;
	v0 =	vld [tilespmem:s16+$0x30]  }
0x3d: {  	v1 =	vld [tilespmem:s16+$0xFFFFFFD0]  }
0x3e: {  	s14 =	sshrl.u32 s14, $0x2;
	v5 =	vld [tilespmem:s16+$0xFFFFFFE0]  }
0x3f: {  	v6 =	vld [tilespmem:s16+$0xFFFFFFF0];
	s15 =	sor.u32 $0x8000, s14  }
0x40: {  	s31 =	sand.u32 $0x1, s11;
	v3 =	vld [tilespmem:s16+$0x0];
	s17 =	sadd.s32 $0x0, s15  }
0x41: {  	v4 =	vld [tilespmem:s16+$0x10];
	s14 =	smul.u32 $0x10200, s31;
	[tilespmem:s17+$0x3870 ss:$0x81] =	vst.msk $0xffff, v0  }
0x42: {  	v2 =	vld [tilespmem:s16+$0x20];
	[tilespmem:s17+$0x810 ss:$0x81] =	vst.msk $0xffff, v1  }
0x43: {  	s14 =	sshrl.u32 s14, $0x2;
	v0 =	vld [tilespmem:s16+$0xFFFFFFC0];
	[tilespmem:s17+$0x1020 ss:$0x81] =	vst.msk $0xffff, v5;
	s16 =	sadd.s32 $0x80, s16  }
0x44: {  	s18 =	simm.s32 $0x4;
	s19 =	simm.s32 $0x8;
	s14 =	sor.u32 $0x8000, s14;
	[tilespmem:s17+$0x1830 ss:$0x81] =	vst.msk $0xffff, v6;
	v1 =	vld [tilespmem:s16+$0x30]  }
.LBB1_3:
0x45: {  	p1 =	sne.s32 s19, $0x1FC;
	v5 =	vld [tilespmem:s16+$0xFFFFFFD0];
	[tilespmem:s17+$0x2040 ss:$0x81] =	vst.msk $0xffff, v3  }
0x46: {  	v6 =	vld [tilespmem:s16+$0xFFFFFFE0];
	[tilespmem:s17+$0x2850 ss:$0x81] =	vst.msk $0xffff, v4  }
0x47: {  	s20 =	sshra.s32 s18, $0x2;
	s18 =	smov.u32 s19;
	v7 =	vld [tilespmem:s16+$0xFFFFFFF0];
	[tilespmem:s17+$0x3060 ss:$0x81] =	vst.msk $0xffff, v2  }
.Ltmp3:
0x48: {  	v3 =	vld [tilespmem:s16+$0x0];
	[tilespmem:s17+$0x0 ss:$0x81] =	vst.msk $0xffff, v0;
	s17 =	sadd.s32 s20, s15;
	(pc) =	sbr.rel @p1 .LBB1_3-.Ltmp3, $4  }
0x49: {  	v4 =	vld [tilespmem:s16+$0x10];
	[tilespmem:s17+$0x3870 ss:$0x81] =	vst.msk $0xffff, v1  }
0x4a: {  	[tilespmem:s17+$0x810 ss:$0x81] =	vst.msk $0xffff, v5;
	v2 =	vld [tilespmem:s16+$0x20]  }
0x4b: {  	v0 =	vld [tilespmem:s16+$0xFFFFFFC0];
	[tilespmem:s17+$0x1020 ss:$0x81] =	vst.msk $0xffff, v6;
	s16 =	sadd.s32 $0x80, s16  }
0x4c: {  	s19 =	sadd.s32 $0x4, s19;
	v1 =	vld [tilespmem:s16+$0x30];
	[tilespmem:s17+$0x1830 ss:$0x81] =	vst.msk $0xffff, v7  }
.Ltmp4:
0x4d: {  	_ = 	snop;
	(pc) =	sbr.rel .LBB1_4-.Ltmp4, $1  }
0x4e: {  	_ =	sdelay $0x3  }
.LBB1_6:
0x4f: {  	_ =	sfence.sel $0x180000  }
0x50: {  	s2 =	simm.s32 $0x1;
	[bflag:$0x0] =	sbarrier.arrive $0xFFFF  }
0x51: {  	s31 =	simm.s32 $0x2;
	[sflag:s2] =	ssyncpa.u1 $0x1  }
0x52: {  	[sflag:s31] =	ssyncpa.u1 $0x1  }
0x53: {  	p0 =	sne.s32 s0, $0x0;
	_ =	strace $0x9000004A  }
0x54: {  	s0 =	sadd.s32 @!p0 $0x100000, s1;
	[bflag:$0x2] =	sbarrier.arrive $0xFFFF  }
0x55: {  	[sflag:s0] =	ssyncadd.tile.s32 @!p0 $0x1;
	_ =	shalt  }
.Lfunc_end1:
_tile_overlayer_lowered:
.L_overlay_start_2:
0x56: {  	(tag) =	ssettag $0x2  }
0x57: {  	s0 =	rddreg [dreg:$0x0];
	s2 =	stileid.u32  }
0x58: {  	s1 =	rddreg [dreg:$0x1];
	p0 =	sne.s32 s2, $0x0  }
0x59: {  	s3 =	rddreg [dreg:$0x2];
	[bflag:$0x3] =	sbarrier.arrive $0xFFFF;
	s2 =	simm.s32 @!p0 $0x1C01  }
0x5a: {  	[timem:s3], [sflag:s2] =	dma.local @!p0 [hbm:s0], s1  }
0x5b: {  	s0 =	simm.s32 @!p0 $0x1  }
0x5c: {  	_ =	swait.ge @!p0 [sflag:s0], s1  }
0x5d: {  	s1 =	ssub.s32 @!p0 $0x0, s1;
	[sflag:s0] =	ssyncset.done @!p0 $0x0  }
0x5e: {  	[sflag:s0] =	ssyncadd.s32 @!p0 s1  }
0x5f: {  	[bflag:$0x3] =	sbarrier.arrive $0xFFFF  }
0x60: {  	_ =	shalt  }

</sc_bundles>
